<compile_context>
chip_gen: v7x
topology: tpu7x:2x2x1
jax: 0.10.2.dev20260603
libtpu: 0.0.44.dev20260713+nightly
codegen_flags: <defaults>
</compile_context>

<pallas_src>
import functools

import jax
import jax.numpy as jnp
from jax import lax
from jax.experimental import pallas as pl
from jax.experimental.pallas import tpu as pltpu
from jax.experimental.pallas import tpu_sc as plsc

H = 128
CH = 128
NC = 2
NS = 16
NW = NC * NS
L = 16


NB = 4


def _lane_bcast(v, idx):
    return lax.gather(
        v, idx[:, None],
        lax.GatherDimensionNumbers(
            offset_dims=(), collapsed_slice_dims=(0,), start_index_map=(0,)),
        (1,), mode=lax.GatherScatterMode.PROMISE_IN_BOUNDS)


def _sc_centrality(xf, dcomb, zi, zo):
    nodes = xf.shape[0]
    assert nodes % CH == 0
    nchunks = nodes // CH
    niter = (nchunks + NW - 1) // NW
    nslots = niter + 1
    nrounds = (nslots + NB - 1) // NB
    zrows = 132

    mesh = plsc.VectorSubcoreMesh(core_axis_name="c", subcore_axis_name="s")

    @functools.partial(
        pl.kernel,
        out_type=jax.ShapeDtypeStruct((nodes, H), jnp.float32),
        mesh=mesh,
        compiler_params=pltpu.CompilerParams(needs_layout_passes=False),
        scratch_types=dict(
            zt=pltpu.VMEM((132 * 2 * H,), jnp.bfloat16),
            zfi=pltpu.VMEM((65 * H,), jnp.float32),
            zfo=pltpu.VMEM((65 * H,), jnp.float32),
            db=[pltpu.VMEM((CH,), jnp.int32)] * NB,
            xb=[pltpu.VMEM((CH, H), jnp.float32)] * NB,
            sem_z=pltpu.SemaphoreType.DMA,
            sem_in=[pltpu.SemaphoreType.DMA] * NB,
            sem_o=[pltpu.SemaphoreType.DMA] * NB,
        ),
    )
    def k(x_hbm, d_hbm, zi_hbm, zo_hbm, out_hbm, *,
          zt, zfi, zfo, db, xb, sem_z, sem_in, sem_o):
        wid = lax.axis_index("s") * NC + lax.axis_index("c")

        cza = pltpu.async_copy(zi_hbm, zfi, sem_z)
        czb = pltpu.async_copy(zo_hbm, zfo, sem_z)

        def in_copies(ic, p):
            base = (wid + ic * NW) * CH
            return (
                pltpu.make_async_copy(
                    d_hbm.at[pl.ds(base, CH)], db[p], sem_in[p]),
                pltpu.make_async_copy(
                    x_hbm.at[pl.ds(base, CH), :], xb[p], sem_in[p]),
            )

        def o_copy(ic, p):
            base = (wid + ic * NW) * CH
            return pltpu.make_async_copy(
                xb[p], out_hbm.at[pl.ds(base, CH), :], sem_o[p])

        @pl.loop(0, nrounds)
        def rnd(r):
            for b in range(NB):
                i = r * NB + b

                @pl.when((i < niter) & (wid + i * NW < nchunks))
                def _():
                    @pl.when(i >= NB)
                    def _():
                        o_copy(i - NB, b).wait()
                    for c in in_copies(i, b):
                        c.start()

                ib, q = i - 1, (b - 1) % NB

                @pl.when((ib >= 0) & (ib < niter) & (wid + ib * NW < nchunks))
                def _():
                    @pl.when(ib == 0)
                    def _():
                        cza.wait()
                        czb.wait()
                        zero2l = jnp.zeros((2 * L,), jnp.bfloat16)

                        @plsc.parallel_loop(0, 65, 1)
                        def bld(r):
                            for j in range(H // (2 * L)):
                                src = r * H + 2 * L * j
                                zt[pl.ds(r * 2 * H + L * j, 2 * L)] = (
                                    plsc.pack(
                                        zfi[pl.ds(src, L)],
                                        zfi[pl.ds(src + L, L)],
                                        format=plsc.PackFormat.INTERLEAVED))
                                zt[pl.ds((r + 66) * 2 * H + L * j, 2 * L)] = (
                                    plsc.pack(
                                        zfo[pl.ds(src, L)],
                                        zfo[pl.ds(src + L, L)],
                                        format=plsc.PackFormat.INTERLEAVED))

                        for j in range(H // (2 * L)):
                            zt[pl.ds(65 * 2 * H + L * j, 2 * L)] = zero2l
                            zt[pl.ds(131 * 2 * H + L * j, 2 * L)] = zero2l

                    for c in in_copies(ib, q):
                        c.wait()
                    lanes = lax.iota(jnp.int32, L)

                    @plsc.parallel_loop(0, CH // L, 1)
                    def grp(g):
                        gs = pl.ds(g * L, L)
                        cv = db[q][gs]
                        d0v = (cv >> 16) - 1
                        d1v = (cv & 65535) - 1
                        pad = d0v == -1
                        iin_v = jnp.where(pad, 65, jnp.minimum(d1v, 64))
                        iout_v = jnp.where(
                            pad, zrows - 1, jnp.minimum(d0v, 64) + 66)
                        comb_v = iin_v * 65536 + iout_v
                        @plsc.parallel_loop(0, L, 1, unroll=4)
                        def lane(t):
                            sel = lanes == t
                            comb = jnp.max(jnp.where(sel, comb_v, 0))
                            i_in = comb >> 16
                            i_out = comb & 65535
                            n = g * L + t
                            for j2 in range(H // (2 * L)):
                                ai, bi = plsc.unpack(
                                    zt[pl.ds(i_in * (2 * H) + j2 * L, 2 * L)],
                                    format=plsc.PackFormat.INTERLEAVED)
                                ao, bo = plsc.unpack(
                                    zt[pl.ds(i_out * (2 * H) + j2 * L, 2 * L)],
                                    format=plsc.PackFormat.INTERLEAVED)
                                plsc.addupdate(
                                    xb[q].at[n, pl.ds(j2 * 2 * L, L)],
                                    ai + ao)
                                plsc.addupdate(
                                    xb[q].at[n, pl.ds(j2 * 2 * L + L, L)],
                                    bi + bo)

                    o_copy(ib, q).start()

        for t in range(NB):
            i = niter - NB + t

            @pl.when((i >= 0) & (wid + i * NW < nchunks))
            def _():
                o_copy(i, i % NB).wait()

    return k(xf, dcomb, zi, zo)


def kernel(x, degrees, z_in, z_out):
    B, N, Hdim = x.shape
    dg = degrees.astype(jnp.int32)
    d0f = dg[:, 0, :].reshape(-1)
    d1f = dg[:, 1, :].reshape(-1)
    dcomb = ((d0f + 1) << 16) | ((d1f + 1) & 0xFFFF)
    xf = x.reshape(-1, Hdim)
    out = _sc_centrality(xf, dcomb,
                         z_in.astype(jnp.float32).reshape(-1),
                         z_out.astype(jnp.float32).reshape(-1))
    return out.reshape(B, N, Hdim)

# --- scband reference (transcript-rebuilt; emitter-appended) ---
"""Pipeline reference for scband-centrality-encoding-74844100100355 (READ-ONLY COPY).

The authoritative reference and input builder live on the scoring server;
editing this copy changes nothing except your own understanding.
"""

import jax, jax.numpy as jnp
import numpy as np

MAX_IN_DEGREE = 64
MAX_OUT_DEGREE = 64
HIDDEN_DIM = 128
B, N = 8, 10000

def setup_inputs(seed: int = 0) -> dict:
    key = jax.random.key(seed)
    k1, k2, k3, k4 = jax.random.split(key, 4)
    x = jax.random.normal(k1, (B, N, HIDDEN_DIM), dtype=jnp.float32)
    degrees = jax.random.randint(k2, (B, 2, N), 0, 65, dtype=jnp.int64)
    z_in = 0.02 * jax.random.normal(k3, (MAX_IN_DEGREE + 1, HIDDEN_DIM), dtype=jnp.float32)
    z_out = 0.02 * jax.random.normal(k4, (MAX_OUT_DEGREE + 1, HIDDEN_DIM), dtype=jnp.float32)
    return {"x": x, "degrees": degrees, "z_in": z_in, "z_out": z_out}

def reference(x, degrees, z_in, z_out):
    # pad mask: nodes whose degree slot 0 == -1 are padding
    pad_mask = (degrees == -1)[:, 0]  # (B, N)
    in_degree = jnp.minimum(degrees[:, 1], MAX_IN_DEGREE)   # clamp_max
    out_degree = jnp.minimum(degrees[:, 0], MAX_OUT_DEGREE)
    zi = jnp.take(z_in, in_degree, axis=0)    # (B, N, H) gather
    zo = jnp.take(z_out, out_degree, axis=0)  # (B, N, H) gather
    centrality_encoding = jnp.where(pad_mask[..., None], 0.0, zi + zo)
    return x + centrality_encoding

if __name__ == "__main__":
    import jax
    _d = setup_inputs()
    print(jax.jit(kernel)(*tuple(_d.values())))

</pallas_src>

<mosaic_0001>
#map = affine_map<(d0, d1) -> (0, 0)>
#map1 = affine_map<(d0, d1) -> (0)>
module attributes {stable_mosaic.version = 14 : i64} {
  func.func @k(%arg0: i32, %arg1: i32, %arg2: memref<80000x128xf32, #tpu.memory_space<hbm>>, %arg3: memref<80000xi32, #tpu.memory_space<hbm>>, %arg4: memref<8320xf32, #tpu.memory_space<hbm>>, %arg5: memref<8320xf32, #tpu.memory_space<hbm>>, %arg6: memref<80000x128xf32, #tpu.memory_space<hbm>>, %arg7: memref<128xi32, #tpu.memory_space<vmem>>, %arg8: memref<128xi32, #tpu.memory_space<vmem>>, %arg9: memref<128xi32, #tpu.memory_space<vmem>>, %arg10: memref<128xi32, #tpu.memory_space<vmem>>, %arg11: memref<!tpu.dma_semaphore, #tpu.memory_space<semaphore_mem>>, %arg12: memref<!tpu.dma_semaphore, #tpu.memory_space<semaphore_mem>>, %arg13: memref<!tpu.dma_semaphore, #tpu.memory_space<semaphore_mem>>, %arg14: memref<!tpu.dma_semaphore, #tpu.memory_space<semaphore_mem>>, %arg15: memref<!tpu.dma_semaphore, #tpu.memory_space<semaphore_mem>>, %arg16: memref<!tpu.dma_semaphore, #tpu.memory_space<semaphore_mem>>, %arg17: memref<!tpu.dma_semaphore, #tpu.memory_space<semaphore_mem>>, %arg18: memref<!tpu.dma_semaphore, #tpu.memory_space<semaphore_mem>>, %arg19: memref<!tpu.dma_semaphore, #tpu.memory_space<semaphore_mem>>, %arg20: memref<128x128xf32, #tpu.memory_space<vmem>>, %arg21: memref<128x128xf32, #tpu.memory_space<vmem>>, %arg22: memref<128x128xf32, #tpu.memory_space<vmem>>, %arg23: memref<128x128xf32, #tpu.memory_space<vmem>>, %arg24: memref<8320xf32, #tpu.memory_space<vmem>>, %arg25: memref<8320xf32, #tpu.memory_space<vmem>>, %arg26: memref<33792xbf16, #tpu.memory_space<vmem>>) attributes {dimension_semantics = [#tpu.dimension_semantics<core_parallel>, #tpu.dimension_semantics<subcore_parallel>], iteration_bounds = array<i64: 2, 16>, scalar_prefetch = 0 : i64, scratch_operands = 20 : i64, tpu.core_type = #tpu.core_type<sc_vector_subcore>, window_params = [{transform_indices = #map}, {transform_indices = #map1}, {transform_indices = #map1}, {transform_indices = #map1}, {transform_indices = #map}]} {
    %mul3A = arith.constant 2 : i32
    %mul3A_0 = arith.muli %arg1, %mul3A : i32
    %add3A = arith.addi %mul3A_0, %arg0 : i32
    tpu.enqueue_dma source(%arg4 : memref<8320xf32, #tpu.memory_space<hbm>>) target(%arg24 : memref<8320xf32, #tpu.memory_space<vmem>>) target_semaphore(%arg19 : memref<!tpu.dma_semaphore, #tpu.memory_space<semaphore_mem>>)
    tpu.enqueue_dma source(%arg5 : memref<8320xf32, #tpu.memory_space<hbm>>) target(%arg25 : memref<8320xf32, #tpu.memory_space<vmem>>) target_semaphore(%arg19 : memref<!tpu.dma_semaphore, #tpu.memory_space<semaphore_mem>>)
    %scan3A = arith.constant 0 : i32
    %scan3A_1 = arith.constant 6 : i32
    %scan3A_2 = arith.addi %scan3A, %scan3A_1 : i32
    %scan3A_3 = arith.constant 1 : i32
    scf.for %scan3A_37 = %scan3A to %scan3A_2 step %scan3A_3  : i32 {
      %mul3A_38 = arith.constant 1 : i32
      %mul3A_39 = arith.muli %scan3A_37, %mul3A_38 : i32
      %add3A_40 = arith.constant 0 : i32
      %add3A_41 = arith.addi %add3A_40, %mul3A_39 : i32
      %mul3A_42 = arith.constant 4 : i32
      %mul3A_43 = arith.muli %add3A_41, %mul3A_42 : i32
      %add3A_44 = arith.constant 0 : i32
      %add3A_45 = arith.addi %mul3A_43, %add3A_44 : i32
      %lt3A_46 = arith.constant 20 : i32
      %lt3A_47 = arith.cmpi slt, %add3A_45, %lt3A_46 : i32
      %mul3A_48 = arith.constant 32 : i32
      %mul3A_49 = arith.muli %add3A_45, %mul3A_48 : i32
      %add3A_50 = arith.addi %add3A, %mul3A_49 : i32
      %lt3A_51 = arith.constant 625 : i32
      %lt3A_52 = arith.cmpi slt, %add3A_50, %lt3A_51 : i32
      %and3A_53 = arith.andi %lt3A_47, %lt3A_52 : i1
      %convert_element_type3A_54 = arith.extui %and3A_53 : i1 to i32
      %cond3A_55 = arith.constant 0 : i32
      %cond3A_56 = arith.cmpi ne, %convert_element_type3A_54, %cond3A_55 : i32
      scf.if %cond3A_56 {
        %ge3A_164 = arith.constant 4 : i32
        %ge3A_165 = arith.cmpi sge, %add3A_45, %ge3A_164 : i32
        %convert_element_type3A_166 = arith.extui %ge3A_165 : i1 to i32
        %cond3A_167 = arith.constant 0 : i32
        %cond3A_168 = arith.cmpi ne, %convert_element_type3A_166, %cond3A_167 : i32
        scf.if %cond3A_168 {
          %sub3A_179 = arith.constant 4 : i32
          %sub3A_180 = arith.subi %add3A_45, %sub3A_179 : i32
          %mul3A_181 = arith.constant 32 : i32
          %mul3A_182 = arith.muli %sub3A_180, %mul3A_181 : i32
          %add3A_183 = arith.addi %add3A, %mul3A_182 : i32
          %mul3A_184 = arith.constant 128 : i32
          %mul3A_185 = arith.muli %add3A_183, %mul3A_184 : i32
          %dma_wait3A = arith.constant 0 : i32
          %dma_wait3A_186 = tpu.memref_slice %arg6[%mul3A_185, %dma_wait3A] : memref<80000x128xf32, #tpu.memory_space<hbm>> -> memref<128x128xf32, #tpu.memory_space<hbm>>
          %dma_wait3A_187 = arith.constant 0 : i32
          %dma_wait3A_188 = tpu.memref_slice %arg6[%mul3A_185, %dma_wait3A_187] : memref<80000x128xf32, #tpu.memory_space<hbm>> -> memref<128x128xf32, #tpu.memory_space<hbm>>
          tpu.wait_dma2 semaphore(%arg15 : memref<!tpu.dma_semaphore, #tpu.memory_space<semaphore_mem>>) src(%arg20 : memref<128x128xf32, #tpu.memory_space<vmem>>) dst(%dma_wait3A_188 : memref<128x128xf32, #tpu.memory_space<hbm>>)
        } else {
        }
        %mul3A_169 = arith.constant 32 : i32
        %mul3A_170 = arith.muli %add3A_45, %mul3A_169 : i32
        %add3A_171 = arith.addi %add3A, %mul3A_170 : i32
        %mul3A_172 = arith.constant 128 : i32
        %mul3A_173 = arith.muli %add3A_171, %mul3A_172 : i32
        %dma_start3A = tpu.memref_slice %arg3[%mul3A_173] : memref<80000xi32, #tpu.memory_space<hbm>> -> memref<128xi32, #tpu.memory_space<hbm>>
        %dma_start3A_174 = tpu.memref_slice %arg3[%mul3A_173] : memref<80000xi32, #tpu.memory_space<hbm>> -> memref<128xi32, #tpu.memory_space<hbm>>
        tpu.enqueue_dma source(%dma_start3A_174 : memref<128xi32, #tpu.memory_space<hbm>>) target(%arg7 : memref<128xi32, #tpu.memory_space<vmem>>) target_semaphore(%arg11 : memref<!tpu.dma_semaphore, #tpu.memory_space<semaphore_mem>>)
        %dma_start3A_175 = arith.constant 0 : i32
        %dma_start3A_176 = tpu.memref_slice %arg2[%mul3A_173, %dma_start3A_175] : memref<80000x128xf32, #tpu.memory_space<hbm>> -> memref<128x128xf32, #tpu.memory_space<hbm>>
        %dma_start3A_177 = arith.constant 0 : i32
        %dma_start3A_178 = tpu.memref_slice %arg2[%mul3A_173, %dma_start3A_177] : memref<80000x128xf32, #tpu.memory_space<hbm>> -> memref<128x128xf32, #tpu.memory_space<hbm>>
        tpu.enqueue_dma source(%dma_start3A_178 : memref<128x128xf32, #tpu.memory_space<hbm>>) target(%arg20 : memref<128x128xf32, #tpu.memory_space<vmem>>) target_semaphore(%arg11 : memref<!tpu.dma_semaphore, #tpu.memory_space<semaphore_mem>>)
      } else {
      }
      %sub3A = arith.constant 1 : i32
      %sub3A_57 = arith.subi %add3A_45, %sub3A : i32
      %ge3A = arith.constant 0 : i32
      %ge3A_58 = arith.cmpi sge, %sub3A_57, %ge3A : i32
      %lt3A_59 = arith.constant 20 : i32
      %lt3A_60 = arith.cmpi slt, %sub3A_57, %lt3A_59 : i32
      %and3A_61 = arith.andi %ge3A_58, %lt3A_60 : i1
      %mul3A_62 = arith.constant 32 : i32
      %mul3A_63 = arith.muli %sub3A_57, %mul3A_62 : i32
      %add3A_64 = arith.addi %add3A, %mul3A_63 : i32
      %lt3A_65 = arith.constant 625 : i32
      %lt3A_66 = arith.cmpi slt, %add3A_64, %lt3A_65 : i32
      %and3A_67 = arith.andi %and3A_61, %lt3A_66 : i1
      %convert_element_type3A_68 = arith.extui %and3A_67 : i1 to i32
      %cond3A_69 = arith.constant 0 : i32
      %cond3A_70 = arith.cmpi ne, %convert_element_type3A_68, %cond3A_69 : i32
      scf.if %cond3A_70 {
        %eq3A = arith.constant 0 : i32
        %eq3A_164 = arith.cmpi eq, %sub3A_57, %eq3A : i32
        %convert_element_type3A_165 = arith.extui %eq3A_164 : i1 to i32
        %cond3A_166 = arith.constant 0 : i32
        %cond3A_167 = arith.cmpi ne, %convert_element_type3A_165, %cond3A_166 : i32
        scf.if %cond3A_167 {
          tpu.wait_dma2 semaphore(%arg19 : memref<!tpu.dma_semaphore, #tpu.memory_space<semaphore_mem>>) src(%arg4 : memref<8320xf32, #tpu.memory_space<hbm>>) dst(%arg24 : memref<8320xf32, #tpu.memory_space<vmem>>)
          tpu.wait_dma2 semaphore(%arg19 : memref<!tpu.dma_semaphore, #tpu.memory_space<semaphore_mem>>) src(%arg5 : memref<8320xf32, #tpu.memory_space<hbm>>) dst(%arg25 : memref<8320xf32, #tpu.memory_space<vmem>>)
          %broadcast_in_dim3A = arith.constant 0.000000e+00 : bf16
          %broadcast_in_dim3A_188 = vector.broadcast %broadcast_in_dim3A : bf16 to vector<32xbf16>
          %parallel_loop3A_189 = arith.constant 0 : i32
          %parallel_loop3A_190 = arith.constant 65 : i32
          %parallel_loop3A_191 = arith.constant 1 : i32
          scf.for %parallel_loop3A_207 = %parallel_loop3A_189 to %parallel_loop3A_190 step %parallel_loop3A_191  : i32 {
            %parallel_loop3A_208 = arith.constant 128 : i32
            %parallel_loop3A_209 = arith.muli %parallel_loop3A_207, %parallel_loop3A_208 : i32
            %parallel_loop3A_210 = arith.constant 0 : i32
            %parallel_loop3A_211 = arith.addi %parallel_loop3A_209, %parallel_loop3A_210 : i32
            %parallel_loop3A_212 = arith.index_cast %parallel_loop3A_211 : i32 to index
            %parallel_loop3A_213 = tpu.vector_load %arg24[%parallel_loop3A_212] {strides = array<i32>} : memref<8320xf32, #tpu.memory_space<vmem>>, vector<16xf32>,
            %parallel_loop3A_214 = arith.constant 16 : i32
            %parallel_loop3A_215 = arith.addi %parallel_loop3A_211, %parallel_loop3A_214 : i32
            %parallel_loop3A_216 = arith.index_cast %parallel_loop3A_215 : i32 to index
            %parallel_loop3A_217 = tpu.vector_load %arg24[%parallel_loop3A_216] {strides = array<i32>} : memref<8320xf32, #tpu.memory_space<vmem>>, vector<16xf32>,
            %parallel_loop3A_218 = tpu.pack_subelements %parallel_loop3A_213, %parallel_loop3A_217 {pack_format = #tpu.pack_format<interleaved>, positions = array<i32: 0, 1>} : vector<16xf32>, vector<16xf32> -> vector<32xbf16>
            %parallel_loop3A_219 = arith.constant 2 : i32
            %parallel_loop3A_220 = arith.muli %parallel_loop3A_207, %parallel_loop3A_219 : i32
            %parallel_loop3A_221 = arith.constant 128 : i32
            %parallel_loop3A_222 = arith.muli %parallel_loop3A_220, %parallel_loop3A_221 : i32
            %parallel_loop3A_223 = arith.constant 0 : i32
            %parallel_loop3A_224 = arith.addi %parallel_loop3A_222, %parallel_loop3A_223 : i32
            %parallel_loop3A_225 = arith.index_cast %parallel_loop3A_224 : i32 to index
            %parallel_loop3A_226 = tpu.vector_load %arg26[%parallel_loop3A_225] {strides = array<i32>} : memref<33792xbf16, #tpu.memory_space<vmem>>, vector<32xbf16>,
            tpu.vector_store %arg26[%parallel_loop3A_225], %parallel_loop3A_218 {strides = array<i32>} : memref<33792xbf16, #tpu.memory_space<vmem>>, vector<32xbf16>,
            %parallel_loop3A_227 = arith.index_cast %parallel_loop3A_211 : i32 to index
            %parallel_loop3A_228 = tpu.vector_load %arg25[%parallel_loop3A_227] {strides = array<i32>} : memref<8320xf32, #tpu.memory_space<vmem>>, vector<16xf32>,
            %parallel_loop3A_229 = arith.constant 16 : i32
            %parallel_loop3A_230 = arith.addi %parallel_loop3A_211, %parallel_loop3A_229 : i32
            %parallel_loop3A_231 = arith.index_cast %parallel_loop3A_230 : i32 to index
            %parallel_loop3A_232 = tpu.vector_load %arg25[%parallel_loop3A_231] {strides = array<i32>} : memref<8320xf32, #tpu.memory_space<vmem>>, vector<16xf32>,
            %parallel_loop3A_233 = tpu.pack_subelements %parallel_loop3A_228, %parallel_loop3A_232 {pack_format = #tpu.pack_format<interleaved>, positions = array<i32: 0, 1>} : vector<16xf32>, vector<16xf32> -> vector<32xbf16>
            %parallel_loop3A_234 = arith.constant 66 : i32
            %parallel_loop3A_235 = arith.addi %parallel_loop3A_207, %parallel_loop3A_234 : i32
            %parallel_loop3A_236 = arith.constant 2 : i32
            %parallel_loop3A_237 = arith.muli %parallel_loop3A_235, %parallel_loop3A_236 : i32
            %parallel_loop3A_238 = arith.constant 128 : i32
            %parallel_loop3A_239 = arith.muli %parallel_loop3A_237, %parallel_loop3A_238 : i32
            %parallel_loop3A_240 = arith.constant 0 : i32
            %parallel_loop3A_241 = arith.addi %parallel_loop3A_239, %parallel_loop3A_240 : i32
            %parallel_loop3A_242 = arith.index_cast %parallel_loop3A_241 : i32 to index
            %parallel_loop3A_243 = tpu.vector_load %arg26[%parallel_loop3A_242] {strides = array<i32>} : memref<33792xbf16, #tpu.memory_space<vmem>>, vector<32xbf16>,
            tpu.vector_store %arg26[%parallel_loop3A_242], %parallel_loop3A_233 {strides = array<i32>} : memref<33792xbf16, #tpu.memory_space<vmem>>, vector<32xbf16>,
            %parallel_loop3A_244 = arith.constant 128 : i32
            %parallel_loop3A_245 = arith.muli %parallel_loop3A_207, %parallel_loop3A_244 : i32
            %parallel_loop3A_246 = arith.constant 32 : i32
            %parallel_loop3A_247 = arith.addi %parallel_loop3A_245, %parallel_loop3A_246 : i32
            %parallel_loop3A_248 = arith.index_cast %parallel_loop3A_247 : i32 to index
            %parallel_loop3A_249 = tpu.vector_load %arg24[%parallel_loop3A_248] {strides = array<i32>} : memref<8320xf32, #tpu.memory_space<vmem>>, vector<16xf32>,
            %parallel_loop3A_250 = arith.constant 16 : i32
            %parallel_loop3A_251 = arith.addi %parallel_loop3A_247, %parallel_loop3A_250 : i32
            %parallel_loop3A_252 = arith.index_cast %parallel_loop3A_251 : i32 to index
            %parallel_loop3A_253 = tpu.vector_load %arg24[%parallel_loop3A_252] {strides = array<i32>} : memref<8320xf32, #tpu.memory_space<vmem>>, vector<16xf32>,
            %parallel_loop3A_254 = tpu.pack_subelements %parallel_loop3A_249, %parallel_loop3A_253 {pack_format = #tpu.pack_format<interleaved>, positions = array<i32: 0, 1>} : vector<16xf32>, vector<16xf32> -> vector<32xbf16>
            %parallel_loop3A_255 = arith.constant 2 : i32
            %parallel_loop3A_256 = arith.muli %parallel_loop3A_207, %parallel_loop3A_255 : i32
            %parallel_loop3A_257 = arith.constant 128 : i32
            %parallel_loop3A_258 = arith.muli %parallel_loop3A_256, %parallel_loop3A_257 : i32
            %parallel_loop3A_259 = arith.constant 16 : i32
            %parallel_loop3A_260 = arith.addi %parallel_loop3A_258, %parallel_loop3A_259 : i32
            %parallel_loop3A_261 = arith.index_cast %parallel_loop3A_260 : i32 to index
            %parallel_loop3A_262 = tpu.vector_load %arg26[%parallel_loop3A_261] {strides = array<i32>} : memref<33792xbf16, #tpu.memory_space<vmem>>, vector<32xbf16>,
            tpu.vector_store %arg26[%parallel_loop3A_261], %parallel_loop3A_254 {strides = array<i32>} : memref<33792xbf16, #tpu.memory_space<vmem>>, vector<32xbf16>,
            %parallel_loop3A_263 = arith.index_cast %parallel_loop3A_247 : i32 to index
            %parallel_loop3A_264 = tpu.vector_load %arg25[%parallel_loop3A_263] {strides = array<i32>} : memref<8320xf32, #tpu.memory_space<vmem>>, vector<16xf32>,
            %parallel_loop3A_265 = arith.constant 16 : i32
            %parallel_loop3A_266 = arith.addi %parallel_loop3A_247, %parallel_loop3A_265 : i32
            %parallel_loop3A_267 = arith.index_cast %parallel_loop3A_266 : i32 to index
            %parallel_loop3A_268 = tpu.vector_load %arg25[%parallel_loop3A_267] {strides = array<i32>} : memref<8320xf32, #tpu.memory_space<vmem>>, vector<16xf32>,
            %parallel_loop3A_269 = tpu.pack_subelements %parallel_loop3A_264, %parallel_loop3A_268 {pack_format = #tpu.pack_format<interleaved>, positions = array<i32: 0, 1>} : vector<16xf32>, vector<16xf32> -> vector<32xbf16>
            %parallel_loop3A_270 = arith.constant 66 : i32
            %parallel_loop3A_271 = arith.addi %parallel_loop3A_207, %parallel_loop3A_270 : i32
            %parallel_loop3A_272 = arith.constant 2 : i32
            %parallel_loop3A_273 = arith.muli %parallel_loop3A_271, %parallel_loop3A_272 : i32
            %parallel_loop3A_274 = arith.constant 128 : i32
            %parallel_loop3A_275 = arith.muli %parallel_loop3A_273, %parallel_loop3A_274 : i32
            %parallel_loop3A_276 = arith.constant 16 : i32
            %parallel_loop3A_277 = arith.addi %parallel_loop3A_275, %parallel_loop3A_276 : i32
            %parallel_loop3A_278 = arith.index_cast %parallel_loop3A_277 : i32 to index
            %parallel_loop3A_279 = tpu.vector_load %arg26[%parallel_loop3A_278] {strides = array<i32>} : memref<33792xbf16, #tpu.memory_space<vmem>>, vector<32xbf16>,
            tpu.vector_store %arg26[%parallel_loop3A_278], %parallel_loop3A_269 {strides = array<i32>} : memref<33792xbf16, #tpu.memory_space<vmem>>, vector<32xbf16>,
            %parallel_loop3A_280 = arith.constant 128 : i32
            %parallel_loop3A_281 = arith.muli %parallel_loop3A_207, %parallel_loop3A_280 : i32
            %parallel_loop3A_282 = arith.constant 64 : i32
            %parallel_loop3A_283 = arith.addi %parallel_loop3A_281, %parallel_loop3A_282 : i32
            %parallel_loop3A_284 = arith.index_cast %parallel_loop3A_283 : i32 to index
            %parallel_loop3A_285 = tpu.vector_load %arg24[%parallel_loop3A_284] {strides = array<i32>} : memref<8320xf32, #tpu.memory_space<vmem>>, vector<16xf32>,
            %parallel_loop3A_286 = arith.constant 16 : i32
            %parallel_loop3A_287 = arith.addi %parallel_loop3A_283, %parallel_loop3A_286 : i32
            %parallel_loop3A_288 = arith.index_cast %parallel_loop3A_287 : i32 to index
            %parallel_loop3A_289 = tpu.vector_load %arg24[%parallel_loop3A_288] {strides = array<i32>} : memref<8320xf32, #tpu.memory_space<vmem>>, vector<16xf32>,
            %parallel_loop3A_290 = tpu.pack_subelements %parallel_loop3A_285, %parallel_loop3A_289 {pack_format = #tpu.pack_format<interleaved>, positions = array<i32: 0, 1>} : vector<16xf32>, vector<16xf32> -> vector<32xbf16>
            %parallel_loop3A_291 = arith.constant 2 : i32
            %parallel_loop3A_292 = arith.muli %parallel_loop3A_207, %parallel_loop3A_291 : i32
            %parallel_loop3A_293 = arith.constant 128 : i32
            %parallel_loop3A_294 = arith.muli %parallel_loop3A_292, %parallel_loop3A_293 : i32
            %parallel_loop3A_295 = arith.constant 32 : i32
            %parallel_loop3A_296 = arith.addi %parallel_loop3A_294, %parallel_loop3A_295 : i32
            %parallel_loop3A_297 = arith.index_cast %parallel_loop3A_296 : i32 to index
            %parallel_loop3A_298 = tpu.vector_load %arg26[%parallel_loop3A_297] {strides = array<i32>} : memref<33792xbf16, #tpu.memory_space<vmem>>, vector<32xbf16>,
            tpu.vector_store %arg26[%parallel_loop3A_297], %parallel_loop3A_290 {strides = array<i32>} : memref<33792xbf16, #tpu.memory_space<vmem>>, vector<32xbf16>,
            %parallel_loop3A_299 = arith.index_cast %parallel_loop3A_283 : i32 to index
            %parallel_loop3A_300 = tpu.vector_load %arg25[%parallel_loop3A_299] {strides = array<i32>} : memref<8320xf32, #tpu.memory_space<vmem>>, vector<16xf32>,
            %parallel_loop3A_301 = arith.constant 16 : i32
            %parallel_loop3A_302 = arith.addi %parallel_loop3A_283, %parallel_loop3A_301 : i32
            %parallel_loop3A_303 = arith.index_cast %parallel_loop3A_302 : i32 to index
            %parallel_loop3A_304 = tpu.vector_load %arg25[%parallel_loop3A_303] {strides = array<i32>} : memref<8320xf32, #tpu.memory_space<vmem>>, vector<16xf32>,
            %parallel_loop3A_305 = tpu.pack_subelements %parallel_loop3A_300, %parallel_loop3A_304 {pack_format = #tpu.pack_format<interleaved>, positions = array<i32: 0, 1>} : vector<16xf32>, vector<16xf32> -> vector<32xbf16>
            %parallel_loop3A_306 = arith.constant 66 : i32
            %parallel_loop3A_307 = arith.addi %parallel_loop3A_207, %parallel_loop3A_306 : i32
            %parallel_loop3A_308 = arith.constant 2 : i32
            %parallel_loop3A_309 = arith.muli %parallel_loop3A_307, %parallel_loop3A_308 : i32
            %parallel_loop3A_310 = arith.constant 128 : i32
            %parallel_loop3A_311 = arith.muli %parallel_loop3A_309, %parallel_loop3A_310 : i32
            %parallel_loop3A_312 = arith.constant 32 : i32
            %parallel_loop3A_313 = arith.addi %parallel_loop3A_311, %parallel_loop3A_312 : i32
            %parallel_loop3A_314 = arith.index_cast %parallel_loop3A_313 : i32 to index
            %parallel_loop3A_315 = tpu.vector_load %arg26[%parallel_loop3A_314] {strides = array<i32>} : memref<33792xbf16, #tpu.memory_space<vmem>>, vector<32xbf16>,
            tpu.vector_store %arg26[%parallel_loop3A_314], %parallel_loop3A_305 {strides = array<i32>} : memref<33792xbf16, #tpu.memory_space<vmem>>, vector<32xbf16>,
            %parallel_loop3A_316 = arith.constant 128 : i32
            %parallel_loop3A_317 = arith.muli %parallel_loop3A_207, %parallel_loop3A_316 : i32
            %parallel_loop3A_318 = arith.constant 96 : i32
            %parallel_loop3A_319 = arith.addi %parallel_loop3A_317, %parallel_loop3A_318 : i32
            %parallel_loop3A_320 = arith.index_cast %parallel_loop3A_319 : i32 to index
            %parallel_loop3A_321 = tpu.vector_load %arg24[%parallel_loop3A_320] {strides = array<i32>} : memref<8320xf32, #tpu.memory_space<vmem>>, vector<16xf32>,
            %parallel_loop3A_322 = arith.constant 16 : i32
            %parallel_loop3A_323 = arith.addi %parallel_loop3A_319, %parallel_loop3A_322 : i32
            %parallel_loop3A_324 = arith.index_cast %parallel_loop3A_323 : i32 to index
            %parallel_loop3A_325 = tpu.vector_load %arg24[%parallel_loop3A_324] {strides = array<i32>} : memref<8320xf32, #tpu.memory_space<vmem>>, vector<16xf32>,
            %parallel_loop3A_326 = tpu.pack_subelements %parallel_loop3A_321, %parallel_loop3A_325 {pack_format = #tpu.pack_format<interleaved>, positions = array<i32: 0, 1>} : vector<16xf32>, vector<16xf32> -> vector<32xbf16>
            %parallel_loop3A_327 = arith.constant 2 : i32
            %parallel_loop3A_328 = arith.muli %parallel_loop3A_207, %parallel_loop3A_327 : i32
            %parallel_loop3A_329 = arith.constant 128 : i32
            %parallel_loop3A_330 = arith.muli %parallel_loop3A_328, %parallel_loop3A_329 : i32
            %parallel_loop3A_331 = arith.constant 48 : i32
            %parallel_loop3A_332 = arith.addi %parallel_loop3A_330, %parallel_loop3A_331 : i32
            %parallel_loop3A_333 = arith.index_cast %parallel_loop3A_332 : i32 to index
            %parallel_loop3A_334 = tpu.vector_load %arg26[%parallel_loop3A_333] {strides = array<i32>} : memref<33792xbf16, #tpu.memory_space<vmem>>, vector<32xbf16>,
            tpu.vector_store %arg26[%parallel_loop3A_333], %parallel_loop3A_326 {strides = array<i32>} : memref<33792xbf16, #tpu.memory_space<vmem>>, vector<32xbf16>,
            %parallel_loop3A_335 = arith.index_cast %parallel_loop3A_319 : i32 to index
            %parallel_loop3A_336 = tpu.vector_load %arg25[%parallel_loop3A_335] {strides = array<i32>} : memref<8320xf32, #tpu.memory_space<vmem>>, vector<16xf32>,
            %parallel_loop3A_337 = arith.constant 16 : i32
            %parallel_loop3A_338 = arith.addi %parallel_loop3A_319, %parallel_loop3A_337 : i32
            %parallel_loop3A_339 = arith.index_cast %parallel_loop3A_338 : i32 to index
            %parallel_loop3A_340 = tpu.vector_load %arg25[%parallel_loop3A_339] {strides = array<i32>} : memref<8320xf32, #tpu.memory_space<vmem>>, vector<16xf32>,
            %parallel_loop3A_341 = tpu.pack_subelements %parallel_loop3A_336, %parallel_loop3A_340 {pack_format = #tpu.pack_format<interleaved>, positions = array<i32: 0, 1>} : vector<16xf32>, vector<16xf32> -> vector<32xbf16>
            %parallel_loop3A_342 = arith.constant 66 : i32
            %parallel_loop3A_343 = arith.addi %parallel_loop3A_207, %parallel_loop3A_342 : i32
            %parallel_loop3A_344 = arith.constant 2 : i32
            %parallel_loop3A_345 = arith.muli %parallel_loop3A_343, %parallel_loop3A_344 : i32
            %parallel_loop3A_346 = arith.constant 128 : i32
            %parallel_loop3A_347 = arith.muli %parallel_loop3A_345, %parallel_loop3A_346 : i32
            %parallel_loop3A_348 = arith.constant 48 : i32
            %parallel_loop3A_349 = arith.addi %parallel_loop3A_347, %parallel_loop3A_348 : i32
            %parallel_loop3A_350 = arith.index_cast %parallel_loop3A_349 : i32 to index
            %parallel_loop3A_351 = tpu.vector_load %arg26[%parallel_loop3A_350] {strides = array<i32>} : memref<33792xbf16, #tpu.memory_space<vmem>>, vector<32xbf16>,
            tpu.vector_store %arg26[%parallel_loop3A_350], %parallel_loop3A_341 {strides = array<i32>} : memref<33792xbf16, #tpu.memory_space<vmem>>, vector<32xbf16>,
          } {sc.loop_unroll_factor = 1 : i64, sc.parallel_access}
          %swap3A = arith.constant 16640 : index
          %swap3A_192 = tpu.vector_load %arg26[%swap3A] {strides = array<i32>} : memref<33792xbf16, #tpu.memory_space<vmem>>, vector<32xbf16>,
          tpu.vector_store %arg26[%swap3A], %broadcast_in_dim3A_188 {strides = array<i32>} : memref<33792xbf16, #tpu.memory_space<vmem>>, vector<32xbf16>,
          %swap3A_193 = arith.constant 33536 : index
          %swap3A_194 = tpu.vector_load %arg26[%swap3A_193] {strides = array<i32>} : memref<33792xbf16, #tpu.memory_space<vmem>>, vector<32xbf16>,
          tpu.vector_store %arg26[%swap3A_193], %broadcast_in_dim3A_188 {strides = array<i32>} : memref<33792xbf16, #tpu.memory_space<vmem>>, vector<32xbf16>,
          %swap3A_195 = arith.constant 16656 : index
          %swap3A_196 = tpu.vector_load %arg26[%swap3A_195] {strides = array<i32>} : memref<33792xbf16, #tpu.memory_space<vmem>>, vector<32xbf16>,
          tpu.vector_store %arg26[%swap3A_195], %broadcast_in_dim3A_188 {strides = array<i32>} : memref<33792xbf16, #tpu.memory_space<vmem>>, vector<32xbf16>,
          %swap3A_197 = arith.constant 33552 : index
          %swap3A_198 = tpu.vector_load %arg26[%swap3A_197] {strides = array<i32>} : memref<33792xbf16, #tpu.memory_space<vmem>>, vector<32xbf16>,
          tpu.vector_store %arg26[%swap3A_197], %broadcast_in_dim3A_188 {strides = array<i32>} : memref<33792xbf16, #tpu.memory_space<vmem>>, vector<32xbf16>,
          %swap3A_199 = arith.constant 16672 : index
          %swap3A_200 = tpu.vector_load %arg26[%swap3A_199] {strides = array<i32>} : memref<33792xbf16, #tpu.memory_space<vmem>>, vector<32xbf16>,
          tpu.vector_store %arg26[%swap3A_199], %broadcast_in_dim3A_188 {strides = array<i32>} : memref<33792xbf16, #tpu.memory_space<vmem>>, vector<32xbf16>,
          %swap3A_201 = arith.constant 33568 : index
          %swap3A_202 = tpu.vector_load %arg26[%swap3A_201] {strides = array<i32>} : memref<33792xbf16, #tpu.memory_space<vmem>>, vector<32xbf16>,
          tpu.vector_store %arg26[%swap3A_201], %broadcast_in_dim3A_188 {strides = array<i32>} : memref<33792xbf16, #tpu.memory_space<vmem>>, vector<32xbf16>,
          %swap3A_203 = arith.constant 16688 : index
          %swap3A_204 = tpu.vector_load %arg26[%swap3A_203] {strides = array<i32>} : memref<33792xbf16, #tpu.memory_space<vmem>>, vector<32xbf16>,
          tpu.vector_store %arg26[%swap3A_203], %broadcast_in_dim3A_188 {strides = array<i32>} : memref<33792xbf16, #tpu.memory_space<vmem>>, vector<32xbf16>,
          %swap3A_205 = arith.constant 33584 : index
          %swap3A_206 = tpu.vector_load %arg26[%swap3A_205] {strides = array<i32>} : memref<33792xbf16, #tpu.memory_space<vmem>>, vector<32xbf16>,
          tpu.vector_store %arg26[%swap3A_205], %broadcast_in_dim3A_188 {strides = array<i32>} : memref<33792xbf16, #tpu.memory_space<vmem>>, vector<32xbf16>,
        } else {
        }
        %mul3A_168 = arith.constant 32 : i32
        %mul3A_169 = arith.muli %sub3A_57, %mul3A_168 : i32
        %add3A_170 = arith.addi %add3A, %mul3A_169 : i32
        %mul3A_171 = arith.constant 128 : i32
        %mul3A_172 = arith.muli %add3A_170, %mul3A_171 : i32
        %dma_wait3A = tpu.memref_slice %arg3[%mul3A_172] : memref<80000xi32, #tpu.memory_space<hbm>> -> memref<128xi32, #tpu.memory_space<hbm>>
        %dma_wait3A_173 = tpu.memref_slice %arg3[%mul3A_172] : memref<80000xi32, #tpu.memory_space<hbm>> -> memref<128xi32, #tpu.memory_space<hbm>>
        tpu.wait_dma2 semaphore(%arg14 : memref<!tpu.dma_semaphore, #tpu.memory_space<semaphore_mem>>) src(%dma_wait3A_173 : memref<128xi32, #tpu.memory_space<hbm>>) dst(%arg10 : memref<128xi32, #tpu.memory_space<vmem>>)
        %dma_wait3A_174 = arith.constant 0 : i32
        %dma_wait3A_175 = tpu.memref_slice %arg2[%mul3A_172, %dma_wait3A_174] : memref<80000x128xf32, #tpu.memory_space<hbm>> -> memref<128x128xf32, #tpu.memory_space<hbm>>
        %dma_wait3A_176 = arith.constant 0 : i32
        %dma_wait3A_177 = tpu.memref_slice %arg2[%mul3A_172, %dma_wait3A_176] : memref<80000x128xf32, #tpu.memory_space<hbm>> -> memref<128x128xf32, #tpu.memory_space<hbm>>
        tpu.wait_dma2 semaphore(%arg14 : memref<!tpu.dma_semaphore, #tpu.memory_space<semaphore_mem>>) src(%dma_wait3A_177 : memref<128x128xf32, #tpu.memory_space<hbm>>) dst(%arg23 : memref<128x128xf32, #tpu.memory_space<vmem>>)
        %iota3A = tpu.iota {dimensions = array<i32: 0>} : vector<16xi32>
        %parallel_loop3A = arith.constant 0 : i32
        %parallel_loop3A_178 = arith.constant 8 : i32
        %parallel_loop3A_179 = arith.constant 1 : i32
        scf.for %parallel_loop3A_188 = %parallel_loop3A to %parallel_loop3A_178 step %parallel_loop3A_179  : i32 {
          %parallel_loop3A_189 = arith.constant 16 : i32
          %parallel_loop3A_190 = arith.muli %parallel_loop3A_188, %parallel_loop3A_189 : i32
          %parallel_loop3A_191 = arith.index_cast %parallel_loop3A_190 : i32 to index
          %parallel_loop3A_192 = tpu.vector_load %arg10[%parallel_loop3A_191] {strides = array<i32>} : memref<128xi32, #tpu.memory_space<vmem>>, vector<16xi32>,
          %parallel_loop3A_193 = arith.constant 16 : i32
          %parallel_loop3A_194 = vector.broadcast %parallel_loop3A_193 : i32 to vector<16xi32>
          %parallel_loop3A_195 = arith.shrsi %parallel_loop3A_192, %parallel_loop3A_194 : vector<16xi32>
          %parallel_loop3A_196 = arith.constant 1 : i32
          %parallel_loop3A_197 = vector.broadcast %parallel_loop3A_196 : i32 to vector<16xi32>
          %parallel_loop3A_198 = arith.subi %parallel_loop3A_195, %parallel_loop3A_197 : vector<16xi32>
          %parallel_loop3A_199 = arith.constant 65535 : i32
          %parallel_loop3A_200 = vector.broadcast %parallel_loop3A_199 : i32 to vector<16xi32>
          %parallel_loop3A_201 = arith.andi %parallel_loop3A_192, %parallel_loop3A_200 : vector<16xi32>
          %parallel_loop3A_202 = arith.constant 1 : i32
          %parallel_loop3A_203 = vector.broadcast %parallel_loop3A_202 : i32 to vector<16xi32>
          %parallel_loop3A_204 = arith.subi %parallel_loop3A_201, %parallel_loop3A_203 : vector<16xi32>
          %parallel_loop3A_205 = arith.constant -1 : i32
          %parallel_loop3A_206 = vector.broadcast %parallel_loop3A_205 : i32 to vector<16xi32>
          %parallel_loop3A_207 = arith.cmpi eq, %parallel_loop3A_198, %parallel_loop3A_206 : vector<16xi32>
          %parallel_loop3A_208 = arith.constant 64 : i32
          %parallel_loop3A_209 = vector.broadcast %parallel_loop3A_208 : i32 to vector<16xi32>
          %parallel_loop3A_210 = arith.minsi %parallel_loop3A_204, %parallel_loop3A_209 : vector<16xi32>
          %parallel_loop3A_211 = arith.constant 65 : i32
          %parallel_loop3A_212 = vector.broadcast %parallel_loop3A_211 : i32 to vector<16xi32>
          %parallel_loop3A_213 = arith.select %parallel_loop3A_207, %parallel_loop3A_212, %parallel_loop3A_210 : vector<16xi1>, vector<16xi32>
          %parallel_loop3A_214 = arith.constant 64 : i32
          %parallel_loop3A_215 = vector.broadcast %parallel_loop3A_214 : i32 to vector<16xi32>
          %parallel_loop3A_216 = arith.minsi %parallel_loop3A_198, %parallel_loop3A_215 : vector<16xi32>
          %parallel_loop3A_217 = arith.constant 66 : i32
          %parallel_loop3A_218 = vector.broadcast %parallel_loop3A_217 : i32 to vector<16xi32>
          %parallel_loop3A_219 = arith.addi %parallel_loop3A_216, %parallel_loop3A_218 : vector<16xi32>
          %parallel_loop3A_220 = arith.constant 131 : i32
          %parallel_loop3A_221 = vector.broadcast %parallel_loop3A_220 : i32 to vector<16xi32>
          %parallel_loop3A_222 = arith.select %parallel_loop3A_207, %parallel_loop3A_221, %parallel_loop3A_219 : vector<16xi1>, vector<16xi32>
          %parallel_loop3A_223 = arith.constant 65536 : i32
          %parallel_loop3A_224 = vector.broadcast %parallel_loop3A_223 : i32 to vector<16xi32>
          %parallel_loop3A_225 = arith.muli %parallel_loop3A_213, %parallel_loop3A_224 : vector<16xi32>
          %parallel_loop3A_226 = arith.addi %parallel_loop3A_225, %parallel_loop3A_222 : vector<16xi32>
          %parallel_loop3A_227 = arith.constant 0 : i32
          %parallel_loop3A_228 = arith.constant 16 : i32
          %parallel_loop3A_229 = arith.constant 1 : i32
          scf.for %parallel_loop3A_230 = %parallel_loop3A_227 to %parallel_loop3A_228 step %parallel_loop3A_229  : i32 {
            %parallel_loop3A_231 = vector.broadcast %parallel_loop3A_230 : i32 to vector<16xi32>
            %parallel_loop3A_232 = arith.cmpi eq, %iota3A, %parallel_loop3A_231 : vector<16xi32>
            %parallel_loop3A_233 = arith.constant 0 : i32
            %parallel_loop3A_234 = vector.broadcast %parallel_loop3A_233 : i32 to vector<16xi32>
            %parallel_loop3A_235 = arith.select %parallel_loop3A_232, %parallel_loop3A_226, %parallel_loop3A_234 : vector<16xi1>, vector<16xi32>
            %parallel_loop3A_236 = arith.constant true
            %parallel_loop3A_237 = vector.broadcast %parallel_loop3A_236 : i1 to vector<16xi1>
            %parallel_loop3A_238 = arith.constant -2147483648 : i32
            %parallel_loop3A_239 = vector.broadcast %parallel_loop3A_238 : i32 to vector<16xi32>
            %parallel_loop3A_240 = arith.xori %parallel_loop3A_235, %parallel_loop3A_239 : vector<16xi32>
            %parallel_loop3A_241 = tpu.scan <max>, %parallel_loop3A_240 masked %parallel_loop3A_237 : vector<16xi32>, vector<16xi1> -> vector<16xi32>
            %parallel_loop3A_242 = arith.xori %parallel_loop3A_241, %parallel_loop3A_239 : vector<16xi32>
            %parallel_loop3A_243 = vector.extract %parallel_loop3A_242[15] : i32 from vector<16xi32>
            %parallel_loop3A_244 = arith.constant 16 : i32
            %parallel_loop3A_245 = arith.shrsi %parallel_loop3A_243, %parallel_loop3A_244 : i32
            %parallel_loop3A_246 = arith.constant 65535 : i32
            %parallel_loop3A_247 = arith.andi %parallel_loop3A_243, %parallel_loop3A_246 : i32
            %parallel_loop3A_248 = arith.constant 16 : i32
            %parallel_loop3A_249 = arith.muli %parallel_loop3A_188, %parallel_loop3A_248 : i32
            %parallel_loop3A_250 = arith.addi %parallel_loop3A_249, %parallel_loop3A_230 : i32
            %parallel_loop3A_251 = arith.constant 256 : i32
            %parallel_loop3A_252 = arith.muli %parallel_loop3A_245, %parallel_loop3A_251 : i32
            %parallel_loop3A_253 = arith.constant 0 : i32
            %parallel_loop3A_254 = arith.addi %parallel_loop3A_252, %parallel_loop3A_253 : i32
            %parallel_loop3A_255 = arith.index_cast %parallel_loop3A_254 : i32 to index
            %parallel_loop3A_256 = tpu.vector_load %arg26[%parallel_loop3A_255] {strides = array<i32>} : memref<33792xbf16, #tpu.memory_space<vmem>>, vector<32xbf16>,
            %parallel_loop3A_257 = tpu.unpack_subelements %parallel_loop3A_256, 0 {pack_format = #tpu.pack_format<interleaved>} : vector<32xbf16> -> vector<16xf32>
            %parallel_loop3A_258 = tpu.unpack_subelements %parallel_loop3A_256, 1 {pack_format = #tpu.pack_format<interleaved>} : vector<32xbf16> -> vector<16xf32>
            %parallel_loop3A_259 = arith.constant 256 : i32
            %parallel_loop3A_260 = arith.muli %parallel_loop3A_247, %parallel_loop3A_259 : i32
            %parallel_loop3A_261 = arith.constant 0 : i32
            %parallel_loop3A_262 = arith.addi %parallel_loop3A_260, %parallel_loop3A_261 : i32
            %parallel_loop3A_263 = arith.index_cast %parallel_loop3A_262 : i32 to index
            %parallel_loop3A_264 = tpu.vector_load %arg26[%parallel_loop3A_263] {strides = array<i32>} : memref<33792xbf16, #tpu.memory_space<vmem>>, vector<32xbf16>,
            %parallel_loop3A_265 = tpu.unpack_subelements %parallel_loop3A_264, 0 {pack_format = #tpu.pack_format<interleaved>} : vector<32xbf16> -> vector<16xf32>
            %parallel_loop3A_266 = tpu.unpack_subelements %parallel_loop3A_264, 1 {pack_format = #tpu.pack_format<interleaved>} : vector<32xbf16> -> vector<16xf32>
            %parallel_loop3A_267 = arith.addf %parallel_loop3A_257, %parallel_loop3A_265 : vector<16xf32>
            %parallel_loop3A_268 = arith.index_cast %parallel_loop3A_250 : i32 to index
            %parallel_loop3A_269 = arith.constant 0 : index
            %parallel_loop3A_270 = tpu.vector_load %arg23[%parallel_loop3A_268, %parallel_loop3A_269] {strides = array<i32>} : memref<128x128xf32, #tpu.memory_space<vmem>>, vector<16xf32>,
            tpu.vector_store %arg23[%parallel_loop3A_268, %parallel_loop3A_269], %parallel_loop3A_267 {add = true, strides = array<i32>} : memref<128x128xf32, #tpu.memory_space<vmem>>, vector<16xf32>,
            %parallel_loop3A_271 = arith.addf %parallel_loop3A_258, %parallel_loop3A_266 : vector<16xf32>
            %parallel_loop3A_272 = arith.index_cast %parallel_loop3A_250 : i32 to index
            %parallel_loop3A_273 = arith.constant 16 : index
            %parallel_loop3A_274 = tpu.vector_load %arg23[%parallel_loop3A_272, %parallel_loop3A_273] {strides = array<i32>} : memref<128x128xf32, #tpu.memory_space<vmem>>, vector<16xf32>,
            tpu.vector_store %arg23[%parallel_loop3A_272, %parallel_loop3A_273], %parallel_loop3A_271 {add = true, strides = array<i32>} : memref<128x128xf32, #tpu.memory_space<vmem>>, vector<16xf32>,
            %parallel_loop3A_275 = arith.constant 256 : i32
            %parallel_loop3A_276 = arith.muli %parallel_loop3A_245, %parallel_loop3A_275 : i32
            %parallel_loop3A_277 = arith.constant 16 : i32
            %parallel_loop3A_278 = arith.addi %parallel_loop3A_276, %parallel_loop3A_277 : i32
            %parallel_loop3A_279 = arith.index_cast %parallel_loop3A_278 : i32 to index
            %parallel_loop3A_280 = tpu.vector_load %arg26[%parallel_loop3A_279] {strides = array<i32>} : memref<33792xbf16, #tpu.memory_space<vmem>>, vector<32xbf16>,
            %parallel_loop3A_281 = tpu.unpack_subelements %parallel_loop3A_280, 0 {pack_format = #tpu.pack_format<interleaved>} : vector<32xbf16> -> vector<16xf32>
            %parallel_loop3A_282 = tpu.unpack_subelements %parallel_loop3A_280, 1 {pack_format = #tpu.pack_format<interleaved>} : vector<32xbf16> -> vector<16xf32>
            %parallel_loop3A_283 = arith.constant 256 : i32
            %parallel_loop3A_284 = arith.muli %parallel_loop3A_247, %parallel_loop3A_283 : i32
            %parallel_loop3A_285 = arith.constant 16 : i32
            %parallel_loop3A_286 = arith.addi %parallel_loop3A_284, %parallel_loop3A_285 : i32
            %parallel_loop3A_287 = arith.index_cast %parallel_loop3A_286 : i32 to index
            %parallel_loop3A_288 = tpu.vector_load %arg26[%parallel_loop3A_287] {strides = array<i32>} : memref<33792xbf16, #tpu.memory_space<vmem>>, vector<32xbf16>,
            %parallel_loop3A_289 = tpu.unpack_subelements %parallel_loop3A_288, 0 {pack_format = #tpu.pack_format<interleaved>} : vector<32xbf16> -> vector<16xf32>
            %parallel_loop3A_290 = tpu.unpack_subelements %parallel_loop3A_288, 1 {pack_format = #tpu.pack_format<interleaved>} : vector<32xbf16> -> vector<16xf32>
            %parallel_loop3A_291 = arith.addf %parallel_loop3A_281, %parallel_loop3A_289 : vector<16xf32>
            %parallel_loop3A_292 = arith.index_cast %parallel_loop3A_250 : i32 to index
            %parallel_loop3A_293 = arith.constant 32 : index
            %parallel_loop3A_294 = tpu.vector_load %arg23[%parallel_loop3A_292, %parallel_loop3A_293] {strides = array<i32>} : memref<128x128xf32, #tpu.memory_space<vmem>>, vector<16xf32>,
            tpu.vector_store %arg23[%parallel_loop3A_292, %parallel_loop3A_293], %parallel_loop3A_291 {add = true, strides = array<i32>} : memref<128x128xf32, #tpu.memory_space<vmem>>, vector<16xf32>,
            %parallel_loop3A_295 = arith.addf %parallel_loop3A_282, %parallel_loop3A_290 : vector<16xf32>
            %parallel_loop3A_296 = arith.index_cast %parallel_loop3A_250 : i32 to index
            %parallel_loop3A_297 = arith.constant 48 : index
            %parallel_loop3A_298 = tpu.vector_load %arg23[%parallel_loop3A_296, %parallel_loop3A_297] {strides = array<i32>} : memref<128x128xf32, #tpu.memory_space<vmem>>, vector<16xf32>,
            tpu.vector_store %arg23[%parallel_loop3A_296, %parallel_loop3A_297], %parallel_loop3A_295 {add = true, strides = array<i32>} : memref<128x128xf32, #tpu.memory_space<vmem>>, vector<16xf32>,
            %parallel_loop3A_299 = arith.constant 256 : i32
            %parallel_loop3A_300 = arith.muli %parallel_loop3A_245, %parallel_loop3A_299 : i32
            %parallel_loop3A_301 = arith.constant 32 : i32
            %parallel_loop3A_302 = arith.addi %parallel_loop3A_300, %parallel_loop3A_301 : i32
            %parallel_loop3A_303 = arith.index_cast %parallel_loop3A_302 : i32 to index
            %parallel_loop3A_304 = tpu.vector_load %arg26[%parallel_loop3A_303] {strides = array<i32>} : memref<33792xbf16, #tpu.memory_space<vmem>>, vector<32xbf16>,
            %parallel_loop3A_305 = tpu.unpack_subelements %parallel_loop3A_304, 0 {pack_format = #tpu.pack_format<interleaved>} : vector<32xbf16> -> vector<16xf32>
            %parallel_loop3A_306 = tpu.unpack_subelements %parallel_loop3A_304, 1 {pack_format = #tpu.pack_format<interleaved>} : vector<32xbf16> -> vector<16xf32>
            %parallel_loop3A_307 = arith.constant 256 : i32
            %parallel_loop3A_308 = arith.muli %parallel_loop3A_247, %parallel_loop3A_307 : i32
            %parallel_loop3A_309 = arith.constant 32 : i32
            %parallel_loop3A_310 = arith.addi %parallel_loop3A_308, %parallel_loop3A_309 : i32
            %parallel_loop3A_311 = arith.index_cast %parallel_loop3A_310 : i32 to index
            %parallel_loop3A_312 = tpu.vector_load %arg26[%parallel_loop3A_311] {strides = array<i32>} : memref<33792xbf16, #tpu.memory_space<vmem>>, vector<32xbf16>,
            %parallel_loop3A_313 = tpu.unpack_subelements %parallel_loop3A_312, 0 {pack_format = #tpu.pack_format<interleaved>} : vector<32xbf16> -> vector<16xf32>
            %parallel_loop3A_314 = tpu.unpack_subelements %parallel_loop3A_312, 1 {pack_format = #tpu.pack_format<interleaved>} : vector<32xbf16> -> vector<16xf32>
            %parallel_loop3A_315 = arith.addf %parallel_loop3A_305, %parallel_loop3A_313 : vector<16xf32>
            %parallel_loop3A_316 = arith.index_cast %parallel_loop3A_250 : i32 to index
            %parallel_loop3A_317 = arith.constant 64 : index
            %parallel_loop3A_318 = tpu.vector_load %arg23[%parallel_loop3A_316, %parallel_loop3A_317] {strides = array<i32>} : memref<128x128xf32, #tpu.memory_space<vmem>>, vector<16xf32>,
            tpu.vector_store %arg23[%parallel_loop3A_316, %parallel_loop3A_317], %parallel_loop3A_315 {add = true, strides = array<i32>} : memref<128x128xf32, #tpu.memory_space<vmem>>, vector<16xf32>,
            %parallel_loop3A_319 = arith.addf %parallel_loop3A_306, %parallel_loop3A_314 : vector<16xf32>
            %parallel_loop3A_320 = arith.index_cast %parallel_loop3A_250 : i32 to index
            %parallel_loop3A_321 = arith.constant 80 : index
            %parallel_loop3A_322 = tpu.vector_load %arg23[%parallel_loop3A_320, %parallel_loop3A_321] {strides = array<i32>} : memref<128x128xf32, #tpu.memory_space<vmem>>, vector<16xf32>,
            tpu.vector_store %arg23[%parallel_loop3A_320, %parallel_loop3A_321], %parallel_loop3A_319 {add = true, strides = array<i32>} : memref<128x128xf32, #tpu.memory_space<vmem>>, vector<16xf32>,
            %parallel_loop3A_323 = arith.constant 256 : i32
            %parallel_loop3A_324 = arith.muli %parallel_loop3A_245, %parallel_loop3A_323 : i32
            %parallel_loop3A_325 = arith.constant 48 : i32
            %parallel_loop3A_326 = arith.addi %parallel_loop3A_324, %parallel_loop3A_325 : i32
            %parallel_loop3A_327 = arith.index_cast %parallel_loop3A_326 : i32 to index
            %parallel_loop3A_328 = tpu.vector_load %arg26[%parallel_loop3A_327] {strides = array<i32>} : memref<33792xbf16, #tpu.memory_space<vmem>>, vector<32xbf16>,
            %parallel_loop3A_329 = tpu.unpack_subelements %parallel_loop3A_328, 0 {pack_format = #tpu.pack_format<interleaved>} : vector<32xbf16> -> vector<16xf32>
            %parallel_loop3A_330 = tpu.unpack_subelements %parallel_loop3A_328, 1 {pack_format = #tpu.pack_format<interleaved>} : vector<32xbf16> -> vector<16xf32>
            %parallel_loop3A_331 = arith.constant 256 : i32
            %parallel_loop3A_332 = arith.muli %parallel_loop3A_247, %parallel_loop3A_331 : i32
            %parallel_loop3A_333 = arith.constant 48 : i32
            %parallel_loop3A_334 = arith.addi %parallel_loop3A_332, %parallel_loop3A_333 : i32
            %parallel_loop3A_335 = arith.index_cast %parallel_loop3A_334 : i32 to index
            %parallel_loop3A_336 = tpu.vector_load %arg26[%parallel_loop3A_335] {strides = array<i32>} : memref<33792xbf16, #tpu.memory_space<vmem>>, vector<32xbf16>,
            %parallel_loop3A_337 = tpu.unpack_subelements %parallel_loop3A_336, 0 {pack_format = #tpu.pack_format<interleaved>} : vector<32xbf16> -> vector<16xf32>
            %parallel_loop3A_338 = tpu.unpack_subelements %parallel_loop3A_336, 1 {pack_format = #tpu.pack_format<interleaved>} : vector<32xbf16> -> vector<16xf32>
            %parallel_loop3A_339 = arith.addf %parallel_loop3A_329, %parallel_loop3A_337 : vector<16xf32>
            %parallel_loop3A_340 = arith.index_cast %parallel_loop3A_250 : i32 to index
            %parallel_loop3A_341 = arith.constant 96 : index
            %parallel_loop3A_342 = tpu.vector_load %arg23[%parallel_loop3A_340, %parallel_loop3A_341] {strides = array<i32>} : memref<128x128xf32, #tpu.memory_space<vmem>>, vector<16xf32>,
            tpu.vector_store %arg23[%parallel_loop3A_340, %parallel_loop3A_341], %parallel_loop3A_339 {add = true, strides = array<i32>} : memref<128x128xf32, #tpu.memory_space<vmem>>, vector<16xf32>,
            %parallel_loop3A_343 = arith.addf %parallel_loop3A_330, %parallel_loop3A_338 : vector<16xf32>
            %parallel_loop3A_344 = arith.index_cast %parallel_loop3A_250 : i32 to index
            %parallel_loop3A_345 = arith.constant 112 : index
            %parallel_loop3A_346 = tpu.vector_load %arg23[%parallel_loop3A_344, %parallel_loop3A_345] {strides = array<i32>} : memref<128x128xf32, #tpu.memory_space<vmem>>, vector<16xf32>,
            tpu.vector_store %arg23[%parallel_loop3A_344, %parallel_loop3A_345], %parallel_loop3A_343 {add = true, strides = array<i32>} : memref<128x128xf32, #tpu.memory_space<vmem>>, vector<16xf32>,
          } {sc.loop_unroll_factor = 4 : i64, sc.parallel_access}
        } {sc.loop_unroll_factor = 1 : i64, sc.parallel_access}
        %mul3A_180 = arith.constant 32 : i32
        %mul3A_181 = arith.muli %sub3A_57, %mul3A_180 : i32
        %add3A_182 = arith.addi %add3A, %mul3A_181 : i32
        %mul3A_183 = arith.constant 128 : i32
        %mul3A_184 = arith.muli %add3A_182, %mul3A_183 : i32
        %dma_start3A = arith.constant 0 : i32
        %dma_start3A_185 = tpu.memref_slice %arg6[%mul3A_184, %dma_start3A] : memref<80000x128xf32, #tpu.memory_space<hbm>> -> memref<128x128xf32, #tpu.memory_space<hbm>>
        %dma_start3A_186 = arith.constant 0 : i32
        %dma_start3A_187 = tpu.memref_slice %arg6[%mul3A_184, %dma_start3A_186] : memref<80000x128xf32, #tpu.memory_space<hbm>> -> memref<128x128xf32, #tpu.memory_space<hbm>>
        tpu.enqueue_dma source(%arg23 : memref<128x128xf32, #tpu.memory_space<vmem>>) target(%dma_start3A_187 : memref<128x128xf32, #tpu.memory_space<hbm>>) target_semaphore(%arg18 : memref<!tpu.dma_semaphore, #tpu.memory_space<semaphore_mem>>)
      } else {
      }
      %mul3A_71 = arith.constant 4 : i32
      %mul3A_72 = arith.muli %add3A_41, %mul3A_71 : i32
      %add3A_73 = arith.constant 1 : i32
      %add3A_74 = arith.addi %mul3A_72, %add3A_73 : i32
      %lt3A_75 = arith.constant 20 : i32
      %lt3A_76 = arith.cmpi slt, %add3A_74, %lt3A_75 : i32
      %mul3A_77 = arith.constant 32 : i32
      %mul3A_78 = arith.muli %add3A_74, %mul3A_77 : i32
      %add3A_79 = arith.addi %add3A, %mul3A_78 : i32
      %lt3A_80 = arith.constant 625 : i32
      %lt3A_81 = arith.cmpi slt, %add3A_79, %lt3A_80 : i32
      %and3A_82 = arith.andi %lt3A_76, %lt3A_81 : i1
      %convert_element_type3A_83 = arith.extui %and3A_82 : i1 to i32
      %cond3A_84 = arith.constant 0 : i32
      %cond3A_85 = arith.cmpi ne, %convert_element_type3A_83, %cond3A_84 : i32
      scf.if %cond3A_85 {
        %ge3A_164 = arith.constant 4 : i32
        %ge3A_165 = arith.cmpi sge, %add3A_74, %ge3A_164 : i32
        %convert_element_type3A_166 = arith.extui %ge3A_165 : i1 to i32
        %cond3A_167 = arith.constant 0 : i32
        %cond3A_168 = arith.cmpi ne, %convert_element_type3A_166, %cond3A_167 : i32
        scf.if %cond3A_168 {
          %sub3A_179 = arith.constant 4 : i32
          %sub3A_180 = arith.subi %add3A_74, %sub3A_179 : i32
          %mul3A_181 = arith.constant 32 : i32
          %mul3A_182 = arith.muli %sub3A_180, %mul3A_181 : i32
          %add3A_183 = arith.addi %add3A, %mul3A_182 : i32
          %mul3A_184 = arith.constant 128 : i32
          %mul3A_185 = arith.muli %add3A_183, %mul3A_184 : i32
          %dma_wait3A = arith.constant 0 : i32
          %dma_wait3A_186 = tpu.memref_slice %arg6[%mul3A_185, %dma_wait3A] : memref<80000x128xf32, #tpu.memory_space<hbm>> -> memref<128x128xf32, #tpu.memory_space<hbm>>
          %dma_wait3A_187 = arith.constant 0 : i32
          %dma_wait3A_188 = tpu.memref_slice %arg6[%mul3A_185, %dma_wait3A_187] : memref<80000x128xf32, #tpu.memory_space<hbm>> -> memref<128x128xf32, #tpu.memory_space<hbm>>
          tpu.wait_dma2 semaphore(%arg16 : memref<!tpu.dma_semaphore, #tpu.memory_space<semaphore_mem>>) src(%arg21 : memref<128x128xf32, #tpu.memory_space<vmem>>) dst(%dma_wait3A_188 : memref<128x128xf32, #tpu.memory_space<hbm>>)
        } else {
        }
        %mul3A_169 = arith.constant 32 : i32
        %mul3A_170 = arith.muli %add3A_74, %mul3A_169 : i32
        %add3A_171 = arith.addi %add3A, %mul3A_170 : i32
        %mul3A_172 = arith.constant 128 : i32
        %mul3A_173 = arith.muli %add3A_171, %mul3A_172 : i32
        %dma_start3A = tpu.memref_slice %arg3[%mul3A_173] : memref<80000xi32, #tpu.memory_space<hbm>> -> memref<128xi32, #tpu.memory_space<hbm>>
        %dma_start3A_174 = tpu.memref_slice %arg3[%mul3A_173] : memref<80000xi32, #tpu.memory_space<hbm>> -> memref<128xi32, #tpu.memory_space<hbm>>
        tpu.enqueue_dma source(%dma_start3A_174 : memref<128xi32, #tpu.memory_space<hbm>>) target(%arg8 : memref<128xi32, #tpu.memory_space<vmem>>) target_semaphore(%arg12 : memref<!tpu.dma_semaphore, #tpu.memory_space<semaphore_mem>>)
        %dma_start3A_175 = arith.constant 0 : i32
        %dma_start3A_176 = tpu.memref_slice %arg2[%mul3A_173, %dma_start3A_175] : memref<80000x128xf32, #tpu.memory_space<hbm>> -> memref<128x128xf32, #tpu.memory_space<hbm>>
        %dma_start3A_177 = arith.constant 0 : i32
        %dma_start3A_178 = tpu.memref_slice %arg2[%mul3A_173, %dma_start3A_177] : memref<80000x128xf32, #tpu.memory_space<hbm>> -> memref<128x128xf32, #tpu.memory_space<hbm>>
        tpu.enqueue_dma source(%dma_start3A_178 : memref<128x128xf32, #tpu.memory_space<hbm>>) target(%arg21 : memref<128x128xf32, #tpu.memory_space<vmem>>) target_semaphore(%arg12 : memref<!tpu.dma_semaphore, #tpu.memory_space<semaphore_mem>>)
      } else {
      }
      %sub3A_86 = arith.constant 1 : i32
      %sub3A_87 = arith.subi %add3A_74, %sub3A_86 : i32
      %ge3A_88 = arith.constant 0 : i32
      %ge3A_89 = arith.cmpi sge, %sub3A_87, %ge3A_88 : i32
      %lt3A_90 = arith.constant 20 : i32
      %lt3A_91 = arith.cmpi slt, %sub3A_87, %lt3A_90 : i32
      %and3A_92 = arith.andi %ge3A_89, %lt3A_91 : i1
      %mul3A_93 = arith.constant 32 : i32
      %mul3A_94 = arith.muli %sub3A_87, %mul3A_93 : i32
      %add3A_95 = arith.addi %add3A, %mul3A_94 : i32
      %lt3A_96 = arith.constant 625 : i32
      %lt3A_97 = arith.cmpi slt, %add3A_95, %lt3A_96 : i32
      %and3A_98 = arith.andi %and3A_92, %lt3A_97 : i1
      %convert_element_type3A_99 = arith.extui %and3A_98 : i1 to i32
      %cond3A_100 = arith.constant 0 : i32
      %cond3A_101 = arith.cmpi ne, %convert_element_type3A_99, %cond3A_100 : i32
      scf.if %cond3A_101 {
        %eq3A = arith.constant 0 : i32
        %eq3A_164 = arith.cmpi eq, %sub3A_87, %eq3A : i32
        %convert_element_type3A_165 = arith.extui %eq3A_164 : i1 to i32
        %cond3A_166 = arith.constant 0 : i32
        %cond3A_167 = arith.cmpi ne, %convert_element_type3A_165, %cond3A_166 : i32
        scf.if %cond3A_167 {
          tpu.wait_dma2 semaphore(%arg19 : memref<!tpu.dma_semaphore, #tpu.memory_space<semaphore_mem>>) src(%arg4 : memref<8320xf32, #tpu.memory_space<hbm>>) dst(%arg24 : memref<8320xf32, #tpu.memory_space<vmem>>)
          tpu.wait_dma2 semaphore(%arg19 : memref<!tpu.dma_semaphore, #tpu.memory_space<semaphore_mem>>) src(%arg5 : memref<8320xf32, #tpu.memory_space<hbm>>) dst(%arg25 : memref<8320xf32, #tpu.memory_space<vmem>>)
          %broadcast_in_dim3A = arith.constant 0.000000e+00 : bf16
          %broadcast_in_dim3A_188 = vector.broadcast %broadcast_in_dim3A : bf16 to vector<32xbf16>
          %parallel_loop3A_189 = arith.constant 0 : i32
          %parallel_loop3A_190 = arith.constant 65 : i32
          %parallel_loop3A_191 = arith.constant 1 : i32
          scf.for %parallel_loop3A_207 = %parallel_loop3A_189 to %parallel_loop3A_190 step %parallel_loop3A_191  : i32 {
            %parallel_loop3A_208 = arith.constant 128 : i32
            %parallel_loop3A_209 = arith.muli %parallel_loop3A_207, %parallel_loop3A_208 : i32
            %parallel_loop3A_210 = arith.constant 0 : i32
            %parallel_loop3A_211 = arith.addi %parallel_loop3A_209, %parallel_loop3A_210 : i32
            %parallel_loop3A_212 = arith.index_cast %parallel_loop3A_211 : i32 to index
            %parallel_loop3A_213 = tpu.vector_load %arg24[%parallel_loop3A_212] {strides = array<i32>} : memref<8320xf32, #tpu.memory_space<vmem>>, vector<16xf32>,
            %parallel_loop3A_214 = arith.constant 16 : i32
            %parallel_loop3A_215 = arith.addi %parallel_loop3A_211, %parallel_loop3A_214 : i32
            %parallel_loop3A_216 = arith.index_cast %parallel_loop3A_215 : i32 to index
            %parallel_loop3A_217 = tpu.vector_load %arg24[%parallel_loop3A_216] {strides = array<i32>} : memref<8320xf32, #tpu.memory_space<vmem>>, vector<16xf32>,
            %parallel_loop3A_218 = tpu.pack_subelements %parallel_loop3A_213, %parallel_loop3A_217 {pack_format = #tpu.pack_format<interleaved>, positions = array<i32: 0, 1>} : vector<16xf32>, vector<16xf32> -> vector<32xbf16>
            %parallel_loop3A_219 = arith.constant 2 : i32
            %parallel_loop3A_220 = arith.muli %parallel_loop3A_207, %parallel_loop3A_219 : i32
            %parallel_loop3A_221 = arith.constant 128 : i32
            %parallel_loop3A_222 = arith.muli %parallel_loop3A_220, %parallel_loop3A_221 : i32
            %parallel_loop3A_223 = arith.constant 0 : i32
            %parallel_loop3A_224 = arith.addi %parallel_loop3A_222, %parallel_loop3A_223 : i32
            %parallel_loop3A_225 = arith.index_cast %parallel_loop3A_224 : i32 to index
            %parallel_loop3A_226 = tpu.vector_load %arg26[%parallel_loop3A_225] {strides = array<i32>} : memref<33792xbf16, #tpu.memory_space<vmem>>, vector<32xbf16>,
            tpu.vector_store %arg26[%parallel_loop3A_225], %parallel_loop3A_218 {strides = array<i32>} : memref<33792xbf16, #tpu.memory_space<vmem>>, vector<32xbf16>,
            %parallel_loop3A_227 = arith.index_cast %parallel_loop3A_211 : i32 to index
            %parallel_loop3A_228 = tpu.vector_load %arg25[%parallel_loop3A_227] {strides = array<i32>} : memref<8320xf32, #tpu.memory_space<vmem>>, vector<16xf32>,
            %parallel_loop3A_229 = arith.constant 16 : i32
            %parallel_loop3A_230 = arith.addi %parallel_loop3A_211, %parallel_loop3A_229 : i32
            %parallel_loop3A_231 = arith.index_cast %parallel_loop3A_230 : i32 to index
            %parallel_loop3A_232 = tpu.vector_load %arg25[%parallel_loop3A_231] {strides = array<i32>} : memref<8320xf32, #tpu.memory_space<vmem>>, vector<16xf32>,
            %parallel_loop3A_233 = tpu.pack_subelements %parallel_loop3A_228, %parallel_loop3A_232 {pack_format = #tpu.pack_format<interleaved>, positions = array<i32: 0, 1>} : vector<16xf32>, vector<16xf32> -> vector<32xbf16>
            %parallel_loop3A_234 = arith.constant 66 : i32
            %parallel_loop3A_235 = arith.addi %parallel_loop3A_207, %parallel_loop3A_234 : i32
            %parallel_loop3A_236 = arith.constant 2 : i32
            %parallel_loop3A_237 = arith.muli %parallel_loop3A_235, %parallel_loop3A_236 : i32
            %parallel_loop3A_238 = arith.constant 128 : i32
            %parallel_loop3A_239 = arith.muli %parallel_loop3A_237, %parallel_loop3A_238 : i32
            %parallel_loop3A_240 = arith.constant 0 : i32
            %parallel_loop3A_241 = arith.addi %parallel_loop3A_239, %parallel_loop3A_240 : i32
            %parallel_loop3A_242 = arith.index_cast %parallel_loop3A_241 : i32 to index
            %parallel_loop3A_243 = tpu.vector_load %arg26[%parallel_loop3A_242] {strides = array<i32>} : memref<33792xbf16, #tpu.memory_space<vmem>>, vector<32xbf16>,
            tpu.vector_store %arg26[%parallel_loop3A_242], %parallel_loop3A_233 {strides = array<i32>} : memref<33792xbf16, #tpu.memory_space<vmem>>, vector<32xbf16>,
            %parallel_loop3A_244 = arith.constant 128 : i32
            %parallel_loop3A_245 = arith.muli %parallel_loop3A_207, %parallel_loop3A_244 : i32
            %parallel_loop3A_246 = arith.constant 32 : i32
            %parallel_loop3A_247 = arith.addi %parallel_loop3A_245, %parallel_loop3A_246 : i32
            %parallel_loop3A_248 = arith.index_cast %parallel_loop3A_247 : i32 to index
            %parallel_loop3A_249 = tpu.vector_load %arg24[%parallel_loop3A_248] {strides = array<i32>} : memref<8320xf32, #tpu.memory_space<vmem>>, vector<16xf32>,
            %parallel_loop3A_250 = arith.constant 16 : i32
            %parallel_loop3A_251 = arith.addi %parallel_loop3A_247, %parallel_loop3A_250 : i32
            %parallel_loop3A_252 = arith.index_cast %parallel_loop3A_251 : i32 to index
            %parallel_loop3A_253 = tpu.vector_load %arg24[%parallel_loop3A_252] {strides = array<i32>} : memref<8320xf32, #tpu.memory_space<vmem>>, vector<16xf32>,
            %parallel_loop3A_254 = tpu.pack_subelements %parallel_loop3A_249, %parallel_loop3A_253 {pack_format = #tpu.pack_format<interleaved>, positions = array<i32: 0, 1>} : vector<16xf32>, vector<16xf32> -> vector<32xbf16>
            %parallel_loop3A_255 = arith.constant 2 : i32
            %parallel_loop3A_256 = arith.muli %parallel_loop3A_207, %parallel_loop3A_255 : i32
            %parallel_loop3A_257 = arith.constant 128 : i32
            %parallel_loop3A_258 = arith.muli %parallel_loop3A_256, %parallel_loop3A_257 : i32
            %parallel_loop3A_259 = arith.constant 16 : i32
            %parallel_loop3A_260 = arith.addi %parallel_loop3A_258, %parallel_loop3A_259 : i32
            %parallel_loop3A_261 = arith.index_cast %parallel_loop3A_260 : i32 to index
            %parallel_loop3A_262 = tpu.vector_load %arg26[%parallel_loop3A_261] {strides = array<i32>} : memref<33792xbf16, #tpu.memory_space<vmem>>, vector<32xbf16>,
            tpu.vector_store %arg26[%parallel_loop3A_261], %parallel_loop3A_254 {strides = array<i32>} : memref<33792xbf16, #tpu.memory_space<vmem>>, vector<32xbf16>,
            %parallel_loop3A_263 = arith.index_cast %parallel_loop3A_247 : i32 to index
            %parallel_loop3A_264 = tpu.vector_load %arg25[%parallel_loop3A_263] {strides = array<i32>} : memref<8320xf32, #tpu.memory_space<vmem>>, vector<16xf32>,
            %parallel_loop3A_265 = arith.constant 16 : i32
            %parallel_loop3A_266 = arith.addi %parallel_loop3A_247, %parallel_loop3A_265 : i32
            %parallel_loop3A_267 = arith.index_cast %parallel_loop3A_266 : i32 to index
            %parallel_loop3A_268 = tpu.vector_load %arg25[%parallel_loop3A_267] {strides = array<i32>} : memref<8320xf32, #tpu.memory_space<vmem>>, vector<16xf32>,
            %parallel_loop3A_269 = tpu.pack_subelements %parallel_loop3A_264, %parallel_loop3A_268 {pack_format = #tpu.pack_format<interleaved>, positions = array<i32: 0, 1>} : vector<16xf32>, vector<16xf32> -> vector<32xbf16>
            %parallel_loop3A_270 = arith.constant 66 : i32
            %parallel_loop3A_271 = arith.addi %parallel_loop3A_207, %parallel_loop3A_270 : i32
            %parallel_loop3A_272 = arith.constant 2 : i32
            %parallel_loop3A_273 = arith.muli %parallel_loop3A_271, %parallel_loop3A_272 : i32
            %parallel_loop3A_274 = arith.constant 128 : i32
            %parallel_loop3A_275 = arith.muli %parallel_loop3A_273, %parallel_loop3A_274 : i32
            %parallel_loop3A_276 = arith.constant 16 : i32
            %parallel_loop3A_277 = arith.addi %parallel_loop3A_275, %parallel_loop3A_276 : i32
            %parallel_loop3A_278 = arith.index_cast %parallel_loop3A_277 : i32 to index
            %parallel_loop3A_279 = tpu.vector_load %arg26[%parallel_loop3A_278] {strides = array<i32>} : memref<33792xbf16, #tpu.memory_space<vmem>>, vector<32xbf16>,
            tpu.vector_store %arg26[%parallel_loop3A_278], %parallel_loop3A_269 {strides = array<i32>} : memref<33792xbf16, #tpu.memory_space<vmem>>, vector<32xbf16>,
            %parallel_loop3A_280 = arith.constant 128 : i32
            %parallel_loop3A_281 = arith.muli %parallel_loop3A_207, %parallel_loop3A_280 : i32
            %parallel_loop3A_282 = arith.constant 64 : i32
            %parallel_loop3A_283 = arith.addi %parallel_loop3A_281, %parallel_loop3A_282 : i32
            %parallel_loop3A_284 = arith.index_cast %parallel_loop3A_283 : i32 to index
            %parallel_loop3A_285 = tpu.vector_load %arg24[%parallel_loop3A_284] {strides = array<i32>} : memref<8320xf32, #tpu.memory_space<vmem>>, vector<16xf32>,
            %parallel_loop3A_286 = arith.constant 16 : i32
            %parallel_loop3A_287 = arith.addi %parallel_loop3A_283, %parallel_loop3A_286 : i32
            %parallel_loop3A_288 = arith.index_cast %parallel_loop3A_287 : i32 to index
            %parallel_loop3A_289 = tpu.vector_load %arg24[%parallel_loop3A_288] {strides = array<i32>} : memref<8320xf32, #tpu.memory_space<vmem>>, vector<16xf32>,
            %parallel_loop3A_290 = tpu.pack_subelements %parallel_loop3A_285, %parallel_loop3A_289 {pack_format = #tpu.pack_format<interleaved>, positions = array<i32: 0, 1>} : vector<16xf32>, vector<16xf32> -> vector<32xbf16>
            %parallel_loop3A_291 = arith.constant 2 : i32
            %parallel_loop3A_292 = arith.muli %parallel_loop3A_207, %parallel_loop3A_291 : i32
            %parallel_loop3A_293 = arith.constant 128 : i32
            %parallel_loop3A_294 = arith.muli %parallel_loop3A_292, %parallel_loop3A_293 : i32
            %parallel_loop3A_295 = arith.constant 32 : i32
            %parallel_loop3A_296 = arith.addi %parallel_loop3A_294, %parallel_loop3A_295 : i32
            %parallel_loop3A_297 = arith.index_cast %parallel_loop3A_296 : i32 to index
            %parallel_loop3A_298 = tpu.vector_load %arg26[%parallel_loop3A_297] {strides = array<i32>} : memref<33792xbf16, #tpu.memory_space<vmem>>, vector<32xbf16>,
            tpu.vector_store %arg26[%parallel_loop3A_297], %parallel_loop3A_290 {strides = array<i32>} : memref<33792xbf16, #tpu.memory_space<vmem>>, vector<32xbf16>,
            %parallel_loop3A_299 = arith.index_cast %parallel_loop3A_283 : i32 to index
            %parallel_loop3A_300 = tpu.vector_load %arg25[%parallel_loop3A_299] {strides = array<i32>} : memref<8320xf32, #tpu.memory_space<vmem>>, vector<16xf32>,
            %parallel_loop3A_301 = arith.constant 16 : i32
            %parallel_loop3A_302 = arith.addi %parallel_loop3A_283, %parallel_loop3A_301 : i32
            %parallel_loop3A_303 = arith.index_cast %parallel_loop3A_302 : i32 to index
            %parallel_loop3A_304 = tpu.vector_load %arg25[%parallel_loop3A_303] {strides = array<i32>} : memref<8320xf32, #tpu.memory_space<vmem>>, vector<16xf32>,
            %parallel_loop3A_305 = tpu.pack_subelements %parallel_loop3A_300, %parallel_loop3A_304 {pack_format = #tpu.pack_format<interleaved>, positions = array<i32: 0, 1>} : vector<16xf32>, vector<16xf32> -> vector<32xbf16>
            %parallel_loop3A_306 = arith.constant 66 : i32
            %parallel_loop3A_307 = arith.addi %parallel_loop3A_207, %parallel_loop3A_306 : i32
            %parallel_loop3A_308 = arith.constant 2 : i32
            %parallel_loop3A_309 = arith.muli %parallel_loop3A_307, %parallel_loop3A_308 : i32
            %parallel_loop3A_310 = arith.constant 128 : i32
            %parallel_loop3A_311 = arith.muli %parallel_loop3A_309, %parallel_loop3A_310 : i32
            %parallel_loop3A_312 = arith.constant 32 : i32
            %parallel_loop3A_313 = arith.addi %parallel_loop3A_311, %parallel_loop3A_312 : i32
            %parallel_loop3A_314 = arith.index_cast %parallel_loop3A_313 : i32 to index
            %parallel_loop3A_315 = tpu.vector_load %arg26[%parallel_loop3A_314] {strides = array<i32>} : memref<33792xbf16, #tpu.memory_space<vmem>>, vector<32xbf16>,
            tpu.vector_store %arg26[%parallel_loop3A_314], %parallel_loop3A_305 {strides = array<i32>} : memref<33792xbf16, #tpu.memory_space<vmem>>, vector<32xbf16>,
            %parallel_loop3A_316 = arith.constant 128 : i32
            %parallel_loop3A_317 = arith.muli %parallel_loop3A_207, %parallel_loop3A_316 : i32
            %parallel_loop3A_318 = arith.constant 96 : i32
            %parallel_loop3A_319 = arith.addi %parallel_loop3A_317, %parallel_loop3A_318 : i32
            %parallel_loop3A_320 = arith.index_cast %parallel_loop3A_319 : i32 to index
            %parallel_loop3A_321 = tpu.vector_load %arg24[%parallel_loop3A_320] {strides = array<i32>} : memref<8320xf32, #tpu.memory_space<vmem>>, vector<16xf32>,
            %parallel_loop3A_322 = arith.constant 16 : i32
            %parallel_loop3A_323 = arith.addi %parallel_loop3A_319, %parallel_loop3A_322 : i32
            %parallel_loop3A_324 = arith.index_cast %parallel_loop3A_323 : i32 to index
            %parallel_loop3A_325 = tpu.vector_load %arg24[%parallel_loop3A_324] {strides = array<i32>} : memref<8320xf32, #tpu.memory_space<vmem>>, vector<16xf32>,
            %parallel_loop3A_326 = tpu.pack_subelements %parallel_loop3A_321, %parallel_loop3A_325 {pack_format = #tpu.pack_format<interleaved>, positions = array<i32: 0, 1>} : vector<16xf32>, vector<16xf32> -> vector<32xbf16>
            %parallel_loop3A_327 = arith.constant 2 : i32
            %parallel_loop3A_328 = arith.muli %parallel_loop3A_207, %parallel_loop3A_327 : i32
            %parallel_loop3A_329 = arith.constant 128 : i32
            %parallel_loop3A_330 = arith.muli %parallel_loop3A_328, %parallel_loop3A_329 : i32
            %parallel_loop3A_331 = arith.constant 48 : i32
            %parallel_loop3A_332 = arith.addi %parallel_loop3A_330, %parallel_loop3A_331 : i32
            %parallel_loop3A_333 = arith.index_cast %parallel_loop3A_332 : i32 to index
            %parallel_loop3A_334 = tpu.vector_load %arg26[%parallel_loop3A_333] {strides = array<i32>} : memref<33792xbf16, #tpu.memory_space<vmem>>, vector<32xbf16>,
            tpu.vector_store %arg26[%parallel_loop3A_333], %parallel_loop3A_326 {strides = array<i32>} : memref<33792xbf16, #tpu.memory_space<vmem>>, vector<32xbf16>,
            %parallel_loop3A_335 = arith.index_cast %parallel_loop3A_319 : i32 to index
            %parallel_loop3A_336 = tpu.vector_load %arg25[%parallel_loop3A_335] {strides = array<i32>} : memref<8320xf32, #tpu.memory_space<vmem>>, vector<16xf32>,
            %parallel_loop3A_337 = arith.constant 16 : i32
            %parallel_loop3A_338 = arith.addi %parallel_loop3A_319, %parallel_loop3A_337 : i32
            %parallel_loop3A_339 = arith.index_cast %parallel_loop3A_338 : i32 to index
            %parallel_loop3A_340 = tpu.vector_load %arg25[%parallel_loop3A_339] {strides = array<i32>} : memref<8320xf32, #tpu.memory_space<vmem>>, vector<16xf32>,
            %parallel_loop3A_341 = tpu.pack_subelements %parallel_loop3A_336, %parallel_loop3A_340 {pack_format = #tpu.pack_format<interleaved>, positions = array<i32: 0, 1>} : vector<16xf32>, vector<16xf32> -> vector<32xbf16>
            %parallel_loop3A_342 = arith.constant 66 : i32
            %parallel_loop3A_343 = arith.addi %parallel_loop3A_207, %parallel_loop3A_342 : i32
            %parallel_loop3A_344 = arith.constant 2 : i32
            %parallel_loop3A_345 = arith.muli %parallel_loop3A_343, %parallel_loop3A_344 : i32
            %parallel_loop3A_346 = arith.constant 128 : i32
            %parallel_loop3A_347 = arith.muli %parallel_loop3A_345, %parallel_loop3A_346 : i32
            %parallel_loop3A_348 = arith.constant 48 : i32
            %parallel_loop3A_349 = arith.addi %parallel_loop3A_347, %parallel_loop3A_348 : i32
            %parallel_loop3A_350 = arith.index_cast %parallel_loop3A_349 : i32 to index
            %parallel_loop3A_351 = tpu.vector_load %arg26[%parallel_loop3A_350] {strides = array<i32>} : memref<33792xbf16, #tpu.memory_space<vmem>>, vector<32xbf16>,
            tpu.vector_store %arg26[%parallel_loop3A_350], %parallel_loop3A_341 {strides = array<i32>} : memref<33792xbf16, #tpu.memory_space<vmem>>, vector<32xbf16>,
          } {sc.loop_unroll_factor = 1 : i64, sc.parallel_access}
          %swap3A = arith.constant 16640 : index
          %swap3A_192 = tpu.vector_load %arg26[%swap3A] {strides = array<i32>} : memref<33792xbf16, #tpu.memory_space<vmem>>, vector<32xbf16>,
          tpu.vector_store %arg26[%swap3A], %broadcast_in_dim3A_188 {strides = array<i32>} : memref<33792xbf16, #tpu.memory_space<vmem>>, vector<32xbf16>,
          %swap3A_193 = arith.constant 33536 : index
          %swap3A_194 = tpu.vector_load %arg26[%swap3A_193] {strides = array<i32>} : memref<33792xbf16, #tpu.memory_space<vmem>>, vector<32xbf16>,
          tpu.vector_store %arg26[%swap3A_193], %broadcast_in_dim3A_188 {strides = array<i32>} : memref<33792xbf16, #tpu.memory_space<vmem>>, vector<32xbf16>,
          %swap3A_195 = arith.constant 16656 : index
          %swap3A_196 = tpu.vector_load %arg26[%swap3A_195] {strides = array<i32>} : memref<33792xbf16, #tpu.memory_space<vmem>>, vector<32xbf16>,
          tpu.vector_store %arg26[%swap3A_195], %broadcast_in_dim3A_188 {strides = array<i32>} : memref<33792xbf16, #tpu.memory_space<vmem>>, vector<32xbf16>,
          %swap3A_197 = arith.constant 33552 : index
          %swap3A_198 = tpu.vector_load %arg26[%swap3A_197] {strides = array<i32>} : memref<33792xbf16, #tpu.memory_space<vmem>>, vector<32xbf16>,
          tpu.vector_store %arg26[%swap3A_197], %broadcast_in_dim3A_188 {strides = array<i32>} : memref<33792xbf16, #tpu.memory_space<vmem>>, vector<32xbf16>,
          %swap3A_199 = arith.constant 16672 : index
          %swap3A_200 = tpu.vector_load %arg26[%swap3A_199] {strides = array<i32>} : memref<33792xbf16, #tpu.memory_space<vmem>>, vector<32xbf16>,
          tpu.vector_store %arg26[%swap3A_199], %broadcast_in_dim3A_188 {strides = array<i32>} : memref<33792xbf16, #tpu.memory_space<vmem>>, vector<32xbf16>,
          %swap3A_201 = arith.constant 33568 : index
          %swap3A_202 = tpu.vector_load %arg26[%swap3A_201] {strides = array<i32>} : memref<33792xbf16, #tpu.memory_space<vmem>>, vector<32xbf16>,
          tpu.vector_store %arg26[%swap3A_201], %broadcast_in_dim3A_188 {strides = array<i32>} : memref<33792xbf16, #tpu.memory_space<vmem>>, vector<32xbf16>,
          %swap3A_203 = arith.constant 16688 : index
          %swap3A_204 = tpu.vector_load %arg26[%swap3A_203] {strides = array<i32>} : memref<33792xbf16, #tpu.memory_space<vmem>>, vector<32xbf16>,
          tpu.vector_store %arg26[%swap3A_203], %broadcast_in_dim3A_188 {strides = array<i32>} : memref<33792xbf16, #tpu.memory_space<vmem>>, vector<32xbf16>,
          %swap3A_205 = arith.constant 33584 : index
          %swap3A_206 = tpu.vector_load %arg26[%swap3A_205] {strides = array<i32>} : memref<33792xbf16, #tpu.memory_space<vmem>>, vector<32xbf16>,
          tpu.vector_store %arg26[%swap3A_205], %broadcast_in_dim3A_188 {strides = array<i32>} : memref<33792xbf16, #tpu.memory_space<vmem>>, vector<32xbf16>,
        } else {
        }
        %mul3A_168 = arith.constant 32 : i32
        %mul3A_169 = arith.muli %sub3A_87, %mul3A_168 : i32
        %add3A_170 = arith.addi %add3A, %mul3A_169 : i32
        %mul3A_171 = arith.constant 128 : i32
        %mul3A_172 = arith.muli %add3A_170, %mul3A_171 : i32
        %dma_wait3A = tpu.memref_slice %arg3[%mul3A_172] : memref<80000xi32, #tpu.memory_space<hbm>> -> memref<128xi32, #tpu.memory_space<hbm>>
        %dma_wait3A_173 = tpu.memref_slice %arg3[%mul3A_172] : memref<80000xi32, #tpu.memory_space<hbm>> -> memref<128xi32, #tpu.memory_space<hbm>>
        tpu.wait_dma2 semaphore(%arg11 : memref<!tpu.dma_semaphore, #tpu.memory_space<semaphore_mem>>) src(%dma_wait3A_173 : memref<128xi32, #tpu.memory_space<hbm>>) dst(%arg7 : memref<128xi32, #tpu.memory_space<vmem>>)
        %dma_wait3A_174 = arith.constant 0 : i32
        %dma_wait3A_175 = tpu.memref_slice %arg2[%mul3A_172, %dma_wait3A_174] : memref<80000x128xf32, #tpu.memory_space<hbm>> -> memref<128x128xf32, #tpu.memory_space<hbm>>
        %dma_wait3A_176 = arith.constant 0 : i32
        %dma_wait3A_177 = tpu.memref_slice %arg2[%mul3A_172, %dma_wait3A_176] : memref<80000x128xf32, #tpu.memory_space<hbm>> -> memref<128x128xf32, #tpu.memory_space<hbm>>
        tpu.wait_dma2 semaphore(%arg11 : memref<!tpu.dma_semaphore, #tpu.memory_space<semaphore_mem>>) src(%dma_wait3A_177 : memref<128x128xf32, #tpu.memory_space<hbm>>) dst(%arg20 : memref<128x128xf32, #tpu.memory_space<vmem>>)
        %iota3A = tpu.iota {dimensions = array<i32: 0>} : vector<16xi32>
        %parallel_loop3A = arith.constant 0 : i32
        %parallel_loop3A_178 = arith.constant 8 : i32
        %parallel_loop3A_179 = arith.constant 1 : i32
        scf.for %parallel_loop3A_188 = %parallel_loop3A to %parallel_loop3A_178 step %parallel_loop3A_179  : i32 {
          %parallel_loop3A_189 = arith.constant 16 : i32
          %parallel_loop3A_190 = arith.muli %parallel_loop3A_188, %parallel_loop3A_189 : i32
          %parallel_loop3A_191 = arith.index_cast %parallel_loop3A_190 : i32 to index
          %parallel_loop3A_192 = tpu.vector_load %arg7[%parallel_loop3A_191] {strides = array<i32>} : memref<128xi32, #tpu.memory_space<vmem>>, vector<16xi32>,
          %parallel_loop3A_193 = arith.constant 16 : i32
          %parallel_loop3A_194 = vector.broadcast %parallel_loop3A_193 : i32 to vector<16xi32>
          %parallel_loop3A_195 = arith.shrsi %parallel_loop3A_192, %parallel_loop3A_194 : vector<16xi32>
          %parallel_loop3A_196 = arith.constant 1 : i32
          %parallel_loop3A_197 = vector.broadcast %parallel_loop3A_196 : i32 to vector<16xi32>
          %parallel_loop3A_198 = arith.subi %parallel_loop3A_195, %parallel_loop3A_197 : vector<16xi32>
          %parallel_loop3A_199 = arith.constant 65535 : i32
          %parallel_loop3A_200 = vector.broadcast %parallel_loop3A_199 : i32 to vector<16xi32>
          %parallel_loop3A_201 = arith.andi %parallel_loop3A_192, %parallel_loop3A_200 : vector<16xi32>
          %parallel_loop3A_202 = arith.constant 1 : i32
          %parallel_loop3A_203 = vector.broadcast %parallel_loop3A_202 : i32 to vector<16xi32>
          %parallel_loop3A_204 = arith.subi %parallel_loop3A_201, %parallel_loop3A_203 : vector<16xi32>
          %parallel_loop3A_205 = arith.constant -1 : i32
          %parallel_loop3A_206 = vector.broadcast %parallel_loop3A_205 : i32 to vector<16xi32>
          %parallel_loop3A_207 = arith.cmpi eq, %parallel_loop3A_198, %parallel_loop3A_206 : vector<16xi32>
          %parallel_loop3A_208 = arith.constant 64 : i32
          %parallel_loop3A_209 = vector.broadcast %parallel_loop3A_208 : i32 to vector<16xi32>
          %parallel_loop3A_210 = arith.minsi %parallel_loop3A_204, %parallel_loop3A_209 : vector<16xi32>
          %parallel_loop3A_211 = arith.constant 65 : i32
          %parallel_loop3A_212 = vector.broadcast %parallel_loop3A_211 : i32 to vector<16xi32>
          %parallel_loop3A_213 = arith.select %parallel_loop3A_207, %parallel_loop3A_212, %parallel_loop3A_210 : vector<16xi1>, vector<16xi32>
          %parallel_loop3A_214 = arith.constant 64 : i32
          %parallel_loop3A_215 = vector.broadcast %parallel_loop3A_214 : i32 to vector<16xi32>
          %parallel_loop3A_216 = arith.minsi %parallel_loop3A_198, %parallel_loop3A_215 : vector<16xi32>
          %parallel_loop3A_217 = arith.constant 66 : i32
          %parallel_loop3A_218 = vector.broadcast %parallel_loop3A_217 : i32 to vector<16xi32>
          %parallel_loop3A_219 = arith.addi %parallel_loop3A_216, %parallel_loop3A_218 : vector<16xi32>
          %parallel_loop3A_220 = arith.constant 131 : i32
          %parallel_loop3A_221 = vector.broadcast %parallel_loop3A_220 : i32 to vector<16xi32>
          %parallel_loop3A_222 = arith.select %parallel_loop3A_207, %parallel_loop3A_221, %parallel_loop3A_219 : vector<16xi1>, vector<16xi32>
          %parallel_loop3A_223 = arith.constant 65536 : i32
          %parallel_loop3A_224 = vector.broadcast %parallel_loop3A_223 : i32 to vector<16xi32>
          %parallel_loop3A_225 = arith.muli %parallel_loop3A_213, %parallel_loop3A_224 : vector<16xi32>
          %parallel_loop3A_226 = arith.addi %parallel_loop3A_225, %parallel_loop3A_222 : vector<16xi32>
          %parallel_loop3A_227 = arith.constant 0 : i32
          %parallel_loop3A_228 = arith.constant 16 : i32
          %parallel_loop3A_229 = arith.constant 1 : i32
          scf.for %parallel_loop3A_230 = %parallel_loop3A_227 to %parallel_loop3A_228 step %parallel_loop3A_229  : i32 {
            %parallel_loop3A_231 = vector.broadcast %parallel_loop3A_230 : i32 to vector<16xi32>
            %parallel_loop3A_232 = arith.cmpi eq, %iota3A, %parallel_loop3A_231 : vector<16xi32>
            %parallel_loop3A_233 = arith.constant 0 : i32
            %parallel_loop3A_234 = vector.broadcast %parallel_loop3A_233 : i32 to vector<16xi32>
            %parallel_loop3A_235 = arith.select %parallel_loop3A_232, %parallel_loop3A_226, %parallel_loop3A_234 : vector<16xi1>, vector<16xi32>
            %parallel_loop3A_236 = arith.constant true
            %parallel_loop3A_237 = vector.broadcast %parallel_loop3A_236 : i1 to vector<16xi1>
            %parallel_loop3A_238 = arith.constant -2147483648 : i32
            %parallel_loop3A_239 = vector.broadcast %parallel_loop3A_238 : i32 to vector<16xi32>
            %parallel_loop3A_240 = arith.xori %parallel_loop3A_235, %parallel_loop3A_239 : vector<16xi32>
            %parallel_loop3A_241 = tpu.scan <max>, %parallel_loop3A_240 masked %parallel_loop3A_237 : vector<16xi32>, vector<16xi1> -> vector<16xi32>
            %parallel_loop3A_242 = arith.xori %parallel_loop3A_241, %parallel_loop3A_239 : vector<16xi32>
            %parallel_loop3A_243 = vector.extract %parallel_loop3A_242[15] : i32 from vector<16xi32>
            %parallel_loop3A_244 = arith.constant 16 : i32
            %parallel_loop3A_245 = arith.shrsi %parallel_loop3A_243, %parallel_loop3A_244 : i32
            %parallel_loop3A_246 = arith.constant 65535 : i32
            %parallel_loop3A_247 = arith.andi %parallel_loop3A_243, %parallel_loop3A_246 : i32
            %parallel_loop3A_248 = arith.constant 16 : i32
            %parallel_loop3A_249 = arith.muli %parallel_loop3A_188, %parallel_loop3A_248 : i32
            %parallel_loop3A_250 = arith.addi %parallel_loop3A_249, %parallel_loop3A_230 : i32
            %parallel_loop3A_251 = arith.constant 256 : i32
            %parallel_loop3A_252 = arith.muli %parallel_loop3A_245, %parallel_loop3A_251 : i32
            %parallel_loop3A_253 = arith.constant 0 : i32
            %parallel_loop3A_254 = arith.addi %parallel_loop3A_252, %parallel_loop3A_253 : i32
            %parallel_loop3A_255 = arith.index_cast %parallel_loop3A_254 : i32 to index
            %parallel_loop3A_256 = tpu.vector_load %arg26[%parallel_loop3A_255] {strides = array<i32>} : memref<33792xbf16, #tpu.memory_space<vmem>>, vector<32xbf16>,
            %parallel_loop3A_257 = tpu.unpack_subelements %parallel_loop3A_256, 0 {pack_format = #tpu.pack_format<interleaved>} : vector<32xbf16> -> vector<16xf32>
            %parallel_loop3A_258 = tpu.unpack_subelements %parallel_loop3A_256, 1 {pack_format = #tpu.pack_format<interleaved>} : vector<32xbf16> -> vector<16xf32>
            %parallel_loop3A_259 = arith.constant 256 : i32
            %parallel_loop3A_260 = arith.muli %parallel_loop3A_247, %parallel_loop3A_259 : i32
            %parallel_loop3A_261 = arith.constant 0 : i32
            %parallel_loop3A_262 = arith.addi %parallel_loop3A_260, %parallel_loop3A_261 : i32
            %parallel_loop3A_263 = arith.index_cast %parallel_loop3A_262 : i32 to index
            %parallel_loop3A_264 = tpu.vector_load %arg26[%parallel_loop3A_263] {strides = array<i32>} : memref<33792xbf16, #tpu.memory_space<vmem>>, vector<32xbf16>,
            %parallel_loop3A_265 = tpu.unpack_subelements %parallel_loop3A_264, 0 {pack_format = #tpu.pack_format<interleaved>} : vector<32xbf16> -> vector<16xf32>
            %parallel_loop3A_266 = tpu.unpack_subelements %parallel_loop3A_264, 1 {pack_format = #tpu.pack_format<interleaved>} : vector<32xbf16> -> vector<16xf32>
            %parallel_loop3A_267 = arith.addf %parallel_loop3A_257, %parallel_loop3A_265 : vector<16xf32>
            %parallel_loop3A_268 = arith.index_cast %parallel_loop3A_250 : i32 to index
            %parallel_loop3A_269 = arith.constant 0 : index
            %parallel_loop3A_270 = tpu.vector_load %arg20[%parallel_loop3A_268, %parallel_loop3A_269] {strides = array<i32>} : memref<128x128xf32, #tpu.memory_space<vmem>>, vector<16xf32>,
            tpu.vector_store %arg20[%parallel_loop3A_268, %parallel_loop3A_269], %parallel_loop3A_267 {add = true, strides = array<i32>} : memref<128x128xf32, #tpu.memory_space<vmem>>, vector<16xf32>,
            %parallel_loop3A_271 = arith.addf %parallel_loop3A_258, %parallel_loop3A_266 : vector<16xf32>
            %parallel_loop3A_272 = arith.index_cast %parallel_loop3A_250 : i32 to index
            %parallel_loop3A_273 = arith.constant 16 : index
            %parallel_loop3A_274 = tpu.vector_load %arg20[%parallel_loop3A_272, %parallel_loop3A_273] {strides = array<i32>} : memref<128x128xf32, #tpu.memory_space<vmem>>, vector<16xf32>,
            tpu.vector_store %arg20[%parallel_loop3A_272, %parallel_loop3A_273], %parallel_loop3A_271 {add = true, strides = array<i32>} : memref<128x128xf32, #tpu.memory_space<vmem>>, vector<16xf32>,
            %parallel_loop3A_275 = arith.constant 256 : i32
            %parallel_loop3A_276 = arith.muli %parallel_loop3A_245, %parallel_loop3A_275 : i32
            %parallel_loop3A_277 = arith.constant 16 : i32
            %parallel_loop3A_278 = arith.addi %parallel_loop3A_276, %parallel_loop3A_277 : i32
            %parallel_loop3A_279 = arith.index_cast %parallel_loop3A_278 : i32 to index
            %parallel_loop3A_280 = tpu.vector_load %arg26[%parallel_loop3A_279] {strides = array<i32>} : memref<33792xbf16, #tpu.memory_space<vmem>>, vector<32xbf16>,
            %parallel_loop3A_281 = tpu.unpack_subelements %parallel_loop3A_280, 0 {pack_format = #tpu.pack_format<interleaved>} : vector<32xbf16> -> vector<16xf32>
            %parallel_loop3A_282 = tpu.unpack_subelements %parallel_loop3A_280, 1 {pack_format = #tpu.pack_format<interleaved>} : vector<32xbf16> -> vector<16xf32>
            %parallel_loop3A_283 = arith.constant 256 : i32
            %parallel_loop3A_284 = arith.muli %parallel_loop3A_247, %parallel_loop3A_283 : i32
            %parallel_loop3A_285 = arith.constant 16 : i32
            %parallel_loop3A_286 = arith.addi %parallel_loop3A_284, %parallel_loop3A_285 : i32
            %parallel_loop3A_287 = arith.index_cast %parallel_loop3A_286 : i32 to index
            %parallel_loop3A_288 = tpu.vector_load %arg26[%parallel_loop3A_287] {strides = array<i32>} : memref<33792xbf16, #tpu.memory_space<vmem>>, vector<32xbf16>,
            %parallel_loop3A_289 = tpu.unpack_subelements %parallel_loop3A_288, 0 {pack_format = #tpu.pack_format<interleaved>} : vector<32xbf16> -> vector<16xf32>
            %parallel_loop3A_290 = tpu.unpack_subelements %parallel_loop3A_288, 1 {pack_format = #tpu.pack_format<interleaved>} : vector<32xbf16> -> vector<16xf32>
            %parallel_loop3A_291 = arith.addf %parallel_loop3A_281, %parallel_loop3A_289 : vector<16xf32>
            %parallel_loop3A_292 = arith.index_cast %parallel_loop3A_250 : i32 to index
            %parallel_loop3A_293 = arith.constant 32 : index
            %parallel_loop3A_294 = tpu.vector_load %arg20[%parallel_loop3A_292, %parallel_loop3A_293] {strides = array<i32>} : memref<128x128xf32, #tpu.memory_space<vmem>>, vector<16xf32>,
            tpu.vector_store %arg20[%parallel_loop3A_292, %parallel_loop3A_293], %parallel_loop3A_291 {add = true, strides = array<i32>} : memref<128x128xf32, #tpu.memory_space<vmem>>, vector<16xf32>,
            %parallel_loop3A_295 = arith.addf %parallel_loop3A_282, %parallel_loop3A_290 : vector<16xf32>
            %parallel_loop3A_296 = arith.index_cast %parallel_loop3A_250 : i32 to index
            %parallel_loop3A_297 = arith.constant 48 : index
            %parallel_loop3A_298 = tpu.vector_load %arg20[%parallel_loop3A_296, %parallel_loop3A_297] {strides = array<i32>} : memref<128x128xf32, #tpu.memory_space<vmem>>, vector<16xf32>,
            tpu.vector_store %arg20[%parallel_loop3A_296, %parallel_loop3A_297], %parallel_loop3A_295 {add = true, strides = array<i32>} : memref<128x128xf32, #tpu.memory_space<vmem>>, vector<16xf32>,
            %parallel_loop3A_299 = arith.constant 256 : i32
            %parallel_loop3A_300 = arith.muli %parallel_loop3A_245, %parallel_loop3A_299 : i32
            %parallel_loop3A_301 = arith.constant 32 : i32
            %parallel_loop3A_302 = arith.addi %parallel_loop3A_300, %parallel_loop3A_301 : i32
            %parallel_loop3A_303 = arith.index_cast %parallel_loop3A_302 : i32 to index
            %parallel_loop3A_304 = tpu.vector_load %arg26[%parallel_loop3A_303] {strides = array<i32>} : memref<33792xbf16, #tpu.memory_space<vmem>>, vector<32xbf16>,
            %parallel_loop3A_305 = tpu.unpack_subelements %parallel_loop3A_304, 0 {pack_format = #tpu.pack_format<interleaved>} : vector<32xbf16> -> vector<16xf32>
            %parallel_loop3A_306 = tpu.unpack_subelements %parallel_loop3A_304, 1 {pack_format = #tpu.pack_format<interleaved>} : vector<32xbf16> -> vector<16xf32>
            %parallel_loop3A_307 = arith.constant 256 : i32
            %parallel_loop3A_308 = arith.muli %parallel_loop3A_247, %parallel_loop3A_307 : i32
            %parallel_loop3A_309 = arith.constant 32 : i32
            %parallel_loop3A_310 = arith.addi %parallel_loop3A_308, %parallel_loop3A_309 : i32
            %parallel_loop3A_311 = arith.index_cast %parallel_loop3A_310 : i32 to index
            %parallel_loop3A_312 = tpu.vector_load %arg26[%parallel_loop3A_311] {strides = array<i32>} : memref<33792xbf16, #tpu.memory_space<vmem>>, vector<32xbf16>,
            %parallel_loop3A_313 = tpu.unpack_subelements %parallel_loop3A_312, 0 {pack_format = #tpu.pack_format<interleaved>} : vector<32xbf16> -> vector<16xf32>
            %parallel_loop3A_314 = tpu.unpack_subelements %parallel_loop3A_312, 1 {pack_format = #tpu.pack_format<interleaved>} : vector<32xbf16> -> vector<16xf32>
            %parallel_loop3A_315 = arith.addf %parallel_loop3A_305, %parallel_loop3A_313 : vector<16xf32>
            %parallel_loop3A_316 = arith.index_cast %parallel_loop3A_250 : i32 to index
            %parallel_loop3A_317 = arith.constant 64 : index
            %parallel_loop3A_318 = tpu.vector_load %arg20[%parallel_loop3A_316, %parallel_loop3A_317] {strides = array<i32>} : memref<128x128xf32, #tpu.memory_space<vmem>>, vector<16xf32>,
            tpu.vector_store %arg20[%parallel_loop3A_316, %parallel_loop3A_317], %parallel_loop3A_315 {add = true, strides = array<i32>} : memref<128x128xf32, #tpu.memory_space<vmem>>, vector<16xf32>,
            %parallel_loop3A_319 = arith.addf %parallel_loop3A_306, %parallel_loop3A_314 : vector<16xf32>
            %parallel_loop3A_320 = arith.index_cast %parallel_loop3A_250 : i32 to index
            %parallel_loop3A_321 = arith.constant 80 : index
            %parallel_loop3A_322 = tpu.vector_load %arg20[%parallel_loop3A_320, %parallel_loop3A_321] {strides = array<i32>} : memref<128x128xf32, #tpu.memory_space<vmem>>, vector<16xf32>,
            tpu.vector_store %arg20[%parallel_loop3A_320, %parallel_loop3A_321], %parallel_loop3A_319 {add = true, strides = array<i32>} : memref<128x128xf32, #tpu.memory_space<vmem>>, vector<16xf32>,
            %parallel_loop3A_323 = arith.constant 256 : i32
            %parallel_loop3A_324 = arith.muli %parallel_loop3A_245, %parallel_loop3A_323 : i32
            %parallel_loop3A_325 = arith.constant 48 : i32
            %parallel_loop3A_326 = arith.addi %parallel_loop3A_324, %parallel_loop3A_325 : i32
            %parallel_loop3A_327 = arith.index_cast %parallel_loop3A_326 : i32 to index
            %parallel_loop3A_328 = tpu.vector_load %arg26[%parallel_loop3A_327] {strides = array<i32>} : memref<33792xbf16, #tpu.memory_space<vmem>>, vector<32xbf16>,
            %parallel_loop3A_329 = tpu.unpack_subelements %parallel_loop3A_328, 0 {pack_format = #tpu.pack_format<interleaved>} : vector<32xbf16> -> vector<16xf32>
            %parallel_loop3A_330 = tpu.unpack_subelements %parallel_loop3A_328, 1 {pack_format = #tpu.pack_format<interleaved>} : vector<32xbf16> -> vector<16xf32>
            %parallel_loop3A_331 = arith.constant 256 : i32
            %parallel_loop3A_332 = arith.muli %parallel_loop3A_247, %parallel_loop3A_331 : i32
            %parallel_loop3A_333 = arith.constant 48 : i32
            %parallel_loop3A_334 = arith.addi %parallel_loop3A_332, %parallel_loop3A_333 : i32
            %parallel_loop3A_335 = arith.index_cast %parallel_loop3A_334 : i32 to index
            %parallel_loop3A_336 = tpu.vector_load %arg26[%parallel_loop3A_335] {strides = array<i32>} : memref<33792xbf16, #tpu.memory_space<vmem>>, vector<32xbf16>,
            %parallel_loop3A_337 = tpu.unpack_subelements %parallel_loop3A_336, 0 {pack_format = #tpu.pack_format<interleaved>} : vector<32xbf16> -> vector<16xf32>
            %parallel_loop3A_338 = tpu.unpack_subelements %parallel_loop3A_336, 1 {pack_format = #tpu.pack_format<interleaved>} : vector<32xbf16> -> vector<16xf32>
            %parallel_loop3A_339 = arith.addf %parallel_loop3A_329, %parallel_loop3A_337 : vector<16xf32>
            %parallel_loop3A_340 = arith.index_cast %parallel_loop3A_250 : i32 to index
            %parallel_loop3A_341 = arith.constant 96 : index
            %parallel_loop3A_342 = tpu.vector_load %arg20[%parallel_loop3A_340, %parallel_loop3A_341] {strides = array<i32>} : memref<128x128xf32, #tpu.memory_space<vmem>>, vector<16xf32>,
            tpu.vector_store %arg20[%parallel_loop3A_340, %parallel_loop3A_341], %parallel_loop3A_339 {add = true, strides = array<i32>} : memref<128x128xf32, #tpu.memory_space<vmem>>, vector<16xf32>,
            %parallel_loop3A_343 = arith.addf %parallel_loop3A_330, %parallel_loop3A_338 : vector<16xf32>
            %parallel_loop3A_344 = arith.index_cast %parallel_loop3A_250 : i32 to index
            %parallel_loop3A_345 = arith.constant 112 : index
            %parallel_loop3A_346 = tpu.vector_load %arg20[%parallel_loop3A_344, %parallel_loop3A_345] {strides = array<i32>} : memref<128x128xf32, #tpu.memory_space<vmem>>, vector<16xf32>,
            tpu.vector_store %arg20[%parallel_loop3A_344, %parallel_loop3A_345], %parallel_loop3A_343 {add = true, strides = array<i32>} : memref<128x128xf32, #tpu.memory_space<vmem>>, vector<16xf32>,
          } {sc.loop_unroll_factor = 4 : i64, sc.parallel_access}
        } {sc.loop_unroll_factor = 1 : i64, sc.parallel_access}
        %mul3A_180 = arith.constant 32 : i32
        %mul3A_181 = arith.muli %sub3A_87, %mul3A_180 : i32
        %add3A_182 = arith.addi %add3A, %mul3A_181 : i32
        %mul3A_183 = arith.constant 128 : i32
        %mul3A_184 = arith.muli %add3A_182, %mul3A_183 : i32
        %dma_start3A = arith.constant 0 : i32
        %dma_start3A_185 = tpu.memref_slice %arg6[%mul3A_184, %dma_start3A] : memref<80000x128xf32, #tpu.memory_space<hbm>> -> memref<128x128xf32, #tpu.memory_space<hbm>>
        %dma_start3A_186 = arith.constant 0 : i32
        %dma_start3A_187 = tpu.memref_slice %arg6[%mul3A_184, %dma_start3A_186] : memref<80000x128xf32, #tpu.memory_space<hbm>> -> memref<128x128xf32, #tpu.memory_space<hbm>>
        tpu.enqueue_dma source(%arg20 : memref<128x128xf32, #tpu.memory_space<vmem>>) target(%dma_start3A_187 : memref<128x128xf32, #tpu.memory_space<hbm>>) target_semaphore(%arg15 : memref<!tpu.dma_semaphore, #tpu.memory_space<semaphore_mem>>)
      } else {
      }
      %mul3A_102 = arith.constant 4 : i32
      %mul3A_103 = arith.muli %add3A_41, %mul3A_102 : i32
      %add3A_104 = arith.constant 2 : i32
      %add3A_105 = arith.addi %mul3A_103, %add3A_104 : i32
      %lt3A_106 = arith.constant 20 : i32
      %lt3A_107 = arith.cmpi slt, %add3A_105, %lt3A_106 : i32
      %mul3A_108 = arith.constant 32 : i32
      %mul3A_109 = arith.muli %add3A_105, %mul3A_108 : i32
      %add3A_110 = arith.addi %add3A, %mul3A_109 : i32
      %lt3A_111 = arith.constant 625 : i32
      %lt3A_112 = arith.cmpi slt, %add3A_110, %lt3A_111 : i32
      %and3A_113 = arith.andi %lt3A_107, %lt3A_112 : i1
      %convert_element_type3A_114 = arith.extui %and3A_113 : i1 to i32
      %cond3A_115 = arith.constant 0 : i32
      %cond3A_116 = arith.cmpi ne, %convert_element_type3A_114, %cond3A_115 : i32
      scf.if %cond3A_116 {
        %ge3A_164 = arith.constant 4 : i32
        %ge3A_165 = arith.cmpi sge, %add3A_105, %ge3A_164 : i32
        %convert_element_type3A_166 = arith.extui %ge3A_165 : i1 to i32
        %cond3A_167 = arith.constant 0 : i32
        %cond3A_168 = arith.cmpi ne, %convert_element_type3A_166, %cond3A_167 : i32
        scf.if %cond3A_168 {
          %sub3A_179 = arith.constant 4 : i32
          %sub3A_180 = arith.subi %add3A_105, %sub3A_179 : i32
          %mul3A_181 = arith.constant 32 : i32
          %mul3A_182 = arith.muli %sub3A_180, %mul3A_181 : i32
          %add3A_183 = arith.addi %add3A, %mul3A_182 : i32
          %mul3A_184 = arith.constant 128 : i32
          %mul3A_185 = arith.muli %add3A_183, %mul3A_184 : i32
          %dma_wait3A = arith.constant 0 : i32
          %dma_wait3A_186 = tpu.memref_slice %arg6[%mul3A_185, %dma_wait3A] : memref<80000x128xf32, #tpu.memory_space<hbm>> -> memref<128x128xf32, #tpu.memory_space<hbm>>
          %dma_wait3A_187 = arith.constant 0 : i32
          %dma_wait3A_188 = tpu.memref_slice %arg6[%mul3A_185, %dma_wait3A_187] : memref<80000x128xf32, #tpu.memory_space<hbm>> -> memref<128x128xf32, #tpu.memory_space<hbm>>
          tpu.wait_dma2 semaphore(%arg17 : memref<!tpu.dma_semaphore, #tpu.memory_space<semaphore_mem>>) src(%arg22 : memref<128x128xf32, #tpu.memory_space<vmem>>) dst(%dma_wait3A_188 : memref<128x128xf32, #tpu.memory_space<hbm>>)
        } else {
        }
        %mul3A_169 = arith.constant 32 : i32
        %mul3A_170 = arith.muli %add3A_105, %mul3A_169 : i32
        %add3A_171 = arith.addi %add3A, %mul3A_170 : i32
        %mul3A_172 = arith.constant 128 : i32
        %mul3A_173 = arith.muli %add3A_171, %mul3A_172 : i32
        %dma_start3A = tpu.memref_slice %arg3[%mul3A_173] : memref<80000xi32, #tpu.memory_space<hbm>> -> memref<128xi32, #tpu.memory_space<hbm>>
        %dma_start3A_174 = tpu.memref_slice %arg3[%mul3A_173] : memref<80000xi32, #tpu.memory_space<hbm>> -> memref<128xi32, #tpu.memory_space<hbm>>
        tpu.enqueue_dma source(%dma_start3A_174 : memref<128xi32, #tpu.memory_space<hbm>>) target(%arg9 : memref<128xi32, #tpu.memory_space<vmem>>) target_semaphore(%arg13 : memref<!tpu.dma_semaphore, #tpu.memory_space<semaphore_mem>>)
        %dma_start3A_175 = arith.constant 0 : i32
        %dma_start3A_176 = tpu.memref_slice %arg2[%mul3A_173, %dma_start3A_175] : memref<80000x128xf32, #tpu.memory_space<hbm>> -> memref<128x128xf32, #tpu.memory_space<hbm>>
        %dma_start3A_177 = arith.constant 0 : i32
        %dma_start3A_178 = tpu.memref_slice %arg2[%mul3A_173, %dma_start3A_177] : memref<80000x128xf32, #tpu.memory_space<hbm>> -> memref<128x128xf32, #tpu.memory_space<hbm>>
        tpu.enqueue_dma source(%dma_start3A_178 : memref<128x128xf32, #tpu.memory_space<hbm>>) target(%arg22 : memref<128x128xf32, #tpu.memory_space<vmem>>) target_semaphore(%arg13 : memref<!tpu.dma_semaphore, #tpu.memory_space<semaphore_mem>>)
      } else {
      }
      %sub3A_117 = arith.constant 1 : i32
      %sub3A_118 = arith.subi %add3A_105, %sub3A_117 : i32
      %ge3A_119 = arith.constant 0 : i32
      %ge3A_120 = arith.cmpi sge, %sub3A_118, %ge3A_119 : i32
      %lt3A_121 = arith.constant 20 : i32
      %lt3A_122 = arith.cmpi slt, %sub3A_118, %lt3A_121 : i32
      %and3A_123 = arith.andi %ge3A_120, %lt3A_122 : i1
      %mul3A_124 = arith.constant 32 : i32
      %mul3A_125 = arith.muli %sub3A_118, %mul3A_124 : i32
      %add3A_126 = arith.addi %add3A, %mul3A_125 : i32
      %lt3A_127 = arith.constant 625 : i32
      %lt3A_128 = arith.cmpi slt, %add3A_126, %lt3A_127 : i32
      %and3A_129 = arith.andi %and3A_123, %lt3A_128 : i1
      %convert_element_type3A_130 = arith.extui %and3A_129 : i1 to i32
      %cond3A_131 = arith.constant 0 : i32
      %cond3A_132 = arith.cmpi ne, %convert_element_type3A_130, %cond3A_131 : i32
      scf.if %cond3A_132 {
        %eq3A = arith.constant 0 : i32
        %eq3A_164 = arith.cmpi eq, %sub3A_118, %eq3A : i32
        %convert_element_type3A_165 = arith.extui %eq3A_164 : i1 to i32
        %cond3A_166 = arith.constant 0 : i32
        %cond3A_167 = arith.cmpi ne, %convert_element_type3A_165, %cond3A_166 : i32
        scf.if %cond3A_167 {
          tpu.wait_dma2 semaphore(%arg19 : memref<!tpu.dma_semaphore, #tpu.memory_space<semaphore_mem>>) src(%arg4 : memref<8320xf32, #tpu.memory_space<hbm>>) dst(%arg24 : memref<8320xf32, #tpu.memory_space<vmem>>)
          tpu.wait_dma2 semaphore(%arg19 : memref<!tpu.dma_semaphore, #tpu.memory_space<semaphore_mem>>) src(%arg5 : memref<8320xf32, #tpu.memory_space<hbm>>) dst(%arg25 : memref<8320xf32, #tpu.memory_space<vmem>>)
          %broadcast_in_dim3A = arith.constant 0.000000e+00 : bf16
          %broadcast_in_dim3A_188 = vector.broadcast %broadcast_in_dim3A : bf16 to vector<32xbf16>
          %parallel_loop3A_189 = arith.constant 0 : i32
          %parallel_loop3A_190 = arith.constant 65 : i32
          %parallel_loop3A_191 = arith.constant 1 : i32
          scf.for %parallel_loop3A_207 = %parallel_loop3A_189 to %parallel_loop3A_190 step %parallel_loop3A_191  : i32 {
            %parallel_loop3A_208 = arith.constant 128 : i32
            %parallel_loop3A_209 = arith.muli %parallel_loop3A_207, %parallel_loop3A_208 : i32
            %parallel_loop3A_210 = arith.constant 0 : i32
            %parallel_loop3A_211 = arith.addi %parallel_loop3A_209, %parallel_loop3A_210 : i32
            %parallel_loop3A_212 = arith.index_cast %parallel_loop3A_211 : i32 to index
            %parallel_loop3A_213 = tpu.vector_load %arg24[%parallel_loop3A_212] {strides = array<i32>} : memref<8320xf32, #tpu.memory_space<vmem>>, vector<16xf32>,
            %parallel_loop3A_214 = arith.constant 16 : i32
            %parallel_loop3A_215 = arith.addi %parallel_loop3A_211, %parallel_loop3A_214 : i32
            %parallel_loop3A_216 = arith.index_cast %parallel_loop3A_215 : i32 to index
            %parallel_loop3A_217 = tpu.vector_load %arg24[%parallel_loop3A_216] {strides = array<i32>} : memref<8320xf32, #tpu.memory_space<vmem>>, vector<16xf32>,
            %parallel_loop3A_218 = tpu.pack_subelements %parallel_loop3A_213, %parallel_loop3A_217 {pack_format = #tpu.pack_format<interleaved>, positions = array<i32: 0, 1>} : vector<16xf32>, vector<16xf32> -> vector<32xbf16>
            %parallel_loop3A_219 = arith.constant 2 : i32
            %parallel_loop3A_220 = arith.muli %parallel_loop3A_207, %parallel_loop3A_219 : i32
            %parallel_loop3A_221 = arith.constant 128 : i32
            %parallel_loop3A_222 = arith.muli %parallel_loop3A_220, %parallel_loop3A_221 : i32
            %parallel_loop3A_223 = arith.constant 0 : i32
            %parallel_loop3A_224 = arith.addi %parallel_loop3A_222, %parallel_loop3A_223 : i32
            %parallel_loop3A_225 = arith.index_cast %parallel_loop3A_224 : i32 to index
            %parallel_loop3A_226 = tpu.vector_load %arg26[%parallel_loop3A_225] {strides = array<i32>} : memref<33792xbf16, #tpu.memory_space<vmem>>, vector<32xbf16>,
            tpu.vector_store %arg26[%parallel_loop3A_225], %parallel_loop3A_218 {strides = array<i32>} : memref<33792xbf16, #tpu.memory_space<vmem>>, vector<32xbf16>,
            %parallel_loop3A_227 = arith.index_cast %parallel_loop3A_211 : i32 to index
            %parallel_loop3A_228 = tpu.vector_load %arg25[%parallel_loop3A_227] {strides = array<i32>} : memref<8320xf32, #tpu.memory_space<vmem>>, vector<16xf32>,
            %parallel_loop3A_229 = arith.constant 16 : i32
            %parallel_loop3A_230 = arith.addi %parallel_loop3A_211, %parallel_loop3A_229 : i32
            %parallel_loop3A_231 = arith.index_cast %parallel_loop3A_230 : i32 to index
            %parallel_loop3A_232 = tpu.vector_load %arg25[%parallel_loop3A_231] {strides = array<i32>} : memref<8320xf32, #tpu.memory_space<vmem>>, vector<16xf32>,
            %parallel_loop3A_233 = tpu.pack_subelements %parallel_loop3A_228, %parallel_loop3A_232 {pack_format = #tpu.pack_format<interleaved>, positions = array<i32: 0, 1>} : vector<16xf32>, vector<16xf32> -> vector<32xbf16>
            %parallel_loop3A_234 = arith.constant 66 : i32
            %parallel_loop3A_235 = arith.addi %parallel_loop3A_207, %parallel_loop3A_234 : i32
            %parallel_loop3A_236 = arith.constant 2 : i32
            %parallel_loop3A_237 = arith.muli %parallel_loop3A_235, %parallel_loop3A_236 : i32
            %parallel_loop3A_238 = arith.constant 128 : i32
            %parallel_loop3A_239 = arith.muli %parallel_loop3A_237, %parallel_loop3A_238 : i32
            %parallel_loop3A_240 = arith.constant 0 : i32
            %parallel_loop3A_241 = arith.addi %parallel_loop3A_239, %parallel_loop3A_240 : i32
            %parallel_loop3A_242 = arith.index_cast %parallel_loop3A_241 : i32 to index
            %parallel_loop3A_243 = tpu.vector_load %arg26[%parallel_loop3A_242] {strides = array<i32>} : memref<33792xbf16, #tpu.memory_space<vmem>>, vector<32xbf16>,
            tpu.vector_store %arg26[%parallel_loop3A_242], %parallel_loop3A_233 {strides = array<i32>} : memref<33792xbf16, #tpu.memory_space<vmem>>, vector<32xbf16>,
            %parallel_loop3A_244 = arith.constant 128 : i32
            %parallel_loop3A_245 = arith.muli %parallel_loop3A_207, %parallel_loop3A_244 : i32
            %parallel_loop3A_246 = arith.constant 32 : i32
            %parallel_loop3A_247 = arith.addi %parallel_loop3A_245, %parallel_loop3A_246 : i32
            %parallel_loop3A_248 = arith.index_cast %parallel_loop3A_247 : i32 to index
            %parallel_loop3A_249 = tpu.vector_load %arg24[%parallel_loop3A_248] {strides = array<i32>} : memref<8320xf32, #tpu.memory_space<vmem>>, vector<16xf32>,
            %parallel_loop3A_250 = arith.constant 16 : i32
            %parallel_loop3A_251 = arith.addi %parallel_loop3A_247, %parallel_loop3A_250 : i32
            %parallel_loop3A_252 = arith.index_cast %parallel_loop3A_251 : i32 to index
            %parallel_loop3A_253 = tpu.vector_load %arg24[%parallel_loop3A_252] {strides = array<i32>} : memref<8320xf32, #tpu.memory_space<vmem>>, vector<16xf32>,
            %parallel_loop3A_254 = tpu.pack_subelements %parallel_loop3A_249, %parallel_loop3A_253 {pack_format = #tpu.pack_format<interleaved>, positions = array<i32: 0, 1>} : vector<16xf32>, vector<16xf32> -> vector<32xbf16>
            %parallel_loop3A_255 = arith.constant 2 : i32
            %parallel_loop3A_256 = arith.muli %parallel_loop3A_207, %parallel_loop3A_255 : i32
            %parallel_loop3A_257 = arith.constant 128 : i32
            %parallel_loop3A_258 = arith.muli %parallel_loop3A_256, %parallel_loop3A_257 : i32
            %parallel_loop3A_259 = arith.constant 16 : i32
            %parallel_loop3A_260 = arith.addi %parallel_loop3A_258, %parallel_loop3A_259 : i32
            %parallel_loop3A_261 = arith.index_cast %parallel_loop3A_260 : i32 to index
            %parallel_loop3A_262 = tpu.vector_load %arg26[%parallel_loop3A_261] {strides = array<i32>} : memref<33792xbf16, #tpu.memory_space<vmem>>, vector<32xbf16>,
            tpu.vector_store %arg26[%parallel_loop3A_261], %parallel_loop3A_254 {strides = array<i32>} : memref<33792xbf16, #tpu.memory_space<vmem>>, vector<32xbf16>,
            %parallel_loop3A_263 = arith.index_cast %parallel_loop3A_247 : i32 to index
            %parallel_loop3A_264 = tpu.vector_load %arg25[%parallel_loop3A_263] {strides = array<i32>} : memref<8320xf32, #tpu.memory_space<vmem>>, vector<16xf32>,
            %parallel_loop3A_265 = arith.constant 16 : i32
            %parallel_loop3A_266 = arith.addi %parallel_loop3A_247, %parallel_loop3A_265 : i32
            %parallel_loop3A_267 = arith.index_cast %parallel_loop3A_266 : i32 to index
            %parallel_loop3A_268 = tpu.vector_load %arg25[%parallel_loop3A_267] {strides = array<i32>} : memref<8320xf32, #tpu.memory_space<vmem>>, vector<16xf32>,
            %parallel_loop3A_269 = tpu.pack_subelements %parallel_loop3A_264, %parallel_loop3A_268 {pack_format = #tpu.pack_format<interleaved>, positions = array<i32: 0, 1>} : vector<16xf32>, vector<16xf32> -> vector<32xbf16>
            %parallel_loop3A_270 = arith.constant 66 : i32
            %parallel_loop3A_271 = arith.addi %parallel_loop3A_207, %parallel_loop3A_270 : i32
            %parallel_loop3A_272 = arith.constant 2 : i32
            %parallel_loop3A_273 = arith.muli %parallel_loop3A_271, %parallel_loop3A_272 : i32
            %parallel_loop3A_274 = arith.constant 128 : i32
            %parallel_loop3A_275 = arith.muli %parallel_loop3A_273, %parallel_loop3A_274 : i32
            %parallel_loop3A_276 = arith.constant 16 : i32
            %parallel_loop3A_277 = arith.addi %parallel_loop3A_275, %parallel_loop3A_276 : i32
            %parallel_loop3A_278 = arith.index_cast %parallel_loop3A_277 : i32 to index
            %parallel_loop3A_279 = tpu.vector_load %arg26[%parallel_loop3A_278] {strides = array<i32>} : memref<33792xbf16, #tpu.memory_space<vmem>>, vector<32xbf16>,
            tpu.vector_store %arg26[%parallel_loop3A_278], %parallel_loop3A_269 {strides = array<i32>} : memref<33792xbf16, #tpu.memory_space<vmem>>, vector<32xbf16>,
            %parallel_loop3A_280 = arith.constant 128 : i32
            %parallel_loop3A_281 = arith.muli %parallel_loop3A_207, %parallel_loop3A_280 : i32
            %parallel_loop3A_282 = arith.constant 64 : i32
            %parallel_loop3A_283 = arith.addi %parallel_loop3A_281, %parallel_loop3A_282 : i32
            %parallel_loop3A_284 = arith.index_cast %parallel_loop3A_283 : i32 to index
            %parallel_loop3A_285 = tpu.vector_load %arg24[%parallel_loop3A_284] {strides = array<i32>} : memref<8320xf32, #tpu.memory_space<vmem>>, vector<16xf32>,
            %parallel_loop3A_286 = arith.constant 16 : i32
            %parallel_loop3A_287 = arith.addi %parallel_loop3A_283, %parallel_loop3A_286 : i32
            %parallel_loop3A_288 = arith.index_cast %parallel_loop3A_287 : i32 to index
            %parallel_loop3A_289 = tpu.vector_load %arg24[%parallel_loop3A_288] {strides = array<i32>} : memref<8320xf32, #tpu.memory_space<vmem>>, vector<16xf32>,
            %parallel_loop3A_290 = tpu.pack_subelements %parallel_loop3A_285, %parallel_loop3A_289 {pack_format = #tpu.pack_format<interleaved>, positions = array<i32: 0, 1>} : vector<16xf32>, vector<16xf32> -> vector<32xbf16>
            %parallel_loop3A_291 = arith.constant 2 : i32
            %parallel_loop3A_292 = arith.muli %parallel_loop3A_207, %parallel_loop3A_291 : i32
            %parallel_loop3A_293 = arith.constant 128 : i32
            %parallel_loop3A_294 = arith.muli %parallel_loop3A_292, %parallel_loop3A_293 : i32
            %parallel_loop3A_295 = arith.constant 32 : i32
            %parallel_loop3A_296 = arith.addi %parallel_loop3A_294, %parallel_loop3A_295 : i32
            %parallel_loop3A_297 = arith.index_cast %parallel_loop3A_296 : i32 to index
            %parallel_loop3A_298 = tpu.vector_load %arg26[%parallel_loop3A_297] {strides = array<i32>} : memref<33792xbf16, #tpu.memory_space<vmem>>, vector<32xbf16>,
            tpu.vector_store %arg26[%parallel_loop3A_297], %parallel_loop3A_290 {strides = array<i32>} : memref<33792xbf16, #tpu.memory_space<vmem>>, vector<32xbf16>,
            %parallel_loop3A_299 = arith.index_cast %parallel_loop3A_283 : i32 to index
            %parallel_loop3A_300 = tpu.vector_load %arg25[%parallel_loop3A_299] {strides = array<i32>} : memref<8320xf32, #tpu.memory_space<vmem>>, vector<16xf32>,
            %parallel_loop3A_301 = arith.constant 16 : i32
            %parallel_loop3A_302 = arith.addi %parallel_loop3A_283, %parallel_loop3A_301 : i32
            %parallel_loop3A_303 = arith.index_cast %parallel_loop3A_302 : i32 to index
            %parallel_loop3A_304 = tpu.vector_load %arg25[%parallel_loop3A_303] {strides = array<i32>} : memref<8320xf32, #tpu.memory_space<vmem>>, vector<16xf32>,
            %parallel_loop3A_305 = tpu.pack_subelements %parallel_loop3A_300, %parallel_loop3A_304 {pack_format = #tpu.pack_format<interleaved>, positions = array<i32: 0, 1>} : vector<16xf32>, vector<16xf32> -> vector<32xbf16>
            %parallel_loop3A_306 = arith.constant 66 : i32
            %parallel_loop3A_307 = arith.addi %parallel_loop3A_207, %parallel_loop3A_306 : i32
            %parallel_loop3A_308 = arith.constant 2 : i32
            %parallel_loop3A_309 = arith.muli %parallel_loop3A_307, %parallel_loop3A_308 : i32
            %parallel_loop3A_310 = arith.constant 128 : i32
            %parallel_loop3A_311 = arith.muli %parallel_loop3A_309, %parallel_loop3A_310 : i32
            %parallel_loop3A_312 = arith.constant 32 : i32
            %parallel_loop3A_313 = arith.addi %parallel_loop3A_311, %parallel_loop3A_312 : i32
            %parallel_loop3A_314 = arith.index_cast %parallel_loop3A_313 : i32 to index
            %parallel_loop3A_315 = tpu.vector_load %arg26[%parallel_loop3A_314] {strides = array<i32>} : memref<33792xbf16, #tpu.memory_space<vmem>>, vector<32xbf16>,
            tpu.vector_store %arg26[%parallel_loop3A_314], %parallel_loop3A_305 {strides = array<i32>} : memref<33792xbf16, #tpu.memory_space<vmem>>, vector<32xbf16>,
            %parallel_loop3A_316 = arith.constant 128 : i32
            %parallel_loop3A_317 = arith.muli %parallel_loop3A_207, %parallel_loop3A_316 : i32
            %parallel_loop3A_318 = arith.constant 96 : i32
            %parallel_loop3A_319 = arith.addi %parallel_loop3A_317, %parallel_loop3A_318 : i32
            %parallel_loop3A_320 = arith.index_cast %parallel_loop3A_319 : i32 to index
            %parallel_loop3A_321 = tpu.vector_load %arg24[%parallel_loop3A_320] {strides = array<i32>} : memref<8320xf32, #tpu.memory_space<vmem>>, vector<16xf32>,
            %parallel_loop3A_322 = arith.constant 16 : i32
            %parallel_loop3A_323 = arith.addi %parallel_loop3A_319, %parallel_loop3A_322 : i32
            %parallel_loop3A_324 = arith.index_cast %parallel_loop3A_323 : i32 to index
            %parallel_loop3A_325 = tpu.vector_load %arg24[%parallel_loop3A_324] {strides = array<i32>} : memref<8320xf32, #tpu.memory_space<vmem>>, vector<16xf32>,
            %parallel_loop3A_326 = tpu.pack_subelements %parallel_loop3A_321, %parallel_loop3A_325 {pack_format = #tpu.pack_format<interleaved>, positions = array<i32: 0, 1>} : vector<16xf32>, vector<16xf32> -> vector<32xbf16>
            %parallel_loop3A_327 = arith.constant 2 : i32
            %parallel_loop3A_328 = arith.muli %parallel_loop3A_207, %parallel_loop3A_327 : i32
            %parallel_loop3A_329 = arith.constant 128 : i32
            %parallel_loop3A_330 = arith.muli %parallel_loop3A_328, %parallel_loop3A_329 : i32
            %parallel_loop3A_331 = arith.constant 48 : i32
            %parallel_loop3A_332 = arith.addi %parallel_loop3A_330, %parallel_loop3A_331 : i32
            %parallel_loop3A_333 = arith.index_cast %parallel_loop3A_332 : i32 to index
            %parallel_loop3A_334 = tpu.vector_load %arg26[%parallel_loop3A_333] {strides = array<i32>} : memref<33792xbf16, #tpu.memory_space<vmem>>, vector<32xbf16>,
            tpu.vector_store %arg26[%parallel_loop3A_333], %parallel_loop3A_326 {strides = array<i32>} : memref<33792xbf16, #tpu.memory_space<vmem>>, vector<32xbf16>,
            %parallel_loop3A_335 = arith.index_cast %parallel_loop3A_319 : i32 to index
            %parallel_loop3A_336 = tpu.vector_load %arg25[%parallel_loop3A_335] {strides = array<i32>} : memref<8320xf32, #tpu.memory_space<vmem>>, vector<16xf32>,
            %parallel_loop3A_337 = arith.constant 16 : i32
            %parallel_loop3A_338 = arith.addi %parallel_loop3A_319, %parallel_loop3A_337 : i32
            %parallel_loop3A_339 = arith.index_cast %parallel_loop3A_338 : i32 to index
            %parallel_loop3A_340 = tpu.vector_load %arg25[%parallel_loop3A_339] {strides = array<i32>} : memref<8320xf32, #tpu.memory_space<vmem>>, vector<16xf32>,
            %parallel_loop3A_341 = tpu.pack_subelements %parallel_loop3A_336, %parallel_loop3A_340 {pack_format = #tpu.pack_format<interleaved>, positions = array<i32: 0, 1>} : vector<16xf32>, vector<16xf32> -> vector<32xbf16>
            %parallel_loop3A_342 = arith.constant 66 : i32
            %parallel_loop3A_343 = arith.addi %parallel_loop3A_207, %parallel_loop3A_342 : i32
            %parallel_loop3A_344 = arith.constant 2 : i32
            %parallel_loop3A_345 = arith.muli %parallel_loop3A_343, %parallel_loop3A_344 : i32
            %parallel_loop3A_346 = arith.constant 128 : i32
            %parallel_loop3A_347 = arith.muli %parallel_loop3A_345, %parallel_loop3A_346 : i32
            %parallel_loop3A_348 = arith.constant 48 : i32
            %parallel_loop3A_349 = arith.addi %parallel_loop3A_347, %parallel_loop3A_348 : i32
            %parallel_loop3A_350 = arith.index_cast %parallel_loop3A_349 : i32 to index
            %parallel_loop3A_351 = tpu.vector_load %arg26[%parallel_loop3A_350] {strides = array<i32>} : memref<33792xbf16, #tpu.memory_space<vmem>>, vector<32xbf16>,
            tpu.vector_store %arg26[%parallel_loop3A_350], %parallel_loop3A_341 {strides = array<i32>} : memref<33792xbf16, #tpu.memory_space<vmem>>, vector<32xbf16>,
          } {sc.loop_unroll_factor = 1 : i64, sc.parallel_access}
          %swap3A = arith.constant 16640 : index
          %swap3A_192 = tpu.vector_load %arg26[%swap3A] {strides = array<i32>} : memref<33792xbf16, #tpu.memory_space<vmem>>, vector<32xbf16>,
          tpu.vector_store %arg26[%swap3A], %broadcast_in_dim3A_188 {strides = array<i32>} : memref<33792xbf16, #tpu.memory_space<vmem>>, vector<32xbf16>,
          %swap3A_193 = arith.constant 33536 : index
          %swap3A_194 = tpu.vector_load %arg26[%swap3A_193] {strides = array<i32>} : memref<33792xbf16, #tpu.memory_space<vmem>>, vector<32xbf16>,
          tpu.vector_store %arg26[%swap3A_193], %broadcast_in_dim3A_188 {strides = array<i32>} : memref<33792xbf16, #tpu.memory_space<vmem>>, vector<32xbf16>,
          %swap3A_195 = arith.constant 16656 : index
          %swap3A_196 = tpu.vector_load %arg26[%swap3A_195] {strides = array<i32>} : memref<33792xbf16, #tpu.memory_space<vmem>>, vector<32xbf16>,
          tpu.vector_store %arg26[%swap3A_195], %broadcast_in_dim3A_188 {strides = array<i32>} : memref<33792xbf16, #tpu.memory_space<vmem>>, vector<32xbf16>,
          %swap3A_197 = arith.constant 33552 : index
          %swap3A_198 = tpu.vector_load %arg26[%swap3A_197] {strides = array<i32>} : memref<33792xbf16, #tpu.memory_space<vmem>>, vector<32xbf16>,
          tpu.vector_store %arg26[%swap3A_197], %broadcast_in_dim3A_188 {strides = array<i32>} : memref<33792xbf16, #tpu.memory_space<vmem>>, vector<32xbf16>,
          %swap3A_199 = arith.constant 16672 : index
          %swap3A_200 = tpu.vector_load %arg26[%swap3A_199] {strides = array<i32>} : memref<33792xbf16, #tpu.memory_space<vmem>>, vector<32xbf16>,
          tpu.vector_store %arg26[%swap3A_199], %broadcast_in_dim3A_188 {strides = array<i32>} : memref<33792xbf16, #tpu.memory_space<vmem>>, vector<32xbf16>,
          %swap3A_201 = arith.constant 33568 : index
          %swap3A_202 = tpu.vector_load %arg26[%swap3A_201] {strides = array<i32>} : memref<33792xbf16, #tpu.memory_space<vmem>>, vector<32xbf16>,
          tpu.vector_store %arg26[%swap3A_201], %broadcast_in_dim3A_188 {strides = array<i32>} : memref<33792xbf16, #tpu.memory_space<vmem>>, vector<32xbf16>,
          %swap3A_203 = arith.constant 16688 : index
          %swap3A_204 = tpu.vector_load %arg26[%swap3A_203] {strides = array<i32>} : memref<33792xbf16, #tpu.memory_space<vmem>>, vector<32xbf16>,
          tpu.vector_store %arg26[%swap3A_203], %broadcast_in_dim3A_188 {strides = array<i32>} : memref<33792xbf16, #tpu.memory_space<vmem>>, vector<32xbf16>,
          %swap3A_205 = arith.constant 33584 : index
          %swap3A_206 = tpu.vector_load %arg26[%swap3A_205] {strides = array<i32>} : memref<33792xbf16, #tpu.memory_space<vmem>>, vector<32xbf16>,
          tpu.vector_store %arg26[%swap3A_205], %broadcast_in_dim3A_188 {strides = array<i32>} : memref<33792xbf16, #tpu.memory_space<vmem>>, vector<32xbf16>,
        } else {
        }
        %mul3A_168 = arith.constant 32 : i32
        %mul3A_169 = arith.muli %sub3A_118, %mul3A_168 : i32
        %add3A_170 = arith.addi %add3A, %mul3A_169 : i32
        %mul3A_171 = arith.constant 128 : i32
        %mul3A_172 = arith.muli %add3A_170, %mul3A_171 : i32
        %dma_wait3A = tpu.memref_slice %arg3[%mul3A_172] : memref<80000xi32, #tpu.memory_space<hbm>> -> memref<128xi32, #tpu.memory_space<hbm>>
        %dma_wait3A_173 = tpu.memref_slice %arg3[%mul3A_172] : memref<80000xi32, #tpu.memory_space<hbm>> -> memref<128xi32, #tpu.memory_space<hbm>>
        tpu.wait_dma2 semaphore(%arg12 : memref<!tpu.dma_semaphore, #tpu.memory_space<semaphore_mem>>) src(%dma_wait3A_173 : memref<128xi32, #tpu.memory_space<hbm>>) dst(%arg8 : memref<128xi32, #tpu.memory_space<vmem>>)
        %dma_wait3A_174 = arith.constant 0 : i32
        %dma_wait3A_175 = tpu.memref_slice %arg2[%mul3A_172, %dma_wait3A_174] : memref<80000x128xf32, #tpu.memory_space<hbm>> -> memref<128x128xf32, #tpu.memory_space<hbm>>
        %dma_wait3A_176 = arith.constant 0 : i32
        %dma_wait3A_177 = tpu.memref_slice %arg2[%mul3A_172, %dma_wait3A_176] : memref<80000x128xf32, #tpu.memory_space<hbm>> -> memref<128x128xf32, #tpu.memory_space<hbm>>
        tpu.wait_dma2 semaphore(%arg12 : memref<!tpu.dma_semaphore, #tpu.memory_space<semaphore_mem>>) src(%dma_wait3A_177 : memref<128x128xf32, #tpu.memory_space<hbm>>) dst(%arg21 : memref<128x128xf32, #tpu.memory_space<vmem>>)
        %iota3A = tpu.iota {dimensions = array<i32: 0>} : vector<16xi32>
        %parallel_loop3A = arith.constant 0 : i32
        %parallel_loop3A_178 = arith.constant 8 : i32
        %parallel_loop3A_179 = arith.constant 1 : i32
        scf.for %parallel_loop3A_188 = %parallel_loop3A to %parallel_loop3A_178 step %parallel_loop3A_179  : i32 {
          %parallel_loop3A_189 = arith.constant 16 : i32
          %parallel_loop3A_190 = arith.muli %parallel_loop3A_188, %parallel_loop3A_189 : i32
          %parallel_loop3A_191 = arith.index_cast %parallel_loop3A_190 : i32 to index
          %parallel_loop3A_192 = tpu.vector_load %arg8[%parallel_loop3A_191] {strides = array<i32>} : memref<128xi32, #tpu.memory_space<vmem>>, vector<16xi32>,
          %parallel_loop3A_193 = arith.constant 16 : i32
          %parallel_loop3A_194 = vector.broadcast %parallel_loop3A_193 : i32 to vector<16xi32>
          %parallel_loop3A_195 = arith.shrsi %parallel_loop3A_192, %parallel_loop3A_194 : vector<16xi32>
          %parallel_loop3A_196 = arith.constant 1 : i32
          %parallel_loop3A_197 = vector.broadcast %parallel_loop3A_196 : i32 to vector<16xi32>
          %parallel_loop3A_198 = arith.subi %parallel_loop3A_195, %parallel_loop3A_197 : vector<16xi32>
          %parallel_loop3A_199 = arith.constant 65535 : i32
          %parallel_loop3A_200 = vector.broadcast %parallel_loop3A_199 : i32 to vector<16xi32>
          %parallel_loop3A_201 = arith.andi %parallel_loop3A_192, %parallel_loop3A_200 : vector<16xi32>
          %parallel_loop3A_202 = arith.constant 1 : i32
          %parallel_loop3A_203 = vector.broadcast %parallel_loop3A_202 : i32 to vector<16xi32>
          %parallel_loop3A_204 = arith.subi %parallel_loop3A_201, %parallel_loop3A_203 : vector<16xi32>
          %parallel_loop3A_205 = arith.constant -1 : i32
          %parallel_loop3A_206 = vector.broadcast %parallel_loop3A_205 : i32 to vector<16xi32>
          %parallel_loop3A_207 = arith.cmpi eq, %parallel_loop3A_198, %parallel_loop3A_206 : vector<16xi32>
          %parallel_loop3A_208 = arith.constant 64 : i32
          %parallel_loop3A_209 = vector.broadcast %parallel_loop3A_208 : i32 to vector<16xi32>
          %parallel_loop3A_210 = arith.minsi %parallel_loop3A_204, %parallel_loop3A_209 : vector<16xi32>
          %parallel_loop3A_211 = arith.constant 65 : i32
          %parallel_loop3A_212 = vector.broadcast %parallel_loop3A_211 : i32 to vector<16xi32>
          %parallel_loop3A_213 = arith.select %parallel_loop3A_207, %parallel_loop3A_212, %parallel_loop3A_210 : vector<16xi1>, vector<16xi32>
          %parallel_loop3A_214 = arith.constant 64 : i32
          %parallel_loop3A_215 = vector.broadcast %parallel_loop3A_214 : i32 to vector<16xi32>
          %parallel_loop3A_216 = arith.minsi %parallel_loop3A_198, %parallel_loop3A_215 : vector<16xi32>
          %parallel_loop3A_217 = arith.constant 66 : i32
          %parallel_loop3A_218 = vector.broadcast %parallel_loop3A_217 : i32 to vector<16xi32>
          %parallel_loop3A_219 = arith.addi %parallel_loop3A_216, %parallel_loop3A_218 : vector<16xi32>
          %parallel_loop3A_220 = arith.constant 131 : i32
          %parallel_loop3A_221 = vector.broadcast %parallel_loop3A_220 : i32 to vector<16xi32>
          %parallel_loop3A_222 = arith.select %parallel_loop3A_207, %parallel_loop3A_221, %parallel_loop3A_219 : vector<16xi1>, vector<16xi32>
          %parallel_loop3A_223 = arith.constant 65536 : i32
          %parallel_loop3A_224 = vector.broadcast %parallel_loop3A_223 : i32 to vector<16xi32>
          %parallel_loop3A_225 = arith.muli %parallel_loop3A_213, %parallel_loop3A_224 : vector<16xi32>
          %parallel_loop3A_226 = arith.addi %parallel_loop3A_225, %parallel_loop3A_222 : vector<16xi32>
          %parallel_loop3A_227 = arith.constant 0 : i32
          %parallel_loop3A_228 = arith.constant 16 : i32
          %parallel_loop3A_229 = arith.constant 1 : i32
          scf.for %parallel_loop3A_230 = %parallel_loop3A_227 to %parallel_loop3A_228 step %parallel_loop3A_229  : i32 {
            %parallel_loop3A_231 = vector.broadcast %parallel_loop3A_230 : i32 to vector<16xi32>
            %parallel_loop3A_232 = arith.cmpi eq, %iota3A, %parallel_loop3A_231 : vector<16xi32>
            %parallel_loop3A_233 = arith.constant 0 : i32
            %parallel_loop3A_234 = vector.broadcast %parallel_loop3A_233 : i32 to vector<16xi32>
            %parallel_loop3A_235 = arith.select %parallel_loop3A_232, %parallel_loop3A_226, %parallel_loop3A_234 : vector<16xi1>, vector<16xi32>
            %parallel_loop3A_236 = arith.constant true
            %parallel_loop3A_237 = vector.broadcast %parallel_loop3A_236 : i1 to vector<16xi1>
            %parallel_loop3A_238 = arith.constant -2147483648 : i32
            %parallel_loop3A_239 = vector.broadcast %parallel_loop3A_238 : i32 to vector<16xi32>
            %parallel_loop3A_240 = arith.xori %parallel_loop3A_235, %parallel_loop3A_239 : vector<16xi32>
            %parallel_loop3A_241 = tpu.scan <max>, %parallel_loop3A_240 masked %parallel_loop3A_237 : vector<16xi32>, vector<16xi1> -> vector<16xi32>
            %parallel_loop3A_242 = arith.xori %parallel_loop3A_241, %parallel_loop3A_239 : vector<16xi32>
            %parallel_loop3A_243 = vector.extract %parallel_loop3A_242[15] : i32 from vector<16xi32>
            %parallel_loop3A_244 = arith.constant 16 : i32
            %parallel_loop3A_245 = arith.shrsi %parallel_loop3A_243, %parallel_loop3A_244 : i32
            %parallel_loop3A_246 = arith.constant 65535 : i32
            %parallel_loop3A_247 = arith.andi %parallel_loop3A_243, %parallel_loop3A_246 : i32
            %parallel_loop3A_248 = arith.constant 16 : i32
            %parallel_loop3A_249 = arith.muli %parallel_loop3A_188, %parallel_loop3A_248 : i32
            %parallel_loop3A_250 = arith.addi %parallel_loop3A_249, %parallel_loop3A_230 : i32
            %parallel_loop3A_251 = arith.constant 256 : i32
            %parallel_loop3A_252 = arith.muli %parallel_loop3A_245, %parallel_loop3A_251 : i32
            %parallel_loop3A_253 = arith.constant 0 : i32
            %parallel_loop3A_254 = arith.addi %parallel_loop3A_252, %parallel_loop3A_253 : i32
            %parallel_loop3A_255 = arith.index_cast %parallel_loop3A_254 : i32 to index
            %parallel_loop3A_256 = tpu.vector_load %arg26[%parallel_loop3A_255] {strides = array<i32>} : memref<33792xbf16, #tpu.memory_space<vmem>>, vector<32xbf16>,
            %parallel_loop3A_257 = tpu.unpack_subelements %parallel_loop3A_256, 0 {pack_format = #tpu.pack_format<interleaved>} : vector<32xbf16> -> vector<16xf32>
            %parallel_loop3A_258 = tpu.unpack_subelements %parallel_loop3A_256, 1 {pack_format = #tpu.pack_format<interleaved>} : vector<32xbf16> -> vector<16xf32>
            %parallel_loop3A_259 = arith.constant 256 : i32
            %parallel_loop3A_260 = arith.muli %parallel_loop3A_247, %parallel_loop3A_259 : i32
            %parallel_loop3A_261 = arith.constant 0 : i32
            %parallel_loop3A_262 = arith.addi %parallel_loop3A_260, %parallel_loop3A_261 : i32
            %parallel_loop3A_263 = arith.index_cast %parallel_loop3A_262 : i32 to index
            %parallel_loop3A_264 = tpu.vector_load %arg26[%parallel_loop3A_263] {strides = array<i32>} : memref<33792xbf16, #tpu.memory_space<vmem>>, vector<32xbf16>,
            %parallel_loop3A_265 = tpu.unpack_subelements %parallel_loop3A_264, 0 {pack_format = #tpu.pack_format<interleaved>} : vector<32xbf16> -> vector<16xf32>
            %parallel_loop3A_266 = tpu.unpack_subelements %parallel_loop3A_264, 1 {pack_format = #tpu.pack_format<interleaved>} : vector<32xbf16> -> vector<16xf32>
            %parallel_loop3A_267 = arith.addf %parallel_loop3A_257, %parallel_loop3A_265 : vector<16xf32>
            %parallel_loop3A_268 = arith.index_cast %parallel_loop3A_250 : i32 to index
            %parallel_loop3A_269 = arith.constant 0 : index
            %parallel_loop3A_270 = tpu.vector_load %arg21[%parallel_loop3A_268, %parallel_loop3A_269] {strides = array<i32>} : memref<128x128xf32, #tpu.memory_space<vmem>>, vector<16xf32>,
            tpu.vector_store %arg21[%parallel_loop3A_268, %parallel_loop3A_269], %parallel_loop3A_267 {add = true, strides = array<i32>} : memref<128x128xf32, #tpu.memory_space<vmem>>, vector<16xf32>,
            %parallel_loop3A_271 = arith.addf %parallel_loop3A_258, %parallel_loop3A_266 : vector<16xf32>
            %parallel_loop3A_272 = arith.index_cast %parallel_loop3A_250 : i32 to index
            %parallel_loop3A_273 = arith.constant 16 : index
            %parallel_loop3A_274 = tpu.vector_load %arg21[%parallel_loop3A_272, %parallel_loop3A_273] {strides = array<i32>} : memref<128x128xf32, #tpu.memory_space<vmem>>, vector<16xf32>,
            tpu.vector_store %arg21[%parallel_loop3A_272, %parallel_loop3A_273], %parallel_loop3A_271 {add = true, strides = array<i32>} : memref<128x128xf32, #tpu.memory_space<vmem>>, vector<16xf32>,
            %parallel_loop3A_275 = arith.constant 256 : i32
            %parallel_loop3A_276 = arith.muli %parallel_loop3A_245, %parallel_loop3A_275 : i32
            %parallel_loop3A_277 = arith.constant 16 : i32
            %parallel_loop3A_278 = arith.addi %parallel_loop3A_276, %parallel_loop3A_277 : i32
            %parallel_loop3A_279 = arith.index_cast %parallel_loop3A_278 : i32 to index
            %parallel_loop3A_280 = tpu.vector_load %arg26[%parallel_loop3A_279] {strides = array<i32>} : memref<33792xbf16, #tpu.memory_space<vmem>>, vector<32xbf16>,
            %parallel_loop3A_281 = tpu.unpack_subelements %parallel_loop3A_280, 0 {pack_format = #tpu.pack_format<interleaved>} : vector<32xbf16> -> vector<16xf32>
            %parallel_loop3A_282 = tpu.unpack_subelements %parallel_loop3A_280, 1 {pack_format = #tpu.pack_format<interleaved>} : vector<32xbf16> -> vector<16xf32>
            %parallel_loop3A_283 = arith.constant 256 : i32
            %parallel_loop3A_284 = arith.muli %parallel_loop3A_247, %parallel_loop3A_283 : i32
            %parallel_loop3A_285 = arith.constant 16 : i32
            %parallel_loop3A_286 = arith.addi %parallel_loop3A_284, %parallel_loop3A_285 : i32
            %parallel_loop3A_287 = arith.index_cast %parallel_loop3A_286 : i32 to index
            %parallel_loop3A_288 = tpu.vector_load %arg26[%parallel_loop3A_287] {strides = array<i32>} : memref<33792xbf16, #tpu.memory_space<vmem>>, vector<32xbf16>,
            %parallel_loop3A_289 = tpu.unpack_subelements %parallel_loop3A_288, 0 {pack_format = #tpu.pack_format<interleaved>} : vector<32xbf16> -> vector<16xf32>
            %parallel_loop3A_290 = tpu.unpack_subelements %parallel_loop3A_288, 1 {pack_format = #tpu.pack_format<interleaved>} : vector<32xbf16> -> vector<16xf32>
            %parallel_loop3A_291 = arith.addf %parallel_loop3A_281, %parallel_loop3A_289 : vector<16xf32>
            %parallel_loop3A_292 = arith.index_cast %parallel_loop3A_250 : i32 to index
            %parallel_loop3A_293 = arith.constant 32 : index
            %parallel_loop3A_294 = tpu.vector_load %arg21[%parallel_loop3A_292, %parallel_loop3A_293] {strides = array<i32>} : memref<128x128xf32, #tpu.memory_space<vmem>>, vector<16xf32>,
            tpu.vector_store %arg21[%parallel_loop3A_292, %parallel_loop3A_293], %parallel_loop3A_291 {add = true, strides = array<i32>} : memref<128x128xf32, #tpu.memory_space<vmem>>, vector<16xf32>,
            %parallel_loop3A_295 = arith.addf %parallel_loop3A_282, %parallel_loop3A_290 : vector<16xf32>
            %parallel_loop3A_296 = arith.index_cast %parallel_loop3A_250 : i32 to index
            %parallel_loop3A_297 = arith.constant 48 : index
            %parallel_loop3A_298 = tpu.vector_load %arg21[%parallel_loop3A_296, %parallel_loop3A_297] {strides = array<i32>} : memref<128x128xf32, #tpu.memory_space<vmem>>, vector<16xf32>,
            tpu.vector_store %arg21[%parallel_loop3A_296, %parallel_loop3A_297], %parallel_loop3A_295 {add = true, strides = array<i32>} : memref<128x128xf32, #tpu.memory_space<vmem>>, vector<16xf32>,
            %parallel_loop3A_299 = arith.constant 256 : i32
            %parallel_loop3A_300 = arith.muli %parallel_loop3A_245, %parallel_loop3A_299 : i32
            %parallel_loop3A_301 = arith.constant 32 : i32
            %parallel_loop3A_302 = arith.addi %parallel_loop3A_300, %parallel_loop3A_301 : i32
            %parallel_loop3A_303 = arith.index_cast %parallel_loop3A_302 : i32 to index
            %parallel_loop3A_304 = tpu.vector_load %arg26[%parallel_loop3A_303] {strides = array<i32>} : memref<33792xbf16, #tpu.memory_space<vmem>>, vector<32xbf16>,
            %parallel_loop3A_305 = tpu.unpack_subelements %parallel_loop3A_304, 0 {pack_format = #tpu.pack_format<interleaved>} : vector<32xbf16> -> vector<16xf32>
            %parallel_loop3A_306 = tpu.unpack_subelements %parallel_loop3A_304, 1 {pack_format = #tpu.pack_format<interleaved>} : vector<32xbf16> -> vector<16xf32>
            %parallel_loop3A_307 = arith.constant 256 : i32
            %parallel_loop3A_308 = arith.muli %parallel_loop3A_247, %parallel_loop3A_307 : i32
            %parallel_loop3A_309 = arith.constant 32 : i32
            %parallel_loop3A_310 = arith.addi %parallel_loop3A_308, %parallel_loop3A_309 : i32
            %parallel_loop3A_311 = arith.index_cast %parallel_loop3A_310 : i32 to index
            %parallel_loop3A_312 = tpu.vector_load %arg26[%parallel_loop3A_311] {strides = array<i32>} : memref<33792xbf16, #tpu.memory_space<vmem>>, vector<32xbf16>,
            %parallel_loop3A_313 = tpu.unpack_subelements %parallel_loop3A_312, 0 {pack_format = #tpu.pack_format<interleaved>} : vector<32xbf16> -> vector<16xf32>
            %parallel_loop3A_314 = tpu.unpack_subelements %parallel_loop3A_312, 1 {pack_format = #tpu.pack_format<interleaved>} : vector<32xbf16> -> vector<16xf32>
            %parallel_loop3A_315 = arith.addf %parallel_loop3A_305, %parallel_loop3A_313 : vector<16xf32>
            %parallel_loop3A_316 = arith.index_cast %parallel_loop3A_250 : i32 to index
            %parallel_loop3A_317 = arith.constant 64 : index
            %parallel_loop3A_318 = tpu.vector_load %arg21[%parallel_loop3A_316, %parallel_loop3A_317] {strides = array<i32>} : memref<128x128xf32, #tpu.memory_space<vmem>>, vector<16xf32>,
            tpu.vector_store %arg21[%parallel_loop3A_316, %parallel_loop3A_317], %parallel_loop3A_315 {add = true, strides = array<i32>} : memref<128x128xf32, #tpu.memory_space<vmem>>, vector<16xf32>,
            %parallel_loop3A_319 = arith.addf %parallel_loop3A_306, %parallel_loop3A_314 : vector<16xf32>
            %parallel_loop3A_320 = arith.index_cast %parallel_loop3A_250 : i32 to index
            %parallel_loop3A_321 = arith.constant 80 : index
            %parallel_loop3A_322 = tpu.vector_load %arg21[%parallel_loop3A_320, %parallel_loop3A_321] {strides = array<i32>} : memref<128x128xf32, #tpu.memory_space<vmem>>, vector<16xf32>,
            tpu.vector_store %arg21[%parallel_loop3A_320, %parallel_loop3A_321], %parallel_loop3A_319 {add = true, strides = array<i32>} : memref<128x128xf32, #tpu.memory_space<vmem>>, vector<16xf32>,
            %parallel_loop3A_323 = arith.constant 256 : i32
            %parallel_loop3A_324 = arith.muli %parallel_loop3A_245, %parallel_loop3A_323 : i32
            %parallel_loop3A_325 = arith.constant 48 : i32
            %parallel_loop3A_326 = arith.addi %parallel_loop3A_324, %parallel_loop3A_325 : i32
            %parallel_loop3A_327 = arith.index_cast %parallel_loop3A_326 : i32 to index
            %parallel_loop3A_328 = tpu.vector_load %arg26[%parallel_loop3A_327] {strides = array<i32>} : memref<33792xbf16, #tpu.memory_space<vmem>>, vector<32xbf16>,
            %parallel_loop3A_329 = tpu.unpack_subelements %parallel_loop3A_328, 0 {pack_format = #tpu.pack_format<interleaved>} : vector<32xbf16> -> vector<16xf32>
            %parallel_loop3A_330 = tpu.unpack_subelements %parallel_loop3A_328, 1 {pack_format = #tpu.pack_format<interleaved>} : vector<32xbf16> -> vector<16xf32>
            %parallel_loop3A_331 = arith.constant 256 : i32
            %parallel_loop3A_332 = arith.muli %parallel_loop3A_247, %parallel_loop3A_331 : i32
            %parallel_loop3A_333 = arith.constant 48 : i32
            %parallel_loop3A_334 = arith.addi %parallel_loop3A_332, %parallel_loop3A_333 : i32
            %parallel_loop3A_335 = arith.index_cast %parallel_loop3A_334 : i32 to index
            %parallel_loop3A_336 = tpu.vector_load %arg26[%parallel_loop3A_335] {strides = array<i32>} : memref<33792xbf16, #tpu.memory_space<vmem>>, vector<32xbf16>,
            %parallel_loop3A_337 = tpu.unpack_subelements %parallel_loop3A_336, 0 {pack_format = #tpu.pack_format<interleaved>} : vector<32xbf16> -> vector<16xf32>
            %parallel_loop3A_338 = tpu.unpack_subelements %parallel_loop3A_336, 1 {pack_format = #tpu.pack_format<interleaved>} : vector<32xbf16> -> vector<16xf32>
            %parallel_loop3A_339 = arith.addf %parallel_loop3A_329, %parallel_loop3A_337 : vector<16xf32>
            %parallel_loop3A_340 = arith.index_cast %parallel_loop3A_250 : i32 to index
            %parallel_loop3A_341 = arith.constant 96 : index
            %parallel_loop3A_342 = tpu.vector_load %arg21[%parallel_loop3A_340, %parallel_loop3A_341] {strides = array<i32>} : memref<128x128xf32, #tpu.memory_space<vmem>>, vector<16xf32>,
            tpu.vector_store %arg21[%parallel_loop3A_340, %parallel_loop3A_341], %parallel_loop3A_339 {add = true, strides = array<i32>} : memref<128x128xf32, #tpu.memory_space<vmem>>, vector<16xf32>,
            %parallel_loop3A_343 = arith.addf %parallel_loop3A_330, %parallel_loop3A_338 : vector<16xf32>
            %parallel_loop3A_344 = arith.index_cast %parallel_loop3A_250 : i32 to index
            %parallel_loop3A_345 = arith.constant 112 : index
            %parallel_loop3A_346 = tpu.vector_load %arg21[%parallel_loop3A_344, %parallel_loop3A_345] {strides = array<i32>} : memref<128x128xf32, #tpu.memory_space<vmem>>, vector<16xf32>,
            tpu.vector_store %arg21[%parallel_loop3A_344, %parallel_loop3A_345], %parallel_loop3A_343 {add = true, strides = array<i32>} : memref<128x128xf32, #tpu.memory_space<vmem>>, vector<16xf32>,
          } {sc.loop_unroll_factor = 4 : i64, sc.parallel_access}
        } {sc.loop_unroll_factor = 1 : i64, sc.parallel_access}
        %mul3A_180 = arith.constant 32 : i32
        %mul3A_181 = arith.muli %sub3A_118, %mul3A_180 : i32
        %add3A_182 = arith.addi %add3A, %mul3A_181 : i32
        %mul3A_183 = arith.constant 128 : i32
        %mul3A_184 = arith.muli %add3A_182, %mul3A_183 : i32
        %dma_start3A = arith.constant 0 : i32
        %dma_start3A_185 = tpu.memref_slice %arg6[%mul3A_184, %dma_start3A] : memref<80000x128xf32, #tpu.memory_space<hbm>> -> memref<128x128xf32, #tpu.memory_space<hbm>>
        %dma_start3A_186 = arith.constant 0 : i32
        %dma_start3A_187 = tpu.memref_slice %arg6[%mul3A_184, %dma_start3A_186] : memref<80000x128xf32, #tpu.memory_space<hbm>> -> memref<128x128xf32, #tpu.memory_space<hbm>>
        tpu.enqueue_dma source(%arg21 : memref<128x128xf32, #tpu.memory_space<vmem>>) target(%dma_start3A_187 : memref<128x128xf32, #tpu.memory_space<hbm>>) target_semaphore(%arg16 : memref<!tpu.dma_semaphore, #tpu.memory_space<semaphore_mem>>)
      } else {
      }
      %mul3A_133 = arith.constant 4 : i32
      %mul3A_134 = arith.muli %add3A_41, %mul3A_133 : i32
      %add3A_135 = arith.constant 3 : i32
      %add3A_136 = arith.addi %mul3A_134, %add3A_135 : i32
      %lt3A_137 = arith.constant 20 : i32
      %lt3A_138 = arith.cmpi slt, %add3A_136, %lt3A_137 : i32
      %mul3A_139 = arith.constant 32 : i32
      %mul3A_140 = arith.muli %add3A_136, %mul3A_139 : i32
      %add3A_141 = arith.addi %add3A, %mul3A_140 : i32
      %lt3A_142 = arith.constant 625 : i32
      %lt3A_143 = arith.cmpi slt, %add3A_141, %lt3A_142 : i32
      %and3A_144 = arith.andi %lt3A_138, %lt3A_143 : i1
      %convert_element_type3A_145 = arith.extui %and3A_144 : i1 to i32
      %cond3A_146 = arith.constant 0 : i32
      %cond3A_147 = arith.cmpi ne, %convert_element_type3A_145, %cond3A_146 : i32
      scf.if %cond3A_147 {
        %ge3A_164 = arith.constant 4 : i32
        %ge3A_165 = arith.cmpi sge, %add3A_136, %ge3A_164 : i32
        %convert_element_type3A_166 = arith.extui %ge3A_165 : i1 to i32
        %cond3A_167 = arith.constant 0 : i32
        %cond3A_168 = arith.cmpi ne, %convert_element_type3A_166, %cond3A_167 : i32
        scf.if %cond3A_168 {
          %sub3A_179 = arith.constant 4 : i32
          %sub3A_180 = arith.subi %add3A_136, %sub3A_179 : i32
          %mul3A_181 = arith.constant 32 : i32
          %mul3A_182 = arith.muli %sub3A_180, %mul3A_181 : i32
          %add3A_183 = arith.addi %add3A, %mul3A_182 : i32
          %mul3A_184 = arith.constant 128 : i32
          %mul3A_185 = arith.muli %add3A_183, %mul3A_184 : i32
          %dma_wait3A = arith.constant 0 : i32
          %dma_wait3A_186 = tpu.memref_slice %arg6[%mul3A_185, %dma_wait3A] : memref<80000x128xf32, #tpu.memory_space<hbm>> -> memref<128x128xf32, #tpu.memory_space<hbm>>
          %dma_wait3A_187 = arith.constant 0 : i32
          %dma_wait3A_188 = tpu.memref_slice %arg6[%mul3A_185, %dma_wait3A_187] : memref<80000x128xf32, #tpu.memory_space<hbm>> -> memref<128x128xf32, #tpu.memory_space<hbm>>
          tpu.wait_dma2 semaphore(%arg18 : memref<!tpu.dma_semaphore, #tpu.memory_space<semaphore_mem>>) src(%arg23 : memref<128x128xf32, #tpu.memory_space<vmem>>) dst(%dma_wait3A_188 : memref<128x128xf32, #tpu.memory_space<hbm>>)
        } else {
        }
        %mul3A_169 = arith.constant 32 : i32
        %mul3A_170 = arith.muli %add3A_136, %mul3A_169 : i32
        %add3A_171 = arith.addi %add3A, %mul3A_170 : i32
        %mul3A_172 = arith.constant 128 : i32
        %mul3A_173 = arith.muli %add3A_171, %mul3A_172 : i32
        %dma_start3A = tpu.memref_slice %arg3[%mul3A_173] : memref<80000xi32, #tpu.memory_space<hbm>> -> memref<128xi32, #tpu.memory_space<hbm>>
        %dma_start3A_174 = tpu.memref_slice %arg3[%mul3A_173] : memref<80000xi32, #tpu.memory_space<hbm>> -> memref<128xi32, #tpu.memory_space<hbm>>
        tpu.enqueue_dma source(%dma_start3A_174 : memref<128xi32, #tpu.memory_space<hbm>>) target(%arg10 : memref<128xi32, #tpu.memory_space<vmem>>) target_semaphore(%arg14 : memref<!tpu.dma_semaphore, #tpu.memory_space<semaphore_mem>>)
        %dma_start3A_175 = arith.constant 0 : i32
        %dma_start3A_176 = tpu.memref_slice %arg2[%mul3A_173, %dma_start3A_175] : memref<80000x128xf32, #tpu.memory_space<hbm>> -> memref<128x128xf32, #tpu.memory_space<hbm>>
        %dma_start3A_177 = arith.constant 0 : i32
        %dma_start3A_178 = tpu.memref_slice %arg2[%mul3A_173, %dma_start3A_177] : memref<80000x128xf32, #tpu.memory_space<hbm>> -> memref<128x128xf32, #tpu.memory_space<hbm>>
        tpu.enqueue_dma source(%dma_start3A_178 : memref<128x128xf32, #tpu.memory_space<hbm>>) target(%arg23 : memref<128x128xf32, #tpu.memory_space<vmem>>) target_semaphore(%arg14 : memref<!tpu.dma_semaphore, #tpu.memory_space<semaphore_mem>>)
      } else {
      }
      %sub3A_148 = arith.constant 1 : i32
      %sub3A_149 = arith.subi %add3A_136, %sub3A_148 : i32
      %ge3A_150 = arith.constant 0 : i32
      %ge3A_151 = arith.cmpi sge, %sub3A_149, %ge3A_150 : i32
      %lt3A_152 = arith.constant 20 : i32
      %lt3A_153 = arith.cmpi slt, %sub3A_149, %lt3A_152 : i32
      %and3A_154 = arith.andi %ge3A_151, %lt3A_153 : i1
      %mul3A_155 = arith.constant 32 : i32
      %mul3A_156 = arith.muli %sub3A_149, %mul3A_155 : i32
      %add3A_157 = arith.addi %add3A, %mul3A_156 : i32
      %lt3A_158 = arith.constant 625 : i32
      %lt3A_159 = arith.cmpi slt, %add3A_157, %lt3A_158 : i32
      %and3A_160 = arith.andi %and3A_154, %lt3A_159 : i1
      %convert_element_type3A_161 = arith.extui %and3A_160 : i1 to i32
      %cond3A_162 = arith.constant 0 : i32
      %cond3A_163 = arith.cmpi ne, %convert_element_type3A_161, %cond3A_162 : i32
      scf.if %cond3A_163 {
        %eq3A = arith.constant 0 : i32
        %eq3A_164 = arith.cmpi eq, %sub3A_149, %eq3A : i32
        %convert_element_type3A_165 = arith.extui %eq3A_164 : i1 to i32
        %cond3A_166 = arith.constant 0 : i32
        %cond3A_167 = arith.cmpi ne, %convert_element_type3A_165, %cond3A_166 : i32
        scf.if %cond3A_167 {
          tpu.wait_dma2 semaphore(%arg19 : memref<!tpu.dma_semaphore, #tpu.memory_space<semaphore_mem>>) src(%arg4 : memref<8320xf32, #tpu.memory_space<hbm>>) dst(%arg24 : memref<8320xf32, #tpu.memory_space<vmem>>)
          tpu.wait_dma2 semaphore(%arg19 : memref<!tpu.dma_semaphore, #tpu.memory_space<semaphore_mem>>) src(%arg5 : memref<8320xf32, #tpu.memory_space<hbm>>) dst(%arg25 : memref<8320xf32, #tpu.memory_space<vmem>>)
          %broadcast_in_dim3A = arith.constant 0.000000e+00 : bf16
          %broadcast_in_dim3A_188 = vector.broadcast %broadcast_in_dim3A : bf16 to vector<32xbf16>
          %parallel_loop3A_189 = arith.constant 0 : i32
          %parallel_loop3A_190 = arith.constant 65 : i32
          %parallel_loop3A_191 = arith.constant 1 : i32
          scf.for %parallel_loop3A_207 = %parallel_loop3A_189 to %parallel_loop3A_190 step %parallel_loop3A_191  : i32 {
            %parallel_loop3A_208 = arith.constant 128 : i32
            %parallel_loop3A_209 = arith.muli %parallel_loop3A_207, %parallel_loop3A_208 : i32
            %parallel_loop3A_210 = arith.constant 0 : i32
            %parallel_loop3A_211 = arith.addi %parallel_loop3A_209, %parallel_loop3A_210 : i32
            %parallel_loop3A_212 = arith.index_cast %parallel_loop3A_211 : i32 to index
            %parallel_loop3A_213 = tpu.vector_load %arg24[%parallel_loop3A_212] {strides = array<i32>} : memref<8320xf32, #tpu.memory_space<vmem>>, vector<16xf32>,
            %parallel_loop3A_214 = arith.constant 16 : i32
            %parallel_loop3A_215 = arith.addi %parallel_loop3A_211, %parallel_loop3A_214 : i32
            %parallel_loop3A_216 = arith.index_cast %parallel_loop3A_215 : i32 to index
            %parallel_loop3A_217 = tpu.vector_load %arg24[%parallel_loop3A_216] {strides = array<i32>} : memref<8320xf32, #tpu.memory_space<vmem>>, vector<16xf32>,
            %parallel_loop3A_218 = tpu.pack_subelements %parallel_loop3A_213, %parallel_loop3A_217 {pack_format = #tpu.pack_format<interleaved>, positions = array<i32: 0, 1>} : vector<16xf32>, vector<16xf32> -> vector<32xbf16>
            %parallel_loop3A_219 = arith.constant 2 : i32
            %parallel_loop3A_220 = arith.muli %parallel_loop3A_207, %parallel_loop3A_219 : i32
            %parallel_loop3A_221 = arith.constant 128 : i32
            %parallel_loop3A_222 = arith.muli %parallel_loop3A_220, %parallel_loop3A_221 : i32
            %parallel_loop3A_223 = arith.constant 0 : i32
            %parallel_loop3A_224 = arith.addi %parallel_loop3A_222, %parallel_loop3A_223 : i32
            %parallel_loop3A_225 = arith.index_cast %parallel_loop3A_224 : i32 to index
            %parallel_loop3A_226 = tpu.vector_load %arg26[%parallel_loop3A_225] {strides = array<i32>} : memref<33792xbf16, #tpu.memory_space<vmem>>, vector<32xbf16>,
            tpu.vector_store %arg26[%parallel_loop3A_225], %parallel_loop3A_218 {strides = array<i32>} : memref<33792xbf16, #tpu.memory_space<vmem>>, vector<32xbf16>,
            %parallel_loop3A_227 = arith.index_cast %parallel_loop3A_211 : i32 to index
            %parallel_loop3A_228 = tpu.vector_load %arg25[%parallel_loop3A_227] {strides = array<i32>} : memref<8320xf32, #tpu.memory_space<vmem>>, vector<16xf32>,
            %parallel_loop3A_229 = arith.constant 16 : i32
            %parallel_loop3A_230 = arith.addi %parallel_loop3A_211, %parallel_loop3A_229 : i32
            %parallel_loop3A_231 = arith.index_cast %parallel_loop3A_230 : i32 to index
            %parallel_loop3A_232 = tpu.vector_load %arg25[%parallel_loop3A_231] {strides = array<i32>} : memref<8320xf32, #tpu.memory_space<vmem>>, vector<16xf32>,
            %parallel_loop3A_233 = tpu.pack_subelements %parallel_loop3A_228, %parallel_loop3A_232 {pack_format = #tpu.pack_format<interleaved>, positions = array<i32: 0, 1>} : vector<16xf32>, vector<16xf32> -> vector<32xbf16>
            %parallel_loop3A_234 = arith.constant 66 : i32
            %parallel_loop3A_235 = arith.addi %parallel_loop3A_207, %parallel_loop3A_234 : i32
            %parallel_loop3A_236 = arith.constant 2 : i32
            %parallel_loop3A_237 = arith.muli %parallel_loop3A_235, %parallel_loop3A_236 : i32
            %parallel_loop3A_238 = arith.constant 128 : i32
            %parallel_loop3A_239 = arith.muli %parallel_loop3A_237, %parallel_loop3A_238 : i32
            %parallel_loop3A_240 = arith.constant 0 : i32
            %parallel_loop3A_241 = arith.addi %parallel_loop3A_239, %parallel_loop3A_240 : i32
            %parallel_loop3A_242 = arith.index_cast %parallel_loop3A_241 : i32 to index
            %parallel_loop3A_243 = tpu.vector_load %arg26[%parallel_loop3A_242] {strides = array<i32>} : memref<33792xbf16, #tpu.memory_space<vmem>>, vector<32xbf16>,
            tpu.vector_store %arg26[%parallel_loop3A_242], %parallel_loop3A_233 {strides = array<i32>} : memref<33792xbf16, #tpu.memory_space<vmem>>, vector<32xbf16>,
            %parallel_loop3A_244 = arith.constant 128 : i32
            %parallel_loop3A_245 = arith.muli %parallel_loop3A_207, %parallel_loop3A_244 : i32
            %parallel_loop3A_246 = arith.constant 32 : i32
            %parallel_loop3A_247 = arith.addi %parallel_loop3A_245, %parallel_loop3A_246 : i32
            %parallel_loop3A_248 = arith.index_cast %parallel_loop3A_247 : i32 to index
            %parallel_loop3A_249 = tpu.vector_load %arg24[%parallel_loop3A_248] {strides = array<i32>} : memref<8320xf32, #tpu.memory_space<vmem>>, vector<16xf32>,
            %parallel_loop3A_250 = arith.constant 16 : i32
            %parallel_loop3A_251 = arith.addi %parallel_loop3A_247, %parallel_loop3A_250 : i32
            %parallel_loop3A_252 = arith.index_cast %parallel_loop3A_251 : i32 to index
            %parallel_loop3A_253 = tpu.vector_load %arg24[%parallel_loop3A_252] {strides = array<i32>} : memref<8320xf32, #tpu.memory_space<vmem>>, vector<16xf32>,
            %parallel_loop3A_254 = tpu.pack_subelements %parallel_loop3A_249, %parallel_loop3A_253 {pack_format = #tpu.pack_format<interleaved>, positions = array<i32: 0, 1>} : vector<16xf32>, vector<16xf32> -> vector<32xbf16>
            %parallel_loop3A_255 = arith.constant 2 : i32
            %parallel_loop3A_256 = arith.muli %parallel_loop3A_207, %parallel_loop3A_255 : i32
            %parallel_loop3A_257 = arith.constant 128 : i32
            %parallel_loop3A_258 = arith.muli %parallel_loop3A_256, %parallel_loop3A_257 : i32
            %parallel_loop3A_259 = arith.constant 16 : i32
            %parallel_loop3A_260 = arith.addi %parallel_loop3A_258, %parallel_loop3A_259 : i32
            %parallel_loop3A_261 = arith.index_cast %parallel_loop3A_260 : i32 to index
            %parallel_loop3A_262 = tpu.vector_load %arg26[%parallel_loop3A_261] {strides = array<i32>} : memref<33792xbf16, #tpu.memory_space<vmem>>, vector<32xbf16>,
            tpu.vector_store %arg26[%parallel_loop3A_261], %parallel_loop3A_254 {strides = array<i32>} : memref<33792xbf16, #tpu.memory_space<vmem>>, vector<32xbf16>,
            %parallel_loop3A_263 = arith.index_cast %parallel_loop3A_247 : i32 to index
            %parallel_loop3A_264 = tpu.vector_load %arg25[%parallel_loop3A_263] {strides = array<i32>} : memref<8320xf32, #tpu.memory_space<vmem>>, vector<16xf32>,
            %parallel_loop3A_265 = arith.constant 16 : i32
            %parallel_loop3A_266 = arith.addi %parallel_loop3A_247, %parallel_loop3A_265 : i32
            %parallel_loop3A_267 = arith.index_cast %parallel_loop3A_266 : i32 to index
            %parallel_loop3A_268 = tpu.vector_load %arg25[%parallel_loop3A_267] {strides = array<i32>} : memref<8320xf32, #tpu.memory_space<vmem>>, vector<16xf32>,
            %parallel_loop3A_269 = tpu.pack_subelements %parallel_loop3A_264, %parallel_loop3A_268 {pack_format = #tpu.pack_format<interleaved>, positions = array<i32: 0, 1>} : vector<16xf32>, vector<16xf32> -> vector<32xbf16>
            %parallel_loop3A_270 = arith.constant 66 : i32
            %parallel_loop3A_271 = arith.addi %parallel_loop3A_207, %parallel_loop3A_270 : i32
            %parallel_loop3A_272 = arith.constant 2 : i32
            %parallel_loop3A_273 = arith.muli %parallel_loop3A_271, %parallel_loop3A_272 : i32
            %parallel_loop3A_274 = arith.constant 128 : i32
            %parallel_loop3A_275 = arith.muli %parallel_loop3A_273, %parallel_loop3A_274 : i32
            %parallel_loop3A_276 = arith.constant 16 : i32
            %parallel_loop3A_277 = arith.addi %parallel_loop3A_275, %parallel_loop3A_276 : i32
            %parallel_loop3A_278 = arith.index_cast %parallel_loop3A_277 : i32 to index
            %parallel_loop3A_279 = tpu.vector_load %arg26[%parallel_loop3A_278] {strides = array<i32>} : memref<33792xbf16, #tpu.memory_space<vmem>>, vector<32xbf16>,
            tpu.vector_store %arg26[%parallel_loop3A_278], %parallel_loop3A_269 {strides = array<i32>} : memref<33792xbf16, #tpu.memory_space<vmem>>, vector<32xbf16>,
            %parallel_loop3A_280 = arith.constant 128 : i32
            %parallel_loop3A_281 = arith.muli %parallel_loop3A_207, %parallel_loop3A_280 : i32
            %parallel_loop3A_282 = arith.constant 64 : i32
            %parallel_loop3A_283 = arith.addi %parallel_loop3A_281, %parallel_loop3A_282 : i32
            %parallel_loop3A_284 = arith.index_cast %parallel_loop3A_283 : i32 to index
            %parallel_loop3A_285 = tpu.vector_load %arg24[%parallel_loop3A_284] {strides = array<i32>} : memref<8320xf32, #tpu.memory_space<vmem>>, vector<16xf32>,
            %parallel_loop3A_286 = arith.constant 16 : i32
            %parallel_loop3A_287 = arith.addi %parallel_loop3A_283, %parallel_loop3A_286 : i32
            %parallel_loop3A_288 = arith.index_cast %parallel_loop3A_287 : i32 to index
            %parallel_loop3A_289 = tpu.vector_load %arg24[%parallel_loop3A_288] {strides = array<i32>} : memref<8320xf32, #tpu.memory_space<vmem>>, vector<16xf32>,
            %parallel_loop3A_290 = tpu.pack_subelements %parallel_loop3A_285, %parallel_loop3A_289 {pack_format = #tpu.pack_format<interleaved>, positions = array<i32: 0, 1>} : vector<16xf32>, vector<16xf32> -> vector<32xbf16>
            %parallel_loop3A_291 = arith.constant 2 : i32
            %parallel_loop3A_292 = arith.muli %parallel_loop3A_207, %parallel_loop3A_291 : i32
            %parallel_loop3A_293 = arith.constant 128 : i32
            %parallel_loop3A_294 = arith.muli %parallel_loop3A_292, %parallel_loop3A_293 : i32
            %parallel_loop3A_295 = arith.constant 32 : i32
            %parallel_loop3A_296 = arith.addi %parallel_loop3A_294, %parallel_loop3A_295 : i32
            %parallel_loop3A_297 = arith.index_cast %parallel_loop3A_296 : i32 to index
            %parallel_loop3A_298 = tpu.vector_load %arg26[%parallel_loop3A_297] {strides = array<i32>} : memref<33792xbf16, #tpu.memory_space<vmem>>, vector<32xbf16>,
            tpu.vector_store %arg26[%parallel_loop3A_297], %parallel_loop3A_290 {strides = array<i32>} : memref<33792xbf16, #tpu.memory_space<vmem>>, vector<32xbf16>,
            %parallel_loop3A_299 = arith.index_cast %parallel_loop3A_283 : i32 to index
            %parallel_loop3A_300 = tpu.vector_load %arg25[%parallel_loop3A_299] {strides = array<i32>} : memref<8320xf32, #tpu.memory_space<vmem>>, vector<16xf32>,
            %parallel_loop3A_301 = arith.constant 16 : i32
            %parallel_loop3A_302 = arith.addi %parallel_loop3A_283, %parallel_loop3A_301 : i32
            %parallel_loop3A_303 = arith.index_cast %parallel_loop3A_302 : i32 to index
            %parallel_loop3A_304 = tpu.vector_load %arg25[%parallel_loop3A_303] {strides = array<i32>} : memref<8320xf32, #tpu.memory_space<vmem>>, vector<16xf32>,
            %parallel_loop3A_305 = tpu.pack_subelements %parallel_loop3A_300, %parallel_loop3A_304 {pack_format = #tpu.pack_format<interleaved>, positions = array<i32: 0, 1>} : vector<16xf32>, vector<16xf32> -> vector<32xbf16>
            %parallel_loop3A_306 = arith.constant 66 : i32
            %parallel_loop3A_307 = arith.addi %parallel_loop3A_207, %parallel_loop3A_306 : i32
            %parallel_loop3A_308 = arith.constant 2 : i32
            %parallel_loop3A_309 = arith.muli %parallel_loop3A_307, %parallel_loop3A_308 : i32
            %parallel_loop3A_310 = arith.constant 128 : i32
            %parallel_loop3A_311 = arith.muli %parallel_loop3A_309, %parallel_loop3A_310 : i32
            %parallel_loop3A_312 = arith.constant 32 : i32
            %parallel_loop3A_313 = arith.addi %parallel_loop3A_311, %parallel_loop3A_312 : i32
            %parallel_loop3A_314 = arith.index_cast %parallel_loop3A_313 : i32 to index
            %parallel_loop3A_315 = tpu.vector_load %arg26[%parallel_loop3A_314] {strides = array<i32>} : memref<33792xbf16, #tpu.memory_space<vmem>>, vector<32xbf16>,
            tpu.vector_store %arg26[%parallel_loop3A_314], %parallel_loop3A_305 {strides = array<i32>} : memref<33792xbf16, #tpu.memory_space<vmem>>, vector<32xbf16>,
            %parallel_loop3A_316 = arith.constant 128 : i32
            %parallel_loop3A_317 = arith.muli %parallel_loop3A_207, %parallel_loop3A_316 : i32
            %parallel_loop3A_318 = arith.constant 96 : i32
            %parallel_loop3A_319 = arith.addi %parallel_loop3A_317, %parallel_loop3A_318 : i32
            %parallel_loop3A_320 = arith.index_cast %parallel_loop3A_319 : i32 to index
            %parallel_loop3A_321 = tpu.vector_load %arg24[%parallel_loop3A_320] {strides = array<i32>} : memref<8320xf32, #tpu.memory_space<vmem>>, vector<16xf32>,
            %parallel_loop3A_322 = arith.constant 16 : i32
            %parallel_loop3A_323 = arith.addi %parallel_loop3A_319, %parallel_loop3A_322 : i32
            %parallel_loop3A_324 = arith.index_cast %parallel_loop3A_323 : i32 to index
            %parallel_loop3A_325 = tpu.vector_load %arg24[%parallel_loop3A_324] {strides = array<i32>} : memref<8320xf32, #tpu.memory_space<vmem>>, vector<16xf32>,
            %parallel_loop3A_326 = tpu.pack_subelements %parallel_loop3A_321, %parallel_loop3A_325 {pack_format = #tpu.pack_format<interleaved>, positions = array<i32: 0, 1>} : vector<16xf32>, vector<16xf32> -> vector<32xbf16>
            %parallel_loop3A_327 = arith.constant 2 : i32
            %parallel_loop3A_328 = arith.muli %parallel_loop3A_207, %parallel_loop3A_327 : i32
            %parallel_loop3A_329 = arith.constant 128 : i32
            %parallel_loop3A_330 = arith.muli %parallel_loop3A_328, %parallel_loop3A_329 : i32
            %parallel_loop3A_331 = arith.constant 48 : i32
            %parallel_loop3A_332 = arith.addi %parallel_loop3A_330, %parallel_loop3A_331 : i32
            %parallel_loop3A_333 = arith.index_cast %parallel_loop3A_332 : i32 to index
            %parallel_loop3A_334 = tpu.vector_load %arg26[%parallel_loop3A_333] {strides = array<i32>} : memref<33792xbf16, #tpu.memory_space<vmem>>, vector<32xbf16>,
            tpu.vector_store %arg26[%parallel_loop3A_333], %parallel_loop3A_326 {strides = array<i32>} : memref<33792xbf16, #tpu.memory_space<vmem>>, vector<32xbf16>,
            %parallel_loop3A_335 = arith.index_cast %parallel_loop3A_319 : i32 to index
            %parallel_loop3A_336 = tpu.vector_load %arg25[%parallel_loop3A_335] {strides = array<i32>} : memref<8320xf32, #tpu.memory_space<vmem>>, vector<16xf32>,
            %parallel_loop3A_337 = arith.constant 16 : i32
            %parallel_loop3A_338 = arith.addi %parallel_loop3A_319, %parallel_loop3A_337 : i32
            %parallel_loop3A_339 = arith.index_cast %parallel_loop3A_338 : i32 to index
            %parallel_loop3A_340 = tpu.vector_load %arg25[%parallel_loop3A_339] {strides = array<i32>} : memref<8320xf32, #tpu.memory_space<vmem>>, vector<16xf32>,
            %parallel_loop3A_341 = tpu.pack_subelements %parallel_loop3A_336, %parallel_loop3A_340 {pack_format = #tpu.pack_format<interleaved>, positions = array<i32: 0, 1>} : vector<16xf32>, vector<16xf32> -> vector<32xbf16>
            %parallel_loop3A_342 = arith.constant 66 : i32
            %parallel_loop3A_343 = arith.addi %parallel_loop3A_207, %parallel_loop3A_342 : i32
            %parallel_loop3A_344 = arith.constant 2 : i32
            %parallel_loop3A_345 = arith.muli %parallel_loop3A_343, %parallel_loop3A_344 : i32
            %parallel_loop3A_346 = arith.constant 128 : i32
            %parallel_loop3A_347 = arith.muli %parallel_loop3A_345, %parallel_loop3A_346 : i32
            %parallel_loop3A_348 = arith.constant 48 : i32
            %parallel_loop3A_349 = arith.addi %parallel_loop3A_347, %parallel_loop3A_348 : i32
            %parallel_loop3A_350 = arith.index_cast %parallel_loop3A_349 : i32 to index
            %parallel_loop3A_351 = tpu.vector_load %arg26[%parallel_loop3A_350] {strides = array<i32>} : memref<33792xbf16, #tpu.memory_space<vmem>>, vector<32xbf16>,
            tpu.vector_store %arg26[%parallel_loop3A_350], %parallel_loop3A_341 {strides = array<i32>} : memref<33792xbf16, #tpu.memory_space<vmem>>, vector<32xbf16>,
          } {sc.loop_unroll_factor = 1 : i64, sc.parallel_access}
          %swap3A = arith.constant 16640 : index
          %swap3A_192 = tpu.vector_load %arg26[%swap3A] {strides = array<i32>} : memref<33792xbf16, #tpu.memory_space<vmem>>, vector<32xbf16>,
          tpu.vector_store %arg26[%swap3A], %broadcast_in_dim3A_188 {strides = array<i32>} : memref<33792xbf16, #tpu.memory_space<vmem>>, vector<32xbf16>,
          %swap3A_193 = arith.constant 33536 : index
          %swap3A_194 = tpu.vector_load %arg26[%swap3A_193] {strides = array<i32>} : memref<33792xbf16, #tpu.memory_space<vmem>>, vector<32xbf16>,
          tpu.vector_store %arg26[%swap3A_193], %broadcast_in_dim3A_188 {strides = array<i32>} : memref<33792xbf16, #tpu.memory_space<vmem>>, vector<32xbf16>,
          %swap3A_195 = arith.constant 16656 : index
          %swap3A_196 = tpu.vector_load %arg26[%swap3A_195] {strides = array<i32>} : memref<33792xbf16, #tpu.memory_space<vmem>>, vector<32xbf16>,
          tpu.vector_store %arg26[%swap3A_195], %broadcast_in_dim3A_188 {strides = array<i32>} : memref<33792xbf16, #tpu.memory_space<vmem>>, vector<32xbf16>,
          %swap3A_197 = arith.constant 33552 : index
          %swap3A_198 = tpu.vector_load %arg26[%swap3A_197] {strides = array<i32>} : memref<33792xbf16, #tpu.memory_space<vmem>>, vector<32xbf16>,
          tpu.vector_store %arg26[%swap3A_197], %broadcast_in_dim3A_188 {strides = array<i32>} : memref<33792xbf16, #tpu.memory_space<vmem>>, vector<32xbf16>,
          %swap3A_199 = arith.constant 16672 : index
          %swap3A_200 = tpu.vector_load %arg26[%swap3A_199] {strides = array<i32>} : memref<33792xbf16, #tpu.memory_space<vmem>>, vector<32xbf16>,
          tpu.vector_store %arg26[%swap3A_199], %broadcast_in_dim3A_188 {strides = array<i32>} : memref<33792xbf16, #tpu.memory_space<vmem>>, vector<32xbf16>,
          %swap3A_201 = arith.constant 33568 : index
          %swap3A_202 = tpu.vector_load %arg26[%swap3A_201] {strides = array<i32>} : memref<33792xbf16, #tpu.memory_space<vmem>>, vector<32xbf16>,
          tpu.vector_store %arg26[%swap3A_201], %broadcast_in_dim3A_188 {strides = array<i32>} : memref<33792xbf16, #tpu.memory_space<vmem>>, vector<32xbf16>,
          %swap3A_203 = arith.constant 16688 : index
          %swap3A_204 = tpu.vector_load %arg26[%swap3A_203] {strides = array<i32>} : memref<33792xbf16, #tpu.memory_space<vmem>>, vector<32xbf16>,
          tpu.vector_store %arg26[%swap3A_203], %broadcast_in_dim3A_188 {strides = array<i32>} : memref<33792xbf16, #tpu.memory_space<vmem>>, vector<32xbf16>,
          %swap3A_205 = arith.constant 33584 : index
          %swap3A_206 = tpu.vector_load %arg26[%swap3A_205] {strides = array<i32>} : memref<33792xbf16, #tpu.memory_space<vmem>>, vector<32xbf16>,
          tpu.vector_store %arg26[%swap3A_205], %broadcast_in_dim3A_188 {strides = array<i32>} : memref<33792xbf16, #tpu.memory_space<vmem>>, vector<32xbf16>,
        } else {
        }
        %mul3A_168 = arith.constant 32 : i32
        %mul3A_169 = arith.muli %sub3A_149, %mul3A_168 : i32
        %add3A_170 = arith.addi %add3A, %mul3A_169 : i32
        %mul3A_171 = arith.constant 128 : i32
        %mul3A_172 = arith.muli %add3A_170, %mul3A_171 : i32
        %dma_wait3A = tpu.memref_slice %arg3[%mul3A_172] : memref<80000xi32, #tpu.memory_space<hbm>> -> memref<128xi32, #tpu.memory_space<hbm>>
        %dma_wait3A_173 = tpu.memref_slice %arg3[%mul3A_172] : memref<80000xi32, #tpu.memory_space<hbm>> -> memref<128xi32, #tpu.memory_space<hbm>>
        tpu.wait_dma2 semaphore(%arg13 : memref<!tpu.dma_semaphore, #tpu.memory_space<semaphore_mem>>) src(%dma_wait3A_173 : memref<128xi32, #tpu.memory_space<hbm>>) dst(%arg9 : memref<128xi32, #tpu.memory_space<vmem>>)
        %dma_wait3A_174 = arith.constant 0 : i32
        %dma_wait3A_175 = tpu.memref_slice %arg2[%mul3A_172, %dma_wait3A_174] : memref<80000x128xf32, #tpu.memory_space<hbm>> -> memref<128x128xf32, #tpu.memory_space<hbm>>
        %dma_wait3A_176 = arith.constant 0 : i32
        %dma_wait3A_177 = tpu.memref_slice %arg2[%mul3A_172, %dma_wait3A_176] : memref<80000x128xf32, #tpu.memory_space<hbm>> -> memref<128x128xf32, #tpu.memory_space<hbm>>
        tpu.wait_dma2 semaphore(%arg13 : memref<!tpu.dma_semaphore, #tpu.memory_space<semaphore_mem>>) src(%dma_wait3A_177 : memref<128x128xf32, #tpu.memory_space<hbm>>) dst(%arg22 : memref<128x128xf32, #tpu.memory_space<vmem>>)
        %iota3A = tpu.iota {dimensions = array<i32: 0>} : vector<16xi32>
        %parallel_loop3A = arith.constant 0 : i32
        %parallel_loop3A_178 = arith.constant 8 : i32
        %parallel_loop3A_179 = arith.constant 1 : i32
        scf.for %parallel_loop3A_188 = %parallel_loop3A to %parallel_loop3A_178 step %parallel_loop3A_179  : i32 {
          %parallel_loop3A_189 = arith.constant 16 : i32
          %parallel_loop3A_190 = arith.muli %parallel_loop3A_188, %parallel_loop3A_189 : i32
          %parallel_loop3A_191 = arith.index_cast %parallel_loop3A_190 : i32 to index
          %parallel_loop3A_192 = tpu.vector_load %arg9[%parallel_loop3A_191] {strides = array<i32>} : memref<128xi32, #tpu.memory_space<vmem>>, vector<16xi32>,
          %parallel_loop3A_193 = arith.constant 16 : i32
          %parallel_loop3A_194 = vector.broadcast %parallel_loop3A_193 : i32 to vector<16xi32>
          %parallel_loop3A_195 = arith.shrsi %parallel_loop3A_192, %parallel_loop3A_194 : vector<16xi32>
          %parallel_loop3A_196 = arith.constant 1 : i32
          %parallel_loop3A_197 = vector.broadcast %parallel_loop3A_196 : i32 to vector<16xi32>
          %parallel_loop3A_198 = arith.subi %parallel_loop3A_195, %parallel_loop3A_197 : vector<16xi32>
          %parallel_loop3A_199 = arith.constant 65535 : i32
          %parallel_loop3A_200 = vector.broadcast %parallel_loop3A_199 : i32 to vector<16xi32>
          %parallel_loop3A_201 = arith.andi %parallel_loop3A_192, %parallel_loop3A_200 : vector<16xi32>
          %parallel_loop3A_202 = arith.constant 1 : i32
          %parallel_loop3A_203 = vector.broadcast %parallel_loop3A_202 : i32 to vector<16xi32>
          %parallel_loop3A_204 = arith.subi %parallel_loop3A_201, %parallel_loop3A_203 : vector<16xi32>
          %parallel_loop3A_205 = arith.constant -1 : i32
          %parallel_loop3A_206 = vector.broadcast %parallel_loop3A_205 : i32 to vector<16xi32>
          %parallel_loop3A_207 = arith.cmpi eq, %parallel_loop3A_198, %parallel_loop3A_206 : vector<16xi32>
          %parallel_loop3A_208 = arith.constant 64 : i32
          %parallel_loop3A_209 = vector.broadcast %parallel_loop3A_208 : i32 to vector<16xi32>
          %parallel_loop3A_210 = arith.minsi %parallel_loop3A_204, %parallel_loop3A_209 : vector<16xi32>
          %parallel_loop3A_211 = arith.constant 65 : i32
          %parallel_loop3A_212 = vector.broadcast %parallel_loop3A_211 : i32 to vector<16xi32>
          %parallel_loop3A_213 = arith.select %parallel_loop3A_207, %parallel_loop3A_212, %parallel_loop3A_210 : vector<16xi1>, vector<16xi32>
          %parallel_loop3A_214 = arith.constant 64 : i32
          %parallel_loop3A_215 = vector.broadcast %parallel_loop3A_214 : i32 to vector<16xi32>
          %parallel_loop3A_216 = arith.minsi %parallel_loop3A_198, %parallel_loop3A_215 : vector<16xi32>
          %parallel_loop3A_217 = arith.constant 66 : i32
          %parallel_loop3A_218 = vector.broadcast %parallel_loop3A_217 : i32 to vector<16xi32>
          %parallel_loop3A_219 = arith.addi %parallel_loop3A_216, %parallel_loop3A_218 : vector<16xi32>
          %parallel_loop3A_220 = arith.constant 131 : i32
          %parallel_loop3A_221 = vector.broadcast %parallel_loop3A_220 : i32 to vector<16xi32>
          %parallel_loop3A_222 = arith.select %parallel_loop3A_207, %parallel_loop3A_221, %parallel_loop3A_219 : vector<16xi1>, vector<16xi32>
          %parallel_loop3A_223 = arith.constant 65536 : i32
          %parallel_loop3A_224 = vector.broadcast %parallel_loop3A_223 : i32 to vector<16xi32>
          %parallel_loop3A_225 = arith.muli %parallel_loop3A_213, %parallel_loop3A_224 : vector<16xi32>
          %parallel_loop3A_226 = arith.addi %parallel_loop3A_225, %parallel_loop3A_222 : vector<16xi32>
          %parallel_loop3A_227 = arith.constant 0 : i32
          %parallel_loop3A_228 = arith.constant 16 : i32
          %parallel_loop3A_229 = arith.constant 1 : i32
          scf.for %parallel_loop3A_230 = %parallel_loop3A_227 to %parallel_loop3A_228 step %parallel_loop3A_229  : i32 {
            %parallel_loop3A_231 = vector.broadcast %parallel_loop3A_230 : i32 to vector<16xi32>
            %parallel_loop3A_232 = arith.cmpi eq, %iota3A, %parallel_loop3A_231 : vector<16xi32>
            %parallel_loop3A_233 = arith.constant 0 : i32
            %parallel_loop3A_234 = vector.broadcast %parallel_loop3A_233 : i32 to vector<16xi32>
            %parallel_loop3A_235 = arith.select %parallel_loop3A_232, %parallel_loop3A_226, %parallel_loop3A_234 : vector<16xi1>, vector<16xi32>
            %parallel_loop3A_236 = arith.constant true
            %parallel_loop3A_237 = vector.broadcast %parallel_loop3A_236 : i1 to vector<16xi1>
            %parallel_loop3A_238 = arith.constant -2147483648 : i32
            %parallel_loop3A_239 = vector.broadcast %parallel_loop3A_238 : i32 to vector<16xi32>
            %parallel_loop3A_240 = arith.xori %parallel_loop3A_235, %parallel_loop3A_239 : vector<16xi32>
            %parallel_loop3A_241 = tpu.scan <max>, %parallel_loop3A_240 masked %parallel_loop3A_237 : vector<16xi32>, vector<16xi1> -> vector<16xi32>
            %parallel_loop3A_242 = arith.xori %parallel_loop3A_241, %parallel_loop3A_239 : vector<16xi32>
            %parallel_loop3A_243 = vector.extract %parallel_loop3A_242[15] : i32 from vector<16xi32>
            %parallel_loop3A_244 = arith.constant 16 : i32
            %parallel_loop3A_245 = arith.shrsi %parallel_loop3A_243, %parallel_loop3A_244 : i32
            %parallel_loop3A_246 = arith.constant 65535 : i32
            %parallel_loop3A_247 = arith.andi %parallel_loop3A_243, %parallel_loop3A_246 : i32
            %parallel_loop3A_248 = arith.constant 16 : i32
            %parallel_loop3A_249 = arith.muli %parallel_loop3A_188, %parallel_loop3A_248 : i32
            %parallel_loop3A_250 = arith.addi %parallel_loop3A_249, %parallel_loop3A_230 : i32
            %parallel_loop3A_251 = arith.constant 256 : i32
            %parallel_loop3A_252 = arith.muli %parallel_loop3A_245, %parallel_loop3A_251 : i32
            %parallel_loop3A_253 = arith.constant 0 : i32
            %parallel_loop3A_254 = arith.addi %parallel_loop3A_252, %parallel_loop3A_253 : i32
            %parallel_loop3A_255 = arith.index_cast %parallel_loop3A_254 : i32 to index
            %parallel_loop3A_256 = tpu.vector_load %arg26[%parallel_loop3A_255] {strides = array<i32>} : memref<33792xbf16, #tpu.memory_space<vmem>>, vector<32xbf16>,
            %parallel_loop3A_257 = tpu.unpack_subelements %parallel_loop3A_256, 0 {pack_format = #tpu.pack_format<interleaved>} : vector<32xbf16> -> vector<16xf32>
            %parallel_loop3A_258 = tpu.unpack_subelements %parallel_loop3A_256, 1 {pack_format = #tpu.pack_format<interleaved>} : vector<32xbf16> -> vector<16xf32>
            %parallel_loop3A_259 = arith.constant 256 : i32
            %parallel_loop3A_260 = arith.muli %parallel_loop3A_247, %parallel_loop3A_259 : i32
            %parallel_loop3A_261 = arith.constant 0 : i32
            %parallel_loop3A_262 = arith.addi %parallel_loop3A_260, %parallel_loop3A_261 : i32
            %parallel_loop3A_263 = arith.index_cast %parallel_loop3A_262 : i32 to index
            %parallel_loop3A_264 = tpu.vector_load %arg26[%parallel_loop3A_263] {strides = array<i32>} : memref<33792xbf16, #tpu.memory_space<vmem>>, vector<32xbf16>,
            %parallel_loop3A_265 = tpu.unpack_subelements %parallel_loop3A_264, 0 {pack_format = #tpu.pack_format<interleaved>} : vector<32xbf16> -> vector<16xf32>
            %parallel_loop3A_266 = tpu.unpack_subelements %parallel_loop3A_264, 1 {pack_format = #tpu.pack_format<interleaved>} : vector<32xbf16> -> vector<16xf32>
            %parallel_loop3A_267 = arith.addf %parallel_loop3A_257, %parallel_loop3A_265 : vector<16xf32>
            %parallel_loop3A_268 = arith.index_cast %parallel_loop3A_250 : i32 to index
            %parallel_loop3A_269 = arith.constant 0 : index
            %parallel_loop3A_270 = tpu.vector_load %arg22[%parallel_loop3A_268, %parallel_loop3A_269] {strides = array<i32>} : memref<128x128xf32, #tpu.memory_space<vmem>>, vector<16xf32>,
            tpu.vector_store %arg22[%parallel_loop3A_268, %parallel_loop3A_269], %parallel_loop3A_267 {add = true, strides = array<i32>} : memref<128x128xf32, #tpu.memory_space<vmem>>, vector<16xf32>,
            %parallel_loop3A_271 = arith.addf %parallel_loop3A_258, %parallel_loop3A_266 : vector<16xf32>
            %parallel_loop3A_272 = arith.index_cast %parallel_loop3A_250 : i32 to index
            %parallel_loop3A_273 = arith.constant 16 : index
            %parallel_loop3A_274 = tpu.vector_load %arg22[%parallel_loop3A_272, %parallel_loop3A_273] {strides = array<i32>} : memref<128x128xf32, #tpu.memory_space<vmem>>, vector<16xf32>,
            tpu.vector_store %arg22[%parallel_loop3A_272, %parallel_loop3A_273], %parallel_loop3A_271 {add = true, strides = array<i32>} : memref<128x128xf32, #tpu.memory_space<vmem>>, vector<16xf32>,
            %parallel_loop3A_275 = arith.constant 256 : i32
            %parallel_loop3A_276 = arith.muli %parallel_loop3A_245, %parallel_loop3A_275 : i32
            %parallel_loop3A_277 = arith.constant 16 : i32
            %parallel_loop3A_278 = arith.addi %parallel_loop3A_276, %parallel_loop3A_277 : i32
            %parallel_loop3A_279 = arith.index_cast %parallel_loop3A_278 : i32 to index
            %parallel_loop3A_280 = tpu.vector_load %arg26[%parallel_loop3A_279] {strides = array<i32>} : memref<33792xbf16, #tpu.memory_space<vmem>>, vector<32xbf16>,
            %parallel_loop3A_281 = tpu.unpack_subelements %parallel_loop3A_280, 0 {pack_format = #tpu.pack_format<interleaved>} : vector<32xbf16> -> vector<16xf32>
            %parallel_loop3A_282 = tpu.unpack_subelements %parallel_loop3A_280, 1 {pack_format = #tpu.pack_format<interleaved>} : vector<32xbf16> -> vector<16xf32>
            %parallel_loop3A_283 = arith.constant 256 : i32
            %parallel_loop3A_284 = arith.muli %parallel_loop3A_247, %parallel_loop3A_283 : i32
            %parallel_loop3A_285 = arith.constant 16 : i32
            %parallel_loop3A_286 = arith.addi %parallel_loop3A_284, %parallel_loop3A_285 : i32
            %parallel_loop3A_287 = arith.index_cast %parallel_loop3A_286 : i32 to index
            %parallel_loop3A_288 = tpu.vector_load %arg26[%parallel_loop3A_287] {strides = array<i32>} : memref<33792xbf16, #tpu.memory_space<vmem>>, vector<32xbf16>,
            %parallel_loop3A_289 = tpu.unpack_subelements %parallel_loop3A_288, 0 {pack_format = #tpu.pack_format<interleaved>} : vector<32xbf16> -> vector<16xf32>
            %parallel_loop3A_290 = tpu.unpack_subelements %parallel_loop3A_288, 1 {pack_format = #tpu.pack_format<interleaved>} : vector<32xbf16> -> vector<16xf32>
            %parallel_loop3A_291 = arith.addf %parallel_loop3A_281, %parallel_loop3A_289 : vector<16xf32>
            %parallel_loop3A_292 = arith.index_cast %parallel_loop3A_250 : i32 to index
            %parallel_loop3A_293 = arith.constant 32 : index
            %parallel_loop3A_294 = tpu.vector_load %arg22[%parallel_loop3A_292, %parallel_loop3A_293] {strides = array<i32>} : memref<128x128xf32, #tpu.memory_space<vmem>>, vector<16xf32>,
            tpu.vector_store %arg22[%parallel_loop3A_292, %parallel_loop3A_293], %parallel_loop3A_291 {add = true, strides = array<i32>} : memref<128x128xf32, #tpu.memory_space<vmem>>, vector<16xf32>,
            %parallel_loop3A_295 = arith.addf %parallel_loop3A_282, %parallel_loop3A_290 : vector<16xf32>
            %parallel_loop3A_296 = arith.index_cast %parallel_loop3A_250 : i32 to index
            %parallel_loop3A_297 = arith.constant 48 : index
            %parallel_loop3A_298 = tpu.vector_load %arg22[%parallel_loop3A_296, %parallel_loop3A_297] {strides = array<i32>} : memref<128x128xf32, #tpu.memory_space<vmem>>, vector<16xf32>,
            tpu.vector_store %arg22[%parallel_loop3A_296, %parallel_loop3A_297], %parallel_loop3A_295 {add = true, strides = array<i32>} : memref<128x128xf32, #tpu.memory_space<vmem>>, vector<16xf32>,
            %parallel_loop3A_299 = arith.constant 256 : i32
            %parallel_loop3A_300 = arith.muli %parallel_loop3A_245, %parallel_loop3A_299 : i32
            %parallel_loop3A_301 = arith.constant 32 : i32
            %parallel_loop3A_302 = arith.addi %parallel_loop3A_300, %parallel_loop3A_301 : i32
            %parallel_loop3A_303 = arith.index_cast %parallel_loop3A_302 : i32 to index
            %parallel_loop3A_304 = tpu.vector_load %arg26[%parallel_loop3A_303] {strides = array<i32>} : memref<33792xbf16, #tpu.memory_space<vmem>>, vector<32xbf16>,
            %parallel_loop3A_305 = tpu.unpack_subelements %parallel_loop3A_304, 0 {pack_format = #tpu.pack_format<interleaved>} : vector<32xbf16> -> vector<16xf32>
            %parallel_loop3A_306 = tpu.unpack_subelements %parallel_loop3A_304, 1 {pack_format = #tpu.pack_format<interleaved>} : vector<32xbf16> -> vector<16xf32>
            %parallel_loop3A_307 = arith.constant 256 : i32
            %parallel_loop3A_308 = arith.muli %parallel_loop3A_247, %parallel_loop3A_307 : i32
            %parallel_loop3A_309 = arith.constant 32 : i32
            %parallel_loop3A_310 = arith.addi %parallel_loop3A_308, %parallel_loop3A_309 : i32
            %parallel_loop3A_311 = arith.index_cast %parallel_loop3A_310 : i32 to index
            %parallel_loop3A_312 = tpu.vector_load %arg26[%parallel_loop3A_311] {strides = array<i32>} : memref<33792xbf16, #tpu.memory_space<vmem>>, vector<32xbf16>,
            %parallel_loop3A_313 = tpu.unpack_subelements %parallel_loop3A_312, 0 {pack_format = #tpu.pack_format<interleaved>} : vector<32xbf16> -> vector<16xf32>
            %parallel_loop3A_314 = tpu.unpack_subelements %parallel_loop3A_312, 1 {pack_format = #tpu.pack_format<interleaved>} : vector<32xbf16> -> vector<16xf32>
            %parallel_loop3A_315 = arith.addf %parallel_loop3A_305, %parallel_loop3A_313 : vector<16xf32>
            %parallel_loop3A_316 = arith.index_cast %parallel_loop3A_250 : i32 to index
            %parallel_loop3A_317 = arith.constant 64 : index
            %parallel_loop3A_318 = tpu.vector_load %arg22[%parallel_loop3A_316, %parallel_loop3A_317] {strides = array<i32>} : memref<128x128xf32, #tpu.memory_space<vmem>>, vector<16xf32>,
            tpu.vector_store %arg22[%parallel_loop3A_316, %parallel_loop3A_317], %parallel_loop3A_315 {add = true, strides = array<i32>} : memref<128x128xf32, #tpu.memory_space<vmem>>, vector<16xf32>,
            %parallel_loop3A_319 = arith.addf %parallel_loop3A_306, %parallel_loop3A_314 : vector<16xf32>
            %parallel_loop3A_320 = arith.index_cast %parallel_loop3A_250 : i32 to index
            %parallel_loop3A_321 = arith.constant 80 : index
            %parallel_loop3A_322 = tpu.vector_load %arg22[%parallel_loop3A_320, %parallel_loop3A_321] {strides = array<i32>} : memref<128x128xf32, #tpu.memory_space<vmem>>, vector<16xf32>,
            tpu.vector_store %arg22[%parallel_loop3A_320, %parallel_loop3A_321], %parallel_loop3A_319 {add = true, strides = array<i32>} : memref<128x128xf32, #tpu.memory_space<vmem>>, vector<16xf32>,
            %parallel_loop3A_323 = arith.constant 256 : i32
            %parallel_loop3A_324 = arith.muli %parallel_loop3A_245, %parallel_loop3A_323 : i32
            %parallel_loop3A_325 = arith.constant 48 : i32
            %parallel_loop3A_326 = arith.addi %parallel_loop3A_324, %parallel_loop3A_325 : i32
            %parallel_loop3A_327 = arith.index_cast %parallel_loop3A_326 : i32 to index
            %parallel_loop3A_328 = tpu.vector_load %arg26[%parallel_loop3A_327] {strides = array<i32>} : memref<33792xbf16, #tpu.memory_space<vmem>>, vector<32xbf16>,
            %parallel_loop3A_329 = tpu.unpack_subelements %parallel_loop3A_328, 0 {pack_format = #tpu.pack_format<interleaved>} : vector<32xbf16> -> vector<16xf32>
            %parallel_loop3A_330 = tpu.unpack_subelements %parallel_loop3A_328, 1 {pack_format = #tpu.pack_format<interleaved>} : vector<32xbf16> -> vector<16xf32>
            %parallel_loop3A_331 = arith.constant 256 : i32
            %parallel_loop3A_332 = arith.muli %parallel_loop3A_247, %parallel_loop3A_331 : i32
            %parallel_loop3A_333 = arith.constant 48 : i32
            %parallel_loop3A_334 = arith.addi %parallel_loop3A_332, %parallel_loop3A_333 : i32
            %parallel_loop3A_335 = arith.index_cast %parallel_loop3A_334 : i32 to index
            %parallel_loop3A_336 = tpu.vector_load %arg26[%parallel_loop3A_335] {strides = array<i32>} : memref<33792xbf16, #tpu.memory_space<vmem>>, vector<32xbf16>,
            %parallel_loop3A_337 = tpu.unpack_subelements %parallel_loop3A_336, 0 {pack_format = #tpu.pack_format<interleaved>} : vector<32xbf16> -> vector<16xf32>
            %parallel_loop3A_338 = tpu.unpack_subelements %parallel_loop3A_336, 1 {pack_format = #tpu.pack_format<interleaved>} : vector<32xbf16> -> vector<16xf32>
            %parallel_loop3A_339 = arith.addf %parallel_loop3A_329, %parallel_loop3A_337 : vector<16xf32>
            %parallel_loop3A_340 = arith.index_cast %parallel_loop3A_250 : i32 to index
            %parallel_loop3A_341 = arith.constant 96 : index
            %parallel_loop3A_342 = tpu.vector_load %arg22[%parallel_loop3A_340, %parallel_loop3A_341] {strides = array<i32>} : memref<128x128xf32, #tpu.memory_space<vmem>>, vector<16xf32>,
            tpu.vector_store %arg22[%parallel_loop3A_340, %parallel_loop3A_341], %parallel_loop3A_339 {add = true, strides = array<i32>} : memref<128x128xf32, #tpu.memory_space<vmem>>, vector<16xf32>,
            %parallel_loop3A_343 = arith.addf %parallel_loop3A_330, %parallel_loop3A_338 : vector<16xf32>
            %parallel_loop3A_344 = arith.index_cast %parallel_loop3A_250 : i32 to index
            %parallel_loop3A_345 = arith.constant 112 : index
            %parallel_loop3A_346 = tpu.vector_load %arg22[%parallel_loop3A_344, %parallel_loop3A_345] {strides = array<i32>} : memref<128x128xf32, #tpu.memory_space<vmem>>, vector<16xf32>,
            tpu.vector_store %arg22[%parallel_loop3A_344, %parallel_loop3A_345], %parallel_loop3A_343 {add = true, strides = array<i32>} : memref<128x128xf32, #tpu.memory_space<vmem>>, vector<16xf32>,
          } {sc.loop_unroll_factor = 4 : i64, sc.parallel_access}
        } {sc.loop_unroll_factor = 1 : i64, sc.parallel_access}
        %mul3A_180 = arith.constant 32 : i32
        %mul3A_181 = arith.muli %sub3A_149, %mul3A_180 : i32
        %add3A_182 = arith.addi %add3A, %mul3A_181 : i32
        %mul3A_183 = arith.constant 128 : i32
        %mul3A_184 = arith.muli %add3A_182, %mul3A_183 : i32
        %dma_start3A = arith.constant 0 : i32
        %dma_start3A_185 = tpu.memref_slice %arg6[%mul3A_184, %dma_start3A] : memref<80000x128xf32, #tpu.memory_space<hbm>> -> memref<128x128xf32, #tpu.memory_space<hbm>>
        %dma_start3A_186 = arith.constant 0 : i32
        %dma_start3A_187 = tpu.memref_slice %arg6[%mul3A_184, %dma_start3A_186] : memref<80000x128xf32, #tpu.memory_space<hbm>> -> memref<128x128xf32, #tpu.memory_space<hbm>>
        tpu.enqueue_dma source(%arg22 : memref<128x128xf32, #tpu.memory_space<vmem>>) target(%dma_start3A_187 : memref<128x128xf32, #tpu.memory_space<hbm>>) target_semaphore(%arg17 : memref<!tpu.dma_semaphore, #tpu.memory_space<semaphore_mem>>)
      } else {
      }
    }
    %scan3A_4 = arith.constant 6 : i32
    %add3A_5 = arith.constant 512 : i32
    %add3A_6 = arith.addi %add3A, %add3A_5 : i32
    %lt3A = arith.constant 625 : i32
    %lt3A_7 = arith.cmpi slt, %add3A_6, %lt3A : i32
    %and3A = arith.constant true
    %and3A_8 = arith.andi %and3A, %lt3A_7 : i1
    %convert_element_type3A = arith.extui %and3A_8 : i1 to i32
    %cond3A = arith.constant 0 : i32
    %cond3A_9 = arith.cmpi ne, %convert_element_type3A, %cond3A : i32
    scf.if %cond3A_9 {
      %add3A_37 = arith.constant 512 : i32
      %add3A_38 = arith.addi %add3A, %add3A_37 : i32
      %mul3A_39 = arith.constant 128 : i32
      %mul3A_40 = arith.muli %add3A_38, %mul3A_39 : i32
      %dma_wait3A = arith.constant 0 : i32
      %dma_wait3A_41 = tpu.memref_slice %arg6[%mul3A_40, %dma_wait3A] : memref<80000x128xf32, #tpu.memory_space<hbm>> -> memref<128x128xf32, #tpu.memory_space<hbm>>
      %dma_wait3A_42 = arith.constant 0 : i32
      %dma_wait3A_43 = tpu.memref_slice %arg6[%mul3A_40, %dma_wait3A_42] : memref<80000x128xf32, #tpu.memory_space<hbm>> -> memref<128x128xf32, #tpu.memory_space<hbm>>
      tpu.wait_dma2 semaphore(%arg15 : memref<!tpu.dma_semaphore, #tpu.memory_space<semaphore_mem>>) src(%arg20 : memref<128x128xf32, #tpu.memory_space<vmem>>) dst(%dma_wait3A_43 : memref<128x128xf32, #tpu.memory_space<hbm>>)
    } else {
    }
    %add3A_10 = arith.constant 544 : i32
    %add3A_11 = arith.addi %add3A, %add3A_10 : i32
    %lt3A_12 = arith.constant 625 : i32
    %lt3A_13 = arith.cmpi slt, %add3A_11, %lt3A_12 : i32
    %and3A_14 = arith.constant true
    %and3A_15 = arith.andi %and3A_14, %lt3A_13 : i1
    %convert_element_type3A_16 = arith.extui %and3A_15 : i1 to i32
    %cond3A_17 = arith.constant 0 : i32
    %cond3A_18 = arith.cmpi ne, %convert_element_type3A_16, %cond3A_17 : i32
    scf.if %cond3A_18 {
      %add3A_37 = arith.constant 544 : i32
      %add3A_38 = arith.addi %add3A, %add3A_37 : i32
      %mul3A_39 = arith.constant 128 : i32
      %mul3A_40 = arith.muli %add3A_38, %mul3A_39 : i32
      %dma_wait3A = arith.constant 0 : i32
      %dma_wait3A_41 = tpu.memref_slice %arg6[%mul3A_40, %dma_wait3A] : memref<80000x128xf32, #tpu.memory_space<hbm>> -> memref<128x128xf32, #tpu.memory_space<hbm>>
      %dma_wait3A_42 = arith.constant 0 : i32
      %dma_wait3A_43 = tpu.memref_slice %arg6[%mul3A_40, %dma_wait3A_42] : memref<80000x128xf32, #tpu.memory_space<hbm>> -> memref<128x128xf32, #tpu.memory_space<hbm>>
      tpu.wait_dma2 semaphore(%arg16 : memref<!tpu.dma_semaphore, #tpu.memory_space<semaphore_mem>>) src(%arg21 : memref<128x128xf32, #tpu.memory_space<vmem>>) dst(%dma_wait3A_43 : memref<128x128xf32, #tpu.memory_space<hbm>>)
    } else {
    }
    %add3A_19 = arith.constant 576 : i32
    %add3A_20 = arith.addi %add3A, %add3A_19 : i32
    %lt3A_21 = arith.constant 625 : i32
    %lt3A_22 = arith.cmpi slt, %add3A_20, %lt3A_21 : i32
    %and3A_23 = arith.constant true
    %and3A_24 = arith.andi %and3A_23, %lt3A_22 : i1
    %convert_element_type3A_25 = arith.extui %and3A_24 : i1 to i32
    %cond3A_26 = arith.constant 0 : i32
    %cond3A_27 = arith.cmpi ne, %convert_element_type3A_25, %cond3A_26 : i32
    scf.if %cond3A_27 {
      %add3A_37 = arith.constant 576 : i32
      %add3A_38 = arith.addi %add3A, %add3A_37 : i32
      %mul3A_39 = arith.constant 128 : i32
      %mul3A_40 = arith.muli %add3A_38, %mul3A_39 : i32
      %dma_wait3A = arith.constant 0 : i32
      %dma_wait3A_41 = tpu.memref_slice %arg6[%mul3A_40, %dma_wait3A] : memref<80000x128xf32, #tpu.memory_space<hbm>> -> memref<128x128xf32, #tpu.memory_space<hbm>>
      %dma_wait3A_42 = arith.constant 0 : i32
      %dma_wait3A_43 = tpu.memref_slice %arg6[%mul3A_40, %dma_wait3A_42] : memref<80000x128xf32, #tpu.memory_space<hbm>> -> memref<128x128xf32, #tpu.memory_space<hbm>>
      tpu.wait_dma2 semaphore(%arg17 : memref<!tpu.dma_semaphore, #tpu.memory_space<semaphore_mem>>) src(%arg22 : memref<128x128xf32, #tpu.memory_space<vmem>>) dst(%dma_wait3A_43 : memref<128x128xf32, #tpu.memory_space<hbm>>)
    } else {
    }
    %add3A_28 = arith.constant 608 : i32
    %add3A_29 = arith.addi %add3A, %add3A_28 : i32
    %lt3A_30 = arith.constant 625 : i32
    %lt3A_31 = arith.cmpi slt, %add3A_29, %lt3A_30 : i32
    %and3A_32 = arith.constant true
    %and3A_33 = arith.andi %and3A_32, %lt3A_31 : i1
    %convert_element_type3A_34 = arith.extui %and3A_33 : i1 to i32
    %cond3A_35 = arith.constant 0 : i32
    %cond3A_36 = arith.cmpi ne, %convert_element_type3A_34, %cond3A_35 : i32
    scf.if %cond3A_36 {
      %add3A_37 = arith.constant 608 : i32
      %add3A_38 = arith.addi %add3A, %add3A_37 : i32
      %mul3A_39 = arith.constant 128 : i32
      %mul3A_40 = arith.muli %add3A_38, %mul3A_39 : i32
      %dma_wait3A = arith.constant 0 : i32
      %dma_wait3A_41 = tpu.memref_slice %arg6[%mul3A_40, %dma_wait3A] : memref<80000x128xf32, #tpu.memory_space<hbm>> -> memref<128x128xf32, #tpu.memory_space<hbm>>
      %dma_wait3A_42 = arith.constant 0 : i32
      %dma_wait3A_43 = tpu.memref_slice %arg6[%mul3A_40, %dma_wait3A_42] : memref<80000x128xf32, #tpu.memory_space<hbm>> -> memref<128x128xf32, #tpu.memory_space<hbm>>
      tpu.wait_dma2 semaphore(%arg18 : memref<!tpu.dma_semaphore, #tpu.memory_space<semaphore_mem>>) src(%arg23 : memref<128x128xf32, #tpu.memory_space<vmem>>) dst(%dma_wait3A_43 : memref<128x128xf32, #tpu.memory_space<hbm>>)
    } else {
    }
    return
  }
}

</mosaic_0001>

<sc_bundles>
// kernel: kernel.3.cloned.1.call-start
scs
__scs_entry_jumppad:
0x0: {  	(pc) =	sbr.rel $0x88, $3  }
0x1: {  	(tag) =	ssettag $0x0;
	lr =	simm.s32 $0x1  }
0x2: {  	[smem:$0x3F9D] =	sst lr;
	_ =	strace $0xD0000000  }
0x3: {  	_ = 	snop  }
0x4: {  	_ = 	snop  }
0x5: {  	_ = 	snop  }
0x6: {  	_ = 	snop  }
0x7: {  	_ = 	snop  }
__scs_overlays_trampoline_lowered:
0x8: {  	[smem:$0x3FAC] =	sst s0  }
0x9: {  	[smem:$0x3FAD] =	sst s1  }
0xa: {  	[smem:$0x3FAE] =	sst s2  }
0xb: {  	[smem:$0x3FAF] =	sst s3  }
0xc: {  	[smem:$0x3FB0] =	sst s4  }
0xd: {  	[smem:$0x3FB1] =	sst s5  }
0xe: {  	[smem:$0x3FB2] =	sst s6  }
0xf: {  	[smem:$0x3FB3] =	sst s7  }
0x10: {  	[smem:$0x3FB4] =	sst s8  }
0x11: {  	[smem:$0x3FB5] =	sst s9;
	s0 =	simm.s32 @!p0 $0x0  }
0x12: {  	s1 =	sld [smem:$0x3F9B];
	s0 =	simm.s32 @p0 $0x1  }
0x13: {  	[smem:$0x3FB6] =	sst s0;
	s0 =	simm.s32 @!p1 $0x0  }
0x14: {  	s2 =	sld [smem:$0x3F9A];
	s0 =	simm.s32 @p1 $0x1  }
0x15: {  	[smem:$0x3FB7] =	sst s0;
	s0 =	simm.s32 @!p2 $0x0  }
0x16: {  	s3 =	sld [smem:$0x3FDB];
	s0 =	simm.s32 @p2 $0x1  }
0x17: {  	s4 =	simm.s32 $0x1BF5;
	[smem:$0x3FB9] =	sst s0  }
0x18: {  	s0 =	sld [smem:$0x3F9C];
	_ =	swait.ge [sflag:s4], $0x0  }
0x19: {  	s7 =	sld [smem:$0x3F9D]  }
0x1a: {  	s8 =	sadd.s32 $0xFFFFE003, lr  }
0x1b: {  	s9 =	sadd.s32 $0xFFFFFEF7, lr;
	s5 =	simm.s32 $0xFFFFFFFF;
	p2 =	slt.u32 s8, $0xFFFFF086  }
0x1c: {  	p1 =	slt.u32 s9, $0xF7A;
	s5 =	simm.s32 @!p2 $0x0  }
0x1d: {  	s5 =	simm.s32 @p1 $0x1;
	p0 =	seq.s32 s7, s2  }
0x1e: {  	s7 =	smul.u32 @!p0 $0xF7A, s2;
	p2 =	seq.s32 @!p0 s5, $0x0  }
0x1f: {  	s9 =	smul.u32 $0xF7A, s1;
	s8 =	simm.s32 @!p0 $0x1BF5;
	p2 =	por !p2, p0  }
0x20: {  	[sflag:s8] =	ssyncset.s32 @!p0 $0xFFFFF086;
	s6 =	sadd.s32 @!p0 s3, s7;
	s7 =	simm.s32 @!p0 $0x108  }
0x21: {  	s3 =	sadd.s32 s3, s9;
	s6 =	sadd.s32 @!p0 $0x88, s6;
	s7 =	simm.s32 @p2 $0x1082  }
0x22: {  	[simem:s7], [sflag:s8] =	dma.local @!p0 [hbm:s6], $0xF7A  }
0x23: {  	s9 =	sor.u32 $0xD0000000, s2;
	s6 =	simm.s32 $0x108;
	_ =	swait.ge @!p0 [sflag:s8], $0x0  }
0x24: {  	s3 =	sadd.s32 $0x88, s3;
	s6 =	simm.s32 @!p1 $0x1082;
	[sflag:s4] =	ssyncset.s32 $0xFFFFF086  }
0x25: {  	[simem:s6], [sflag:s4] =	dma.local [hbm:s3], $0xF7A  }
0x26: {  	[smem:$0x3F9D] =	sst s1;
	(tag) =	ssettag s2;
	_ =	strace s9  }
0x27: {  	s1 =	sld [smem:$0x3FAD]  }
0x28: {  	s2 =	sld [smem:$0x3FAE]  }
0x29: {  	s4 =	sld [smem:$0x3FB0]  }
0x2a: {  	p0 =	seq.s32 s5, $0x0;
	s5 =	sld [smem:$0x3FB1]  }
0x2b: {  	s6 =	sld [smem:$0x3FB2]  }
0x2c: {  	s7 =	sld [smem:$0x3FB3]  }
0x2d: {  	s3 =	simm.s32 $0x108;
	s8 =	sld [smem:$0x3FB4]  }
0x2e: {  	s3 =	simm.s32 @!p0 $0x1082;
	s9 =	sld [smem:$0x3FB5]  }
0x2f: {  	lr =	sadd.s32 s0, s3;
	s0 =	sld [smem:$0x3FAC]  }
0x30: {  	s3 =	sld [smem:$0x3FAF]  }
0x31: {  	[smem:$0x3FB8] =	sst s10  }
0x32: {  	s10 =	sld [smem:$0x3FB6];
	_ =	sdelay $0x3  }
0x33: {  	p0 =	seq.s32 s10, $0x1;
	s10 =	sld [smem:$0x3FB8];
	_ =	sdelay $0x3  }
0x34: {  	[smem:$0x3FB8] =	sst s10  }
0x35: {  	s10 =	sld [smem:$0x3FB7];
	_ =	sdelay $0x3  }
0x36: {  	p1 =	seq.s32 s10, $0x1;
	s10 =	sld [smem:$0x3FB8];
	_ =	sdelay $0x3  }
0x37: {  	[smem:$0x3FB8] =	sst s10  }
0x38: {  	s10 =	sld [smem:$0x3FB9]  }
0x39: {  	_ = 	snop;
	(pc) =	sbr.ind lr, $3  }
0x3a: {  	_ = 	snop  }
0x3b: {  	_ = 	snop  }
0x3c: {  	p2 =	seq.s32 s10, $0x1;
	s10 =	sld [smem:$0x3FB8]  }
0x3d: {  	_ =	shalt  }
0x3e: {  	_ =	shalt  }
0x3f: {  	_ =	shalt  }
0x40: {  	_ =	shalt  }
0x41: {  	_ =	shalt  }
0x42: {  	_ =	shalt  }
0x43: {  	_ =	shalt  }
0x44: {  	_ =	shalt  }
0x45: {  	_ =	shalt  }
0x46: {  	_ =	shalt  }
0x47: {  	_ =	shalt  }
0x48: {  	_ =	shalt  }
0x49: {  	_ =	shalt  }
0x4a: {  	_ =	shalt  }
0x4b: {  	_ =	shalt  }
0x4c: {  	_ =	shalt  }
0x4d: {  	_ =	shalt  }
0x4e: {  	_ =	shalt  }
0x4f: {  	_ =	shalt  }
0x50: {  	_ =	shalt  }
0x51: {  	_ =	shalt  }
0x52: {  	_ =	shalt  }
0x53: {  	_ =	shalt  }
0x54: {  	_ =	shalt  }
0x55: {  	_ =	shalt  }
0x56: {  	_ =	shalt  }
0x57: {  	_ =	shalt  }
0x58: {  	_ =	shalt  }
0x59: {  	_ =	shalt  }
0x5a: {  	_ =	shalt  }
0x5b: {  	_ =	shalt  }
0x5c: {  	_ =	shalt  }
0x5d: {  	_ =	shalt  }
0x5e: {  	_ =	shalt  }
0x5f: {  	_ =	shalt  }
0x60: {  	_ =	shalt  }
0x61: {  	_ =	shalt  }
0x62: {  	_ =	shalt  }
0x63: {  	_ =	shalt  }
0x64: {  	_ =	shalt  }
0x65: {  	_ =	shalt  }
0x66: {  	_ =	shalt  }
0x67: {  	_ =	shalt  }
0x68: {  	_ =	shalt  }
0x69: {  	_ =	shalt  }
0x6a: {  	_ =	shalt  }
0x6b: {  	_ =	shalt  }
0x6c: {  	_ =	shalt  }
0x6d: {  	_ =	shalt  }
0x6e: {  	_ =	shalt  }
0x6f: {  	_ =	shalt  }
0x70: {  	_ =	shalt  }
0x71: {  	_ =	shalt  }
0x72: {  	_ =	shalt  }
0x73: {  	_ =	shalt  }
0x74: {  	_ =	shalt  }
0x75: {  	_ =	shalt  }
0x76: {  	_ =	shalt  }
0x77: {  	_ =	shalt  }
0x78: {  	_ =	shalt  }
0x79: {  	_ =	shalt  }
0x7a: {  	_ =	shalt  }
0x7b: {  	_ =	shalt  }
0x7c: {  	_ =	shalt  }
0x7d: {  	_ =	shalt  }
0x7e: {  	_ =	shalt  }
0x7f: {  	_ =	shalt  }
0x80: {  	_ =	shalt  }
0x81: {  	_ =	shalt  }
0x82: {  	_ =	shalt  }
0x83: {  	_ =	shalt  }
0x84: {  	_ =	shalt  }
0x85: {  	_ =	shalt  }
0x86: {  	_ =	shalt  }
0x87: {  	_ =	shalt  }
.Lfunc_end0:
.L_simem_size_0:
called_computation_lowered:
.L_overlay_start_0:
0x88: {  	s2 =	sld [smem:$0x3FD9]  }
0x89: {  	s3 =	sld [smem:$0x3FFE];
	_ =	sdelay $0x1  }
0x8a: {  	s1 =	srdreg.scid  }
0x8b: {  	s0 =	sand.u32 $0x1, s1  }
0x8c: {  	s17 =	sshll.u32 s0, $0xA;
	s2 =	sadd.s32 s3, s2  }
0x8d: {  	s2 =	sadd.s32 s2, s17  }
0x8e: {  	[smem:$0x3FC4] =	sst s2  }
0x8f: {  	_ = 	snop  }
0x90: {  	s2 =	sld [smem:$0x3FC9]  }
0x91: {  	s18 =	sld [smem:$0x3FC7]  }
0x92: {  	s4 =	sld [smem:$0x3FC6]  }
0x93: {  	s5 =	sld [smem:$0x3FD0];
	(tm) =	ssettm $0x1  }
0x94: {  	s6 =	sld [smem:$0x3FFB];
	_ =	sdelay $0x3  }
0x95: {  	_ =	strace s6  }
0x96: {  	s6 =	sld [smem:$0x3FFC];
	_ =	sdelay $0x3  }
0x97: {  	_ =	strace s6  }
0x98: {  	s6 =	sld [smem:$0x3FFD];
	_ =	sdelay $0x3  }
0x99: {  	_ =	strace s6  }
0x9a: {  	_ =	strace $0x8FFFFFFF  }
0x9b: {  	s19 =	sld [smem:$0x3FDB];
	_ =	sdelay $0x1  }
0x9c: {  	s7 =	simm.s32 $_scs_section_size  }
0x9d: {  	s8 =	simm.s32 $_size__tile_overlayer_lowered;
	s9 =	simm.s32 $_tile_overlayer_lowered  }
0x9e: {  	s22 =	simm.s32 $0x1BFF;
	s21 =	sshll.u32 s9, $0x1;
	s6 =	sadd.s32 s7, s19  }
0x9f: {  	s10 =	simm.s32 $0x0;
	s20 =	sshll.u32 s8, $0x1;
	s8 =	sadd.s32 s21, s6  }
0xa0: {  	[timem:s10], [sflag:s22] =	dma.local [hbm:s8], s20  }
0xa1: {  	_ =	swait.ge [sflag:s22], s20  }
0xa2: {  	s7 =	ssub.s32 $0x0, s20;
	[sflag:s22] =	ssyncset.done $0x0  }
0xa3: {  	[sflag:s22] =	ssyncadd.s32 s7;
	_ =	sdelay $0x1  }
0xa4: {  	s23 =	simm.s32 $0x1B8B  }
0xa5: {  	_ =	swait.ge [sflag:s23], $0x1  }
0xa6: {  	[sflag:s23] =	ssyncset.done $0x0  }
0xa7: {  	s25 =	simm.s32 $0x1B8E;
	s24 =	sld [smem:$0x3FFE];
	[sflag:s23] =	ssyncadd.s32 $0xFFFFFFFF  }
0xa8: {  	s26 =	simm.s32 $execute0_lowered;
	[smem:$0x3FD2] =	sst s25  }
0xa9: {  	s8 =	sshll.u32 s26, $0x1;
	_ =	strace $0x80000046;
	[dreg:$0x1] =	wrdreg $0xFFFFFFFF  }
0xaa: {  	s28 =	simm.s32 $_size_execute0_lowered;
	s6 =	sadd.s32 s6, s8;
	[dreg:$0x0] =	wrdreg $0x0  }
0xab: {  	s8 =	sshll.u32 s28, $0x1;
	[dreg:$0x2] =	wrdreg s6  }
0xac: {  	[dreg:$0x3] =	wrdreg s8  }
0xad: {  	[dreg:$0x4] =	wrdreg $0xC0  }
0xae: {  	_ =	task [dreg:s10], $0x5FFFF  }
0xaf: {  	[dreg:$0x1] =	wrdreg $0xFFFFFFFF  }
0xb0: {  	[dreg:$0x0] =	wrdreg $0x60  }
0xb1: {  	[dreg:$0x2] =	wrdreg s2  }
0xb2: {  	[dreg:$0x3] =	wrdreg s24  }
0xb3: {  	[dreg:$0x4] =	wrdreg s18  }
0xb4: {  	[dreg:$0x5] =	wrdreg s4  }
0xb5: {  	[dreg:$0x6] =	wrdreg s5  }
0xb6: {  	[dreg:$0x7] =	wrdreg $0x9  }
0xb7: {  	_ =	task.clear_ibuf [dreg:s10], $0x8FFFF;
	_ =	strace $0x90000046  }
0xb8: {  	s29 =	simm.s32 $0x9;
	_ =	strace $0x80000048  }
0xb9: {  	_ =	swait.ge [sflag:s29], $0x1  }
0xba: {  	[sflag:s29] =	ssyncadd.s32 $0xFFFFFFFF  }
0xbb: {  	_ =	strace $0x90000048  }
0xbc: {  	_ =	sfence  }
0xbd: {  	s30 =	sld [smem:$0x0];
	_ =	sdelay $0x2  }
0xbe: {  	s31 =	sshll.u32 s1, $0xD;
	s1 =	sshrl.u32 s1, $0x2  }
0xbf: {  	s3 =	sand.u32 $0x4000, s31;
	s1 =	sadd.s32 s1, s30  }
0xc0: {  	s0 =	sor.u32 s3, s0;
	s1 =	sshll.u32 s1, $0x11  }
0xc1: {  	s0 =	sor.u32 s1, s0  }
0xc2: {  	s0 =	sadd.s32 $0x8F2B, s0  }
0xc3: {  	[sflag:s0] =	ssyncadd.remote.s32 $0x1  }
0xc4: {  	_ =	sfence.sel $0xFFFF  }
0xc5: {  	[dreg:$0x0] =	wrdreg $0xFFFFFFFF;
	(pc) =	sbr.abs _section_cstart, $3  }
0xc6: {  	[dreg:$0x1] =	wrdreg $0xFFFFFFFF  }
0xc7: {  	_ =	task.clear_ibuf [dreg:s10], $0x2FFFF;
	_ =	strace $0x9FFFFFFF  }
0xc8: {  	(tm) =	ssettm $0x7FFFFFFF  }
0xc9: {  	_ =	shalt  }
tec
execute0_lowered:
.L_overlay_start_1:
0x0: {  	(tag) =	ssettag $0x1  }
0x1: {  	s0 =	rddreg [dreg:$0x0]  }
0x2: {  	s2 =	rddreg [dreg:$0x1];
	s1 =	srdreg.scid  }
0x3: {  	s5 =	rddreg [dreg:$0x4];
	s7 =	simm.s32 $0x0;
	s6 =	stileid.u32  }
0x4: {  	s12 =	simm.s32 $0x4;
	s14 =	simm.s32 $0x9;
	s1 =	sand.u32 $0x1, s1  }
.Ltmp0:
0x5: {  	s15 =	simm.s32 $0x1;
	s3 =	ssub.s32 $0x2, s1;
	(pc) =	sbr.rel .LBB2_1-.Ltmp0, $4  }
0x6: {  	s17 =	simm.s32 $0x2;
	s19 =	simm.s32 $0x3;
	s4 =	sshrl.u32 s3, $0x1  }
0x7: {  	[smem:$0x7FF] =	sst s7;
	s30 =	sshll.u32 s6, $0x1;
	s3 =	ssub.s32 s3, s4  }
0x8: {  	_ =	strace $0x80000047;
	s8 =	sor.u32 s1, s30;
	s31 =	smax.u32 s3, $0x1  }
0x9: {  	v0 =	vlaneseq.u32;
	v1 =	vimm.bf16 $0.0e+00;
	p0 =	sgt.u32 s8, $0x10;
	s4 =	simm.s32 $0x0;
	[dreg:$0x6] =	wrdreg s31  }
.LBB2_31:
0xa: {  	s1 =	simm.s32 $0x5  }
0xb: {  	_ =	swait.ge [sflag:s1], $0x4000  }
0xc: {  	[sflag:s1] =	ssyncset.done $0x0  }
0xd: {  	s30 =	simm.s32 $0x6;
	[sflag:s1] =	ssyncadd.s32 $0xFFFFC000  }
0xe: {  	_ =	swait.ge [sflag:s30], $0x4000  }
0xf: {  	[sflag:s30] =	ssyncset.done $0x0  }
0x10: {  	s31 =	simm.s32 $0x7;
	[sflag:s30] =	ssyncadd.s32 $0xFFFFC000  }
0x11: {  	_ =	swait.ge [sflag:s31], $0x4000  }
0x12: {  	[sflag:s31] =	ssyncset.done $0x0  }
0x13: {  	s1 =	simm.s32 @!p0 $0x8;
	[sflag:s31] =	ssyncadd.s32 $0xFFFFC000  }
0x14: {  	_ =	swait.ge @!p0 [sflag:s1], $0x4000  }
0x15: {  	s4 =	rddreg [dreg:$0x7]  }
0x16: {  	s3 =	rddreg [dreg:$0x6];
	s4 =	sadd.s32 $0x1, s4  }
0x17: {  	p1 =	sne.s32 s4, s3  }
.Ltmp1:
0x18: {  	_ = 	snop;
	(pc) =	sbr.rel @!p1 .LBB2_32-.Ltmp1, $3  }
0x19: {  	_ =	sdelay $0x1  }
0x1a: {  	[sflag:s1] =	ssyncset.done @!p0 $0x0  }
0x1b: {  	[sflag:s1] =	ssyncadd.s32 @!p0 $0xFFFFC000  }
.LBB2_1:
.Ltmp2:
0x1c: {  	[dreg:$0x7] =	wrdreg s4;
	(pc) =	sbr.rel .LBB2_2-.Ltmp2, $4  }
0x1d: {  	s1 =	rddreg [dreg:$0x2];
	s3 =	simm.s32 $0x10200  }
0x1e: {  	[tilespmem:s3], [sflag:$0x9] =	stream.linear.gather [hbm4b:s1+s7], $0x2080, $0x38;
	[tilespmem:$0x18500] =	vst v63  }
0x1f: {  	s30 =	rddreg [dreg:$0x3];
	s31 =	simm.s32 $0x12280;
	s25 =	simm.s32 $0x0  }
0x20: {  	[tilespmem:s31], [sflag:$0x9] =	stream.linear.gather [hbm4b:s30+s7], $0x2080, $0x38;
	[tilespmem:$0x18500] =	vst v63  }
.LBB2_30:
0x21: {  	s25 =	sadd.s32 $0x1, s25  }
0x22: {  	p1 =	sne.s32 s25, $0x6  }
.Ltmp3:
0x23: {  	_ = 	snop;
	(pc) =	sbr.rel @!p1 .LBB2_31-.Ltmp3, $1  }
0x24: {  	_ =	sdelay $0x3  }
.LBB2_2:
0x25: {  	s1 =	sshll.u32 s25, $0x7  }
0x26: {  	s26 =	sor.u32 s8, s1  }
0x27: {  	p1 =	sne.s32 s25, $0x5;
	p2 =	slt.u32 s26, $0x271  }
0x28: {  	p2 =	por !p1, !p2  }
0x29: {  	p3 =	por !p2, !p2  }
0x2a: {  	p2 =	seq.s32 @p3 s25, $0x0  }
0x2b: {  	p2 =	por p2, !p3  }
0x2c: {  	s4 =	sshll.u32 s25, $0x2;
	s1 =	simm.s32 @!p2 $0x5  }
0x2d: {  	s30 =	sadd.s32 $0xFFFFFFFF, s4;
	_ =	swait.ge @!p2 [sflag:s1], $0x4000  }
0x2e: {  	s31 =	sshll.u32 s30, $0x5;
	[sflag:s1] =	ssyncset.done @!p2 $0x0  }
0x2f: {  	s28 =	sor.u32 s8, s31;
	[sflag:s1] =	ssyncadd.s32 @!p2 $0xFFFFC000;
	p2 =	sgt.u32 s30, $0x13  }
0x30: {  	p4 =	sgt.s32 @!p2 s28, $0x270  }
0x31: {  	s3 =	sshll.u32 @p3 s26, $0x4;
	p2 =	por p2, p4  }
.Ltmp4:
0x32: {  	s1 =	sadd.s32 @p3 s2, s3;
	s3 =	simm.s32 @p3 $0x0;
	(pc) =	sbr.rel @p2 .LBB2_8-.Ltmp4, $4  }
0x33: {  	[tilespmem:s3], [sflag:$0x1] =	stream.linear.gather @p3 [hbm4b:s1+s3], $0x80, $0x38;
	[tilespmem:$0x18500] =	vst v63  }
0x34: {  	s1 =	sshll.u32 @p3 s26, $0xB  }
0x35: {  	s6 =	simm.s32 @p3 $0x200;
	s1 =	sadd.s32 @p3 s0, s1  }
0x36: {  	[tilespmem:s6], [sflag:$0x1] =	stream.linear.gather @p3 [hbm4b:s1+s3], $0x4000, $0x38;
	[tilespmem:$0x18500] =	vst v63  }
0x37: {  	_ =	swait.ge [sflag:s12], $0x80  }
0x38: {  	[sflag:s12] =	ssyncset.done $0x0  }
0x39: {  	[sflag:s12] =	ssyncadd.s32 $0xFFFFFF80  }
0x3a: {  	_ =	swait.ge [sflag:s12], $0x4000  }
0x3b: {  	s29 =	simm.s32 $0x0;
	[sflag:s12] =	ssyncset.done $0x0  }
0x3c: {  	s30 =	simm.s32 $0xC3F0;
	s31 =	simm.s32 $0x0;
	[sflag:s12] =	ssyncadd.s32 $0xFFFFC000  }
.LBB2_4:
0x3d: {  	s1 =	sshll.u32 s31, $0x4  }
0x3e: {  	v2 =	vld [tilespmem:s1+$0x180];
	_ =	sdelay $0x4  }
0x3f: {  	v3 =	vshra.s32 v2, $0x10;
	v2 =	vand.u32 $0xFFFF, v2  }
0x40: {  	v2 =	vmin.u32 v2, $0x41;
	vm0 =	vlt.s32 v3, $0x41  }
0x41: {  	v4 =	vnsel vm0, $0x41, v3;
	v2 =	vshll.u32 v2, $0x10  }
0x42: {  	v2 =	vadd.s32 v2, v4  }
0x43: {  	s11 =	simm.s32 $0x1;
	vm7 =	veq.s32 v3, $0x0;
	v3 =	vmov s29;
	v2 =	vadd.s32 $0x7FFF0041, v2  }
0x44: {  	s13 =	simm.s32 $0x2;
	vm8 =	veq.s32 v3, v0;
	v3 =	vmov s11;
	v2 =	vsel vm7, $0x80410083, v2  }
0x45: {  	s16 =	simm.s32 $0x3;
	vm9 =	veq.s32 v3, v0;
	v3 =	vmov s13;
	v4 =	vnsel vm8, $0x80000000, v2  }
0x46: {  	vm10 =	veq.s32 v3, v0;
	v3 =	vmov s16;
	v5 =	vnsel vm9, $0x80000000, v2;
	(xrf0) =	vmax.scan.msk.u32 $0xffff, v4  }
0x47: {  	vm11 =	veq.s32 v3, v0;
	v4 =	vnsel vm10, $0x80000000, v2;
	(xrf0) =	vmax.scan.msk.u32 $0xffff, v5  }
0x48: {  	v3 =	vnsel vm11, $0x80000000, v2;
	(xrf0) =	vmax.scan.msk.u32 $0xffff, v4  }
0x49: {  	(xrf0) =	vmax.scan.msk.u32 $0xffff, v3;
	_ =	sdelay $0x2  }
0x4a: {  	v3, _, _ =	vpop (xrf0)  }
0x4b: {  	v4, _, _ =	vpop (xrf0);
	(v2sf) =	vpush v3, $0xF  }
0x4c: {  	(v2sf) =	vpush v4, $0xF;
	v3, _, _ =	vpop (xrf0)  }
0x4d: {  	(v2sf) =	vpush v3, $0xF;
	v3, _, _ =	vpop (xrf0)  }
0x4e: {  	(v2sf) =	vpush v3, $0xF;
	_ =	sdelay $0xb  }
0x4f: {  	s9 =	spop (v2sf)  }
0x50: {  	s3 =	spop (v2sf)  }
0x51: {  	s4 =	spop (v2sf)  }
0x52: {  	s18 =	spop (v2sf)  }
0x53: {  	s6 =	sshra.s32 s18, $0x8  }
0x54: {  	s10 =	simm.s32 $0x4;
	s1 =	sshll.u32 s18, $0x7;
	s6 =	sand.u32 $0xFFFFFF00, s6  }
0x55: {  	s20 =	simm.s32 $0x5;
	v3 =	vmov s10;
	s1 =	sand.u32 $0x7FFF80, s1;
	s6 =	sxor.u32 $0xFF800000, s6  }
0x56: {  	vm12 =	veq.s32 v3, v0;
	v3 =	vmov s20;
	s11 =	sshra.s32 s3, $0x8;
	v4 =	vld [tilespmem:s1+$0x14300];
	s13 =	sshra.s32 s6, $0x1  }
0x57: {  	v5 =	vnsel vm12, $0x80000000, v2;
	vm13 =	veq.s32 v3, v0;
	s21 =	sshll.u32 s9, $0x7;
	s22 =	sshll.u32 s3, $0x7;
	s23 =	sand.u32 $0xFFFFFF00, s11;
	v3 =	vld [tilespmem:s13+$0x14300]  }
0x58: {  	v6 =	vnsel vm13, $0x80000000, v2;
	(xrf0) =	vmax.scan.msk.u32 $0xffff, v5;
	s3 =	sand.u32 $0x7FFF80, s22;
	s16 =	sshra.s32 s4, $0x8;
	s10 =	sxor.u32 $0xFF800000, s23  }
0x59: {  	(xrf0) =	vmax.scan.msk.u32 $0xffff, v6;
	s24 =	sshll.u32 s4, $0x7;
	v6 =	vld [tilespmem:s3+$0x14300];
	s16 =	sand.u32 $0xFFFFFF00, s16;
	s4 =	sshra.s32 s10, $0x1  }
0x5a: {  	s9 =	sshra.s32 s9, $0x8;
	s10 =	sand.u32 $0x7FFF80, s24;
	s16 =	sxor.u32 $0xFF800000, s16;
	v7 =	vld [tilespmem:s4+$0x14300]  }
0x5b: {  	s9 =	sand.u32 $0xFFFFFF00, s9;
	v8 =	vld [tilespmem:s10+$0x14300];
	s11 =	sshra.s32 s16, $0x1  }
0x5c: {  	s9 =	sxor.u32 $0xFF800000, s9;
	s6 =	sand.u32 $0x7FFF80, s21;
	v11 =	vld [tilespmem:s11+$0x14300];
	v10 =	vunpack.i.l.bf16.f32 v4;
	v9 =	vunpack.i.l.bf16.f32 v3  }
0x5d: {  	s21 =	sshra.s32 s9, $0x1;
	v5 =	vld [tilespmem:s6+$0x14300];
	v4 =	vunpack.i.u.bf16.f32 v4;
	v3 =	vunpack.i.u.bf16.f32 v3;
	v9 =	vadd.f32 v10, v9  }
0x5e: {  	v12 =	vld [tilespmem:s21+$0x14300];
	v3 =	vadd.f32 v4, v3  }
0x5f: {  	v47, _, _ =	vpop (xrf0);
	[tilespmem:s30+$0xFFFFFF90] =	vst.add.f32.msk $0xffff, v9  }
0x60: {  	(v2sf) =	vpush v47, $0xF;
	v48 =	vunpack.i.l.bf16.f32 v6;
	v4, _, _ =	vpop (xrf0);
	[tilespmem:s30+$0xFFFFFFA0] =	vst.add.f32.msk $0xffff, v3  }
0x61: {  	(v2sf) =	vpush v4, $0xF;
	v4 =	vunpack.i.l.bf16.f32 v7;
	v3 =	vunpack.i.u.bf16.f32 v7;
	v7 =	vld [tilespmem:s13+$0x14310]  }
0x62: {  	v6 =	vunpack.i.u.bf16.f32 v6;
	v4 =	vadd.f32 v48, v4;
	v50 =	vld [tilespmem:s1+$0x14310]  }
0x63: {  	v3 =	vadd.f32 v6, v3  }
0x64: {  	v49 =	vunpack.i.l.bf16.f32 v8;
	v8 =	vunpack.i.u.bf16.f32 v8;
	[tilespmem:s30+$0xFFFFFE90] =	vst.add.f32.msk $0xffff, v4;
	v4 =	vunpack.i.u.bf16.f32 v11  }
0x65: {  	v52 =	vunpack.i.l.bf16.f32 v5;
	v6 =	vunpack.i.l.bf16.f32 v11;
	[tilespmem:s30+$0xFFFFFEA0] =	vst.add.f32.msk $0xffff, v3;
	v3 =	vadd.f32 v8, v4  }
0x66: {  	v5 =	vunpack.i.u.bf16.f32 v5;
	v6 =	vadd.f32 v49, v6;
	v4 =	vunpack.i.u.bf16.f32 v12  }
0x67: {  	v4 =	vadd.f32 v5, v4;
	[tilespmem:s30+$0xFFFFFF20] =	vst.add.f32.msk $0xffff, v3;
	v3 =	vunpack.i.l.bf16.f32 v7;
	v5 =	vunpack.i.l.bf16.f32 v50  }
0x68: {  	[tilespmem:s30+$0xFFFFFF10] =	vst.add.f32.msk $0xffff, v6;
	v3 =	vadd.f32 v5, v3  }
0x69: {  	s18 =	simm.s32 $0x6;
	[tilespmem:s30+$0xFFFFFE20] =	vst.add.f32.msk $0xffff, v4  }
0x6a: {  	v4 =	vunpack.i.u.bf16.f32 v7;
	v6 =	vunpack.i.u.bf16.f32 v50;
	[tilespmem:s30+$0xFFFFFFB0] =	vst.add.f32.msk $0xffff, v3;
	v3 =	vmov s18  }
0x6b: {  	v7 =	vld [tilespmem:s3+$0x14310];
	v4 =	vadd.f32 v6, v4;
	vm14 =	veq.s32 v3, v0  }
0x6c: {  	v5 =	vld [tilespmem:s4+$0x14310];
	v3 =	vnsel vm14, $0x80000000, v2  }
0x6d: {  	v51 =	vunpack.i.l.bf16.f32 v12;
	[tilespmem:s30+$0xFFFFFFC0] =	vst.add.f32.msk $0xffff, v4;
	(xrf0) =	vmax.scan.msk.u32 $0xffff, v3  }
0x6e: {  	v8 =	vadd.f32 v52, v51;
	v4 =	vld [tilespmem:s13+$0x14320]  }
0x6f: {  	v6 =	vld [tilespmem:s1+$0x14320]  }
0x70: {  	[tilespmem:s30+$0xFFFFFE10] =	vst.add.f32.msk $0xffff, v8  }
0x71: {  	v8 =	vld [tilespmem:s11+$0x14310];
	v59 =	vunpack.i.u.bf16.f32 v7  }
0x72: {  	s23 =	spop (v2sf);
	v53 =	vld [tilespmem:s10+$0x14310];
	v7 =	vunpack.i.l.bf16.f32 v7;
	v57 =	vunpack.i.u.bf16.f32 v5;
	v5 =	vunpack.i.l.bf16.f32 v5  }
0x73: {  	s20 =	sshll.u32 s23, $0x7;
	v54 =	vld [tilespmem:s21+$0x14310];
	v5 =	vadd.f32 v7, v5;
	v58, _, _ =	vpop (xrf0)  }
0x74: {  	s9 =	sand.u32 $0x7FFF80, s20;
	v55 =	vld [tilespmem:s6+$0x14310];
	v56 =	vunpack.i.l.bf16.f32 v4;
	v13 =	vunpack.i.l.bf16.f32 v6;
	(v2sf) =	vpush v58, $0xF  }
0x75: {  	v3 =	vld [tilespmem:s9+$0x14300];
	v14 =	vunpack.i.u.bf16.f32 v4;
	v6 =	vunpack.i.u.bf16.f32 v6;
	v12 =	vadd.f32 v13, v56  }
0x76: {  	[tilespmem:s30+$0xFFFFFEB0] =	vst.add.f32.msk $0xffff, v5;
	v6 =	vadd.f32 v6, v14  }
0x77: {  	[tilespmem:s30+$0xFFFFFFD0] =	vst.add.f32.msk $0xffff, v12  }
0x78: {  	s18 =	spop (v2sf);
	[tilespmem:s30+$0xFFFFFFE0] =	vst.add.f32.msk $0xffff, v6  }
0x79: {  	v9 =	vunpack.i.l.bf16.f32 v53;
	v10 =	vunpack.i.l.bf16.f32 v54;
	s22 =	sshll.u32 s18, $0x7;
	v5 =	vunpack.i.l.bf16.f32 v55;
	v7 =	vld [tilespmem:s13+$0x14330]  }
0x7a: {  	s24 =	simm.s32 $0x7;
	s22 =	sand.u32 $0x7FFF80, s22;
	v5 =	vadd.f32 v5, v10;
	v6 =	vunpack.i.u.bf16.f32 v8;
	v8 =	vunpack.i.l.bf16.f32 v8;
	v61 =	vld [tilespmem:s1+$0x14330]  }
0x7b: {  	v62 =	vmov s24;
	v60 =	vunpack.i.u.bf16.f32 v53;
	v4 =	vld [tilespmem:s22+$0x14300];
	v8 =	vadd.f32 v9, v8  }
0x7c: {  	vm15 =	veq.s32 v62, v0;
	v15 =	vunpack.i.u.bf16.f32 v54;
	[tilespmem:s30+$0xFFFFFE30] =	vst.add.f32.msk $0xffff, v5;
	v6 =	vadd.f32 v60, v6  }
0x7d: {  	v11 =	vunpack.i.u.bf16.f32 v55;
	v12 =	vadd.f32 v59, v57;
	v9 =	vnsel vm15, $0x80000000, v2;
	[tilespmem:s30+$0xFFFFFF30] =	vst.add.f32.msk $0xffff, v8  }
0x7e: {  	(xrf0) =	vmax.scan.msk.u32 $0xffff, v9;
	v8 =	vadd.f32 v11, v15;
	[tilespmem:s30+$0xFFFFFF40] =	vst.add.f32.msk $0xffff, v6;
	v6 =	vunpack.i.l.bf16.f32 v7  }
0x7f: {  	[tilespmem:s30+$0xFFFFFEC0] =	vst.add.f32.msk $0xffff, v12;
	v7 =	vunpack.i.u.bf16.f32 v7;
	v63 =	vunpack.i.u.bf16.f32 v61;
	v5 =	vunpack.i.l.bf16.f32 v61  }
0x80: {  	s24 =	simm.s32 $0x8;
	s1 =	smov.u32 s30;
	[tilespmem:s30+$0xFFFFFE40] =	vst.add.f32.msk $0xffff, v8;
	v5 =	vadd.f32 v5, v6;
	v6 =	vadd.f32 v63, v7  }
.LBB2_5:
0x81: {  	p2 =	slt.u32 s24, $0xC;
	v7 =	vld [tilespmem:s4+$0x14320]  }
0x82: {  	[tilespmem:s1+$0x0] =	vst.add.f32.msk $0xffff, v6  }
0x83: {  	s13 =	spop (v2sf);
	v6 =	vld [tilespmem:s3+$0x14320]  }
0x84: {  	v8, _, _ =	vpop (xrf0);
	v9 =	vld [tilespmem:s11+$0x14320]  }
0x85: {  	(v2sf) =	vpush v8, $0xF;
	v8 =	vld [tilespmem:s10+$0x14320]  }
0x86: {  	s16 =	sshra.s32 s18, $0x8;
	v10 =	vld [tilespmem:s21+$0x14320];
	v11 =	vunpack.i.u.bf16.f32 v7;
	v7 =	vunpack.i.l.bf16.f32 v7  }
0x87: {  	s16 =	sand.u32 $0xFFFFFF00, s16;
	s18 =	sshll.u32 s13, $0x7;
	v12 =	vld [tilespmem:s6+$0x14320]  }
0x88: {  	s16 =	sxor.u32 $0xFF800000, s16;
	s18 =	sand.u32 $0x7FFF80, s18;
	v13 =	vunpack.i.u.bf16.f32 v6;
	v6 =	vunpack.i.l.bf16.f32 v6;
	[tilespmem:s1+$0xFFFFFFF0] =	vst.add.f32.msk $0xffff, v5  }
0x89: {  	s16 =	sshra.s32 s16, $0x1;
	v5 =	vld [tilespmem:s18+$0x14300];
	v6 =	vadd.f32 v6, v7;
	v7 =	vunpack.i.u.bf16.f32 v9;
	v9 =	vunpack.i.l.bf16.f32 v9  }
0x8a: {  	v11 =	vadd.f32 v13, v11;
	v14 =	vld [tilespmem:s16+$0x14300];
	v13 =	vunpack.i.u.bf16.f32 v8;
	v8 =	vunpack.i.l.bf16.f32 v8  }
0x8b: {  	v15 =	vunpack.i.u.bf16.f32 v10;
	v10 =	vunpack.i.l.bf16.f32 v10;
	[tilespmem:s1+$0xFFFFFED0] =	vst.add.f32.msk $0xffff, v6;
	v6 =	vadd.f32 v8, v9  }
0x8c: {  	v7 =	vadd.f32 v13, v7;
	v8 =	vunpack.i.u.bf16.f32 v12;
	v9 =	vunpack.i.l.bf16.f32 v12;
	[tilespmem:s1+$0xFFFFFEE0] =	vst.add.f32.msk $0xffff, v11  }
0x8d: {  	v9 =	vadd.f32 v9, v10;
	v8 =	vadd.f32 v8, v15;
	[tilespmem:s1+$0xFFFFFF50] =	vst.add.f32.msk $0xffff, v6  }
0x8e: {  	[tilespmem:s1+$0xFFFFFF60] =	vst.add.f32.msk $0xffff, v7  }
0x8f: {  	[tilespmem:s1+$0xFFFFFE50] =	vst.add.f32.msk $0xffff, v9  }
0x90: {  	[tilespmem:s1+$0xFFFFFE60] =	vst.add.f32.msk $0xffff, v8  }
0x91: {  	v6 =	vld [tilespmem:s4+$0x14330];
	s4 =	smov.u32 s16  }
0x92: {  	v7 =	vld [tilespmem:s3+$0x14330];
	s3 =	smov.u32 s22  }
0x93: {  	s13 =	sshra.s32 s13, $0x8;
	v8 =	vmov s24;
	v9 =	vld [tilespmem:s11+$0x14330]  }
0x94: {  	s13 =	sand.u32 $0xFFFFFF00, s13;
	vm0 =	veq.s32 v8, v0;
	s11 =	sadd.s32 $0x1, s24;
	s16 =	spop (v2sf);
	v8 =	vld [tilespmem:s10+$0x14330]  }
0x95: {  	v10 =	vnsel vm0, $0x80000000, v2;
	v11 =	vmov s11;
	s11 =	sxor.u32 $0xFF800000, s13;
	s10 =	smov.u32 s18;
	s13 =	sshra.s32 s16, $0x8;
	v12 =	vld [tilespmem:s21+$0x14330]  }
0x96: {  	vm0 =	veq.s32 v11, v0;
	s11 =	sshra.s32 s11, $0x1;
	s16 =	sshll.u32 s16, $0x7;
	s13 =	sand.u32 $0xFFFFFF00, s13;
	v11 =	vld [tilespmem:s6+$0x14330];
	v13 =	vunpack.i.u.bf16.f32 v6;
	v6 =	vunpack.i.l.bf16.f32 v6  }
0x97: {  	v15 =	vnsel vm0, $0x80000000, v2;
	s16 =	sand.u32 $0x7FFF80, s16;
	s6 =	smov.u32 s9;
	v16 =	vld [tilespmem:s11+$0x14300];
	s13 =	sxor.u32 $0xFF800000, s13;
	v17 =	vunpack.i.u.bf16.f32 v7;
	v7 =	vunpack.i.l.bf16.f32 v7  }
0x98: {  	(xrf0) =	vmax.scan.msk.u32 $0xffff, v10;
	s20 =	sshra.s32 s13, $0x1;
	v10 =	vld [tilespmem:s16+$0x14300];
	v6 =	vadd.f32 v7, v6;
	v7 =	vunpack.i.u.bf16.f32 v9;
	v9 =	vunpack.i.l.bf16.f32 v9  }
0x99: {  	v13 =	vadd.f32 v17, v13;
	(xrf0) =	vmax.scan.msk.u32 $0xffff, v15;
	v15 =	vld [tilespmem:s20+$0x14300];
	v17 =	vunpack.i.u.bf16.f32 v8;
	v8 =	vunpack.i.l.bf16.f32 v8  }
0x9a: {  	v18 =	vunpack.i.u.bf16.f32 v12;
	v12 =	vunpack.i.l.bf16.f32 v12;
	[tilespmem:s1+$0xFFFFFEF0] =	vst.add.f32.msk $0xffff, v6;
	v6 =	vadd.f32 v8, v9  }
0x9b: {  	v7 =	vadd.f32 v17, v7;
	v8 =	vunpack.i.u.bf16.f32 v11;
	v9 =	vunpack.i.l.bf16.f32 v11;
	[tilespmem:s1+$0xFFFFFF00] =	vst.add.f32.msk $0xffff, v13  }
0x9c: {  	s9 =	sshra.s32 s23, $0x8;
	v12 =	vadd.f32 v9, v12;
	v8 =	vadd.f32 v8, v18;
	[tilespmem:s1+$0xFFFFFF70] =	vst.add.f32.msk $0xffff, v6  }
0x9d: {  	s9 =	sand.u32 $0xFFFFFF00, s9;
	[tilespmem:s1+$0xFFFFFF80] =	vst.add.f32.msk $0xffff, v7  }
0x9e: {  	s9 =	sxor.u32 $0xFF800000, s9;
	v11 =	vunpack.i.l.bf16.f32 v10;
	v6, _, _ =	vpop (xrf0);
	v7 =	vunpack.i.l.bf16.f32 v15;
	[tilespmem:s1+$0xFFFFFE70] =	vst.add.f32.msk $0xffff, v12  }
0x9f: {  	s21 =	sshra.s32 s9, $0x1;
	v10 =	vunpack.i.u.bf16.f32 v10;
	v12 =	vunpack.i.u.bf16.f32 v15;
	v9, _, _ =	vpop (xrf0);
	v7 =	vadd.f32 v11, v7;
	[tilespmem:s1+$0xFFFFFE80] =	vst.add.f32.msk $0xffff, v8  }
0xa0: {  	v10 =	vadd.f32 v10, v12;
	s1 =	sadd.s32 $0x200, s1;
	v8 =	vld [tilespmem:s21+$0x14300]  }
0xa1: {  	(v2sf) =	vpush v6, $0xF;
	[tilespmem:s1+$0xFFFFFF90] =	vst.add.f32.msk $0xffff, v7  }
0xa2: {  	v6 =	vunpack.i.l.bf16.f32 v14;
	v7 =	vunpack.i.l.bf16.f32 v4;
	(v2sf) =	vpush v9, $0xF;
	[tilespmem:s1+$0xFFFFFFA0] =	vst.add.f32.msk $0xffff, v10  }
0xa3: {  	v4 =	vunpack.i.u.bf16.f32 v4;
	v9 =	vunpack.i.u.bf16.f32 v14;
	v6 =	vadd.f32 v7, v6;
	v7 =	vld [tilespmem:s20+$0x14310]  }
0xa4: {  	v10 =	vunpack.i.l.bf16.f32 v5;
	v4 =	vadd.f32 v4, v9;
	v9 =	vunpack.i.l.bf16.f32 v16;
	v11 =	vld [tilespmem:s16+$0x14310]  }
0xa5: {  	v5 =	vunpack.i.u.bf16.f32 v5;
	v9 =	vadd.f32 v10, v9;
	[tilespmem:s1+$0xFFFFFE90] =	vst.add.f32.msk $0xffff, v6;
	v6 =	vunpack.i.u.bf16.f32 v16  }
0xa6: {  	v12 =	vunpack.i.l.bf16.f32 v3;
	v10 =	vunpack.i.l.bf16.f32 v8;
	[tilespmem:s1+$0xFFFFFEA0] =	vst.add.f32.msk $0xffff, v4;
	v4 =	vadd.f32 v5, v6  }
0xa7: {  	v3 =	vunpack.i.u.bf16.f32 v3;
	v5 =	vunpack.i.u.bf16.f32 v8;
	v6 =	vadd.f32 v12, v10;
	[tilespmem:s1+$0xFFFFFF10] =	vst.add.f32.msk $0xffff, v9  }
0xa8: {  	s9 =	sadd.s32 $0x2, s24;
	v3 =	vadd.f32 v3, v5;
	[tilespmem:s1+$0xFFFFFF20] =	vst.add.f32.msk $0xffff, v4  }
0xa9: {  	v4 =	vmov s9;
	v5 =	vunpack.i.l.bf16.f32 v7;
	[tilespmem:s1+$0xFFFFFE10] =	vst.add.f32.msk $0xffff, v6;
	v6 =	vunpack.i.l.bf16.f32 v11  }
0xaa: {  	[tilespmem:s1+$0xFFFFFE20] =	vst.add.f32.msk $0xffff, v3;
	v3 =	vunpack.i.u.bf16.f32 v7;
	v7 =	vunpack.i.u.bf16.f32 v11;
	v5 =	vadd.f32 v6, v5  }
0xab: {  	vm0 =	veq.s32 v4, v0;
	v4 =	vld [tilespmem:s4+$0x14310];
	v3 =	vadd.f32 v7, v3  }
0xac: {  	v6 =	vnsel vm0, $0x80000000, v2;
	[tilespmem:s1+$0xFFFFFFB0] =	vst.add.f32.msk $0xffff, v5  }
0xad: {  	(xrf0) =	vmax.scan.msk.u32 $0xffff, v6;
	[tilespmem:s1+$0xFFFFFFC0] =	vst.add.f32.msk $0xffff, v3  }
0xae: {  	v5 =	vld [tilespmem:s20+$0x14320]  }
0xaf: {  	v6 =	vld [tilespmem:s16+$0x14320]  }
0xb0: {  	s23 =	spop (v2sf);
	v7 =	vunpack.i.u.bf16.f32 v4;
	v8 =	vunpack.i.l.bf16.f32 v4;
	v9 =	vld [tilespmem:s3+$0x14310]  }
0xb1: {  	s18 =	spop (v2sf);
	v10 =	vld [tilespmem:s11+$0x14310]  }
0xb2: {  	v11 =	vld [tilespmem:s10+$0x14310]  }
0xb3: {  	s9 =	sshll.u32 s23, $0x7;
	v3, _, _ =	vpop (xrf0);
	v12 =	vld [tilespmem:s21+$0x14310]  }
0xb4: {  	s9 =	sand.u32 $0x7FFF80, s9;
	s13 =	sshll.u32 s18, $0x7;
	v4 =	vunpack.i.l.bf16.f32 v5;
	(v2sf) =	vpush v3, $0xF;
	v13 =	vld [tilespmem:s6+$0x14310];
	v14 =	vunpack.i.l.bf16.f32 v6  }
0xb5: {  	s22 =	sand.u32 $0x7FFF80, s13;
	v5 =	vunpack.i.u.bf16.f32 v5;
	v6 =	vunpack.i.u.bf16.f32 v6;
	v3 =	vld [tilespmem:s9+$0x14300];
	v14 =	vadd.f32 v14, v4  }
0xb6: {  	v15 =	vunpack.i.u.bf16.f32 v9;
	v9 =	vunpack.i.l.bf16.f32 v9;
	v5 =	vadd.f32 v6, v5;
	v4 =	vld [tilespmem:s22+$0x14300]  }
0xb7: {  	v6 =	vunpack.i.u.bf16.f32 v10;
	v10 =	vunpack.i.l.bf16.f32 v10;
	v16 =	vunpack.i.u.bf16.f32 v11;
	[tilespmem:s1+$0xFFFFFFD0] =	vst.add.f32.msk $0xffff, v14  }
0xb8: {  	v11 =	vunpack.i.l.bf16.f32 v11;
	v14 =	vunpack.i.u.bf16.f32 v12;
	v12 =	vunpack.i.l.bf16.f32 v12;
	[tilespmem:s1+$0xFFFFFFE0] =	vst.add.f32.msk $0xffff, v5  }
0xb9: {  	v8 =	vadd.f32 v9, v8;
	v5 =	vunpack.i.u.bf16.f32 v13;
	v13 =	vunpack.i.l.bf16.f32 v13;
	v9 =	vld [tilespmem:s20+$0x14330]  }
0xba: {  	s13 =	sadd.s32 $0x3, s24;
	v7 =	vadd.f32 v15, v7;
	v10 =	vadd.f32 v11, v10;
	v11 =	vld [tilespmem:s16+$0x14330]  }
0xbb: {  	v15 =	vmov s13;
	v6 =	vadd.f32 v16, v6;
	v12 =	vadd.f32 v13, v12;
	[tilespmem:s1+$0xFFFFFEB0] =	vst.add.f32.msk $0xffff, v8  }
.Ltmp5:
0xbc: {  	vm0 =	veq.s32 v15, v0;
	v5 =	vadd.f32 v5, v14;
	[tilespmem:s1+$0xFFFFFEC0] =	vst.add.f32.msk $0xffff, v7;
	(pc) =	sbr.rel @p2 .LBB2_5-.Ltmp5, $4  }
0xbd: {  	v7 =	vnsel vm0, $0x80000000, v2;
	[tilespmem:s1+$0xFFFFFF30] =	vst.add.f32.msk $0xffff, v10  }
0xbe: {  	(xrf0) =	vmax.scan.msk.u32 $0xffff, v7;
	[tilespmem:s1+$0xFFFFFF40] =	vst.add.f32.msk $0xffff, v6;
	v6 =	vunpack.i.l.bf16.f32 v9  }
0xbf: {  	v7 =	vunpack.i.u.bf16.f32 v9;
	[tilespmem:s1+$0xFFFFFE30] =	vst.add.f32.msk $0xffff, v12;
	v8 =	vunpack.i.u.bf16.f32 v11;
	v9 =	vunpack.i.l.bf16.f32 v11  }
0xc0: {  	s24 =	sadd.s32 $0x4, s24;
	[tilespmem:s1+$0xFFFFFE40] =	vst.add.f32.msk $0xffff, v5;
	v5 =	vadd.f32 v9, v6;
	v6 =	vadd.f32 v8, v7  }
0xc1: {  	v2 =	vld [tilespmem:s4+$0x14320]  }
0xc2: {  	v20 =	vld [tilespmem:s3+$0x14320]  }
0xc3: {  	v21 =	vld [tilespmem:s11+$0x14320]  }
0xc4: {  	v8 =	vld [tilespmem:s10+$0x14320]  }
0xc5: {  	v9 =	vld [tilespmem:s21+$0x14320]  }
0xc6: {  	v10 =	vld [tilespmem:s6+$0x14320];
	v7, _, _ =	vpop (xrf0)  }
0xc7: {  	(v2sf) =	vpush v7, $0xF  }
0xc8: {  	v11 =	vunpack.i.l.bf16.f32 v2;
	v12 =	vunpack.i.l.bf16.f32 v20  }
0xc9: {  	[tilespmem:s1+$0x0] =	vst.add.f32.msk $0xffff, v6;
	v2 =	vunpack.i.u.bf16.f32 v2;
	v22 =	vunpack.i.u.bf16.f32 v20;
	v11 =	vadd.f32 v12, v11  }
0xca: {  	[tilespmem:s1+$0xFFFFFFF0] =	vst.add.f32.msk $0xffff, v5;
	v24 =	vunpack.i.l.bf16.f32 v21;
	v25 =	vunpack.i.l.bf16.f32 v8;
	v2 =	vadd.f32 v22, v2  }
0xcb: {  	v26 =	vunpack.i.l.bf16.f32 v9;
	v27 =	vunpack.i.l.bf16.f32 v10;
	v5 =	vadd.f32 v25, v24;
	[tilespmem:s1+$0xFFFFFED0] =	vst.add.f32.msk $0xffff, v11  }
0xcc: {  	v28 =	vunpack.i.u.bf16.f32 v9;
	v29 =	vunpack.i.u.bf16.f32 v10;
	v30 =	vadd.f32 v27, v26;
	[tilespmem:s1+$0xFFFFFEE0] =	vst.add.f32.msk $0xffff, v2  }
0xcd: {  	v31 =	vadd.f32 v29, v28;
	[tilespmem:s1+$0xFFFFFF50] =	vst.add.f32.msk $0xffff, v5  }
0xce: {  	[tilespmem:s1+$0xFFFFFE50] =	vst.add.f32.msk $0xffff, v30  }
0xcf: {  	[tilespmem:s1+$0xFFFFFE60] =	vst.add.f32.msk $0xffff, v31  }
0xd0: {  	v7 =	vunpack.i.u.bf16.f32 v21;
	v8 =	vunpack.i.u.bf16.f32 v8;
	v32 =	vld [tilespmem:s4+$0x14330]  }
0xd1: {  	v2 =	vadd.f32 v8, v7;
	v33 =	vld [tilespmem:s3+$0x14330]  }
0xd2: {  	v5 =	vld [tilespmem:s6+$0x14330]  }
0xd3: {  	s16 =	sshra.s32 s18, $0x8;
	[tilespmem:s1+$0xFFFFFF60] =	vst.add.f32.msk $0xffff, v2  }
0xd4: {  	s16 =	sand.u32 $0xFFFFFF00, s16;
	s13 =	spop (v2sf);
	v2 =	vld [tilespmem:s21+$0x14330]  }
0xd5: {  	s20 =	sxor.u32 $0xFF800000, s16;
	s24 =	sshll.u32 s13, $0x7;
	v34 =	vld [tilespmem:s11+$0x14330]  }
0xd6: {  	s16 =	sand.u32 $0x7FFF80, s24;
	s24 =	sshra.s32 s20, $0x1;
	v35 =	vld [tilespmem:s10+$0x14330];
	v14 =	vunpack.i.l.bf16.f32 v32;
	v15 =	vunpack.i.l.bf16.f32 v33;
	s20 =	spop (v2sf)  }
0xd7: {  	v23 =	vld [tilespmem:s16+$0x14300];
	v14 =	vadd.f32 v15, v14;
	s18 =	sshra.s32 s20, $0x8  }
0xd8: {  	v13 =	vld [tilespmem:s24+$0x14300];
	v7 =	vunpack.i.u.bf16.f32 v32;
	s4 =	sshll.u32 s20, $0x7;
	s3 =	sand.u32 $0xFFFFFF00, s18  }
0xd9: {  	v8 =	vunpack.i.u.bf16.f32 v33;
	v18 =	vunpack.i.l.bf16.f32 v5;
	v5 =	vunpack.i.u.bf16.f32 v5;
	[tilespmem:s1+$0xFFFFFEF0] =	vst.add.f32.msk $0xffff, v14;
	s10 =	sand.u32 $0x7FFF80, s4;
	s3 =	sxor.u32 $0xFF800000, s3  }
0xda: {  	v7 =	vadd.f32 v8, v7;
	v17 =	vunpack.i.l.bf16.f32 v2;
	v2 =	vunpack.i.u.bf16.f32 v2;
	v36 =	vld [tilespmem:s10+$0x14300];
	s11 =	sshra.s32 s3, $0x1  }
0xdb: {  	v16 =	vunpack.i.l.bf16.f32 v34;
	v39 =	vunpack.i.l.bf16.f32 v35;
	v2 =	vadd.f32 v5, v2;
	s20 =	sshra.s32 s13, $0x8;
	v37 =	vld [tilespmem:s11+$0x14300]  }
0xdc: {  	v8 =	vadd.f32 v39, v16;
	[tilespmem:s1+$0xFFFFFF00] =	vst.add.f32.msk $0xffff, v7;
	s13 =	sand.u32 $0xFFFFFF00, s20  }
0xdd: {  	v9 =	vunpack.i.u.bf16.f32 v34;
	v10 =	vunpack.i.u.bf16.f32 v35;
	[tilespmem:s1+$0xFFFFFE80] =	vst.add.f32.msk $0xffff, v2;
	s3 =	sxor.u32 $0xFF800000, s13  }
0xde: {  	v47 =	vunpack.i.u.bf16.f32 v4;
	v46 =	vunpack.i.u.bf16.f32 v13;
	v9 =	vadd.f32 v10, v9;
	[tilespmem:s1+$0xFFFFFF70] =	vst.add.f32.msk $0xffff, v8;
	s20 =	sshra.s32 s23, $0x8;
	s18 =	sshra.s32 s3, $0x1  }
0xdf: {  	v45 =	vunpack.i.l.bf16.f32 v4;
	v4 =	vadd.f32 v47, v46;
	s3 =	sand.u32 $0xFFFFFF00, s20;
	v38 =	vld [tilespmem:s18+$0x14300]  }
0xe0: {  	[tilespmem:s1+$0xFFFFFF80] =	vst.add.f32.msk $0xffff, v9;
	s23 =	sadd.s32 $0x200, s1;
	s3 =	sxor.u32 $0xFF800000, s3;
	v41 =	vunpack.i.l.bf16.f32 v36;
	v40 =	vunpack.i.l.bf16.f32 v37  }
0xe1: {  	[tilespmem:s23+$0xFFFFFEA0] =	vst.add.f32.msk $0xffff, v4;
	s21 =	sshra.s32 s3, $0x1;
	v11 =	vunpack.i.u.bf16.f32 v36;
	v42 =	vunpack.i.u.bf16.f32 v37;
	v7 =	vadd.f32 v41, v40  }
0xe2: {  	v43 =	vld [tilespmem:s21+$0x14300];
	v8 =	vadd.f32 v11, v42  }
0xe3: {  	[tilespmem:s23+$0xFFFFFF90] =	vst.add.f32.msk $0xffff, v7  }
0xe4: {  	v6 =	vunpack.i.u.bf16.f32 v23;
	v52 =	vunpack.i.u.bf16.f32 v38;
	[tilespmem:s23+$0xFFFFFFA0] =	vst.add.f32.msk $0xffff, v8  }
0xe5: {  	v44 =	vunpack.i.l.bf16.f32 v13;
	v55 =	vadd.f32 v6, v52;
	v48 =	vld [tilespmem:s11+$0x14310]  }
0xe6: {  	v50 =	vunpack.i.l.bf16.f32 v23;
	v49 =	vunpack.i.l.bf16.f32 v38;
	v7 =	vadd.f32 v45, v44;
	v51 =	vld [tilespmem:s10+$0x14310]  }
0xe7: {  	v54 =	vunpack.i.l.bf16.f32 v3;
	v8 =	vadd.f32 v50, v49;
	v53 =	vunpack.i.l.bf16.f32 v43;
	[tilespmem:s23+$0xFFFFFF20] =	vst.add.f32.msk $0xffff, v55  }
0xe8: {  	v3 =	vunpack.i.u.bf16.f32 v3;
	v56 =	vunpack.i.u.bf16.f32 v43;
	v57 =	vadd.f32 v54, v53;
	[tilespmem:s23+$0xFFFFFE90] =	vst.add.f32.msk $0xffff, v7  }
0xe9: {  	v3 =	vadd.f32 v3, v56;
	[tilespmem:s23+$0xFFFFFF10] =	vst.add.f32.msk $0xffff, v8  }
0xea: {  	[tilespmem:s23+$0xFFFFFE10] =	vst.add.f32.msk $0xffff, v57  }
0xeb: {  	[tilespmem:s23+$0xFFFFFE20] =	vst.add.f32.msk $0xffff, v3  }
0xec: {  	v61 =	vld [tilespmem:s24+$0x14310]  }
0xed: {  	v62 =	vld [tilespmem:s22+$0x14310]  }
0xee: {  	v8 =	vld [tilespmem:s18+$0x14310]  }
0xef: {  	v63 =	vld [tilespmem:s16+$0x14310];
	v58 =	vunpack.i.l.bf16.f32 v48;
	v59 =	vunpack.i.l.bf16.f32 v51  }
0xf0: {  	v19 =	vld [tilespmem:s21+$0x14310];
	v3 =	vunpack.i.u.bf16.f32 v48;
	v60 =	vunpack.i.u.bf16.f32 v51;
	v4 =	vadd.f32 v59, v58  }
0xf1: {  	v20 =	vld [tilespmem:s9+$0x14310];
	v3 =	vadd.f32 v60, v3  }
0xf2: {  	[tilespmem:s23+$0xFFFFFFB0] =	vst.add.f32.msk $0xffff, v4  }
0xf3: {  	v23 =	vunpack.i.l.bf16.f32 v61;
	v24 =	vunpack.i.l.bf16.f32 v62;
	[tilespmem:s23+$0xFFFFFFC0] =	vst.add.f32.msk $0xffff, v3  }
0xf4: {  	v6 =	vunpack.i.u.bf16.f32 v61;
	v7 =	vunpack.i.u.bf16.f32 v62;
	v9 =	vadd.f32 v24, v23;
	v3 =	vld [tilespmem:s11+$0x14320]  }
0xf5: {  	v25 =	vunpack.i.l.bf16.f32 v8;
	v26 =	vunpack.i.l.bf16.f32 v63;
	v6 =	vadd.f32 v7, v6;
	v4 =	vld [tilespmem:s10+$0x14320]  }
0xf6: {  	v27 =	vunpack.i.u.bf16.f32 v8;
	v28 =	vunpack.i.u.bf16.f32 v63;
	v29 =	vadd.f32 v26, v25;
	[tilespmem:s23+$0xFFFFFEB0] =	vst.add.f32.msk $0xffff, v9  }
0xf7: {  	v7 =	vadd.f32 v28, v27;
	[tilespmem:s23+$0xFFFFFEC0] =	vst.add.f32.msk $0xffff, v6  }
0xf8: {  	[tilespmem:s23+$0xFFFFFF30] =	vst.add.f32.msk $0xffff, v29  }
0xf9: {  	[tilespmem:s23+$0xFFFFFF40] =	vst.add.f32.msk $0xffff, v7  }
0xfa: {  	v34 =	vld [tilespmem:s24+$0x14320]  }
0xfb: {  	v30 =	vunpack.i.l.bf16.f32 v19;
	v31 =	vunpack.i.l.bf16.f32 v20;
	v35 =	vld [tilespmem:s22+$0x14320]  }
0xfc: {  	v32 =	vunpack.i.u.bf16.f32 v19;
	v33 =	vunpack.i.u.bf16.f32 v20;
	v9 =	vadd.f32 v31, v30;
	v36 =	vld [tilespmem:s18+$0x14320]  }
0xfd: {  	v6 =	vadd.f32 v33, v32;
	v37 =	vld [tilespmem:s16+$0x14320]  }
0xfe: {  	[tilespmem:s23+$0xFFFFFE30] =	vst.add.f32.msk $0xffff, v9  }
0xff: {  	[tilespmem:s23+$0xFFFFFE40] =	vst.add.f32.msk $0xffff, v6;
	v21 =	vunpack.i.l.bf16.f32 v3;
	v22 =	vunpack.i.l.bf16.f32 v4  }
0x100: {  	v38 =	vld [tilespmem:s21+$0x14320];
	v3 =	vunpack.i.u.bf16.f32 v3;
	v4 =	vunpack.i.u.bf16.f32 v4;
	v14 =	vadd.f32 v22, v21  }
0x101: {  	v39 =	vld [tilespmem:s9+$0x14320];
	v3 =	vadd.f32 v4, v3  }
0x102: {  	[tilespmem:s23+$0xFFFFFFD0] =	vst.add.f32.msk $0xffff, v14  }
0x103: {  	v6 =	vunpack.i.u.bf16.f32 v34;
	v7 =	vunpack.i.u.bf16.f32 v35;
	[tilespmem:s23+$0xFFFFFFE0] =	vst.add.f32.msk $0xffff, v3  }
0x104: {  	v8 =	vunpack.i.u.bf16.f32 v36;
	v9 =	vunpack.i.u.bf16.f32 v37;
	v6 =	vadd.f32 v7, v6;
	v41 =	vld [tilespmem:s11+$0x14330]  }
0x105: {  	v40 =	vunpack.i.l.bf16.f32 v35;
	v3 =	vunpack.i.l.bf16.f32 v34;
	v47 =	vadd.f32 v9, v8;
	v42 =	vld [tilespmem:s10+$0x14330]  }
0x106: {  	v3 =	vadd.f32 v40, v3;
	v45 =	vunpack.i.l.bf16.f32 v38;
	v46 =	vunpack.i.l.bf16.f32 v39;
	[tilespmem:s23+$0xFFFFFEE0] =	vst.add.f32.msk $0xffff, v6  }
0x107: {  	v7 =	vadd.f32 v46, v45;
	[tilespmem:s23+$0xFFFFFF60] =	vst.add.f32.msk $0xffff, v47  }
0x108: {  	v43 =	vunpack.i.l.bf16.f32 v36;
	v44 =	vunpack.i.l.bf16.f32 v37;
	[tilespmem:s23+$0xFFFFFED0] =	vst.add.f32.msk $0xffff, v3  }
0x109: {  	v3 =	vadd.f32 v44, v43;
	[tilespmem:s23+$0xFFFFFE50] =	vst.add.f32.msk $0xffff, v7  }
0x10a: {  	v49 =	vld [tilespmem:s22+$0x14330]  }
0x10b: {  	v4 =	vunpack.i.u.bf16.f32 v38;
	v48 =	vunpack.i.u.bf16.f32 v39;
	[tilespmem:s23+$0xFFFFFF50] =	vst.add.f32.msk $0xffff, v3  }
0x10c: {  	v3 =	vadd.f32 v48, v4;
	v6 =	vld [tilespmem:s18+$0x14330]  }
0x10d: {  	v50 =	vld [tilespmem:s16+$0x14330]  }
0x10e: {  	[tilespmem:s23+$0xFFFFFE60] =	vst.add.f32.msk $0xffff, v3  }
0x10f: {  	v3 =	vld [tilespmem:s24+$0x14330]  }
0x110: {  	v54 =	vunpack.i.l.bf16.f32 v41;
	v11 =	vunpack.i.l.bf16.f32 v42;
	v53 =	vld [tilespmem:s21+$0x14330]  }
0x111: {  	v2 =	vadd.f32 v11, v54;
	v55 =	vld [tilespmem:s9+$0x14330]  }
0x112: {  	v12 =	vadd.f32 v18, v17;
	v51 =	vunpack.i.u.bf16.f32 v41;
	v52 =	vunpack.i.u.bf16.f32 v42  }
0x113: {  	v5 =	vadd.f32 v52, v51;
	[tilespmem:s23+$0xFFFFFFF0] =	vst.add.f32.msk $0xffff, v2;
	v2 =	vunpack.i.l.bf16.f32 v6;
	v59 =	vunpack.i.l.bf16.f32 v50  }
0x114: {  	[tilespmem:s1+$0xFFFFFE70] =	vst.add.f32.msk $0xffff, v12;
	v57 =	vunpack.i.l.bf16.f32 v49;
	v56 =	vunpack.i.l.bf16.f32 v3;
	v2 =	vadd.f32 v59, v2  }
0x115: {  	s31 =	sadd.s32 $0x1, s31;
	[tilespmem:s23+$0x0] =	vst.add.f32.msk $0xffff, v5;
	v4 =	vunpack.i.u.bf16.f32 v49;
	v3 =	vunpack.i.u.bf16.f32 v3;
	v58 =	vadd.f32 v57, v56  }
0x116: {  	p2 =	sne.s32 s31, $0x8;
	v3 =	vadd.f32 v4, v3;
	v60 =	vunpack.i.l.bf16.f32 v53;
	v61 =	vunpack.i.l.bf16.f32 v55;
	[tilespmem:s23+$0xFFFFFF70] =	vst.add.f32.msk $0xffff, v2  }
.Ltmp6:
0x117: {  	v62 =	vunpack.i.u.bf16.f32 v53;
	v63 =	vunpack.i.u.bf16.f32 v55;
	v4 =	vadd.f32 v61, v60;
	[tilespmem:s23+$0xFFFFFEF0] =	vst.add.f32.msk $0xffff, v58;
	(pc) =	sbr.rel @p2 .LBB2_4-.Ltmp6, $4  }
0x118: {  	v6 =	vunpack.i.u.bf16.f32 v6;
	v7 =	vunpack.i.u.bf16.f32 v50;
	v2 =	vadd.f32 v63, v62;
	[tilespmem:s23+$0xFFFFFF00] =	vst.add.f32.msk $0xffff, v3  }
0x119: {  	v3 =	vadd.f32 v7, v6;
	[tilespmem:s23+$0xFFFFFE70] =	vst.add.f32.msk $0xffff, v4  }
0x11a: {  	[tilespmem:s23+$0xFFFFFE80] =	vst.add.f32.msk $0xffff, v2  }
0x11b: {  	s30 =	sadd.s32 $0x800, s30;
	[tilespmem:s23+$0xFFFFFF80] =	vst.add.f32.msk $0xffff, v3  }
0x11c: {  	s1 =	sshll.u32 s28, $0xB  }
0x11d: {  	s3 =	simm.s32 $0xC200;
	s1 =	sadd.s32 s5, s1  }
0x11e: {  	[hbm4b:s1+s7] =	stream.linear.scatter [tilespmem:s3], [sflag:$0x8], $0x4000, $0x38;
	[tilespmem:$0x18500] =	vst v63  }
.LBB2_8:
0x11f: {  	s28 =	sor.u32 $0x20, s26  }
0x120: {  	p2 =	slt.u32 s28, $0x271  }
0x121: {  	p2 =	por !p1, !p2  }
0x122: {  	p2 =	por !p2, !p2  }
0x123: {  	p4 =	seq.s32 @p2 s25, $0x0  }
0x124: {  	p4 =	por p4, !p2  }
0x125: {  	s1 =	simm.s32 @!p4 $0x6  }
0x126: {  	_ =	swait.ge @!p4 [sflag:s1], $0x4000  }
0x127: {  	[sflag:s1] =	ssyncset.done @!p4 $0x0  }
0x128: {  	s3 =	simm.s32 @p2 $0x0;
	[sflag:s1] =	ssyncadd.s32 @!p4 $0xFFFFC000;
	s1 =	sshll.u32 @p2 s28, $0x4  }
.Ltmp7:
0x129: {  	s4 =	simm.s32 @p2 $0x80;
	s1 =	sadd.s32 @p2 s2, s1;
	(pc) =	sbr.rel @!p3 .LBB2_18-.Ltmp7, $4  }
0x12a: {  	[tilespmem:s4], [sflag:$0x2] =	stream.linear.gather @p2 [hbm4b:s1+s3], $0x80, $0x38;
	[tilespmem:$0x18500] =	vst v63  }
0x12b: {  	s1 =	sshll.u32 @p2 s28, $0xB  }
0x12c: {  	s4 =	simm.s32 @p2 $0x4200;
	s1 =	sadd.s32 @p2 s0, s1  }
0x12d: {  	[tilespmem:s4], [sflag:$0x2] =	stream.linear.gather @p2 [hbm4b:s1+s3], $0x4000, $0x38;
	[tilespmem:$0x18500] =	vst v63  }
0x12e: {  	p3 =	sne.s32 s25, $0x0  }
.Ltmp8:
0x12f: {  	_ = 	snop;
	(pc) =	sbr.rel @p3 .LBB2_13-.Ltmp8, $1  }
0x130: {  	_ =	sdelay $0x3  }
0x131: {  	_ =	swait.ge [sflag:s14], $0x2080  }
0x132: {  	[sflag:s14] =	ssyncset.done $0x0  }
0x133: {  	[sflag:s14] =	ssyncadd.s32 $0xFFFFDF80  }
0x134: {  	_ =	swait.ge [sflag:s14], $0x2080  }
0x135: {  	[sflag:s14] =	ssyncset.done $0x0  }
0x136: {  	s1 =	simm.s32 $0x0;
	[sflag:s14] =	ssyncadd.s32 $0xFFFFDF80  }
0x137: {  	v2 =	vld [tilespmem:s1+$0x122E0]  }
0x138: {  	v3 =	vld [tilespmem:s1+$0x122F0]  }
0x139: {  	v4 =	vld [tilespmem:s1+$0x10200]  }
0x13a: {  	v5 =	vld [tilespmem:s1+$0x10210]  }
0x13b: {  	v6 =	vld [tilespmem:s1+$0x12280]  }
0x13c: {  	v7 =	vld [tilespmem:s1+$0x12290]  }
0x13d: {  	v8 =	vld [tilespmem:s1+$0x10220]  }
0x13e: {  	v9 =	vld [tilespmem:s1+$0x122B0]  }
0x13f: {  	v2 =	vpack.i.f32.bf16 v3, v2;
	v3 =	vld [tilespmem:s1+$0x10230]  }
0x140: {  	[tilespmem:s1+$0x16430] =	vst v2;
	v2 =	vpack.i.f32.bf16 v5, v4;
	v5 =	vld [tilespmem:s1+$0x122A0]  }
0x141: {  	v10 =	vld [tilespmem:s1+$0x10250]  }
0x142: {  	[tilespmem:s1+$0x14300] =	vst v2;
	v2 =	vpack.i.f32.bf16 v7, v6;
	v7 =	vld [tilespmem:s1+$0x10240]  }
0x143: {  	v4 =	vld [tilespmem:s1+$0x122D0]  }
0x144: {  	[tilespmem:s1+$0x16400] =	vst v2;
	v2 =	vld [tilespmem:s1+$0x122C0];
	v3 =	vpack.i.f32.bf16 v3, v8  }
0x145: {  	[tilespmem:s1+$0x14310] =	vst v3;
	v5 =	vpack.i.f32.bf16 v9, v5;
	v3 =	vld [tilespmem:s1+$0x10260]  }
0x146: {  	s3 =	simm.s32 $0x80;
	[tilespmem:s1+$0x16410] =	vst v5;
	v5 =	vld [tilespmem:s1+$0x10270]  }
0x147: {  	s4 =	simm.s32 $0x400;
	v6 =	vld [tilespmem:s3+$0x122E0];
	v7 =	vpack.i.f32.bf16 v10, v7  }
.LBB2_11:
0x148: {  	p3 =	sne.s32 s4, $0x8000;
	v8 =	vld [tilespmem:s3+$0x122F0];
	[tilespmem:s1+$0x14320] =	vst v7  }
0x149: {  	v7 =	vld [tilespmem:s3+$0x10200];
	v2 =	vpack.i.f32.bf16 v4, v2  }
0x14a: {  	v4 =	vld [tilespmem:s3+$0x10210];
	[tilespmem:s1+$0x16420] =	vst v2  }
0x14b: {  	v2 =	vld [tilespmem:s3+$0x12280];
	v3 =	vpack.i.f32.bf16 v5, v3  }
0x14c: {  	v5 =	vld [tilespmem:s3+$0x12290];
	[tilespmem:s1+$0x14330] =	vst v3;
	s1 =	smov.u32 s3  }
0x14d: {  	v3 =	vld [tilespmem:s1+$0x10220];
	v6 =	vpack.i.f32.bf16 v8, v6  }
0x14e: {  	v8 =	vld [tilespmem:s1+$0x10230];
	[tilespmem:s1+$0x16430] =	vst v6  }
0x14f: {  	v4 =	vpack.i.f32.bf16 v4, v7;
	v6 =	vld [tilespmem:s1+$0x122A0]  }
0x150: {  	[tilespmem:s1+$0x14300] =	vst v4;
	v7 =	vld [tilespmem:s1+$0x122B0]  }
0x151: {  	v2 =	vpack.i.f32.bf16 v5, v2;
	v9 =	vld [tilespmem:s1+$0x10240]  }
0x152: {  	[tilespmem:s1+$0x16400] =	vst v2;
	v10 =	vld [tilespmem:s1+$0x10250]  }
.Ltmp9:
0x153: {  	v3 =	vpack.i.f32.bf16 v8, v3;
	v2 =	vld [tilespmem:s1+$0x122C0];
	(pc) =	sbr.rel @p3 .LBB2_11-.Ltmp9, $4  }
0x154: {  	[tilespmem:s1+$0x14310] =	vst v3;
	v4 =	vld [tilespmem:s1+$0x122D0]  }
0x155: {  	v5 =	vpack.i.f32.bf16 v7, v6;
	v3 =	vld [tilespmem:s1+$0x10260]  }
0x156: {  	s3 =	sshra.s32 s4, $0x2;
	[tilespmem:s1+$0x16410] =	vst v5;
	v5 =	vld [tilespmem:s1+$0x10270]  }
0x157: {  	s4 =	sadd.s32 $0x200, s4;
	v6 =	vld [tilespmem:s3+$0x122E0];
	v7 =	vpack.i.f32.bf16 v10, v9  }
0x158: {  	v8 =	vld [tilespmem:s3+$0x122F0]  }
0x159: {  	v9 =	vld [tilespmem:s3+$0x10200]  }
0x15a: {  	v10 =	vld [tilespmem:s3+$0x10210]  }
0x15b: {  	v11 =	vld [tilespmem:s3+$0x12280]  }
0x15c: {  	v12 =	vld [tilespmem:s3+$0x12290]  }
0x15d: {  	v13 =	vld [tilespmem:s3+$0x10220]  }
0x15e: {  	v53 =	vld [tilespmem:s3+$0x10230]  }
0x15f: {  	v55 =	vld [tilespmem:s3+$0x122A0]  }
0x160: {  	v56 =	vld [tilespmem:s3+$0x122B0]  }
0x161: {  	v58 =	vld [tilespmem:s3+$0x10240]  }
0x162: {  	v59 =	vld [tilespmem:s3+$0x10250];
	[tilespmem:s1+$0x14320] =	vst v7;
	v2 =	vpack.i.f32.bf16 v4, v2  }
0x163: {  	v60 =	vld [tilespmem:s3+$0x122C0];
	[tilespmem:s1+$0x16420] =	vst v2;
	v2 =	vpack.i.f32.bf16 v5, v3  }
0x164: {  	v61 =	vld [tilespmem:s3+$0x122D0];
	[tilespmem:s1+$0x14330] =	vst v2;
	v6 =	vpack.i.f32.bf16 v8, v6  }
0x165: {  	v62 =	vld [tilespmem:s3+$0x10260];
	v54 =	vpack.i.f32.bf16 v10, v9;
	[tilespmem:s3+$0x16430] =	vst v6  }
0x166: {  	v63 =	vld [tilespmem:s3+$0x10270];
	v57 =	vpack.i.f32.bf16 v12, v11;
	[tilespmem:s3+$0x14300] =	vst v54  }
0x167: {  	v8 =	vpack.i.f32.bf16 v53, v13;
	[tilespmem:s3+$0x16400] =	vst v57  }
0x168: {  	v2 =	vpack.i.f32.bf16 v59, v58;
	[tilespmem:s3+$0x14310] =	vst v8  }
0x169: {  	v6 =	vpack.i.f32.bf16 v56, v55;
	[tilespmem:s3+$0x14320] =	vst v2  }
0x16a: {  	v2 =	vpack.i.f32.bf16 v61, v60;
	[tilespmem:s3+$0x16410] =	vst v6  }
0x16b: {  	[tilespmem:s3+$0x16420] =	vst v2;
	v2 =	vpack.i.f32.bf16 v63, v62  }
0x16c: {  	[tilespmem:s3+$0x14330] =	vst v2  }
0x16d: {  	[tilespmem:$0x16380] =	vst v1  }
0x16e: {  	[tilespmem:$0x18480] =	vst v1  }
0x16f: {  	[tilespmem:$0x16390] =	vst v1  }
0x170: {  	[tilespmem:$0x18490] =	vst v1  }
0x171: {  	[tilespmem:$0x163A0] =	vst v1  }
0x172: {  	[tilespmem:$0x184A0] =	vst v1  }
0x173: {  	[tilespmem:$0x163B0] =	vst v1  }
0x174: {  	[tilespmem:$0x184B0] =	vst v1  }
.LBB2_13:
0x175: {  	_ =	swait.ge [sflag:s15], $0x80  }
0x176: {  	[sflag:s15] =	ssyncset.done $0x0  }
0x177: {  	[sflag:s15] =	ssyncadd.s32 $0xFFFFFF80  }
0x178: {  	_ =	swait.ge [sflag:s15], $0x4000  }
0x179: {  	s29 =	simm.s32 $0x0;
	[sflag:s15] =	ssyncset.done $0x0  }
0x17a: {  	s30 =	simm.s32 $0x3F0;
	s31 =	simm.s32 $0x0;
	[sflag:s15] =	ssyncadd.s32 $0xFFFFC000  }
.LBB2_14:
0x17b: {  	s1 =	sshll.u32 s31, $0x4  }
0x17c: {  	v2 =	vld [tilespmem:s1+$0x0];
	_ =	sdelay $0x4  }
0x17d: {  	v3 =	vshra.s32 v2, $0x10;
	v2 =	vand.u32 $0xFFFF, v2  }
0x17e: {  	v2 =	vmin.u32 v2, $0x41;
	vm0 =	vlt.s32 v3, $0x41  }
0x17f: {  	v4 =	vnsel vm0, $0x41, v3;
	v2 =	vshll.u32 v2, $0x10  }
0x180: {  	v2 =	vadd.s32 v2, v4  }
0x181: {  	s11 =	simm.s32 $0x1;
	vm7 =	veq.s32 v3, $0x0;
	v3 =	vmov s29;
	v2 =	vadd.s32 $0x7FFF0041, v2  }
0x182: {  	s13 =	simm.s32 $0x2;
	vm8 =	veq.s32 v3, v0;
	v3 =	vmov s11;
	v2 =	vsel vm7, $0x80410083, v2  }
0x183: {  	s16 =	simm.s32 $0x3;
	vm9 =	veq.s32 v3, v0;
	v3 =	vmov s13;
	v4 =	vnsel vm8, $0x80000000, v2  }
0x184: {  	vm10 =	veq.s32 v3, v0;
	v3 =	vmov s16;
	v5 =	vnsel vm9, $0x80000000, v2;
	(xrf0) =	vmax.scan.msk.u32 $0xffff, v4  }
0x185: {  	vm11 =	veq.s32 v3, v0;
	v4 =	vnsel vm10, $0x80000000, v2;
	(xrf0) =	vmax.scan.msk.u32 $0xffff, v5  }
0x186: {  	v3 =	vnsel vm11, $0x80000000, v2;
	(xrf0) =	vmax.scan.msk.u32 $0xffff, v4  }
0x187: {  	(xrf0) =	vmax.scan.msk.u32 $0xffff, v3;
	_ =	sdelay $0x2  }
0x188: {  	v3, _, _ =	vpop (xrf0)  }
0x189: {  	v4, _, _ =	vpop (xrf0);
	(v2sf) =	vpush v3, $0xF  }
0x18a: {  	(v2sf) =	vpush v4, $0xF;
	v3, _, _ =	vpop (xrf0)  }
0x18b: {  	(v2sf) =	vpush v3, $0xF;
	v3, _, _ =	vpop (xrf0)  }
0x18c: {  	(v2sf) =	vpush v3, $0xF;
	_ =	sdelay $0xb  }
0x18d: {  	s9 =	spop (v2sf)  }
0x18e: {  	s3 =	spop (v2sf)  }
0x18f: {  	s4 =	spop (v2sf)  }
0x190: {  	s18 =	spop (v2sf)  }
0x191: {  	s6 =	sshra.s32 s18, $0x8  }
0x192: {  	s10 =	simm.s32 $0x4;
	s1 =	sshll.u32 s18, $0x7;
	s6 =	sand.u32 $0xFFFFFF00, s6  }
0x193: {  	s20 =	simm.s32 $0x5;
	v3 =	vmov s10;
	s1 =	sand.u32 $0x7FFF80, s1;
	s6 =	sxor.u32 $0xFF800000, s6  }
0x194: {  	vm12 =	veq.s32 v3, v0;
	v3 =	vmov s20;
	s11 =	sshra.s32 s3, $0x8;
	v4 =	vld [tilespmem:s1+$0x14300];
	s13 =	sshra.s32 s6, $0x1  }
0x195: {  	v5 =	vnsel vm12, $0x80000000, v2;
	vm13 =	veq.s32 v3, v0;
	s21 =	sshll.u32 s9, $0x7;
	s22 =	sshll.u32 s3, $0x7;
	s23 =	sand.u32 $0xFFFFFF00, s11;
	v3 =	vld [tilespmem:s13+$0x14300]  }
0x196: {  	v6 =	vnsel vm13, $0x80000000, v2;
	(xrf0) =	vmax.scan.msk.u32 $0xffff, v5;
	s3 =	sand.u32 $0x7FFF80, s22;
	s16 =	sshra.s32 s4, $0x8;
	s10 =	sxor.u32 $0xFF800000, s23  }
0x197: {  	(xrf0) =	vmax.scan.msk.u32 $0xffff, v6;
	s24 =	sshll.u32 s4, $0x7;
	v6 =	vld [tilespmem:s3+$0x14300];
	s16 =	sand.u32 $0xFFFFFF00, s16;
	s4 =	sshra.s32 s10, $0x1  }
0x198: {  	s9 =	sshra.s32 s9, $0x8;
	s10 =	sand.u32 $0x7FFF80, s24;
	s16 =	sxor.u32 $0xFF800000, s16;
	v7 =	vld [tilespmem:s4+$0x14300]  }
0x199: {  	s9 =	sand.u32 $0xFFFFFF00, s9;
	v8 =	vld [tilespmem:s10+$0x14300];
	s11 =	sshra.s32 s16, $0x1  }
0x19a: {  	s9 =	sxor.u32 $0xFF800000, s9;
	s6 =	sand.u32 $0x7FFF80, s21;
	v11 =	vld [tilespmem:s11+$0x14300];
	v10 =	vunpack.i.l.bf16.f32 v4;
	v9 =	vunpack.i.l.bf16.f32 v3  }
0x19b: {  	s21 =	sshra.s32 s9, $0x1;
	v5 =	vld [tilespmem:s6+$0x14300];
	v4 =	vunpack.i.u.bf16.f32 v4;
	v3 =	vunpack.i.u.bf16.f32 v3;
	v9 =	vadd.f32 v10, v9  }
0x19c: {  	v12 =	vld [tilespmem:s21+$0x14300];
	v3 =	vadd.f32 v4, v3  }
0x19d: {  	v47, _, _ =	vpop (xrf0);
	[tilespmem:s30+$0xFFFFFF90] =	vst.add.f32.msk $0xffff, v9  }
0x19e: {  	(v2sf) =	vpush v47, $0xF;
	v48 =	vunpack.i.l.bf16.f32 v6;
	v4, _, _ =	vpop (xrf0);
	[tilespmem:s30+$0xFFFFFFA0] =	vst.add.f32.msk $0xffff, v3  }
0x19f: {  	(v2sf) =	vpush v4, $0xF;
	v4 =	vunpack.i.l.bf16.f32 v7;
	v3 =	vunpack.i.u.bf16.f32 v7;
	v7 =	vld [tilespmem:s13+$0x14310]  }
0x1a0: {  	v6 =	vunpack.i.u.bf16.f32 v6;
	v4 =	vadd.f32 v48, v4;
	v50 =	vld [tilespmem:s1+$0x14310]  }
0x1a1: {  	v3 =	vadd.f32 v6, v3  }
0x1a2: {  	v49 =	vunpack.i.l.bf16.f32 v8;
	v8 =	vunpack.i.u.bf16.f32 v8;
	[tilespmem:s30+$0xFFFFFE90] =	vst.add.f32.msk $0xffff, v4;
	v4 =	vunpack.i.u.bf16.f32 v11  }
0x1a3: {  	v52 =	vunpack.i.l.bf16.f32 v5;
	v6 =	vunpack.i.l.bf16.f32 v11;
	[tilespmem:s30+$0xFFFFFEA0] =	vst.add.f32.msk $0xffff, v3;
	v3 =	vadd.f32 v8, v4  }
0x1a4: {  	v5 =	vunpack.i.u.bf16.f32 v5;
	v6 =	vadd.f32 v49, v6;
	v4 =	vunpack.i.u.bf16.f32 v12  }
0x1a5: {  	v4 =	vadd.f32 v5, v4;
	[tilespmem:s30+$0xFFFFFF20] =	vst.add.f32.msk $0xffff, v3;
	v3 =	vunpack.i.l.bf16.f32 v7;
	v5 =	vunpack.i.l.bf16.f32 v50  }
0x1a6: {  	[tilespmem:s30+$0xFFFFFF10] =	vst.add.f32.msk $0xffff, v6;
	v3 =	vadd.f32 v5, v3  }
0x1a7: {  	s18 =	simm.s32 $0x6;
	[tilespmem:s30+$0xFFFFFE20] =	vst.add.f32.msk $0xffff, v4  }
0x1a8: {  	v4 =	vunpack.i.u.bf16.f32 v7;
	v6 =	vunpack.i.u.bf16.f32 v50;
	[tilespmem:s30+$0xFFFFFFB0] =	vst.add.f32.msk $0xffff, v3;
	v3 =	vmov s18  }
0x1a9: {  	v7 =	vld [tilespmem:s3+$0x14310];
	v4 =	vadd.f32 v6, v4;
	vm14 =	veq.s32 v3, v0  }
0x1aa: {  	v5 =	vld [tilespmem:s4+$0x14310];
	v3 =	vnsel vm14, $0x80000000, v2  }
0x1ab: {  	v51 =	vunpack.i.l.bf16.f32 v12;
	[tilespmem:s30+$0xFFFFFFC0] =	vst.add.f32.msk $0xffff, v4;
	(xrf0) =	vmax.scan.msk.u32 $0xffff, v3  }
0x1ac: {  	v8 =	vadd.f32 v52, v51;
	v4 =	vld [tilespmem:s13+$0x14320]  }
0x1ad: {  	v6 =	vld [tilespmem:s1+$0x14320]  }
0x1ae: {  	[tilespmem:s30+$0xFFFFFE10] =	vst.add.f32.msk $0xffff, v8  }
0x1af: {  	v8 =	vld [tilespmem:s11+$0x14310];
	v59 =	vunpack.i.u.bf16.f32 v7  }
0x1b0: {  	s23 =	spop (v2sf);
	v53 =	vld [tilespmem:s10+$0x14310];
	v7 =	vunpack.i.l.bf16.f32 v7;
	v57 =	vunpack.i.u.bf16.f32 v5;
	v5 =	vunpack.i.l.bf16.f32 v5  }
0x1b1: {  	s20 =	sshll.u32 s23, $0x7;
	v54 =	vld [tilespmem:s21+$0x14310];
	v5 =	vadd.f32 v7, v5;
	v58, _, _ =	vpop (xrf0)  }
0x1b2: {  	s9 =	sand.u32 $0x7FFF80, s20;
	v55 =	vld [tilespmem:s6+$0x14310];
	v56 =	vunpack.i.l.bf16.f32 v4;
	v13 =	vunpack.i.l.bf16.f32 v6;
	(v2sf) =	vpush v58, $0xF  }
0x1b3: {  	v3 =	vld [tilespmem:s9+$0x14300];
	v14 =	vunpack.i.u.bf16.f32 v4;
	v6 =	vunpack.i.u.bf16.f32 v6;
	v12 =	vadd.f32 v13, v56  }
0x1b4: {  	[tilespmem:s30+$0xFFFFFEB0] =	vst.add.f32.msk $0xffff, v5;
	v6 =	vadd.f32 v6, v14  }
0x1b5: {  	[tilespmem:s30+$0xFFFFFFD0] =	vst.add.f32.msk $0xffff, v12  }
0x1b6: {  	s18 =	spop (v2sf);
	[tilespmem:s30+$0xFFFFFFE0] =	vst.add.f32.msk $0xffff, v6  }
0x1b7: {  	v9 =	vunpack.i.l.bf16.f32 v53;
	v10 =	vunpack.i.l.bf16.f32 v54;
	s22 =	sshll.u32 s18, $0x7;
	v5 =	vunpack.i.l.bf16.f32 v55;
	v7 =	vld [tilespmem:s13+$0x14330]  }
0x1b8: {  	s24 =	simm.s32 $0x7;
	s22 =	sand.u32 $0x7FFF80, s22;
	v5 =	vadd.f32 v5, v10;
	v6 =	vunpack.i.u.bf16.f32 v8;
	v8 =	vunpack.i.l.bf16.f32 v8;
	v61 =	vld [tilespmem:s1+$0x14330]  }
0x1b9: {  	v62 =	vmov s24;
	v60 =	vunpack.i.u.bf16.f32 v53;
	v4 =	vld [tilespmem:s22+$0x14300];
	v8 =	vadd.f32 v9, v8  }
0x1ba: {  	vm15 =	veq.s32 v62, v0;
	v15 =	vunpack.i.u.bf16.f32 v54;
	[tilespmem:s30+$0xFFFFFE30] =	vst.add.f32.msk $0xffff, v5;
	v6 =	vadd.f32 v60, v6  }
0x1bb: {  	v11 =	vunpack.i.u.bf16.f32 v55;
	v12 =	vadd.f32 v59, v57;
	v9 =	vnsel vm15, $0x80000000, v2;
	[tilespmem:s30+$0xFFFFFF30] =	vst.add.f32.msk $0xffff, v8  }
0x1bc: {  	(xrf0) =	vmax.scan.msk.u32 $0xffff, v9;
	v8 =	vadd.f32 v11, v15;
	[tilespmem:s30+$0xFFFFFF40] =	vst.add.f32.msk $0xffff, v6;
	v6 =	vunpack.i.l.bf16.f32 v7  }
0x1bd: {  	[tilespmem:s30+$0xFFFFFEC0] =	vst.add.f32.msk $0xffff, v12;
	v7 =	vunpack.i.u.bf16.f32 v7;
	v63 =	vunpack.i.u.bf16.f32 v61;
	v5 =	vunpack.i.l.bf16.f32 v61  }
0x1be: {  	s24 =	simm.s32 $0x8;
	s1 =	smov.u32 s30;
	[tilespmem:s30+$0xFFFFFE40] =	vst.add.f32.msk $0xffff, v8;
	v5 =	vadd.f32 v5, v6;
	v6 =	vadd.f32 v63, v7  }
.LBB2_15:
0x1bf: {  	p3 =	slt.u32 s24, $0xC;
	v7 =	vld [tilespmem:s4+$0x14320]  }
0x1c0: {  	[tilespmem:s1+$0x0] =	vst.add.f32.msk $0xffff, v6  }
0x1c1: {  	s13 =	spop (v2sf);
	v6 =	vld [tilespmem:s3+$0x14320]  }
0x1c2: {  	v8, _, _ =	vpop (xrf0);
	v9 =	vld [tilespmem:s11+$0x14320]  }
0x1c3: {  	(v2sf) =	vpush v8, $0xF;
	v8 =	vld [tilespmem:s10+$0x14320]  }
0x1c4: {  	s16 =	sshra.s32 s18, $0x8;
	v10 =	vld [tilespmem:s21+$0x14320];
	v11 =	vunpack.i.u.bf16.f32 v7;
	v7 =	vunpack.i.l.bf16.f32 v7  }
0x1c5: {  	s16 =	sand.u32 $0xFFFFFF00, s16;
	s18 =	sshll.u32 s13, $0x7;
	v12 =	vld [tilespmem:s6+$0x14320]  }
0x1c6: {  	s16 =	sxor.u32 $0xFF800000, s16;
	s18 =	sand.u32 $0x7FFF80, s18;
	v13 =	vunpack.i.u.bf16.f32 v6;
	v6 =	vunpack.i.l.bf16.f32 v6;
	[tilespmem:s1+$0xFFFFFFF0] =	vst.add.f32.msk $0xffff, v5  }
0x1c7: {  	s16 =	sshra.s32 s16, $0x1;
	v5 =	vld [tilespmem:s18+$0x14300];
	v6 =	vadd.f32 v6, v7;
	v7 =	vunpack.i.u.bf16.f32 v9;
	v9 =	vunpack.i.l.bf16.f32 v9  }
0x1c8: {  	v11 =	vadd.f32 v13, v11;
	v14 =	vld [tilespmem:s16+$0x14300];
	v13 =	vunpack.i.u.bf16.f32 v8;
	v8 =	vunpack.i.l.bf16.f32 v8  }
0x1c9: {  	v15 =	vunpack.i.u.bf16.f32 v10;
	v10 =	vunpack.i.l.bf16.f32 v10;
	[tilespmem:s1+$0xFFFFFED0] =	vst.add.f32.msk $0xffff, v6;
	v6 =	vadd.f32 v8, v9  }
0x1ca: {  	v7 =	vadd.f32 v13, v7;
	v8 =	vunpack.i.u.bf16.f32 v12;
	v9 =	vunpack.i.l.bf16.f32 v12;
	[tilespmem:s1+$0xFFFFFEE0] =	vst.add.f32.msk $0xffff, v11  }
0x1cb: {  	v9 =	vadd.f32 v9, v10;
	v8 =	vadd.f32 v8, v15;
	[tilespmem:s1+$0xFFFFFF50] =	vst.add.f32.msk $0xffff, v6  }
0x1cc: {  	[tilespmem:s1+$0xFFFFFF60] =	vst.add.f32.msk $0xffff, v7  }
0x1cd: {  	[tilespmem:s1+$0xFFFFFE50] =	vst.add.f32.msk $0xffff, v9  }
0x1ce: {  	[tilespmem:s1+$0xFFFFFE60] =	vst.add.f32.msk $0xffff, v8  }
0x1cf: {  	v6 =	vld [tilespmem:s4+$0x14330];
	s4 =	smov.u32 s16  }
0x1d0: {  	v7 =	vld [tilespmem:s3+$0x14330];
	s3 =	smov.u32 s22  }
0x1d1: {  	s13 =	sshra.s32 s13, $0x8;
	v8 =	vmov s24;
	v9 =	vld [tilespmem:s11+$0x14330]  }
0x1d2: {  	s13 =	sand.u32 $0xFFFFFF00, s13;
	vm0 =	veq.s32 v8, v0;
	s11 =	sadd.s32 $0x1, s24;
	s16 =	spop (v2sf);
	v8 =	vld [tilespmem:s10+$0x14330]  }
0x1d3: {  	v10 =	vnsel vm0, $0x80000000, v2;
	v11 =	vmov s11;
	s11 =	sxor.u32 $0xFF800000, s13;
	s10 =	smov.u32 s18;
	s13 =	sshra.s32 s16, $0x8;
	v12 =	vld [tilespmem:s21+$0x14330]  }
0x1d4: {  	vm0 =	veq.s32 v11, v0;
	s11 =	sshra.s32 s11, $0x1;
	s16 =	sshll.u32 s16, $0x7;
	s13 =	sand.u32 $0xFFFFFF00, s13;
	v11 =	vld [tilespmem:s6+$0x14330];
	v13 =	vunpack.i.u.bf16.f32 v6;
	v6 =	vunpack.i.l.bf16.f32 v6  }
0x1d5: {  	v15 =	vnsel vm0, $0x80000000, v2;
	s16 =	sand.u32 $0x7FFF80, s16;
	s6 =	smov.u32 s9;
	v16 =	vld [tilespmem:s11+$0x14300];
	s13 =	sxor.u32 $0xFF800000, s13;
	v17 =	vunpack.i.u.bf16.f32 v7;
	v7 =	vunpack.i.l.bf16.f32 v7  }
0x1d6: {  	(xrf0) =	vmax.scan.msk.u32 $0xffff, v10;
	s20 =	sshra.s32 s13, $0x1;
	v10 =	vld [tilespmem:s16+$0x14300];
	v6 =	vadd.f32 v7, v6;
	v7 =	vunpack.i.u.bf16.f32 v9;
	v9 =	vunpack.i.l.bf16.f32 v9  }
0x1d7: {  	v13 =	vadd.f32 v17, v13;
	(xrf0) =	vmax.scan.msk.u32 $0xffff, v15;
	v15 =	vld [tilespmem:s20+$0x14300];
	v17 =	vunpack.i.u.bf16.f32 v8;
	v8 =	vunpack.i.l.bf16.f32 v8  }
0x1d8: {  	v18 =	vunpack.i.u.bf16.f32 v12;
	v12 =	vunpack.i.l.bf16.f32 v12;
	[tilespmem:s1+$0xFFFFFEF0] =	vst.add.f32.msk $0xffff, v6;
	v6 =	vadd.f32 v8, v9  }
0x1d9: {  	v7 =	vadd.f32 v17, v7;
	v8 =	vunpack.i.u.bf16.f32 v11;
	v9 =	vunpack.i.l.bf16.f32 v11;
	[tilespmem:s1+$0xFFFFFF00] =	vst.add.f32.msk $0xffff, v13  }
0x1da: {  	s9 =	sshra.s32 s23, $0x8;
	v12 =	vadd.f32 v9, v12;
	v8 =	vadd.f32 v8, v18;
	[tilespmem:s1+$0xFFFFFF70] =	vst.add.f32.msk $0xffff, v6  }
0x1db: {  	s9 =	sand.u32 $0xFFFFFF00, s9;
	[tilespmem:s1+$0xFFFFFF80] =	vst.add.f32.msk $0xffff, v7  }
0x1dc: {  	s9 =	sxor.u32 $0xFF800000, s9;
	v11 =	vunpack.i.l.bf16.f32 v10;
	v6, _, _ =	vpop (xrf0);
	v7 =	vunpack.i.l.bf16.f32 v15;
	[tilespmem:s1+$0xFFFFFE70] =	vst.add.f32.msk $0xffff, v12  }
0x1dd: {  	s21 =	sshra.s32 s9, $0x1;
	v10 =	vunpack.i.u.bf16.f32 v10;
	v12 =	vunpack.i.u.bf16.f32 v15;
	v9, _, _ =	vpop (xrf0);
	v7 =	vadd.f32 v11, v7;
	[tilespmem:s1+$0xFFFFFE80] =	vst.add.f32.msk $0xffff, v8  }
0x1de: {  	v10 =	vadd.f32 v10, v12;
	s1 =	sadd.s32 $0x200, s1;
	v8 =	vld [tilespmem:s21+$0x14300]  }
0x1df: {  	(v2sf) =	vpush v6, $0xF;
	[tilespmem:s1+$0xFFFFFF90] =	vst.add.f32.msk $0xffff, v7  }
0x1e0: {  	v6 =	vunpack.i.l.bf16.f32 v14;
	v7 =	vunpack.i.l.bf16.f32 v4;
	(v2sf) =	vpush v9, $0xF;
	[tilespmem:s1+$0xFFFFFFA0] =	vst.add.f32.msk $0xffff, v10  }
0x1e1: {  	v4 =	vunpack.i.u.bf16.f32 v4;
	v9 =	vunpack.i.u.bf16.f32 v14;
	v6 =	vadd.f32 v7, v6;
	v7 =	vld [tilespmem:s20+$0x14310]  }
0x1e2: {  	v10 =	vunpack.i.l.bf16.f32 v5;
	v4 =	vadd.f32 v4, v9;
	v9 =	vunpack.i.l.bf16.f32 v16;
	v11 =	vld [tilespmem:s16+$0x14310]  }
0x1e3: {  	v5 =	vunpack.i.u.bf16.f32 v5;
	v9 =	vadd.f32 v10, v9;
	[tilespmem:s1+$0xFFFFFE90] =	vst.add.f32.msk $0xffff, v6;
	v6 =	vunpack.i.u.bf16.f32 v16  }
0x1e4: {  	v12 =	vunpack.i.l.bf16.f32 v3;
	v10 =	vunpack.i.l.bf16.f32 v8;
	[tilespmem:s1+$0xFFFFFEA0] =	vst.add.f32.msk $0xffff, v4;
	v4 =	vadd.f32 v5, v6  }
0x1e5: {  	v3 =	vunpack.i.u.bf16.f32 v3;
	v5 =	vunpack.i.u.bf16.f32 v8;
	v6 =	vadd.f32 v12, v10;
	[tilespmem:s1+$0xFFFFFF10] =	vst.add.f32.msk $0xffff, v9  }
0x1e6: {  	s9 =	sadd.s32 $0x2, s24;
	v3 =	vadd.f32 v3, v5;
	[tilespmem:s1+$0xFFFFFF20] =	vst.add.f32.msk $0xffff, v4  }
0x1e7: {  	v4 =	vmov s9;
	v5 =	vunpack.i.l.bf16.f32 v7;
	[tilespmem:s1+$0xFFFFFE10] =	vst.add.f32.msk $0xffff, v6;
	v6 =	vunpack.i.l.bf16.f32 v11  }
0x1e8: {  	[tilespmem:s1+$0xFFFFFE20] =	vst.add.f32.msk $0xffff, v3;
	v3 =	vunpack.i.u.bf16.f32 v7;
	v7 =	vunpack.i.u.bf16.f32 v11;
	v5 =	vadd.f32 v6, v5  }
0x1e9: {  	vm0 =	veq.s32 v4, v0;
	v4 =	vld [tilespmem:s4+$0x14310];
	v3 =	vadd.f32 v7, v3  }
0x1ea: {  	v6 =	vnsel vm0, $0x80000000, v2;
	[tilespmem:s1+$0xFFFFFFB0] =	vst.add.f32.msk $0xffff, v5  }
0x1eb: {  	(xrf0) =	vmax.scan.msk.u32 $0xffff, v6;
	[tilespmem:s1+$0xFFFFFFC0] =	vst.add.f32.msk $0xffff, v3  }
0x1ec: {  	v5 =	vld [tilespmem:s20+$0x14320]  }
0x1ed: {  	v6 =	vld [tilespmem:s16+$0x14320]  }
0x1ee: {  	s23 =	spop (v2sf);
	v7 =	vunpack.i.u.bf16.f32 v4;
	v8 =	vunpack.i.l.bf16.f32 v4;
	v9 =	vld [tilespmem:s3+$0x14310]  }
0x1ef: {  	s18 =	spop (v2sf);
	v10 =	vld [tilespmem:s11+$0x14310]  }
0x1f0: {  	v11 =	vld [tilespmem:s10+$0x14310]  }
0x1f1: {  	s9 =	sshll.u32 s23, $0x7;
	v3, _, _ =	vpop (xrf0);
	v12 =	vld [tilespmem:s21+$0x14310]  }
0x1f2: {  	s9 =	sand.u32 $0x7FFF80, s9;
	s13 =	sshll.u32 s18, $0x7;
	v4 =	vunpack.i.l.bf16.f32 v5;
	(v2sf) =	vpush v3, $0xF;
	v13 =	vld [tilespmem:s6+$0x14310];
	v14 =	vunpack.i.l.bf16.f32 v6  }
0x1f3: {  	s22 =	sand.u32 $0x7FFF80, s13;
	v5 =	vunpack.i.u.bf16.f32 v5;
	v6 =	vunpack.i.u.bf16.f32 v6;
	v3 =	vld [tilespmem:s9+$0x14300];
	v14 =	vadd.f32 v14, v4  }
0x1f4: {  	v15 =	vunpack.i.u.bf16.f32 v9;
	v9 =	vunpack.i.l.bf16.f32 v9;
	v5 =	vadd.f32 v6, v5;
	v4 =	vld [tilespmem:s22+$0x14300]  }
0x1f5: {  	v6 =	vunpack.i.u.bf16.f32 v10;
	v10 =	vunpack.i.l.bf16.f32 v10;
	v16 =	vunpack.i.u.bf16.f32 v11;
	[tilespmem:s1+$0xFFFFFFD0] =	vst.add.f32.msk $0xffff, v14  }
0x1f6: {  	v11 =	vunpack.i.l.bf16.f32 v11;
	v14 =	vunpack.i.u.bf16.f32 v12;
	v12 =	vunpack.i.l.bf16.f32 v12;
	[tilespmem:s1+$0xFFFFFFE0] =	vst.add.f32.msk $0xffff, v5  }
0x1f7: {  	v8 =	vadd.f32 v9, v8;
	v5 =	vunpack.i.u.bf16.f32 v13;
	v13 =	vunpack.i.l.bf16.f32 v13;
	v9 =	vld [tilespmem:s20+$0x14330]  }
0x1f8: {  	s13 =	sadd.s32 $0x3, s24;
	v7 =	vadd.f32 v15, v7;
	v10 =	vadd.f32 v11, v10;
	v11 =	vld [tilespmem:s16+$0x14330]  }
0x1f9: {  	v15 =	vmov s13;
	v6 =	vadd.f32 v16, v6;
	v12 =	vadd.f32 v13, v12;
	[tilespmem:s1+$0xFFFFFEB0] =	vst.add.f32.msk $0xffff, v8  }
.Ltmp10:
0x1fa: {  	vm0 =	veq.s32 v15, v0;
	v5 =	vadd.f32 v5, v14;
	[tilespmem:s1+$0xFFFFFEC0] =	vst.add.f32.msk $0xffff, v7;
	(pc) =	sbr.rel @p3 .LBB2_15-.Ltmp10, $4  }
0x1fb: {  	v7 =	vnsel vm0, $0x80000000, v2;
	[tilespmem:s1+$0xFFFFFF30] =	vst.add.f32.msk $0xffff, v10  }
0x1fc: {  	(xrf0) =	vmax.scan.msk.u32 $0xffff, v7;
	[tilespmem:s1+$0xFFFFFF40] =	vst.add.f32.msk $0xffff, v6;
	v6 =	vunpack.i.l.bf16.f32 v9  }
0x1fd: {  	v7 =	vunpack.i.u.bf16.f32 v9;
	[tilespmem:s1+$0xFFFFFE30] =	vst.add.f32.msk $0xffff, v12;
	v8 =	vunpack.i.u.bf16.f32 v11;
	v9 =	vunpack.i.l.bf16.f32 v11  }
0x1fe: {  	s24 =	sadd.s32 $0x4, s24;
	[tilespmem:s1+$0xFFFFFE40] =	vst.add.f32.msk $0xffff, v5;
	v5 =	vadd.f32 v9, v6;
	v6 =	vadd.f32 v8, v7  }
0x1ff: {  	v2 =	vld [tilespmem:s4+$0x14320]  }
0x200: {  	v20 =	vld [tilespmem:s3+$0x14320]  }
0x201: {  	v21 =	vld [tilespmem:s11+$0x14320]  }
0x202: {  	v8 =	vld [tilespmem:s10+$0x14320]  }
0x203: {  	v9 =	vld [tilespmem:s21+$0x14320]  }
0x204: {  	v10 =	vld [tilespmem:s6+$0x14320];
	v7, _, _ =	vpop (xrf0)  }
0x205: {  	(v2sf) =	vpush v7, $0xF  }
0x206: {  	v11 =	vunpack.i.l.bf16.f32 v2;
	v12 =	vunpack.i.l.bf16.f32 v20  }
0x207: {  	[tilespmem:s1+$0x0] =	vst.add.f32.msk $0xffff, v6;
	v2 =	vunpack.i.u.bf16.f32 v2;
	v22 =	vunpack.i.u.bf16.f32 v20;
	v11 =	vadd.f32 v12, v11  }
0x208: {  	[tilespmem:s1+$0xFFFFFFF0] =	vst.add.f32.msk $0xffff, v5;
	v24 =	vunpack.i.l.bf16.f32 v21;
	v25 =	vunpack.i.l.bf16.f32 v8;
	v2 =	vadd.f32 v22, v2  }
0x209: {  	v26 =	vunpack.i.l.bf16.f32 v9;
	v27 =	vunpack.i.l.bf16.f32 v10;
	v5 =	vadd.f32 v25, v24;
	[tilespmem:s1+$0xFFFFFED0] =	vst.add.f32.msk $0xffff, v11  }
0x20a: {  	v28 =	vunpack.i.u.bf16.f32 v9;
	v29 =	vunpack.i.u.bf16.f32 v10;
	v30 =	vadd.f32 v27, v26;
	[tilespmem:s1+$0xFFFFFEE0] =	vst.add.f32.msk $0xffff, v2  }
0x20b: {  	v31 =	vadd.f32 v29, v28;
	[tilespmem:s1+$0xFFFFFF50] =	vst.add.f32.msk $0xffff, v5  }
0x20c: {  	[tilespmem:s1+$0xFFFFFE50] =	vst.add.f32.msk $0xffff, v30  }
0x20d: {  	[tilespmem:s1+$0xFFFFFE60] =	vst.add.f32.msk $0xffff, v31  }
0x20e: {  	v7 =	vunpack.i.u.bf16.f32 v21;
	v8 =	vunpack.i.u.bf16.f32 v8;
	v32 =	vld [tilespmem:s4+$0x14330]  }
0x20f: {  	v2 =	vadd.f32 v8, v7;
	v33 =	vld [tilespmem:s3+$0x14330]  }
0x210: {  	v5 =	vld [tilespmem:s6+$0x14330]  }
0x211: {  	s16 =	sshra.s32 s18, $0x8;
	[tilespmem:s1+$0xFFFFFF60] =	vst.add.f32.msk $0xffff, v2  }
0x212: {  	s16 =	sand.u32 $0xFFFFFF00, s16;
	s13 =	spop (v2sf);
	v2 =	vld [tilespmem:s21+$0x14330]  }
0x213: {  	s20 =	sxor.u32 $0xFF800000, s16;
	s24 =	sshll.u32 s13, $0x7;
	v34 =	vld [tilespmem:s11+$0x14330]  }
0x214: {  	s16 =	sand.u32 $0x7FFF80, s24;
	s24 =	sshra.s32 s20, $0x1;
	v35 =	vld [tilespmem:s10+$0x14330];
	v14 =	vunpack.i.l.bf16.f32 v32;
	v15 =	vunpack.i.l.bf16.f32 v33;
	s20 =	spop (v2sf)  }
0x215: {  	v23 =	vld [tilespmem:s16+$0x14300];
	v14 =	vadd.f32 v15, v14;
	s18 =	sshra.s32 s20, $0x8  }
0x216: {  	v13 =	vld [tilespmem:s24+$0x14300];
	v7 =	vunpack.i.u.bf16.f32 v32;
	s4 =	sshll.u32 s20, $0x7;
	s3 =	sand.u32 $0xFFFFFF00, s18  }
0x217: {  	v8 =	vunpack.i.u.bf16.f32 v33;
	v18 =	vunpack.i.l.bf16.f32 v5;
	v5 =	vunpack.i.u.bf16.f32 v5;
	[tilespmem:s1+$0xFFFFFEF0] =	vst.add.f32.msk $0xffff, v14;
	s10 =	sand.u32 $0x7FFF80, s4;
	s3 =	sxor.u32 $0xFF800000, s3  }
0x218: {  	v7 =	vadd.f32 v8, v7;
	v17 =	vunpack.i.l.bf16.f32 v2;
	v2 =	vunpack.i.u.bf16.f32 v2;
	v36 =	vld [tilespmem:s10+$0x14300];
	s11 =	sshra.s32 s3, $0x1  }
0x219: {  	v16 =	vunpack.i.l.bf16.f32 v34;
	v39 =	vunpack.i.l.bf16.f32 v35;
	v2 =	vadd.f32 v5, v2;
	s20 =	sshra.s32 s13, $0x8;
	v37 =	vld [tilespmem:s11+$0x14300]  }
0x21a: {  	v8 =	vadd.f32 v39, v16;
	[tilespmem:s1+$0xFFFFFF00] =	vst.add.f32.msk $0xffff, v7;
	s13 =	sand.u32 $0xFFFFFF00, s20  }
0x21b: {  	v9 =	vunpack.i.u.bf16.f32 v34;
	v10 =	vunpack.i.u.bf16.f32 v35;
	[tilespmem:s1+$0xFFFFFE80] =	vst.add.f32.msk $0xffff, v2;
	s3 =	sxor.u32 $0xFF800000, s13  }
0x21c: {  	v47 =	vunpack.i.u.bf16.f32 v4;
	v46 =	vunpack.i.u.bf16.f32 v13;
	v9 =	vadd.f32 v10, v9;
	[tilespmem:s1+$0xFFFFFF70] =	vst.add.f32.msk $0xffff, v8;
	s20 =	sshra.s32 s23, $0x8;
	s18 =	sshra.s32 s3, $0x1  }
0x21d: {  	v45 =	vunpack.i.l.bf16.f32 v4;
	v4 =	vadd.f32 v47, v46;
	s3 =	sand.u32 $0xFFFFFF00, s20;
	v38 =	vld [tilespmem:s18+$0x14300]  }
0x21e: {  	[tilespmem:s1+$0xFFFFFF80] =	vst.add.f32.msk $0xffff, v9;
	s23 =	sadd.s32 $0x200, s1;
	s3 =	sxor.u32 $0xFF800000, s3;
	v41 =	vunpack.i.l.bf16.f32 v36;
	v40 =	vunpack.i.l.bf16.f32 v37  }
0x21f: {  	[tilespmem:s23+$0xFFFFFEA0] =	vst.add.f32.msk $0xffff, v4;
	s21 =	sshra.s32 s3, $0x1;
	v11 =	vunpack.i.u.bf16.f32 v36;
	v42 =	vunpack.i.u.bf16.f32 v37;
	v7 =	vadd.f32 v41, v40  }
0x220: {  	v43 =	vld [tilespmem:s21+$0x14300];
	v8 =	vadd.f32 v11, v42  }
0x221: {  	[tilespmem:s23+$0xFFFFFF90] =	vst.add.f32.msk $0xffff, v7  }
0x222: {  	v6 =	vunpack.i.u.bf16.f32 v23;
	v52 =	vunpack.i.u.bf16.f32 v38;
	[tilespmem:s23+$0xFFFFFFA0] =	vst.add.f32.msk $0xffff, v8  }
0x223: {  	v44 =	vunpack.i.l.bf16.f32 v13;
	v55 =	vadd.f32 v6, v52;
	v48 =	vld [tilespmem:s11+$0x14310]  }
0x224: {  	v50 =	vunpack.i.l.bf16.f32 v23;
	v49 =	vunpack.i.l.bf16.f32 v38;
	v7 =	vadd.f32 v45, v44;
	v51 =	vld [tilespmem:s10+$0x14310]  }
0x225: {  	v54 =	vunpack.i.l.bf16.f32 v3;
	v8 =	vadd.f32 v50, v49;
	v53 =	vunpack.i.l.bf16.f32 v43;
	[tilespmem:s23+$0xFFFFFF20] =	vst.add.f32.msk $0xffff, v55  }
0x226: {  	v3 =	vunpack.i.u.bf16.f32 v3;
	v56 =	vunpack.i.u.bf16.f32 v43;
	v57 =	vadd.f32 v54, v53;
	[tilespmem:s23+$0xFFFFFE90] =	vst.add.f32.msk $0xffff, v7  }
0x227: {  	v3 =	vadd.f32 v3, v56;
	[tilespmem:s23+$0xFFFFFF10] =	vst.add.f32.msk $0xffff, v8  }
0x228: {  	[tilespmem:s23+$0xFFFFFE10] =	vst.add.f32.msk $0xffff, v57  }
0x229: {  	[tilespmem:s23+$0xFFFFFE20] =	vst.add.f32.msk $0xffff, v3  }
0x22a: {  	v61 =	vld [tilespmem:s24+$0x14310]  }
0x22b: {  	v62 =	vld [tilespmem:s22+$0x14310]  }
0x22c: {  	v8 =	vld [tilespmem:s18+$0x14310]  }
0x22d: {  	v63 =	vld [tilespmem:s16+$0x14310];
	v58 =	vunpack.i.l.bf16.f32 v48;
	v59 =	vunpack.i.l.bf16.f32 v51  }
0x22e: {  	v19 =	vld [tilespmem:s21+$0x14310];
	v3 =	vunpack.i.u.bf16.f32 v48;
	v60 =	vunpack.i.u.bf16.f32 v51;
	v4 =	vadd.f32 v59, v58  }
0x22f: {  	v20 =	vld [tilespmem:s9+$0x14310];
	v3 =	vadd.f32 v60, v3  }
0x230: {  	[tilespmem:s23+$0xFFFFFFB0] =	vst.add.f32.msk $0xffff, v4  }
0x231: {  	v23 =	vunpack.i.l.bf16.f32 v61;
	v24 =	vunpack.i.l.bf16.f32 v62;
	[tilespmem:s23+$0xFFFFFFC0] =	vst.add.f32.msk $0xffff, v3  }
0x232: {  	v6 =	vunpack.i.u.bf16.f32 v61;
	v7 =	vunpack.i.u.bf16.f32 v62;
	v9 =	vadd.f32 v24, v23;
	v3 =	vld [tilespmem:s11+$0x14320]  }
0x233: {  	v25 =	vunpack.i.l.bf16.f32 v8;
	v26 =	vunpack.i.l.bf16.f32 v63;
	v6 =	vadd.f32 v7, v6;
	v4 =	vld [tilespmem:s10+$0x14320]  }
0x234: {  	v27 =	vunpack.i.u.bf16.f32 v8;
	v28 =	vunpack.i.u.bf16.f32 v63;
	v29 =	vadd.f32 v26, v25;
	[tilespmem:s23+$0xFFFFFEB0] =	vst.add.f32.msk $0xffff, v9  }
0x235: {  	v7 =	vadd.f32 v28, v27;
	[tilespmem:s23+$0xFFFFFEC0] =	vst.add.f32.msk $0xffff, v6  }
0x236: {  	[tilespmem:s23+$0xFFFFFF30] =	vst.add.f32.msk $0xffff, v29  }
0x237: {  	[tilespmem:s23+$0xFFFFFF40] =	vst.add.f32.msk $0xffff, v7  }
0x238: {  	v34 =	vld [tilespmem:s24+$0x14320]  }
0x239: {  	v30 =	vunpack.i.l.bf16.f32 v19;
	v31 =	vunpack.i.l.bf16.f32 v20;
	v35 =	vld [tilespmem:s22+$0x14320]  }
0x23a: {  	v32 =	vunpack.i.u.bf16.f32 v19;
	v33 =	vunpack.i.u.bf16.f32 v20;
	v9 =	vadd.f32 v31, v30;
	v36 =	vld [tilespmem:s18+$0x14320]  }
0x23b: {  	v6 =	vadd.f32 v33, v32;
	v37 =	vld [tilespmem:s16+$0x14320]  }
0x23c: {  	[tilespmem:s23+$0xFFFFFE30] =	vst.add.f32.msk $0xffff, v9  }
0x23d: {  	[tilespmem:s23+$0xFFFFFE40] =	vst.add.f32.msk $0xffff, v6;
	v21 =	vunpack.i.l.bf16.f32 v3;
	v22 =	vunpack.i.l.bf16.f32 v4  }
0x23e: {  	v38 =	vld [tilespmem:s21+$0x14320];
	v3 =	vunpack.i.u.bf16.f32 v3;
	v4 =	vunpack.i.u.bf16.f32 v4;
	v14 =	vadd.f32 v22, v21  }
0x23f: {  	v39 =	vld [tilespmem:s9+$0x14320];
	v3 =	vadd.f32 v4, v3  }
0x240: {  	[tilespmem:s23+$0xFFFFFFD0] =	vst.add.f32.msk $0xffff, v14  }
0x241: {  	v6 =	vunpack.i.u.bf16.f32 v34;
	v7 =	vunpack.i.u.bf16.f32 v35;
	[tilespmem:s23+$0xFFFFFFE0] =	vst.add.f32.msk $0xffff, v3  }
0x242: {  	v8 =	vunpack.i.u.bf16.f32 v36;
	v9 =	vunpack.i.u.bf16.f32 v37;
	v6 =	vadd.f32 v7, v6;
	v41 =	vld [tilespmem:s11+$0x14330]  }
0x243: {  	v40 =	vunpack.i.l.bf16.f32 v35;
	v3 =	vunpack.i.l.bf16.f32 v34;
	v47 =	vadd.f32 v9, v8;
	v42 =	vld [tilespmem:s10+$0x14330]  }
0x244: {  	v3 =	vadd.f32 v40, v3;
	v45 =	vunpack.i.l.bf16.f32 v38;
	v46 =	vunpack.i.l.bf16.f32 v39;
	[tilespmem:s23+$0xFFFFFEE0] =	vst.add.f32.msk $0xffff, v6  }
0x245: {  	v7 =	vadd.f32 v46, v45;
	[tilespmem:s23+$0xFFFFFF60] =	vst.add.f32.msk $0xffff, v47  }
0x246: {  	v43 =	vunpack.i.l.bf16.f32 v36;
	v44 =	vunpack.i.l.bf16.f32 v37;
	[tilespmem:s23+$0xFFFFFED0] =	vst.add.f32.msk $0xffff, v3  }
0x247: {  	v3 =	vadd.f32 v44, v43;
	[tilespmem:s23+$0xFFFFFE50] =	vst.add.f32.msk $0xffff, v7  }
0x248: {  	v49 =	vld [tilespmem:s22+$0x14330]  }
0x249: {  	v4 =	vunpack.i.u.bf16.f32 v38;
	v48 =	vunpack.i.u.bf16.f32 v39;
	[tilespmem:s23+$0xFFFFFF50] =	vst.add.f32.msk $0xffff, v3  }
0x24a: {  	v3 =	vadd.f32 v48, v4;
	v6 =	vld [tilespmem:s18+$0x14330]  }
0x24b: {  	v50 =	vld [tilespmem:s16+$0x14330]  }
0x24c: {  	[tilespmem:s23+$0xFFFFFE60] =	vst.add.f32.msk $0xffff, v3  }
0x24d: {  	v3 =	vld [tilespmem:s24+$0x14330]  }
0x24e: {  	v54 =	vunpack.i.l.bf16.f32 v41;
	v11 =	vunpack.i.l.bf16.f32 v42;
	v53 =	vld [tilespmem:s21+$0x14330]  }
0x24f: {  	v2 =	vadd.f32 v11, v54;
	v55 =	vld [tilespmem:s9+$0x14330]  }
0x250: {  	v12 =	vadd.f32 v18, v17;
	v51 =	vunpack.i.u.bf16.f32 v41;
	v52 =	vunpack.i.u.bf16.f32 v42  }
0x251: {  	v5 =	vadd.f32 v52, v51;
	[tilespmem:s23+$0xFFFFFFF0] =	vst.add.f32.msk $0xffff, v2;
	v2 =	vunpack.i.l.bf16.f32 v6;
	v59 =	vunpack.i.l.bf16.f32 v50  }
0x252: {  	[tilespmem:s1+$0xFFFFFE70] =	vst.add.f32.msk $0xffff, v12;
	v57 =	vunpack.i.l.bf16.f32 v49;
	v56 =	vunpack.i.l.bf16.f32 v3;
	v2 =	vadd.f32 v59, v2  }
0x253: {  	s31 =	sadd.s32 $0x1, s31;
	[tilespmem:s23+$0x0] =	vst.add.f32.msk $0xffff, v5;
	v4 =	vunpack.i.u.bf16.f32 v49;
	v3 =	vunpack.i.u.bf16.f32 v3;
	v58 =	vadd.f32 v57, v56  }
0x254: {  	p3 =	sne.s32 s31, $0x8;
	v3 =	vadd.f32 v4, v3;
	v60 =	vunpack.i.l.bf16.f32 v53;
	v61 =	vunpack.i.l.bf16.f32 v55;
	[tilespmem:s23+$0xFFFFFF70] =	vst.add.f32.msk $0xffff, v2  }
.Ltmp11:
0x255: {  	v62 =	vunpack.i.u.bf16.f32 v53;
	v63 =	vunpack.i.u.bf16.f32 v55;
	v4 =	vadd.f32 v61, v60;
	[tilespmem:s23+$0xFFFFFEF0] =	vst.add.f32.msk $0xffff, v58;
	(pc) =	sbr.rel @p3 .LBB2_14-.Ltmp11, $4  }
0x256: {  	v6 =	vunpack.i.u.bf16.f32 v6;
	v7 =	vunpack.i.u.bf16.f32 v50;
	v2 =	vadd.f32 v63, v62;
	[tilespmem:s23+$0xFFFFFF00] =	vst.add.f32.msk $0xffff, v3  }
0x257: {  	v3 =	vadd.f32 v7, v6;
	[tilespmem:s23+$0xFFFFFE70] =	vst.add.f32.msk $0xffff, v4  }
0x258: {  	[tilespmem:s23+$0xFFFFFE80] =	vst.add.f32.msk $0xffff, v2  }
0x259: {  	s30 =	sadd.s32 $0x800, s30;
	[tilespmem:s23+$0xFFFFFF80] =	vst.add.f32.msk $0xffff, v3  }
0x25a: {  	s1 =	sshll.u32 s26, $0xB  }
0x25b: {  	s3 =	simm.s32 $0x200;
	s1 =	sadd.s32 s5, s1  }
0x25c: {  	[hbm4b:s1+s7] =	stream.linear.scatter [tilespmem:s3], [sflag:$0x5], $0x4000, $0x38;
	[tilespmem:$0x18500] =	vst v63  }
.LBB2_18:
0x25d: {  	s29 =	sor.u32 $0x40, s26  }
0x25e: {  	p3 =	slt.u32 s29, $0x271  }
0x25f: {  	p1 =	por !p1, !p3  }
0x260: {  	p1 =	por !p1, !p1  }
0x261: {  	p3 =	seq.s32 @p1 s25, $0x0  }
0x262: {  	p3 =	por p3, !p1  }
0x263: {  	s1 =	simm.s32 @!p3 $0x7  }
0x264: {  	_ =	swait.ge @!p3 [sflag:s1], $0x4000  }
0x265: {  	[sflag:s1] =	ssyncset.done @!p3 $0x0  }
0x266: {  	s3 =	simm.s32 @p1 $0x0;
	[sflag:s1] =	ssyncadd.s32 @!p3 $0xFFFFC000;
	s1 =	sshll.u32 @p1 s29, $0x4  }
.Ltmp12:
0x267: {  	s4 =	simm.s32 @p1 $0x100;
	s1 =	sadd.s32 @p1 s2, s1;
	(pc) =	sbr.rel @!p2 .LBB2_24-.Ltmp12, $4  }
0x268: {  	[tilespmem:s4], [sflag:$0x3] =	stream.linear.gather @p1 [hbm4b:s1+s3], $0x80, $0x38;
	[tilespmem:$0x18500] =	vst v63  }
0x269: {  	s1 =	sshll.u32 @p1 s29, $0xB  }
0x26a: {  	s4 =	simm.s32 @p1 $0x8200;
	s1 =	sadd.s32 @p1 s0, s1  }
0x26b: {  	[tilespmem:s4], [sflag:$0x3] =	stream.linear.gather @p1 [hbm4b:s1+s3], $0x4000, $0x38;
	[tilespmem:$0x18500] =	vst v63  }
0x26c: {  	_ =	swait.ge [sflag:s17], $0x80  }
0x26d: {  	[sflag:s17] =	ssyncset.done $0x0  }
0x26e: {  	[sflag:s17] =	ssyncadd.s32 $0xFFFFFF80  }
0x26f: {  	_ =	swait.ge [sflag:s17], $0x4000  }
0x270: {  	s30 =	simm.s32 $0x0;
	[sflag:s17] =	ssyncset.done $0x0  }
0x271: {  	s6 =	simm.s32 $0x43F0;
	s1 =	simm.s32 $0x0;
	[sflag:s17] =	ssyncadd.s32 $0xFFFFC000  }
.LBB2_20:
0x272: {  	s3 =	sshll.u32 s1, $0x4  }
0x273: {  	v2 =	vld [tilespmem:s3+$0x80];
	_ =	sdelay $0x4  }
0x274: {  	v3 =	vshra.s32 v2, $0x10;
	v2 =	vand.u32 $0xFFFF, v2  }
0x275: {  	v2 =	vmin.u32 v2, $0x41;
	vm0 =	vlt.s32 v3, $0x41  }
0x276: {  	v4 =	vnsel vm0, $0x41, v3;
	v2 =	vshll.u32 v2, $0x10  }
0x277: {  	v2 =	vadd.s32 v2, v4  }
0x278: {  	s18 =	simm.s32 $0x1;
	vm7 =	veq.s32 v3, $0x0;
	v3 =	vmov s30;
	v2 =	vadd.s32 $0x7FFF0041, v2  }
0x279: {  	s20 =	simm.s32 $0x2;
	vm8 =	veq.s32 v3, v0;
	v3 =	vmov s18;
	v2 =	vsel vm7, $0x80410083, v2  }
0x27a: {  	s21 =	simm.s32 $0x3;
	vm9 =	veq.s32 v3, v0;
	v3 =	vmov s20;
	v4 =	vnsel vm8, $0x80000000, v2  }
0x27b: {  	vm10 =	veq.s32 v3, v0;
	v3 =	vmov s21;
	v5 =	vnsel vm9, $0x80000000, v2;
	(xrf0) =	vmax.scan.msk.u32 $0xffff, v4  }
0x27c: {  	vm11 =	veq.s32 v3, v0;
	v4 =	vnsel vm10, $0x80000000, v2;
	(xrf0) =	vmax.scan.msk.u32 $0xffff, v5  }
0x27d: {  	v3 =	vnsel vm11, $0x80000000, v2;
	(xrf0) =	vmax.scan.msk.u32 $0xffff, v4  }
0x27e: {  	(xrf0) =	vmax.scan.msk.u32 $0xffff, v3;
	_ =	sdelay $0x2  }
0x27f: {  	v3, _, _ =	vpop (xrf0)  }
0x280: {  	v4, _, _ =	vpop (xrf0);
	(v2sf) =	vpush v3, $0xF  }
0x281: {  	(v2sf) =	vpush v4, $0xF;
	v3, _, _ =	vpop (xrf0)  }
0x282: {  	(v2sf) =	vpush v3, $0xF;
	v3, _, _ =	vpop (xrf0)  }
0x283: {  	(v2sf) =	vpush v3, $0xF;
	_ =	sdelay $0xb  }
0x284: {  	s9 =	spop (v2sf)  }
0x285: {  	s22 =	spop (v2sf)  }
0x286: {  	s10 =	spop (v2sf)  }
0x287: {  	s4 =	spop (v2sf)  }
0x288: {  	s11 =	sshra.s32 s4, $0x8  }
0x289: {  	s13 =	simm.s32 $0x4;
	s4 =	sshll.u32 s4, $0x7;
	s11 =	sand.u32 $0xFFFFFF00, s11  }
0x28a: {  	s16 =	simm.s32 $0x5;
	v3 =	vmov s13;
	s13 =	sand.u32 $0x7FFF80, s4;
	s11 =	sxor.u32 $0xFF800000, s11  }
0x28b: {  	vm12 =	veq.s32 v3, v0;
	v3 =	vmov s16;
	v4 =	vld [tilespmem:s13+$0x14300];
	s16 =	sshra.s32 s11, $0x1  }
0x28c: {  	vm13 =	veq.s32 v3, v0;
	s23 =	sshll.u32 s9, $0x7;
	s9 =	sshra.s32 s9, $0x8;
	s18 =	sshra.s32 s22, $0x8;
	v3 =	vld [tilespmem:s16+$0x14300]  }
0x28d: {  	v5 =	vnsel vm12, $0x80000000, v2;
	s24 =	sshll.u32 s22, $0x7;
	s3 =	sand.u32 $0x7FFF80, s23;
	s20 =	sand.u32 $0xFFFFFF00, s18  }
0x28e: {  	v6 =	vnsel vm13, $0x80000000, v2;
	(xrf0) =	vmax.scan.msk.u32 $0xffff, v5;
	v5 =	vld [tilespmem:s3+$0x14300];
	s4 =	sand.u32 $0x7FFF80, s24;
	s11 =	sxor.u32 $0xFF800000, s20;
	s20 =	sshra.s32 s10, $0x8  }
0x28f: {  	(xrf0) =	vmax.scan.msk.u32 $0xffff, v6;
	s21 =	sshll.u32 s10, $0x7;
	v6 =	vld [tilespmem:s4+$0x14300];
	s10 =	sshra.s32 s11, $0x1;
	s20 =	sand.u32 $0xFFFFFF00, s20  }
0x290: {  	s23 =	sand.u32 $0xFFFFFF00, s9;
	s11 =	sand.u32 $0x7FFF80, s21;
	v7 =	vld [tilespmem:s10+$0x14300];
	s22 =	sxor.u32 $0xFF800000, s20  }
0x291: {  	s24 =	sxor.u32 $0xFF800000, s23;
	v8 =	vld [tilespmem:s11+$0x14300];
	s9 =	sshra.s32 s22, $0x1;
	v10 =	vunpack.i.l.bf16.f32 v4;
	v9 =	vunpack.i.l.bf16.f32 v3  }
0x292: {  	s22 =	sshra.s32 s24, $0x1;
	v11 =	vld [tilespmem:s9+$0x14300];
	v4 =	vunpack.i.u.bf16.f32 v4;
	v3 =	vunpack.i.u.bf16.f32 v3;
	v9 =	vadd.f32 v10, v9  }
0x293: {  	v12 =	vld [tilespmem:s22+$0x14300];
	v3 =	vadd.f32 v4, v3  }
0x294: {  	v47, _, _ =	vpop (xrf0);
	[tilespmem:s6+$0xFFFFFF90] =	vst.add.f32.msk $0xffff, v9  }
0x295: {  	(v2sf) =	vpush v47, $0xF;
	v48 =	vunpack.i.l.bf16.f32 v6;
	v4, _, _ =	vpop (xrf0);
	[tilespmem:s6+$0xFFFFFFA0] =	vst.add.f32.msk $0xffff, v3  }
0x296: {  	(v2sf) =	vpush v4, $0xF;
	v4 =	vunpack.i.l.bf16.f32 v7;
	v3 =	vunpack.i.u.bf16.f32 v7;
	v7 =	vld [tilespmem:s16+$0x14310]  }
0x297: {  	v6 =	vunpack.i.u.bf16.f32 v6;
	v4 =	vadd.f32 v48, v4;
	v50 =	vld [tilespmem:s13+$0x14310]  }
0x298: {  	v3 =	vadd.f32 v6, v3  }
0x299: {  	v49 =	vunpack.i.l.bf16.f32 v8;
	v8 =	vunpack.i.u.bf16.f32 v8;
	[tilespmem:s6+$0xFFFFFE90] =	vst.add.f32.msk $0xffff, v4;
	v4 =	vunpack.i.u.bf16.f32 v11  }
0x29a: {  	v52 =	vunpack.i.l.bf16.f32 v5;
	v6 =	vunpack.i.l.bf16.f32 v11;
	[tilespmem:s6+$0xFFFFFEA0] =	vst.add.f32.msk $0xffff, v3;
	v3 =	vadd.f32 v8, v4  }
0x29b: {  	v5 =	vunpack.i.u.bf16.f32 v5;
	v6 =	vadd.f32 v49, v6;
	v4 =	vunpack.i.u.bf16.f32 v12  }
0x29c: {  	v4 =	vadd.f32 v5, v4;
	[tilespmem:s6+$0xFFFFFF20] =	vst.add.f32.msk $0xffff, v3;
	v3 =	vunpack.i.l.bf16.f32 v7;
	v5 =	vunpack.i.l.bf16.f32 v50  }
0x29d: {  	[tilespmem:s6+$0xFFFFFF10] =	vst.add.f32.msk $0xffff, v6;
	v3 =	vadd.f32 v5, v3  }
0x29e: {  	s20 =	simm.s32 $0x6;
	[tilespmem:s6+$0xFFFFFE20] =	vst.add.f32.msk $0xffff, v4  }
0x29f: {  	v4 =	vunpack.i.u.bf16.f32 v7;
	v6 =	vunpack.i.u.bf16.f32 v50;
	[tilespmem:s6+$0xFFFFFFB0] =	vst.add.f32.msk $0xffff, v3;
	v3 =	vmov s20  }
0x2a0: {  	v7 =	vld [tilespmem:s4+$0x14310];
	v4 =	vadd.f32 v6, v4;
	vm14 =	veq.s32 v3, v0  }
0x2a1: {  	v5 =	vld [tilespmem:s10+$0x14310];
	v3 =	vnsel vm14, $0x80000000, v2  }
0x2a2: {  	v51 =	vunpack.i.l.bf16.f32 v12;
	[tilespmem:s6+$0xFFFFFFC0] =	vst.add.f32.msk $0xffff, v4;
	(xrf0) =	vmax.scan.msk.u32 $0xffff, v3  }
0x2a3: {  	v8 =	vadd.f32 v52, v51;
	v4 =	vld [tilespmem:s16+$0x14320]  }
0x2a4: {  	v6 =	vld [tilespmem:s13+$0x14320]  }
0x2a5: {  	[tilespmem:s6+$0xFFFFFE10] =	vst.add.f32.msk $0xffff, v8  }
0x2a6: {  	v8 =	vld [tilespmem:s9+$0x14310];
	v59 =	vunpack.i.u.bf16.f32 v7  }
0x2a7: {  	s24 =	spop (v2sf);
	v53 =	vld [tilespmem:s11+$0x14310];
	v7 =	vunpack.i.l.bf16.f32 v7;
	v57 =	vunpack.i.u.bf16.f32 v5;
	v5 =	vunpack.i.l.bf16.f32 v5  }
0x2a8: {  	s21 =	sshll.u32 s24, $0x7;
	v54 =	vld [tilespmem:s22+$0x14310];
	v5 =	vadd.f32 v7, v5;
	v58, _, _ =	vpop (xrf0)  }
0x2a9: {  	s21 =	sand.u32 $0x7FFF80, s21;
	v55 =	vld [tilespmem:s3+$0x14310];
	v56 =	vunpack.i.l.bf16.f32 v4;
	v13 =	vunpack.i.l.bf16.f32 v6;
	(v2sf) =	vpush v58, $0xF  }
0x2aa: {  	v3 =	vld [tilespmem:s21+$0x14300];
	v14 =	vunpack.i.u.bf16.f32 v4;
	v6 =	vunpack.i.u.bf16.f32 v6;
	v12 =	vadd.f32 v13, v56  }
0x2ab: {  	[tilespmem:s6+$0xFFFFFEB0] =	vst.add.f32.msk $0xffff, v5;
	v6 =	vadd.f32 v6, v14  }
0x2ac: {  	[tilespmem:s6+$0xFFFFFFD0] =	vst.add.f32.msk $0xffff, v12  }
0x2ad: {  	s20 =	spop (v2sf);
	[tilespmem:s6+$0xFFFFFFE0] =	vst.add.f32.msk $0xffff, v6  }
0x2ae: {  	v9 =	vunpack.i.l.bf16.f32 v53;
	v10 =	vunpack.i.l.bf16.f32 v54;
	s23 =	sshll.u32 s20, $0x7;
	v5 =	vunpack.i.l.bf16.f32 v55;
	v7 =	vld [tilespmem:s16+$0x14330]  }
0x2af: {  	s18 =	simm.s32 $0x7;
	s23 =	sand.u32 $0x7FFF80, s23;
	v5 =	vadd.f32 v5, v10;
	v6 =	vunpack.i.u.bf16.f32 v8;
	v8 =	vunpack.i.l.bf16.f32 v8;
	v61 =	vld [tilespmem:s13+$0x14330]  }
0x2b0: {  	v62 =	vmov s18;
	v60 =	vunpack.i.u.bf16.f32 v53;
	v4 =	vld [tilespmem:s23+$0x14300];
	v8 =	vadd.f32 v9, v8  }
0x2b1: {  	vm15 =	veq.s32 v62, v0;
	v15 =	vunpack.i.u.bf16.f32 v54;
	[tilespmem:s6+$0xFFFFFE30] =	vst.add.f32.msk $0xffff, v5;
	v6 =	vadd.f32 v60, v6  }
0x2b2: {  	v11 =	vunpack.i.u.bf16.f32 v55;
	v12 =	vadd.f32 v59, v57;
	v9 =	vnsel vm15, $0x80000000, v2;
	[tilespmem:s6+$0xFFFFFF30] =	vst.add.f32.msk $0xffff, v8  }
0x2b3: {  	(xrf0) =	vmax.scan.msk.u32 $0xffff, v9;
	v8 =	vadd.f32 v11, v15;
	[tilespmem:s6+$0xFFFFFF40] =	vst.add.f32.msk $0xffff, v6;
	v6 =	vunpack.i.l.bf16.f32 v7  }
0x2b4: {  	[tilespmem:s6+$0xFFFFFEC0] =	vst.add.f32.msk $0xffff, v12;
	v7 =	vunpack.i.u.bf16.f32 v7;
	v63 =	vunpack.i.u.bf16.f32 v61;
	v5 =	vunpack.i.l.bf16.f32 v61  }
0x2b5: {  	s31 =	smov.u32 s6;
	s16 =	simm.s32 $0x8;
	[tilespmem:s6+$0xFFFFFE40] =	vst.add.f32.msk $0xffff, v8;
	v5 =	vadd.f32 v5, v6;
	v6 =	vadd.f32 v63, v7  }
.LBB2_21:
0x2b6: {  	p2 =	slt.u32 s16, $0xC;
	v7 =	vld [tilespmem:s10+$0x14320]  }
0x2b7: {  	[tilespmem:s31+$0x0] =	vst.add.f32.msk $0xffff, v6  }
0x2b8: {  	s13 =	spop (v2sf);
	v6 =	vld [tilespmem:s4+$0x14320]  }
0x2b9: {  	v8, _, _ =	vpop (xrf0);
	v9 =	vld [tilespmem:s9+$0x14320]  }
0x2ba: {  	(v2sf) =	vpush v8, $0xF;
	v8 =	vld [tilespmem:s11+$0x14320]  }
0x2bb: {  	s18 =	sshra.s32 s20, $0x8;
	v10 =	vld [tilespmem:s22+$0x14320];
	v11 =	vunpack.i.u.bf16.f32 v7;
	v7 =	vunpack.i.l.bf16.f32 v7  }
0x2bc: {  	s18 =	sand.u32 $0xFFFFFF00, s18;
	s20 =	sshll.u32 s13, $0x7;
	v12 =	vld [tilespmem:s3+$0x14320]  }
0x2bd: {  	s18 =	sxor.u32 $0xFF800000, s18;
	s20 =	sand.u32 $0x7FFF80, s20;
	v13 =	vunpack.i.u.bf16.f32 v6;
	v6 =	vunpack.i.l.bf16.f32 v6;
	[tilespmem:s31+$0xFFFFFFF0] =	vst.add.f32.msk $0xffff, v5  }
0x2be: {  	s18 =	sshra.s32 s18, $0x1;
	v5 =	vld [tilespmem:s20+$0x14300];
	v6 =	vadd.f32 v6, v7;
	v7 =	vunpack.i.u.bf16.f32 v9;
	v9 =	vunpack.i.l.bf16.f32 v9  }
0x2bf: {  	v11 =	vadd.f32 v13, v11;
	v14 =	vld [tilespmem:s18+$0x14300];
	v13 =	vunpack.i.u.bf16.f32 v8;
	v8 =	vunpack.i.l.bf16.f32 v8  }
0x2c0: {  	v15 =	vunpack.i.u.bf16.f32 v10;
	v10 =	vunpack.i.l.bf16.f32 v10;
	[tilespmem:s31+$0xFFFFFED0] =	vst.add.f32.msk $0xffff, v6;
	v6 =	vadd.f32 v8, v9  }
0x2c1: {  	v7 =	vadd.f32 v13, v7;
	v8 =	vunpack.i.u.bf16.f32 v12;
	v9 =	vunpack.i.l.bf16.f32 v12;
	[tilespmem:s31+$0xFFFFFEE0] =	vst.add.f32.msk $0xffff, v11  }
0x2c2: {  	v9 =	vadd.f32 v9, v10;
	v8 =	vadd.f32 v8, v15;
	[tilespmem:s31+$0xFFFFFF50] =	vst.add.f32.msk $0xffff, v6  }
0x2c3: {  	[tilespmem:s31+$0xFFFFFF60] =	vst.add.f32.msk $0xffff, v7  }
0x2c4: {  	[tilespmem:s31+$0xFFFFFE50] =	vst.add.f32.msk $0xffff, v9  }
0x2c5: {  	[tilespmem:s31+$0xFFFFFE60] =	vst.add.f32.msk $0xffff, v8  }
0x2c6: {  	v6 =	vld [tilespmem:s10+$0x14330];
	s10 =	smov.u32 s18  }
0x2c7: {  	v7 =	vld [tilespmem:s4+$0x14330];
	s4 =	smov.u32 s23  }
0x2c8: {  	s13 =	sshra.s32 s13, $0x8;
	v8 =	vmov s16;
	v9 =	vld [tilespmem:s9+$0x14330]  }
0x2c9: {  	s13 =	sand.u32 $0xFFFFFF00, s13;
	vm0 =	veq.s32 v8, v0;
	s9 =	sadd.s32 $0x1, s16;
	s18 =	spop (v2sf);
	v8 =	vld [tilespmem:s11+$0x14330]  }
0x2ca: {  	v10 =	vnsel vm0, $0x80000000, v2;
	v11 =	vmov s9;
	s9 =	sxor.u32 $0xFF800000, s13;
	s11 =	smov.u32 s20;
	s13 =	sshra.s32 s18, $0x8;
	v12 =	vld [tilespmem:s22+$0x14330]  }
0x2cb: {  	vm0 =	veq.s32 v11, v0;
	s9 =	sshra.s32 s9, $0x1;
	s18 =	sshll.u32 s18, $0x7;
	s13 =	sand.u32 $0xFFFFFF00, s13;
	v11 =	vld [tilespmem:s3+$0x14330];
	v13 =	vunpack.i.u.bf16.f32 v6;
	v6 =	vunpack.i.l.bf16.f32 v6  }
0x2cc: {  	v15 =	vnsel vm0, $0x80000000, v2;
	s18 =	sand.u32 $0x7FFF80, s18;
	s3 =	smov.u32 s21;
	v16 =	vld [tilespmem:s9+$0x14300];
	s13 =	sxor.u32 $0xFF800000, s13;
	v17 =	vunpack.i.u.bf16.f32 v7;
	v7 =	vunpack.i.l.bf16.f32 v7  }
0x2cd: {  	(xrf0) =	vmax.scan.msk.u32 $0xffff, v10;
	s13 =	sshra.s32 s13, $0x1;
	v10 =	vld [tilespmem:s18+$0x14300];
	v6 =	vadd.f32 v7, v6;
	v7 =	vunpack.i.u.bf16.f32 v9;
	v9 =	vunpack.i.l.bf16.f32 v9  }
0x2ce: {  	v13 =	vadd.f32 v17, v13;
	(xrf0) =	vmax.scan.msk.u32 $0xffff, v15;
	v15 =	vld [tilespmem:s13+$0x14300];
	v17 =	vunpack.i.u.bf16.f32 v8;
	v8 =	vunpack.i.l.bf16.f32 v8  }
0x2cf: {  	v18 =	vunpack.i.u.bf16.f32 v12;
	v12 =	vunpack.i.l.bf16.f32 v12;
	[tilespmem:s31+$0xFFFFFEF0] =	vst.add.f32.msk $0xffff, v6;
	v6 =	vadd.f32 v8, v9  }
0x2d0: {  	v7 =	vadd.f32 v17, v7;
	v8 =	vunpack.i.u.bf16.f32 v11;
	v9 =	vunpack.i.l.bf16.f32 v11;
	[tilespmem:s31+$0xFFFFFF00] =	vst.add.f32.msk $0xffff, v13  }
0x2d1: {  	s20 =	sshra.s32 s24, $0x8;
	v12 =	vadd.f32 v9, v12;
	v8 =	vadd.f32 v8, v18;
	[tilespmem:s31+$0xFFFFFF70] =	vst.add.f32.msk $0xffff, v6  }
0x2d2: {  	s20 =	sand.u32 $0xFFFFFF00, s20;
	[tilespmem:s31+$0xFFFFFF80] =	vst.add.f32.msk $0xffff, v7  }
0x2d3: {  	s20 =	sxor.u32 $0xFF800000, s20;
	v11 =	vunpack.i.l.bf16.f32 v10;
	v6, _, _ =	vpop (xrf0);
	v7 =	vunpack.i.l.bf16.f32 v15;
	[tilespmem:s31+$0xFFFFFE70] =	vst.add.f32.msk $0xffff, v12  }
0x2d4: {  	s22 =	sshra.s32 s20, $0x1;
	v10 =	vunpack.i.u.bf16.f32 v10;
	v12 =	vunpack.i.u.bf16.f32 v15;
	v9, _, _ =	vpop (xrf0);
	v7 =	vadd.f32 v11, v7;
	[tilespmem:s31+$0xFFFFFE80] =	vst.add.f32.msk $0xffff, v8  }
0x2d5: {  	v10 =	vadd.f32 v10, v12;
	s31 =	sadd.s32 $0x200, s31;
	v8 =	vld [tilespmem:s22+$0x14300]  }
0x2d6: {  	(v2sf) =	vpush v6, $0xF;
	[tilespmem:s31+$0xFFFFFF90] =	vst.add.f32.msk $0xffff, v7  }
0x2d7: {  	v6 =	vunpack.i.l.bf16.f32 v14;
	v7 =	vunpack.i.l.bf16.f32 v4;
	(v2sf) =	vpush v9, $0xF;
	[tilespmem:s31+$0xFFFFFFA0] =	vst.add.f32.msk $0xffff, v10  }
0x2d8: {  	v4 =	vunpack.i.u.bf16.f32 v4;
	v9 =	vunpack.i.u.bf16.f32 v14;
	v6 =	vadd.f32 v7, v6;
	v7 =	vld [tilespmem:s13+$0x14310]  }
0x2d9: {  	v10 =	vunpack.i.l.bf16.f32 v5;
	v4 =	vadd.f32 v4, v9;
	v9 =	vunpack.i.l.bf16.f32 v16;
	v11 =	vld [tilespmem:s18+$0x14310]  }
0x2da: {  	v5 =	vunpack.i.u.bf16.f32 v5;
	v9 =	vadd.f32 v10, v9;
	[tilespmem:s31+$0xFFFFFE90] =	vst.add.f32.msk $0xffff, v6;
	v6 =	vunpack.i.u.bf16.f32 v16  }
0x2db: {  	v12 =	vunpack.i.l.bf16.f32 v3;
	v10 =	vunpack.i.l.bf16.f32 v8;
	[tilespmem:s31+$0xFFFFFEA0] =	vst.add.f32.msk $0xffff, v4;
	v4 =	vadd.f32 v5, v6  }
0x2dc: {  	v3 =	vunpack.i.u.bf16.f32 v3;
	v5 =	vunpack.i.u.bf16.f32 v8;
	v6 =	vadd.f32 v12, v10;
	[tilespmem:s31+$0xFFFFFF10] =	vst.add.f32.msk $0xffff, v9  }
0x2dd: {  	s20 =	sadd.s32 $0x2, s16;
	v3 =	vadd.f32 v3, v5;
	[tilespmem:s31+$0xFFFFFF20] =	vst.add.f32.msk $0xffff, v4  }
0x2de: {  	v4 =	vmov s20;
	v5 =	vunpack.i.l.bf16.f32 v7;
	[tilespmem:s31+$0xFFFFFE10] =	vst.add.f32.msk $0xffff, v6;
	v6 =	vunpack.i.l.bf16.f32 v11  }
0x2df: {  	[tilespmem:s31+$0xFFFFFE20] =	vst.add.f32.msk $0xffff, v3;
	v3 =	vunpack.i.u.bf16.f32 v7;
	v7 =	vunpack.i.u.bf16.f32 v11;
	v5 =	vadd.f32 v6, v5  }
0x2e0: {  	vm0 =	veq.s32 v4, v0;
	v4 =	vld [tilespmem:s10+$0x14310];
	v3 =	vadd.f32 v7, v3  }
0x2e1: {  	v6 =	vnsel vm0, $0x80000000, v2;
	[tilespmem:s31+$0xFFFFFFB0] =	vst.add.f32.msk $0xffff, v5  }
0x2e2: {  	(xrf0) =	vmax.scan.msk.u32 $0xffff, v6;
	[tilespmem:s31+$0xFFFFFFC0] =	vst.add.f32.msk $0xffff, v3  }
0x2e3: {  	v5 =	vld [tilespmem:s13+$0x14320]  }
0x2e4: {  	v6 =	vld [tilespmem:s18+$0x14320]  }
0x2e5: {  	s24 =	spop (v2sf);
	v7 =	vunpack.i.u.bf16.f32 v4;
	v8 =	vunpack.i.l.bf16.f32 v4;
	v9 =	vld [tilespmem:s4+$0x14310]  }
0x2e6: {  	s20 =	spop (v2sf);
	v10 =	vld [tilespmem:s9+$0x14310]  }
0x2e7: {  	v11 =	vld [tilespmem:s11+$0x14310]  }
0x2e8: {  	s21 =	sshll.u32 s24, $0x7;
	v3, _, _ =	vpop (xrf0);
	v12 =	vld [tilespmem:s22+$0x14310]  }
0x2e9: {  	s21 =	sand.u32 $0x7FFF80, s21;
	s23 =	sshll.u32 s20, $0x7;
	v4 =	vunpack.i.l.bf16.f32 v5;
	(v2sf) =	vpush v3, $0xF;
	v13 =	vld [tilespmem:s3+$0x14310];
	v14 =	vunpack.i.l.bf16.f32 v6  }
0x2ea: {  	s23 =	sand.u32 $0x7FFF80, s23;
	v5 =	vunpack.i.u.bf16.f32 v5;
	v6 =	vunpack.i.u.bf16.f32 v6;
	v3 =	vld [tilespmem:s21+$0x14300];
	v14 =	vadd.f32 v14, v4  }
0x2eb: {  	v15 =	vunpack.i.u.bf16.f32 v9;
	v9 =	vunpack.i.l.bf16.f32 v9;
	v5 =	vadd.f32 v6, v5;
	v4 =	vld [tilespmem:s23+$0x14300]  }
0x2ec: {  	v6 =	vunpack.i.u.bf16.f32 v10;
	v10 =	vunpack.i.l.bf16.f32 v10;
	v16 =	vunpack.i.u.bf16.f32 v11;
	[tilespmem:s31+$0xFFFFFFD0] =	vst.add.f32.msk $0xffff, v14  }
0x2ed: {  	v11 =	vunpack.i.l.bf16.f32 v11;
	v14 =	vunpack.i.u.bf16.f32 v12;
	v12 =	vunpack.i.l.bf16.f32 v12;
	[tilespmem:s31+$0xFFFFFFE0] =	vst.add.f32.msk $0xffff, v5  }
0x2ee: {  	v8 =	vadd.f32 v9, v8;
	v5 =	vunpack.i.u.bf16.f32 v13;
	v13 =	vunpack.i.l.bf16.f32 v13;
	v9 =	vld [tilespmem:s13+$0x14330]  }
0x2ef: {  	v7 =	vadd.f32 v15, v7;
	v10 =	vadd.f32 v11, v10;
	s13 =	sadd.s32 $0x3, s16;
	v11 =	vld [tilespmem:s18+$0x14330]  }
0x2f0: {  	v6 =	vadd.f32 v16, v6;
	v15 =	vmov s13;
	v12 =	vadd.f32 v13, v12;
	[tilespmem:s31+$0xFFFFFEB0] =	vst.add.f32.msk $0xffff, v8  }
.Ltmp13:
0x2f1: {  	v5 =	vadd.f32 v5, v14;
	vm0 =	veq.s32 v15, v0;
	[tilespmem:s31+$0xFFFFFEC0] =	vst.add.f32.msk $0xffff, v7;
	(pc) =	sbr.rel @p2 .LBB2_21-.Ltmp13, $4  }
0x2f2: {  	v7 =	vnsel vm0, $0x80000000, v2;
	[tilespmem:s31+$0xFFFFFF30] =	vst.add.f32.msk $0xffff, v10  }
0x2f3: {  	(xrf0) =	vmax.scan.msk.u32 $0xffff, v7;
	[tilespmem:s31+$0xFFFFFF40] =	vst.add.f32.msk $0xffff, v6;
	v6 =	vunpack.i.l.bf16.f32 v9  }
0x2f4: {  	v7 =	vunpack.i.u.bf16.f32 v9;
	[tilespmem:s31+$0xFFFFFE30] =	vst.add.f32.msk $0xffff, v12;
	v8 =	vunpack.i.u.bf16.f32 v11;
	v9 =	vunpack.i.l.bf16.f32 v11  }
0x2f5: {  	s16 =	sadd.s32 $0x4, s16;
	[tilespmem:s31+$0xFFFFFE40] =	vst.add.f32.msk $0xffff, v5;
	v5 =	vadd.f32 v9, v6;
	v6 =	vadd.f32 v8, v7  }
0x2f6: {  	v2 =	vld [tilespmem:s10+$0x14320]  }
0x2f7: {  	v20 =	vld [tilespmem:s4+$0x14320]  }
0x2f8: {  	v21 =	vld [tilespmem:s9+$0x14320]  }
0x2f9: {  	v8 =	vld [tilespmem:s11+$0x14320]  }
0x2fa: {  	v9 =	vld [tilespmem:s22+$0x14320]  }
0x2fb: {  	v10 =	vld [tilespmem:s3+$0x14320];
	v7, _, _ =	vpop (xrf0)  }
0x2fc: {  	(v2sf) =	vpush v7, $0xF  }
0x2fd: {  	v11 =	vunpack.i.l.bf16.f32 v2;
	v12 =	vunpack.i.l.bf16.f32 v20  }
0x2fe: {  	[tilespmem:s31+$0x0] =	vst.add.f32.msk $0xffff, v6;
	v2 =	vunpack.i.u.bf16.f32 v2;
	v22 =	vunpack.i.u.bf16.f32 v20;
	v11 =	vadd.f32 v12, v11  }
0x2ff: {  	[tilespmem:s31+$0xFFFFFFF0] =	vst.add.f32.msk $0xffff, v5;
	v24 =	vunpack.i.l.bf16.f32 v21;
	v25 =	vunpack.i.l.bf16.f32 v8;
	v2 =	vadd.f32 v22, v2  }
0x300: {  	v26 =	vunpack.i.l.bf16.f32 v9;
	v27 =	vunpack.i.l.bf16.f32 v10;
	v5 =	vadd.f32 v25, v24;
	[tilespmem:s31+$0xFFFFFED0] =	vst.add.f32.msk $0xffff, v11  }
0x301: {  	v28 =	vunpack.i.u.bf16.f32 v9;
	v29 =	vunpack.i.u.bf16.f32 v10;
	v30 =	vadd.f32 v27, v26;
	[tilespmem:s31+$0xFFFFFEE0] =	vst.add.f32.msk $0xffff, v2  }
0x302: {  	v31 =	vadd.f32 v29, v28;
	[tilespmem:s31+$0xFFFFFF50] =	vst.add.f32.msk $0xffff, v5  }
0x303: {  	[tilespmem:s31+$0xFFFFFE50] =	vst.add.f32.msk $0xffff, v30  }
0x304: {  	[tilespmem:s31+$0xFFFFFE60] =	vst.add.f32.msk $0xffff, v31  }
0x305: {  	v7 =	vunpack.i.u.bf16.f32 v21;
	v8 =	vunpack.i.u.bf16.f32 v8;
	v32 =	vld [tilespmem:s10+$0x14330]  }
0x306: {  	v2 =	vadd.f32 v8, v7;
	v33 =	vld [tilespmem:s4+$0x14330]  }
0x307: {  	v5 =	vld [tilespmem:s3+$0x14330]  }
0x308: {  	[tilespmem:s31+$0xFFFFFF60] =	vst.add.f32.msk $0xffff, v2  }
0x309: {  	s16 =	sshra.s32 s20, $0x8;
	s13 =	spop (v2sf);
	v2 =	vld [tilespmem:s22+$0x14330]  }
0x30a: {  	s16 =	sand.u32 $0xFFFFFF00, s16;
	s18 =	sshll.u32 s13, $0x7;
	v34 =	vld [tilespmem:s9+$0x14330]  }
0x30b: {  	s20 =	sxor.u32 $0xFF800000, s16;
	s16 =	sand.u32 $0x7FFF80, s18;
	v35 =	vld [tilespmem:s11+$0x14330];
	v14 =	vunpack.i.l.bf16.f32 v32;
	v15 =	vunpack.i.l.bf16.f32 v33;
	s10 =	spop (v2sf)  }
0x30c: {  	s18 =	sshra.s32 s20, $0x1;
	v23 =	vld [tilespmem:s16+$0x14300];
	v14 =	vadd.f32 v15, v14;
	s20 =	sshra.s32 s10, $0x8  }
0x30d: {  	v13 =	vld [tilespmem:s18+$0x14300];
	v7 =	vunpack.i.u.bf16.f32 v32;
	s10 =	sshll.u32 s10, $0x7;
	s4 =	sand.u32 $0xFFFFFF00, s20  }
0x30e: {  	v8 =	vunpack.i.u.bf16.f32 v33;
	v18 =	vunpack.i.l.bf16.f32 v5;
	v5 =	vunpack.i.u.bf16.f32 v5;
	[tilespmem:s31+$0xFFFFFEF0] =	vst.add.f32.msk $0xffff, v14;
	s10 =	sand.u32 $0x7FFF80, s10;
	s4 =	sxor.u32 $0xFF800000, s4  }
0x30f: {  	v7 =	vadd.f32 v8, v7;
	v17 =	vunpack.i.l.bf16.f32 v2;
	v2 =	vunpack.i.u.bf16.f32 v2;
	v36 =	vld [tilespmem:s10+$0x14300];
	s11 =	sshra.s32 s4, $0x1  }
0x310: {  	v16 =	vunpack.i.l.bf16.f32 v34;
	v39 =	vunpack.i.l.bf16.f32 v35;
	v2 =	vadd.f32 v5, v2;
	s20 =	sshra.s32 s13, $0x8;
	v37 =	vld [tilespmem:s11+$0x14300]  }
0x311: {  	v8 =	vadd.f32 v39, v16;
	[tilespmem:s31+$0xFFFFFF00] =	vst.add.f32.msk $0xffff, v7;
	s13 =	sand.u32 $0xFFFFFF00, s20  }
0x312: {  	v9 =	vunpack.i.u.bf16.f32 v34;
	v10 =	vunpack.i.u.bf16.f32 v35;
	[tilespmem:s31+$0xFFFFFE80] =	vst.add.f32.msk $0xffff, v2;
	s4 =	sxor.u32 $0xFF800000, s13  }
0x313: {  	v47 =	vunpack.i.u.bf16.f32 v4;
	v46 =	vunpack.i.u.bf16.f32 v13;
	v9 =	vadd.f32 v10, v9;
	[tilespmem:s31+$0xFFFFFF70] =	vst.add.f32.msk $0xffff, v8;
	s20 =	sshra.s32 s24, $0x8;
	s4 =	sshra.s32 s4, $0x1  }
0x314: {  	v45 =	vunpack.i.l.bf16.f32 v4;
	v4 =	vadd.f32 v47, v46;
	s3 =	sand.u32 $0xFFFFFF00, s20;
	v38 =	vld [tilespmem:s4+$0x14300]  }
0x315: {  	[tilespmem:s31+$0xFFFFFF80] =	vst.add.f32.msk $0xffff, v9;
	s24 =	sadd.s32 $0x200, s31;
	s3 =	sxor.u32 $0xFF800000, s3;
	v41 =	vunpack.i.l.bf16.f32 v36;
	v40 =	vunpack.i.l.bf16.f32 v37  }
0x316: {  	[tilespmem:s24+$0xFFFFFEA0] =	vst.add.f32.msk $0xffff, v4;
	s22 =	sshra.s32 s3, $0x1;
	v11 =	vunpack.i.u.bf16.f32 v36;
	v42 =	vunpack.i.u.bf16.f32 v37;
	v7 =	vadd.f32 v41, v40  }
0x317: {  	v43 =	vld [tilespmem:s22+$0x14300];
	v8 =	vadd.f32 v11, v42  }
0x318: {  	[tilespmem:s24+$0xFFFFFF90] =	vst.add.f32.msk $0xffff, v7  }
0x319: {  	v6 =	vunpack.i.u.bf16.f32 v23;
	v52 =	vunpack.i.u.bf16.f32 v38;
	[tilespmem:s24+$0xFFFFFFA0] =	vst.add.f32.msk $0xffff, v8  }
0x31a: {  	v44 =	vunpack.i.l.bf16.f32 v13;
	v55 =	vadd.f32 v6, v52;
	v48 =	vld [tilespmem:s11+$0x14310]  }
0x31b: {  	v50 =	vunpack.i.l.bf16.f32 v23;
	v49 =	vunpack.i.l.bf16.f32 v38;
	v7 =	vadd.f32 v45, v44;
	v51 =	vld [tilespmem:s10+$0x14310]  }
0x31c: {  	v54 =	vunpack.i.l.bf16.f32 v3;
	v53 =	vunpack.i.l.bf16.f32 v43;
	v8 =	vadd.f32 v50, v49;
	[tilespmem:s24+$0xFFFFFF20] =	vst.add.f32.msk $0xffff, v55  }
0x31d: {  	v3 =	vunpack.i.u.bf16.f32 v3;
	v56 =	vunpack.i.u.bf16.f32 v43;
	v57 =	vadd.f32 v54, v53;
	[tilespmem:s24+$0xFFFFFE90] =	vst.add.f32.msk $0xffff, v7  }
0x31e: {  	v3 =	vadd.f32 v3, v56;
	[tilespmem:s24+$0xFFFFFF10] =	vst.add.f32.msk $0xffff, v8  }
0x31f: {  	[tilespmem:s24+$0xFFFFFE10] =	vst.add.f32.msk $0xffff, v57  }
0x320: {  	[tilespmem:s24+$0xFFFFFE20] =	vst.add.f32.msk $0xffff, v3  }
0x321: {  	v61 =	vld [tilespmem:s18+$0x14310]  }
0x322: {  	v62 =	vld [tilespmem:s23+$0x14310]  }
0x323: {  	v8 =	vld [tilespmem:s4+$0x14310]  }
0x324: {  	v63 =	vld [tilespmem:s16+$0x14310];
	v58 =	vunpack.i.l.bf16.f32 v48;
	v59 =	vunpack.i.l.bf16.f32 v51  }
0x325: {  	v19 =	vld [tilespmem:s22+$0x14310];
	v3 =	vunpack.i.u.bf16.f32 v48;
	v60 =	vunpack.i.u.bf16.f32 v51;
	v4 =	vadd.f32 v59, v58  }
0x326: {  	v20 =	vld [tilespmem:s21+$0x14310];
	v3 =	vadd.f32 v60, v3  }
0x327: {  	[tilespmem:s24+$0xFFFFFFB0] =	vst.add.f32.msk $0xffff, v4  }
0x328: {  	v23 =	vunpack.i.l.bf16.f32 v61;
	v24 =	vunpack.i.l.bf16.f32 v62;
	[tilespmem:s24+$0xFFFFFFC0] =	vst.add.f32.msk $0xffff, v3  }
0x329: {  	v6 =	vunpack.i.u.bf16.f32 v61;
	v7 =	vunpack.i.u.bf16.f32 v62;
	v9 =	vadd.f32 v24, v23;
	v3 =	vld [tilespmem:s11+$0x14320]  }
0x32a: {  	v25 =	vunpack.i.l.bf16.f32 v8;
	v26 =	vunpack.i.l.bf16.f32 v63;
	v6 =	vadd.f32 v7, v6;
	v4 =	vld [tilespmem:s10+$0x14320]  }
0x32b: {  	v27 =	vunpack.i.u.bf16.f32 v8;
	v28 =	vunpack.i.u.bf16.f32 v63;
	v29 =	vadd.f32 v26, v25;
	[tilespmem:s24+$0xFFFFFEB0] =	vst.add.f32.msk $0xffff, v9  }
0x32c: {  	v7 =	vadd.f32 v28, v27;
	[tilespmem:s24+$0xFFFFFEC0] =	vst.add.f32.msk $0xffff, v6  }
0x32d: {  	[tilespmem:s24+$0xFFFFFF30] =	vst.add.f32.msk $0xffff, v29  }
0x32e: {  	[tilespmem:s24+$0xFFFFFF40] =	vst.add.f32.msk $0xffff, v7  }
0x32f: {  	v34 =	vld [tilespmem:s18+$0x14320]  }
0x330: {  	v30 =	vunpack.i.l.bf16.f32 v19;
	v31 =	vunpack.i.l.bf16.f32 v20;
	v35 =	vld [tilespmem:s23+$0x14320]  }
0x331: {  	v32 =	vunpack.i.u.bf16.f32 v19;
	v33 =	vunpack.i.u.bf16.f32 v20;
	v9 =	vadd.f32 v31, v30;
	v36 =	vld [tilespmem:s4+$0x14320]  }
0x332: {  	v6 =	vadd.f32 v33, v32;
	v37 =	vld [tilespmem:s16+$0x14320]  }
0x333: {  	[tilespmem:s24+$0xFFFFFE30] =	vst.add.f32.msk $0xffff, v9  }
0x334: {  	[tilespmem:s24+$0xFFFFFE40] =	vst.add.f32.msk $0xffff, v6;
	v21 =	vunpack.i.l.bf16.f32 v3;
	v22 =	vunpack.i.l.bf16.f32 v4  }
0x335: {  	v38 =	vld [tilespmem:s22+$0x14320];
	v3 =	vunpack.i.u.bf16.f32 v3;
	v4 =	vunpack.i.u.bf16.f32 v4;
	v14 =	vadd.f32 v22, v21  }
0x336: {  	v39 =	vld [tilespmem:s21+$0x14320];
	v3 =	vadd.f32 v4, v3  }
0x337: {  	[tilespmem:s24+$0xFFFFFFD0] =	vst.add.f32.msk $0xffff, v14  }
0x338: {  	v6 =	vunpack.i.u.bf16.f32 v34;
	v7 =	vunpack.i.u.bf16.f32 v35;
	[tilespmem:s24+$0xFFFFFFE0] =	vst.add.f32.msk $0xffff, v3  }
0x339: {  	v8 =	vunpack.i.u.bf16.f32 v36;
	v9 =	vunpack.i.u.bf16.f32 v37;
	v6 =	vadd.f32 v7, v6;
	v41 =	vld [tilespmem:s11+$0x14330]  }
0x33a: {  	v40 =	vunpack.i.l.bf16.f32 v35;
	v3 =	vunpack.i.l.bf16.f32 v34;
	v47 =	vadd.f32 v9, v8;
	v42 =	vld [tilespmem:s10+$0x14330]  }
0x33b: {  	v3 =	vadd.f32 v40, v3;
	v45 =	vunpack.i.l.bf16.f32 v38;
	v46 =	vunpack.i.l.bf16.f32 v39;
	[tilespmem:s24+$0xFFFFFEE0] =	vst.add.f32.msk $0xffff, v6  }
0x33c: {  	v7 =	vadd.f32 v46, v45;
	[tilespmem:s24+$0xFFFFFF60] =	vst.add.f32.msk $0xffff, v47  }
0x33d: {  	v43 =	vunpack.i.l.bf16.f32 v36;
	v44 =	vunpack.i.l.bf16.f32 v37;
	[tilespmem:s24+$0xFFFFFED0] =	vst.add.f32.msk $0xffff, v3  }
0x33e: {  	v3 =	vadd.f32 v44, v43;
	[tilespmem:s24+$0xFFFFFE50] =	vst.add.f32.msk $0xffff, v7  }
0x33f: {  	v49 =	vld [tilespmem:s23+$0x14330]  }
0x340: {  	v4 =	vunpack.i.u.bf16.f32 v38;
	v48 =	vunpack.i.u.bf16.f32 v39;
	[tilespmem:s24+$0xFFFFFF50] =	vst.add.f32.msk $0xffff, v3  }
0x341: {  	v3 =	vadd.f32 v48, v4;
	v6 =	vld [tilespmem:s4+$0x14330]  }
0x342: {  	v50 =	vld [tilespmem:s16+$0x14330]  }
0x343: {  	[tilespmem:s24+$0xFFFFFE60] =	vst.add.f32.msk $0xffff, v3  }
0x344: {  	v3 =	vld [tilespmem:s18+$0x14330]  }
0x345: {  	v54 =	vunpack.i.l.bf16.f32 v41;
	v11 =	vunpack.i.l.bf16.f32 v42;
	v53 =	vld [tilespmem:s22+$0x14330]  }
0x346: {  	v2 =	vadd.f32 v11, v54;
	v55 =	vld [tilespmem:s21+$0x14330]  }
0x347: {  	v12 =	vadd.f32 v18, v17;
	v51 =	vunpack.i.u.bf16.f32 v41;
	v52 =	vunpack.i.u.bf16.f32 v42  }
0x348: {  	v5 =	vadd.f32 v52, v51;
	[tilespmem:s24+$0xFFFFFFF0] =	vst.add.f32.msk $0xffff, v2;
	v2 =	vunpack.i.l.bf16.f32 v6;
	v59 =	vunpack.i.l.bf16.f32 v50  }
0x349: {  	[tilespmem:s31+$0xFFFFFE70] =	vst.add.f32.msk $0xffff, v12;
	v57 =	vunpack.i.l.bf16.f32 v49;
	v56 =	vunpack.i.l.bf16.f32 v3;
	v2 =	vadd.f32 v59, v2  }
0x34a: {  	s1 =	sadd.s32 $0x1, s1;
	[tilespmem:s24+$0x0] =	vst.add.f32.msk $0xffff, v5;
	v4 =	vunpack.i.u.bf16.f32 v49;
	v3 =	vunpack.i.u.bf16.f32 v3;
	v58 =	vadd.f32 v57, v56  }
0x34b: {  	p2 =	sne.s32 s1, $0x8;
	v3 =	vadd.f32 v4, v3;
	v60 =	vunpack.i.l.bf16.f32 v53;
	v61 =	vunpack.i.l.bf16.f32 v55;
	[tilespmem:s24+$0xFFFFFF70] =	vst.add.f32.msk $0xffff, v2  }
.Ltmp14:
0x34c: {  	v62 =	vunpack.i.u.bf16.f32 v53;
	v63 =	vunpack.i.u.bf16.f32 v55;
	v4 =	vadd.f32 v61, v60;
	[tilespmem:s24+$0xFFFFFEF0] =	vst.add.f32.msk $0xffff, v58;
	(pc) =	sbr.rel @p2 .LBB2_20-.Ltmp14, $4  }
0x34d: {  	v6 =	vunpack.i.u.bf16.f32 v6;
	v7 =	vunpack.i.u.bf16.f32 v50;
	v2 =	vadd.f32 v63, v62;
	[tilespmem:s24+$0xFFFFFF00] =	vst.add.f32.msk $0xffff, v3  }
0x34e: {  	v3 =	vadd.f32 v7, v6;
	[tilespmem:s24+$0xFFFFFE70] =	vst.add.f32.msk $0xffff, v4  }
0x34f: {  	[tilespmem:s24+$0xFFFFFE80] =	vst.add.f32.msk $0xffff, v2  }
0x350: {  	s6 =	sadd.s32 $0x800, s6;
	[tilespmem:s24+$0xFFFFFF80] =	vst.add.f32.msk $0xffff, v3  }
0x351: {  	s1 =	sshll.u32 s28, $0xB  }
0x352: {  	s3 =	simm.s32 $0x4200;
	s1 =	sadd.s32 s5, s1  }
0x353: {  	[hbm4b:s1+s7] =	stream.linear.scatter [tilespmem:s3], [sflag:$0x6], $0x4000, $0x38;
	[tilespmem:$0x18500] =	vst v63  }
.LBB2_24:
0x354: {  	p3 =	seq.s32 s25, $0x5;
	s1 =	sor.u32 $0x60, s26  }
0x355: {  	p4 =	sgt.u32 @!p3 s1, $0x270  }
0x356: {  	p2 =	por p4, p3  }
0x357: {  	p5 =	seq.s32 @!p2 s25, $0x0  }
0x358: {  	p4 =	por @!p3 p5, p4  }
0x359: {  	p3 =	por p4, p3  }
0x35a: {  	s3 =	simm.s32 @!p3 $0x8  }
0x35b: {  	_ =	swait.ge @!p3 [sflag:s3], $0x4000  }
0x35c: {  	s4 =	simm.s32 @!p2 $0x0;
	[sflag:s3] =	ssyncset.done @!p3 $0x0  }
.Ltmp15:
0x35d: {  	[sflag:s3] =	ssyncadd.s32 @!p3 $0xFFFFC000;
	s3 =	sshll.u32 @!p2 s1, $0x4;
	(pc) =	sbr.rel @!p1 .LBB2_30-.Ltmp15, $4  }
0x35e: {  	s6 =	simm.s32 @!p2 $0x180;
	s1 =	sshll.u32 @!p2 s1, $0xB;
	s3 =	sadd.s32 @!p2 s2, s3  }
0x35f: {  	[tilespmem:s6], [sflag:$0x4] =	stream.linear.gather @!p2 [hbm4b:s3+s4], $0x80, $0x38;
	[tilespmem:$0x18500] =	vst v63  }
0x360: {  	s1 =	sadd.s32 @!p2 s0, s1;
	s3 =	simm.s32 @!p2 $0xC200  }
0x361: {  	[tilespmem:s3], [sflag:$0x4] =	stream.linear.gather @!p2 [hbm4b:s1+s4], $0x4000, $0x38;
	[tilespmem:$0x18500] =	vst v63  }
0x362: {  	_ =	swait.ge [sflag:s19], $0x80  }
0x363: {  	[sflag:s19] =	ssyncset.done $0x0  }
0x364: {  	[sflag:s19] =	ssyncadd.s32 $0xFFFFFF80  }
0x365: {  	_ =	swait.ge [sflag:s19], $0x4000  }
0x366: {  	s26 =	simm.s32 $0x0;
	[sflag:s19] =	ssyncset.done $0x0  }
0x367: {  	s28 =	simm.s32 $0x83F0;
	s1 =	simm.s32 $0x0;
	[sflag:s19] =	ssyncadd.s32 $0xFFFFC000  }
.LBB2_26:
0x368: {  	s3 =	sshll.u32 s1, $0x4  }
0x369: {  	v2 =	vld [tilespmem:s3+$0x100];
	_ =	sdelay $0x4  }
0x36a: {  	v3 =	vshra.s32 v2, $0x10;
	v2 =	vand.u32 $0xFFFF, v2  }
0x36b: {  	v2 =	vmin.u32 v2, $0x41;
	vm0 =	vlt.s32 v3, $0x41  }
0x36c: {  	v4 =	vnsel vm0, $0x41, v3;
	v2 =	vshll.u32 v2, $0x10  }
0x36d: {  	v2 =	vadd.s32 v2, v4  }
0x36e: {  	s11 =	simm.s32 $0x1;
	vm7 =	veq.s32 v3, $0x0;
	v3 =	vmov s26;
	v2 =	vadd.s32 $0x7FFF0041, v2  }
0x36f: {  	s13 =	simm.s32 $0x2;
	vm8 =	veq.s32 v3, v0;
	v3 =	vmov s11;
	v2 =	vsel vm7, $0x80410083, v2  }
0x370: {  	s16 =	simm.s32 $0x3;
	vm9 =	veq.s32 v3, v0;
	v3 =	vmov s13;
	v4 =	vnsel vm8, $0x80000000, v2  }
0x371: {  	vm10 =	veq.s32 v3, v0;
	v3 =	vmov s16;
	v5 =	vnsel vm9, $0x80000000, v2;
	(xrf0) =	vmax.scan.msk.u32 $0xffff, v4  }
0x372: {  	vm11 =	veq.s32 v3, v0;
	v4 =	vnsel vm10, $0x80000000, v2;
	(xrf0) =	vmax.scan.msk.u32 $0xffff, v5  }
0x373: {  	v3 =	vnsel vm11, $0x80000000, v2;
	(xrf0) =	vmax.scan.msk.u32 $0xffff, v4  }
0x374: {  	(xrf0) =	vmax.scan.msk.u32 $0xffff, v3;
	_ =	sdelay $0x2  }
0x375: {  	v3, _, _ =	vpop (xrf0)  }
0x376: {  	v4, _, _ =	vpop (xrf0);
	(v2sf) =	vpush v3, $0xF  }
0x377: {  	(v2sf) =	vpush v4, $0xF;
	v3, _, _ =	vpop (xrf0)  }
0x378: {  	(v2sf) =	vpush v3, $0xF;
	v3, _, _ =	vpop (xrf0)  }
0x379: {  	(v2sf) =	vpush v3, $0xF;
	_ =	sdelay $0xb  }
0x37a: {  	s9 =	spop (v2sf)  }
0x37b: {  	s18 =	spop (v2sf)  }
0x37c: {  	s10 =	spop (v2sf)  }
0x37d: {  	s4 =	spop (v2sf)  }
0x37e: {  	s6 =	sshra.s32 s4, $0x8  }
0x37f: {  	s11 =	simm.s32 $0x4;
	s4 =	sshll.u32 s4, $0x7;
	s6 =	sand.u32 $0xFFFFFF00, s6  }
0x380: {  	s20 =	simm.s32 $0x5;
	v3 =	vmov s11;
	s13 =	sxor.u32 $0xFF800000, s6;
	s6 =	sand.u32 $0x7FFF80, s4  }
0x381: {  	vm12 =	veq.s32 v3, v0;
	v3 =	vmov s20;
	s16 =	sshra.s32 s18, $0x8;
	s13 =	sshra.s32 s13, $0x1;
	v4 =	vld [tilespmem:s6+$0x14300]  }
0x382: {  	vm13 =	veq.s32 v3, v0;
	s21 =	sshll.u32 s9, $0x7;
	s23 =	sand.u32 $0xFFFFFF00, s16;
	v3 =	vld [tilespmem:s13+$0x14300]  }
0x383: {  	v5 =	vnsel vm12, $0x80000000, v2;
	s22 =	sshll.u32 s18, $0x7;
	s3 =	sand.u32 $0x7FFF80, s21;
	s11 =	sxor.u32 $0xFF800000, s23  }
0x384: {  	v6 =	vnsel vm13, $0x80000000, v2;
	(xrf0) =	vmax.scan.msk.u32 $0xffff, v5;
	v5 =	vld [tilespmem:s3+$0x14300];
	s24 =	sshll.u32 s10, $0x7;
	s18 =	sshra.s32 s10, $0x8;
	s10 =	sshra.s32 s11, $0x1  }
0x385: {  	(xrf0) =	vmax.scan.msk.u32 $0xffff, v6;
	s9 =	sshra.s32 s9, $0x8;
	s18 =	sand.u32 $0xFFFFFF00, s18;
	s4 =	sand.u32 $0x7FFF80, s22;
	v7 =	vld [tilespmem:s10+$0x14300]  }
0x386: {  	s31 =	sand.u32 $0xFFFFFF00, s9;
	s11 =	sand.u32 $0x7FFF80, s24;
	s30 =	sxor.u32 $0xFF800000, s18;
	v6 =	vld [tilespmem:s4+$0x14300]  }
0x387: {  	s20 =	sxor.u32 $0xFF800000, s31;
	v8 =	vld [tilespmem:s11+$0x14300];
	s9 =	sshra.s32 s30, $0x1;
	v10 =	vunpack.i.l.bf16.f32 v4;
	v9 =	vunpack.i.l.bf16.f32 v3  }
0x388: {  	s22 =	sshra.s32 s20, $0x1;
	v11 =	vld [tilespmem:s9+$0x14300];
	v4 =	vunpack.i.u.bf16.f32 v4;
	v3 =	vunpack.i.u.bf16.f32 v3;
	v9 =	vadd.f32 v10, v9  }
0x389: {  	v12 =	vld [tilespmem:s22+$0x14300];
	v3 =	vadd.f32 v4, v3  }
0x38a: {  	v47, _, _ =	vpop (xrf0);
	[tilespmem:s28+$0xFFFFFF90] =	vst.add.f32.msk $0xffff, v9  }
0x38b: {  	(v2sf) =	vpush v47, $0xF;
	v48 =	vunpack.i.l.bf16.f32 v6;
	v4, _, _ =	vpop (xrf0);
	[tilespmem:s28+$0xFFFFFFA0] =	vst.add.f32.msk $0xffff, v3  }
0x38c: {  	(v2sf) =	vpush v4, $0xF;
	v4 =	vunpack.i.l.bf16.f32 v7;
	v3 =	vunpack.i.u.bf16.f32 v7;
	v7 =	vld [tilespmem:s13+$0x14310]  }
0x38d: {  	v6 =	vunpack.i.u.bf16.f32 v6;
	v4 =	vadd.f32 v48, v4;
	v50 =	vld [tilespmem:s6+$0x14310]  }
0x38e: {  	v3 =	vadd.f32 v6, v3  }
0x38f: {  	v49 =	vunpack.i.l.bf16.f32 v8;
	v8 =	vunpack.i.u.bf16.f32 v8;
	[tilespmem:s28+$0xFFFFFE90] =	vst.add.f32.msk $0xffff, v4;
	v4 =	vunpack.i.u.bf16.f32 v11  }
0x390: {  	v52 =	vunpack.i.l.bf16.f32 v5;
	v6 =	vunpack.i.l.bf16.f32 v11;
	[tilespmem:s28+$0xFFFFFEA0] =	vst.add.f32.msk $0xffff, v3;
	v3 =	vadd.f32 v8, v4  }
0x391: {  	v5 =	vunpack.i.u.bf16.f32 v5;
	v6 =	vadd.f32 v49, v6;
	v4 =	vunpack.i.u.bf16.f32 v12  }
0x392: {  	v4 =	vadd.f32 v5, v4;
	[tilespmem:s28+$0xFFFFFF20] =	vst.add.f32.msk $0xffff, v3;
	v3 =	vunpack.i.l.bf16.f32 v7;
	v5 =	vunpack.i.l.bf16.f32 v50  }
0x393: {  	[tilespmem:s28+$0xFFFFFF10] =	vst.add.f32.msk $0xffff, v6;
	v3 =	vadd.f32 v5, v3  }
0x394: {  	s21 =	simm.s32 $0x6;
	[tilespmem:s28+$0xFFFFFE20] =	vst.add.f32.msk $0xffff, v4  }
0x395: {  	v6 =	vunpack.i.u.bf16.f32 v50;
	v4 =	vunpack.i.u.bf16.f32 v7;
	[tilespmem:s28+$0xFFFFFFB0] =	vst.add.f32.msk $0xffff, v3;
	v3 =	vmov s21  }
0x396: {  	v5 =	vld [tilespmem:s10+$0x14310];
	v4 =	vadd.f32 v6, v4;
	vm14 =	veq.s32 v3, v0  }
0x397: {  	v7 =	vld [tilespmem:s4+$0x14310];
	v3 =	vnsel vm14, $0x80000000, v2  }
0x398: {  	v51 =	vunpack.i.l.bf16.f32 v12;
	[tilespmem:s28+$0xFFFFFFC0] =	vst.add.f32.msk $0xffff, v4;
	(xrf0) =	vmax.scan.msk.u32 $0xffff, v3  }
0x399: {  	v8 =	vadd.f32 v52, v51;
	v4 =	vld [tilespmem:s13+$0x14320]  }
0x39a: {  	v6 =	vld [tilespmem:s6+$0x14320]  }
0x39b: {  	[tilespmem:s28+$0xFFFFFE10] =	vst.add.f32.msk $0xffff, v8  }
0x39c: {  	v8 =	vld [tilespmem:s9+$0x14310];
	v57 =	vunpack.i.u.bf16.f32 v5  }
0x39d: {  	s24 =	spop (v2sf);
	v53 =	vld [tilespmem:s11+$0x14310];
	v5 =	vunpack.i.l.bf16.f32 v5;
	v59 =	vunpack.i.u.bf16.f32 v7;
	v7 =	vunpack.i.l.bf16.f32 v7  }
0x39e: {  	s23 =	sshll.u32 s24, $0x7;
	v54 =	vld [tilespmem:s22+$0x14310];
	v5 =	vadd.f32 v7, v5;
	v58, _, _ =	vpop (xrf0)  }
0x39f: {  	v55 =	vld [tilespmem:s3+$0x14310];
	s21 =	sand.u32 $0x7FFF80, s23;
	v56 =	vunpack.i.l.bf16.f32 v4;
	v13 =	vunpack.i.l.bf16.f32 v6;
	(v2sf) =	vpush v58, $0xF  }
0x3a0: {  	v3 =	vld [tilespmem:s21+$0x14300];
	v14 =	vunpack.i.u.bf16.f32 v4;
	v6 =	vunpack.i.u.bf16.f32 v6;
	v12 =	vadd.f32 v13, v56  }
0x3a1: {  	[tilespmem:s28+$0xFFFFFEB0] =	vst.add.f32.msk $0xffff, v5;
	v6 =	vadd.f32 v6, v14  }
0x3a2: {  	[tilespmem:s28+$0xFFFFFFD0] =	vst.add.f32.msk $0xffff, v12  }
0x3a3: {  	s20 =	spop (v2sf);
	[tilespmem:s28+$0xFFFFFFE0] =	vst.add.f32.msk $0xffff, v6  }
0x3a4: {  	v9 =	vunpack.i.l.bf16.f32 v53;
	v10 =	vunpack.i.l.bf16.f32 v54;
	v5 =	vunpack.i.l.bf16.f32 v55;
	s30 =	sshll.u32 s20, $0x7;
	v7 =	vld [tilespmem:s13+$0x14330]  }
0x3a5: {  	s31 =	simm.s32 $0x7;
	v5 =	vadd.f32 v5, v10;
	s23 =	sand.u32 $0x7FFF80, s30;
	v6 =	vunpack.i.u.bf16.f32 v8;
	v8 =	vunpack.i.l.bf16.f32 v8;
	v61 =	vld [tilespmem:s6+$0x14330]  }
0x3a6: {  	v62 =	vmov s31;
	v60 =	vunpack.i.u.bf16.f32 v53;
	v4 =	vld [tilespmem:s23+$0x14300];
	v8 =	vadd.f32 v9, v8  }
0x3a7: {  	vm15 =	veq.s32 v62, v0;
	v15 =	vunpack.i.u.bf16.f32 v54;
	[tilespmem:s28+$0xFFFFFE30] =	vst.add.f32.msk $0xffff, v5;
	v6 =	vadd.f32 v60, v6  }
0x3a8: {  	v11 =	vunpack.i.u.bf16.f32 v55;
	v12 =	vadd.f32 v59, v57;
	v9 =	vnsel vm15, $0x80000000, v2;
	[tilespmem:s28+$0xFFFFFF30] =	vst.add.f32.msk $0xffff, v8  }
0x3a9: {  	(xrf0) =	vmax.scan.msk.u32 $0xffff, v9;
	v8 =	vadd.f32 v11, v15;
	[tilespmem:s28+$0xFFFFFF40] =	vst.add.f32.msk $0xffff, v6;
	v6 =	vunpack.i.l.bf16.f32 v7  }
0x3aa: {  	[tilespmem:s28+$0xFFFFFEC0] =	vst.add.f32.msk $0xffff, v12;
	v7 =	vunpack.i.u.bf16.f32 v7;
	v63 =	vunpack.i.u.bf16.f32 v61;
	v5 =	vunpack.i.l.bf16.f32 v61  }
0x3ab: {  	s16 =	simm.s32 $0x8;
	s6 =	smov.u32 s28;
	[tilespmem:s28+$0xFFFFFE40] =	vst.add.f32.msk $0xffff, v8;
	v5 =	vadd.f32 v5, v6;
	v6 =	vadd.f32 v63, v7  }
.LBB2_27:
0x3ac: {  	p1 =	slt.u32 s16, $0xC;
	v7 =	vld [tilespmem:s10+$0x14320]  }
0x3ad: {  	[tilespmem:s6+$0x0] =	vst.add.f32.msk $0xffff, v6  }
0x3ae: {  	s13 =	spop (v2sf);
	v6 =	vld [tilespmem:s4+$0x14320]  }
0x3af: {  	v8, _, _ =	vpop (xrf0);
	v9 =	vld [tilespmem:s9+$0x14320]  }
0x3b0: {  	(v2sf) =	vpush v8, $0xF;
	v8 =	vld [tilespmem:s11+$0x14320]  }
0x3b1: {  	s18 =	sshra.s32 s20, $0x8;
	v10 =	vld [tilespmem:s22+$0x14320];
	v11 =	vunpack.i.u.bf16.f32 v7;
	v7 =	vunpack.i.l.bf16.f32 v7  }
0x3b2: {  	s18 =	sand.u32 $0xFFFFFF00, s18;
	s20 =	sshll.u32 s13, $0x7;
	v12 =	vld [tilespmem:s3+$0x14320]  }
0x3b3: {  	s18 =	sxor.u32 $0xFF800000, s18;
	s20 =	sand.u32 $0x7FFF80, s20;
	v13 =	vunpack.i.u.bf16.f32 v6;
	v6 =	vunpack.i.l.bf16.f32 v6;
	[tilespmem:s6+$0xFFFFFFF0] =	vst.add.f32.msk $0xffff, v5  }
0x3b4: {  	s18 =	sshra.s32 s18, $0x1;
	v5 =	vld [tilespmem:s20+$0x14300];
	v6 =	vadd.f32 v6, v7;
	v7 =	vunpack.i.u.bf16.f32 v9;
	v9 =	vunpack.i.l.bf16.f32 v9  }
0x3b5: {  	v11 =	vadd.f32 v13, v11;
	v14 =	vld [tilespmem:s18+$0x14300];
	v13 =	vunpack.i.u.bf16.f32 v8;
	v8 =	vunpack.i.l.bf16.f32 v8  }
0x3b6: {  	v15 =	vunpack.i.u.bf16.f32 v10;
	v10 =	vunpack.i.l.bf16.f32 v10;
	[tilespmem:s6+$0xFFFFFED0] =	vst.add.f32.msk $0xffff, v6;
	v6 =	vadd.f32 v8, v9  }
0x3b7: {  	v7 =	vadd.f32 v13, v7;
	v8 =	vunpack.i.u.bf16.f32 v12;
	v9 =	vunpack.i.l.bf16.f32 v12;
	[tilespmem:s6+$0xFFFFFEE0] =	vst.add.f32.msk $0xffff, v11  }
0x3b8: {  	v9 =	vadd.f32 v9, v10;
	v8 =	vadd.f32 v8, v15;
	[tilespmem:s6+$0xFFFFFF50] =	vst.add.f32.msk $0xffff, v6  }
0x3b9: {  	[tilespmem:s6+$0xFFFFFF60] =	vst.add.f32.msk $0xffff, v7  }
0x3ba: {  	[tilespmem:s6+$0xFFFFFE50] =	vst.add.f32.msk $0xffff, v9  }
0x3bb: {  	[tilespmem:s6+$0xFFFFFE60] =	vst.add.f32.msk $0xffff, v8  }
0x3bc: {  	v6 =	vld [tilespmem:s10+$0x14330];
	s10 =	smov.u32 s18  }
0x3bd: {  	v7 =	vld [tilespmem:s4+$0x14330];
	s4 =	smov.u32 s23  }
0x3be: {  	s13 =	sshra.s32 s13, $0x8;
	v8 =	vmov s16;
	v9 =	vld [tilespmem:s9+$0x14330]  }
0x3bf: {  	s13 =	sand.u32 $0xFFFFFF00, s13;
	vm0 =	veq.s32 v8, v0;
	s9 =	sadd.s32 $0x1, s16;
	s18 =	spop (v2sf);
	v8 =	vld [tilespmem:s11+$0x14330]  }
0x3c0: {  	v10 =	vnsel vm0, $0x80000000, v2;
	v11 =	vmov s9;
	s9 =	sxor.u32 $0xFF800000, s13;
	s11 =	smov.u32 s20;
	s13 =	sshra.s32 s18, $0x8;
	v12 =	vld [tilespmem:s22+$0x14330]  }
0x3c1: {  	vm0 =	veq.s32 v11, v0;
	s9 =	sshra.s32 s9, $0x1;
	s18 =	sshll.u32 s18, $0x7;
	s13 =	sand.u32 $0xFFFFFF00, s13;
	v11 =	vld [tilespmem:s3+$0x14330];
	v13 =	vunpack.i.u.bf16.f32 v6;
	v6 =	vunpack.i.l.bf16.f32 v6  }
0x3c2: {  	v15 =	vnsel vm0, $0x80000000, v2;
	s18 =	sand.u32 $0x7FFF80, s18;
	s3 =	smov.u32 s21;
	v16 =	vld [tilespmem:s9+$0x14300];
	s13 =	sxor.u32 $0xFF800000, s13;
	v17 =	vunpack.i.u.bf16.f32 v7;
	v7 =	vunpack.i.l.bf16.f32 v7  }
0x3c3: {  	(xrf0) =	vmax.scan.msk.u32 $0xffff, v10;
	s13 =	sshra.s32 s13, $0x1;
	v10 =	vld [tilespmem:s18+$0x14300];
	v6 =	vadd.f32 v7, v6;
	v7 =	vunpack.i.u.bf16.f32 v9;
	v9 =	vunpack.i.l.bf16.f32 v9  }
0x3c4: {  	v13 =	vadd.f32 v17, v13;
	(xrf0) =	vmax.scan.msk.u32 $0xffff, v15;
	v15 =	vld [tilespmem:s13+$0x14300];
	v17 =	vunpack.i.u.bf16.f32 v8;
	v8 =	vunpack.i.l.bf16.f32 v8  }
0x3c5: {  	v18 =	vunpack.i.u.bf16.f32 v12;
	v12 =	vunpack.i.l.bf16.f32 v12;
	[tilespmem:s6+$0xFFFFFEF0] =	vst.add.f32.msk $0xffff, v6;
	v6 =	vadd.f32 v8, v9  }
0x3c6: {  	v7 =	vadd.f32 v17, v7;
	v8 =	vunpack.i.u.bf16.f32 v11;
	v9 =	vunpack.i.l.bf16.f32 v11;
	[tilespmem:s6+$0xFFFFFF00] =	vst.add.f32.msk $0xffff, v13  }
0x3c7: {  	s20 =	sshra.s32 s24, $0x8;
	v12 =	vadd.f32 v9, v12;
	v8 =	vadd.f32 v8, v18;
	[tilespmem:s6+$0xFFFFFF70] =	vst.add.f32.msk $0xffff, v6  }
0x3c8: {  	s20 =	sand.u32 $0xFFFFFF00, s20;
	[tilespmem:s6+$0xFFFFFF80] =	vst.add.f32.msk $0xffff, v7  }
0x3c9: {  	s20 =	sxor.u32 $0xFF800000, s20;
	v11 =	vunpack.i.l.bf16.f32 v10;
	v6, _, _ =	vpop (xrf0);
	v7 =	vunpack.i.l.bf16.f32 v15;
	[tilespmem:s6+$0xFFFFFE70] =	vst.add.f32.msk $0xffff, v12  }
0x3ca: {  	s22 =	sshra.s32 s20, $0x1;
	v10 =	vunpack.i.u.bf16.f32 v10;
	v12 =	vunpack.i.u.bf16.f32 v15;
	v9, _, _ =	vpop (xrf0);
	v7 =	vadd.f32 v11, v7;
	[tilespmem:s6+$0xFFFFFE80] =	vst.add.f32.msk $0xffff, v8  }
0x3cb: {  	v10 =	vadd.f32 v10, v12;
	s6 =	sadd.s32 $0x200, s6;
	v8 =	vld [tilespmem:s22+$0x14300]  }
0x3cc: {  	(v2sf) =	vpush v6, $0xF;
	[tilespmem:s6+$0xFFFFFF90] =	vst.add.f32.msk $0xffff, v7  }
0x3cd: {  	v6 =	vunpack.i.l.bf16.f32 v14;
	v7 =	vunpack.i.l.bf16.f32 v4;
	(v2sf) =	vpush v9, $0xF;
	[tilespmem:s6+$0xFFFFFFA0] =	vst.add.f32.msk $0xffff, v10  }
0x3ce: {  	v4 =	vunpack.i.u.bf16.f32 v4;
	v9 =	vunpack.i.u.bf16.f32 v14;
	v6 =	vadd.f32 v7, v6;
	v7 =	vld [tilespmem:s13+$0x14310]  }
0x3cf: {  	v10 =	vunpack.i.l.bf16.f32 v5;
	v4 =	vadd.f32 v4, v9;
	v9 =	vunpack.i.l.bf16.f32 v16;
	v11 =	vld [tilespmem:s18+$0x14310]  }
0x3d0: {  	v5 =	vunpack.i.u.bf16.f32 v5;
	v9 =	vadd.f32 v10, v9;
	[tilespmem:s6+$0xFFFFFE90] =	vst.add.f32.msk $0xffff, v6;
	v6 =	vunpack.i.u.bf16.f32 v16  }
0x3d1: {  	v12 =	vunpack.i.l.bf16.f32 v3;
	v10 =	vunpack.i.l.bf16.f32 v8;
	[tilespmem:s6+$0xFFFFFEA0] =	vst.add.f32.msk $0xffff, v4;
	v4 =	vadd.f32 v5, v6  }
0x3d2: {  	v3 =	vunpack.i.u.bf16.f32 v3;
	v5 =	vunpack.i.u.bf16.f32 v8;
	v6 =	vadd.f32 v12, v10;
	[tilespmem:s6+$0xFFFFFF10] =	vst.add.f32.msk $0xffff, v9  }
0x3d3: {  	s20 =	sadd.s32 $0x2, s16;
	v3 =	vadd.f32 v3, v5;
	[tilespmem:s6+$0xFFFFFF20] =	vst.add.f32.msk $0xffff, v4  }
0x3d4: {  	v4 =	vmov s20;
	v5 =	vunpack.i.l.bf16.f32 v7;
	[tilespmem:s6+$0xFFFFFE10] =	vst.add.f32.msk $0xffff, v6;
	v6 =	vunpack.i.l.bf16.f32 v11  }
0x3d5: {  	[tilespmem:s6+$0xFFFFFE20] =	vst.add.f32.msk $0xffff, v3;
	v3 =	vunpack.i.u.bf16.f32 v7;
	v7 =	vunpack.i.u.bf16.f32 v11;
	v5 =	vadd.f32 v6, v5  }
0x3d6: {  	vm0 =	veq.s32 v4, v0;
	v4 =	vld [tilespmem:s10+$0x14310];
	v3 =	vadd.f32 v7, v3  }
0x3d7: {  	v6 =	vnsel vm0, $0x80000000, v2;
	[tilespmem:s6+$0xFFFFFFB0] =	vst.add.f32.msk $0xffff, v5  }
0x3d8: {  	(xrf0) =	vmax.scan.msk.u32 $0xffff, v6;
	[tilespmem:s6+$0xFFFFFFC0] =	vst.add.f32.msk $0xffff, v3  }
0x3d9: {  	v5 =	vld [tilespmem:s13+$0x14320]  }
0x3da: {  	v6 =	vld [tilespmem:s18+$0x14320]  }
0x3db: {  	s24 =	spop (v2sf);
	v7 =	vunpack.i.u.bf16.f32 v4;
	v8 =	vunpack.i.l.bf16.f32 v4;
	v9 =	vld [tilespmem:s4+$0x14310]  }
0x3dc: {  	s20 =	spop (v2sf);
	v10 =	vld [tilespmem:s9+$0x14310]  }
0x3dd: {  	v11 =	vld [tilespmem:s11+$0x14310]  }
0x3de: {  	s21 =	sshll.u32 s24, $0x7;
	v3, _, _ =	vpop (xrf0);
	v12 =	vld [tilespmem:s22+$0x14310]  }
0x3df: {  	s21 =	sand.u32 $0x7FFF80, s21;
	s23 =	sshll.u32 s20, $0x7;
	v4 =	vunpack.i.l.bf16.f32 v5;
	(v2sf) =	vpush v3, $0xF;
	v13 =	vld [tilespmem:s3+$0x14310];
	v14 =	vunpack.i.l.bf16.f32 v6  }
0x3e0: {  	s23 =	sand.u32 $0x7FFF80, s23;
	v5 =	vunpack.i.u.bf16.f32 v5;
	v6 =	vunpack.i.u.bf16.f32 v6;
	v3 =	vld [tilespmem:s21+$0x14300];
	v14 =	vadd.f32 v14, v4  }
0x3e1: {  	v15 =	vunpack.i.u.bf16.f32 v9;
	v9 =	vunpack.i.l.bf16.f32 v9;
	v5 =	vadd.f32 v6, v5;
	v4 =	vld [tilespmem:s23+$0x14300]  }
0x3e2: {  	v6 =	vunpack.i.u.bf16.f32 v10;
	v10 =	vunpack.i.l.bf16.f32 v10;
	v16 =	vunpack.i.u.bf16.f32 v11;
	[tilespmem:s6+$0xFFFFFFD0] =	vst.add.f32.msk $0xffff, v14  }
0x3e3: {  	v11 =	vunpack.i.l.bf16.f32 v11;
	v14 =	vunpack.i.u.bf16.f32 v12;
	v12 =	vunpack.i.l.bf16.f32 v12;
	[tilespmem:s6+$0xFFFFFFE0] =	vst.add.f32.msk $0xffff, v5  }
0x3e4: {  	v8 =	vadd.f32 v9, v8;
	v5 =	vunpack.i.u.bf16.f32 v13;
	v13 =	vunpack.i.l.bf16.f32 v13;
	v9 =	vld [tilespmem:s13+$0x14330]  }
0x3e5: {  	v7 =	vadd.f32 v15, v7;
	v10 =	vadd.f32 v11, v10;
	s13 =	sadd.s32 $0x3, s16;
	v11 =	vld [tilespmem:s18+$0x14330]  }
0x3e6: {  	v6 =	vadd.f32 v16, v6;
	v15 =	vmov s13;
	v12 =	vadd.f32 v13, v12;
	[tilespmem:s6+$0xFFFFFEB0] =	vst.add.f32.msk $0xffff, v8  }
.Ltmp16:
0x3e7: {  	v5 =	vadd.f32 v5, v14;
	vm0 =	veq.s32 v15, v0;
	[tilespmem:s6+$0xFFFFFEC0] =	vst.add.f32.msk $0xffff, v7;
	(pc) =	sbr.rel @p1 .LBB2_27-.Ltmp16, $4  }
0x3e8: {  	v7 =	vnsel vm0, $0x80000000, v2;
	[tilespmem:s6+$0xFFFFFF30] =	vst.add.f32.msk $0xffff, v10  }
0x3e9: {  	(xrf0) =	vmax.scan.msk.u32 $0xffff, v7;
	[tilespmem:s6+$0xFFFFFF40] =	vst.add.f32.msk $0xffff, v6;
	v6 =	vunpack.i.l.bf16.f32 v9  }
0x3ea: {  	v7 =	vunpack.i.u.bf16.f32 v9;
	[tilespmem:s6+$0xFFFFFE30] =	vst.add.f32.msk $0xffff, v12;
	v8 =	vunpack.i.u.bf16.f32 v11;
	v9 =	vunpack.i.l.bf16.f32 v11  }
0x3eb: {  	s16 =	sadd.s32 $0x4, s16;
	[tilespmem:s6+$0xFFFFFE40] =	vst.add.f32.msk $0xffff, v5;
	v5 =	vadd.f32 v9, v6;
	v6 =	vadd.f32 v8, v7  }
0x3ec: {  	v2 =	vld [tilespmem:s10+$0x14320]  }
0x3ed: {  	v20 =	vld [tilespmem:s4+$0x14320]  }
0x3ee: {  	v21 =	vld [tilespmem:s9+$0x14320]  }
0x3ef: {  	v8 =	vld [tilespmem:s11+$0x14320]  }
0x3f0: {  	v9 =	vld [tilespmem:s22+$0x14320]  }
0x3f1: {  	v10 =	vld [tilespmem:s3+$0x14320]  }
0x3f2: {  	v7, _, _ =	vpop (xrf0)  }
0x3f3: {  	(v2sf) =	vpush v7, $0xF;
	v11 =	vunpack.i.l.bf16.f32 v2;
	v12 =	vunpack.i.l.bf16.f32 v20  }
0x3f4: {  	[tilespmem:s6+$0x0] =	vst.add.f32.msk $0xffff, v6;
	v2 =	vunpack.i.u.bf16.f32 v2;
	v22 =	vunpack.i.u.bf16.f32 v20;
	v11 =	vadd.f32 v12, v11  }
0x3f5: {  	[tilespmem:s6+$0xFFFFFFF0] =	vst.add.f32.msk $0xffff, v5;
	v24 =	vunpack.i.l.bf16.f32 v21;
	v25 =	vunpack.i.l.bf16.f32 v8;
	v2 =	vadd.f32 v22, v2  }
0x3f6: {  	v26 =	vunpack.i.l.bf16.f32 v9;
	v27 =	vunpack.i.l.bf16.f32 v10;
	v5 =	vadd.f32 v25, v24;
	[tilespmem:s6+$0xFFFFFED0] =	vst.add.f32.msk $0xffff, v11  }
0x3f7: {  	v28 =	vunpack.i.u.bf16.f32 v9;
	v29 =	vunpack.i.u.bf16.f32 v10;
	v30 =	vadd.f32 v27, v26;
	[tilespmem:s6+$0xFFFFFEE0] =	vst.add.f32.msk $0xffff, v2  }
0x3f8: {  	v31 =	vadd.f32 v29, v28;
	[tilespmem:s6+$0xFFFFFF50] =	vst.add.f32.msk $0xffff, v5  }
0x3f9: {  	[tilespmem:s6+$0xFFFFFE50] =	vst.add.f32.msk $0xffff, v30  }
0x3fa: {  	[tilespmem:s6+$0xFFFFFE60] =	vst.add.f32.msk $0xffff, v31  }
0x3fb: {  	v7 =	vunpack.i.u.bf16.f32 v21;
	v8 =	vunpack.i.u.bf16.f32 v8;
	v32 =	vld [tilespmem:s10+$0x14330]  }
0x3fc: {  	v2 =	vadd.f32 v8, v7;
	v33 =	vld [tilespmem:s4+$0x14330]  }
0x3fd: {  	s16 =	sshra.s32 s20, $0x8;
	s13 =	spop (v2sf);
	v5 =	vld [tilespmem:s3+$0x14330]  }
0x3fe: {  	s16 =	sand.u32 $0xFFFFFF00, s16;
	s18 =	sshll.u32 s13, $0x7;
	[tilespmem:s6+$0xFFFFFF60] =	vst.add.f32.msk $0xffff, v2  }
0x3ff: {  	s31 =	sxor.u32 $0xFF800000, s16;
	s16 =	sand.u32 $0x7FFF80, s18;
	v2 =	vld [tilespmem:s22+$0x14330]  }
0x400: {  	v23 =	vld [tilespmem:s16+$0x14300]  }
0x401: {  	v34 =	vld [tilespmem:s9+$0x14330];
	v14 =	vunpack.i.l.bf16.f32 v32;
	v15 =	vunpack.i.l.bf16.f32 v33  }
0x402: {  	s24 =	sshra.s32 s24, $0x8;
	s18 =	sshra.s32 s31, $0x1;
	v35 =	vld [tilespmem:s11+$0x14330];
	v7 =	vunpack.i.u.bf16.f32 v32;
	v8 =	vunpack.i.u.bf16.f32 v33;
	v14 =	vadd.f32 v15, v14  }
0x403: {  	v13 =	vld [tilespmem:s18+$0x14300];
	s3 =	sand.u32 $0xFFFFFF00, s24;
	v18 =	vunpack.i.l.bf16.f32 v5;
	v7 =	vadd.f32 v8, v7  }
0x404: {  	s3 =	sxor.u32 $0xFF800000, s3;
	v5 =	vunpack.i.u.bf16.f32 v5;
	v17 =	vunpack.i.l.bf16.f32 v2;
	v2 =	vunpack.i.u.bf16.f32 v2;
	[tilespmem:s6+$0xFFFFFEF0] =	vst.add.f32.msk $0xffff, v14;
	s30 =	spop (v2sf)  }
0x405: {  	v2 =	vadd.f32 v5, v2;
	[tilespmem:s6+$0xFFFFFF00] =	vst.add.f32.msk $0xffff, v7;
	s31 =	sshra.s32 s30, $0x8;
	s10 =	sshll.u32 s30, $0x7;
	s30 =	sshra.s32 s3, $0x1  }
0x406: {  	s4 =	sand.u32 $0xFFFFFF00, s31;
	v43 =	vld [tilespmem:s30+$0x14300]  }
0x407: {  	v16 =	vunpack.i.l.bf16.f32 v34;
	v39 =	vunpack.i.l.bf16.f32 v35;
	[tilespmem:s6+$0xFFFFFE80] =	vst.add.f32.msk $0xffff, v2;
	s10 =	sand.u32 $0x7FFF80, s10;
	s4 =	sxor.u32 $0xFF800000, s4  }
0x408: {  	s11 =	sshra.s32 s13, $0x8;
	v9 =	vunpack.i.u.bf16.f32 v34;
	v10 =	vunpack.i.u.bf16.f32 v35;
	v8 =	vadd.f32 v39, v16;
	v36 =	vld [tilespmem:s10+$0x14300];
	s13 =	sshra.s32 s4, $0x1  }
0x409: {  	v47 =	vunpack.i.u.bf16.f32 v4;
	v46 =	vunpack.i.u.bf16.f32 v13;
	v9 =	vadd.f32 v10, v9;
	v37 =	vld [tilespmem:s13+$0x14300]  }
0x40a: {  	v45 =	vunpack.i.l.bf16.f32 v4;
	v4 =	vadd.f32 v47, v46;
	s20 =	sand.u32 $0xFFFFFF00, s11;
	[tilespmem:s6+$0xFFFFFF70] =	vst.add.f32.msk $0xffff, v8  }
0x40b: {  	v54 =	vunpack.i.l.bf16.f32 v3;
	[tilespmem:s6+$0xFFFFFF80] =	vst.add.f32.msk $0xffff, v9;
	s31 =	sadd.s32 $0x200, s6;
	s4 =	sxor.u32 $0xFF800000, s20;
	v53 =	vunpack.i.l.bf16.f32 v43  }
0x40c: {  	v3 =	vunpack.i.u.bf16.f32 v3;
	[tilespmem:s31+$0xFFFFFEA0] =	vst.add.f32.msk $0xffff, v4;
	s4 =	sshra.s32 s4, $0x1;
	v56 =	vunpack.i.u.bf16.f32 v43;
	v57 =	vadd.f32 v54, v53  }
0x40d: {  	v38 =	vld [tilespmem:s4+$0x14300];
	v3 =	vadd.f32 v3, v56  }
0x40e: {  	v41 =	vunpack.i.l.bf16.f32 v36;
	v40 =	vunpack.i.l.bf16.f32 v37;
	[tilespmem:s31+$0xFFFFFE10] =	vst.add.f32.msk $0xffff, v57  }
0x40f: {  	v11 =	vunpack.i.u.bf16.f32 v36;
	v42 =	vunpack.i.u.bf16.f32 v37;
	[tilespmem:s31+$0xFFFFFE20] =	vst.add.f32.msk $0xffff, v3;
	v7 =	vadd.f32 v41, v40  }
0x410: {  	v8 =	vadd.f32 v11, v42;
	v19 =	vld [tilespmem:s30+$0x14310]  }
0x411: {  	[tilespmem:s31+$0xFFFFFF90] =	vst.add.f32.msk $0xffff, v7  }
0x412: {  	v6 =	vunpack.i.u.bf16.f32 v23;
	v52 =	vunpack.i.u.bf16.f32 v38;
	[tilespmem:s31+$0xFFFFFFA0] =	vst.add.f32.msk $0xffff, v8  }
0x413: {  	v44 =	vunpack.i.l.bf16.f32 v13;
	v55 =	vadd.f32 v6, v52;
	v48 =	vld [tilespmem:s13+$0x14310]  }
0x414: {  	v50 =	vunpack.i.l.bf16.f32 v23;
	v49 =	vunpack.i.l.bf16.f32 v38;
	v7 =	vadd.f32 v45, v44;
	v51 =	vld [tilespmem:s10+$0x14310]  }
0x415: {  	v8 =	vadd.f32 v50, v49;
	[tilespmem:s31+$0xFFFFFF20] =	vst.add.f32.msk $0xffff, v55  }
0x416: {  	[tilespmem:s31+$0xFFFFFE90] =	vst.add.f32.msk $0xffff, v7  }
0x417: {  	[tilespmem:s31+$0xFFFFFF10] =	vst.add.f32.msk $0xffff, v8  }
0x418: {  	v61 =	vld [tilespmem:s18+$0x14310]  }
0x419: {  	v62 =	vld [tilespmem:s23+$0x14310]  }
0x41a: {  	v8 =	vld [tilespmem:s4+$0x14310];
	v58 =	vunpack.i.l.bf16.f32 v48;
	v59 =	vunpack.i.l.bf16.f32 v51  }
0x41b: {  	v63 =	vld [tilespmem:s16+$0x14310];
	v3 =	vunpack.i.u.bf16.f32 v48;
	v60 =	vunpack.i.u.bf16.f32 v51;
	v4 =	vadd.f32 v59, v58  }
0x41c: {  	v20 =	vld [tilespmem:s21+$0x14310];
	v3 =	vadd.f32 v60, v3  }
0x41d: {  	[tilespmem:s31+$0xFFFFFFB0] =	vst.add.f32.msk $0xffff, v4  }
0x41e: {  	v23 =	vunpack.i.l.bf16.f32 v61;
	v24 =	vunpack.i.l.bf16.f32 v62;
	[tilespmem:s31+$0xFFFFFFC0] =	vst.add.f32.msk $0xffff, v3  }
0x41f: {  	v6 =	vunpack.i.u.bf16.f32 v61;
	v7 =	vunpack.i.u.bf16.f32 v62;
	v9 =	vadd.f32 v24, v23;
	v3 =	vld [tilespmem:s13+$0x14320]  }
0x420: {  	v25 =	vunpack.i.l.bf16.f32 v8;
	v26 =	vunpack.i.l.bf16.f32 v63;
	v6 =	vadd.f32 v7, v6;
	v4 =	vld [tilespmem:s10+$0x14320]  }
0x421: {  	v27 =	vunpack.i.u.bf16.f32 v8;
	v28 =	vunpack.i.u.bf16.f32 v63;
	v29 =	vadd.f32 v26, v25;
	[tilespmem:s31+$0xFFFFFEB0] =	vst.add.f32.msk $0xffff, v9  }
0x422: {  	v7 =	vadd.f32 v28, v27;
	[tilespmem:s31+$0xFFFFFEC0] =	vst.add.f32.msk $0xffff, v6  }
0x423: {  	[tilespmem:s31+$0xFFFFFF30] =	vst.add.f32.msk $0xffff, v29  }
0x424: {  	[tilespmem:s31+$0xFFFFFF40] =	vst.add.f32.msk $0xffff, v7  }
0x425: {  	v34 =	vld [tilespmem:s18+$0x14320]  }
0x426: {  	v30 =	vunpack.i.l.bf16.f32 v19;
	v31 =	vunpack.i.l.bf16.f32 v20;
	v35 =	vld [tilespmem:s23+$0x14320]  }
0x427: {  	v32 =	vunpack.i.u.bf16.f32 v19;
	v33 =	vunpack.i.u.bf16.f32 v20;
	v9 =	vadd.f32 v31, v30;
	v36 =	vld [tilespmem:s4+$0x14320]  }
0x428: {  	v6 =	vadd.f32 v33, v32;
	v37 =	vld [tilespmem:s16+$0x14320]  }
0x429: {  	[tilespmem:s31+$0xFFFFFE30] =	vst.add.f32.msk $0xffff, v9  }
0x42a: {  	[tilespmem:s31+$0xFFFFFE40] =	vst.add.f32.msk $0xffff, v6;
	v21 =	vunpack.i.l.bf16.f32 v3;
	v22 =	vunpack.i.l.bf16.f32 v4  }
0x42b: {  	v38 =	vld [tilespmem:s30+$0x14320];
	v3 =	vunpack.i.u.bf16.f32 v3;
	v4 =	vunpack.i.u.bf16.f32 v4;
	v14 =	vadd.f32 v22, v21  }
0x42c: {  	v39 =	vld [tilespmem:s21+$0x14320];
	v3 =	vadd.f32 v4, v3  }
0x42d: {  	[tilespmem:s31+$0xFFFFFFD0] =	vst.add.f32.msk $0xffff, v14  }
0x42e: {  	v6 =	vunpack.i.u.bf16.f32 v34;
	v7 =	vunpack.i.u.bf16.f32 v35;
	[tilespmem:s31+$0xFFFFFFE0] =	vst.add.f32.msk $0xffff, v3  }
0x42f: {  	v8 =	vunpack.i.u.bf16.f32 v36;
	v9 =	vunpack.i.u.bf16.f32 v37;
	v6 =	vadd.f32 v7, v6;
	v41 =	vld [tilespmem:s13+$0x14330]  }
0x430: {  	v40 =	vunpack.i.l.bf16.f32 v35;
	v3 =	vunpack.i.l.bf16.f32 v34;
	v47 =	vadd.f32 v9, v8;
	v42 =	vld [tilespmem:s10+$0x14330]  }
0x431: {  	v3 =	vadd.f32 v40, v3;
	v45 =	vunpack.i.l.bf16.f32 v38;
	v46 =	vunpack.i.l.bf16.f32 v39;
	[tilespmem:s31+$0xFFFFFEE0] =	vst.add.f32.msk $0xffff, v6  }
0x432: {  	v7 =	vadd.f32 v46, v45;
	[tilespmem:s31+$0xFFFFFF60] =	vst.add.f32.msk $0xffff, v47  }
0x433: {  	v43 =	vunpack.i.l.bf16.f32 v36;
	v44 =	vunpack.i.l.bf16.f32 v37;
	[tilespmem:s31+$0xFFFFFED0] =	vst.add.f32.msk $0xffff, v3  }
0x434: {  	v3 =	vadd.f32 v44, v43;
	[tilespmem:s31+$0xFFFFFE50] =	vst.add.f32.msk $0xffff, v7  }
0x435: {  	v49 =	vld [tilespmem:s23+$0x14330]  }
0x436: {  	v4 =	vunpack.i.u.bf16.f32 v38;
	v48 =	vunpack.i.u.bf16.f32 v39;
	[tilespmem:s31+$0xFFFFFF50] =	vst.add.f32.msk $0xffff, v3  }
0x437: {  	v3 =	vadd.f32 v48, v4;
	v6 =	vld [tilespmem:s4+$0x14330]  }
0x438: {  	v50 =	vld [tilespmem:s16+$0x14330]  }
0x439: {  	[tilespmem:s31+$0xFFFFFE60] =	vst.add.f32.msk $0xffff, v3  }
0x43a: {  	v3 =	vld [tilespmem:s18+$0x14330]  }
0x43b: {  	v54 =	vunpack.i.l.bf16.f32 v41;
	v11 =	vunpack.i.l.bf16.f32 v42;
	v53 =	vld [tilespmem:s30+$0x14330]  }
0x43c: {  	v2 =	vadd.f32 v11, v54;
	v55 =	vld [tilespmem:s21+$0x14330]  }
0x43d: {  	v12 =	vadd.f32 v18, v17;
	v51 =	vunpack.i.u.bf16.f32 v41;
	v52 =	vunpack.i.u.bf16.f32 v42  }
0x43e: {  	v5 =	vadd.f32 v52, v51;
	[tilespmem:s31+$0xFFFFFFF0] =	vst.add.f32.msk $0xffff, v2;
	v2 =	vunpack.i.l.bf16.f32 v6;
	v59 =	vunpack.i.l.bf16.f32 v50  }
0x43f: {  	[tilespmem:s6+$0xFFFFFE70] =	vst.add.f32.msk $0xffff, v12;
	v57 =	vunpack.i.l.bf16.f32 v49;
	v56 =	vunpack.i.l.bf16.f32 v3;
	v2 =	vadd.f32 v59, v2  }
0x440: {  	s1 =	sadd.s32 $0x1, s1;
	[tilespmem:s31+$0x0] =	vst.add.f32.msk $0xffff, v5;
	v4 =	vunpack.i.u.bf16.f32 v49;
	v3 =	vunpack.i.u.bf16.f32 v3;
	v58 =	vadd.f32 v57, v56  }
0x441: {  	p1 =	sne.s32 s1, $0x8;
	v3 =	vadd.f32 v4, v3;
	v60 =	vunpack.i.l.bf16.f32 v53;
	v61 =	vunpack.i.l.bf16.f32 v55;
	[tilespmem:s31+$0xFFFFFF70] =	vst.add.f32.msk $0xffff, v2  }
.Ltmp17:
0x442: {  	v62 =	vunpack.i.u.bf16.f32 v53;
	v63 =	vunpack.i.u.bf16.f32 v55;
	v4 =	vadd.f32 v61, v60;
	[tilespmem:s31+$0xFFFFFEF0] =	vst.add.f32.msk $0xffff, v58;
	(pc) =	sbr.rel @p1 .LBB2_26-.Ltmp17, $4  }
0x443: {  	v6 =	vunpack.i.u.bf16.f32 v6;
	v7 =	vunpack.i.u.bf16.f32 v50;
	v2 =	vadd.f32 v63, v62;
	[tilespmem:s31+$0xFFFFFF00] =	vst.add.f32.msk $0xffff, v3  }
0x444: {  	v3 =	vadd.f32 v7, v6;
	[tilespmem:s31+$0xFFFFFE70] =	vst.add.f32.msk $0xffff, v4  }
0x445: {  	[tilespmem:s31+$0xFFFFFE80] =	vst.add.f32.msk $0xffff, v2  }
0x446: {  	s28 =	sadd.s32 $0x800, s28;
	[tilespmem:s31+$0xFFFFFF80] =	vst.add.f32.msk $0xffff, v3  }
.Ltmp18:
0x447: {  	(pc) =	sbr.rel .LBB2_30-.Ltmp18, $4  }
0x448: {  	_ = 	snop  }
0x449: {  	s1 =	sshll.u32 s29, $0xB  }
0x44a: {  	s3 =	simm.s32 $0x8200;
	s1 =	sadd.s32 s5, s1  }
0x44b: {  	[hbm4b:s1+s7] =	stream.linear.scatter [tilespmem:s3], [sflag:$0x7], $0x4000, $0x38;
	[tilespmem:$0x18500] =	vst v63  }
.LBB2_32:
0x44c: {  	_ =	sfence.sel $0x180000  }
0x44d: {  	[bflag:$0x0] =	sbarrier.arrive $0xFFFF  }
0x44e: {  	_ =	strace $0x90000047  }
0x44f: {  	s0 =	stileid.u32;
	[bflag:$0x2] =	sbarrier.arrive $0xFFFF  }
0x450: {  	p0 =	sne.s32 s0, $0x0;
	s0 =	rddreg [dreg:$0x5]  }
0x451: {  	s0 =	sadd.s32 @!p0 $0x100000, s0  }
0x452: {  	[sflag:s0] =	ssyncadd.tile.s32 @!p0 $0x1;
	_ =	shalt  }
.Lfunc_end2:
_tile_overlayer_lowered:
.L_overlay_start_2:
0x453: {  	(tag) =	ssettag $0x2  }
0x454: {  	s0 =	rddreg [dreg:$0x0];
	s2 =	stileid.u32  }
0x455: {  	s1 =	rddreg [dreg:$0x1];
	p0 =	sne.s32 s2, $0x0  }
0x456: {  	s3 =	rddreg [dreg:$0x2];
	[bflag:$0x3] =	sbarrier.arrive $0xFFFF;
	s2 =	simm.s32 @!p0 $0x1C0A  }
0x457: {  	[timem:s3], [sflag:s2] =	dma.local @!p0 [hbm:s0], s1  }
0x458: {  	s0 =	simm.s32 @!p0 $0xA  }
0x459: {  	_ =	swait.ge @!p0 [sflag:s0], s1  }
0x45a: {  	s1 =	ssub.s32 @!p0 $0x0, s1;
	[sflag:s0] =	ssyncset.done @!p0 $0x0  }
0x45b: {  	[sflag:s0] =	ssyncadd.s32 @!p0 s1  }
0x45c: {  	[bflag:$0x3] =	sbarrier.arrive $0xFFFF  }
0x45d: {  	_ =	shalt  }

</sc_bundles>
